<compile_context>
chip_gen: v7x
topology: tpu7x:2x2x1
jax: 0.10.2.dev20260603
libtpu: 0.0.44.dev20260713+nightly
codegen_flags: <defaults>
</compile_context>

<pallas_src>
import jax
import jax.numpy as jnp
from jax import lax
from jax.experimental import pallas as pl
from jax.experimental.pallas import tpu as pltpu
from jax.experimental.pallas import tpu_sc as plsc

_NC = 2
_NS = 16
_NW = _NC * _NS
_L = 16
def _softplus(t):
    return jnp.maximum(t, 0.0) + jnp.log(1.0 + jnp.exp(-jnp.abs(t)))



def _round_bf16(a):
    u = lax.bitcast_convert_type(a, jnp.uint32)
    return (u + jnp.uint32(0x7FFF) + ((u >> 16) & jnp.uint32(1))) >> 16


def _pack_pair(a, b):
    return lax.bitcast_convert_type(
        (_round_bf16(b) << 16) | _round_bf16(a), jnp.int32)


def _proj_body(x_ref, ks_ref, kd_ref, st_ref, kst_ref, b_ref,
               tsrc_ref, tdst_ref, s32_ref):
    x = x_ref[...]
    d = x.shape[1]
    ms = jnp.dot(x, ks_ref[...], preferred_element_type=jnp.float32)
    md = jnp.dot(x, kd_ref[...], preferred_element_type=jnp.float32)
    tsrc_ref[...] = _pack_pair(ms[:, :d], ms[:, d:])
    tdst_ref[...] = _pack_pair(md[:, :d], md[:, d:])

    @pl.when(pl.program_id(0) == 0)
    def _():
        s32_ref[...] = (
            jnp.dot(st_ref[...], kst_ref[...],
                    preferred_element_type=jnp.float32)
            + b_ref[...]
        )



_CHG = 128


def _gather_body(tsrc_hbm, tdst_hbm, src_hbm, dst_hbm, ps_hbm, pd_hbm,
                 is0, is1, id0, id1, ra0, ra1, rb0, rb1,
                 si0, si1, sg0, sg1, sw0, sw1):
    e = src_hbm.shape[0]
    nch = e // _CHG
    cpw = nch // _NW
    extra = nch - _NW * cpw
    wid = lax.axis_index("s") * _NC + lax.axis_index("c")
    isb, idb = (is0, is1), (id0, id1)
    rab, rbb = (ra0, ra1), (rb0, rb1)
    sib, sgb, swb = (si0, si1), (sg0, sg1), (sw0, sw1)

    def fire_idx(chunk, b):
        base = chunk * _CHG
        pltpu.async_copy(src_hbm.at[pl.ds(base, _CHG)], isb[b], sib[b])
        pltpu.async_copy(dst_hbm.at[pl.ds(base, _CHG)], idb[b], sib[b])

    def drain_idx(b):
        pltpu.make_async_copy(src_hbm.at[pl.ds(0, _CHG)], isb[b], sib[b]).wait()
        pltpu.make_async_copy(dst_hbm.at[pl.ds(0, _CHG)], idb[b], sib[b]).wait()

    def fire_gather(b):
        pltpu.async_copy(tsrc_hbm.at[isb[b]], rab[b], sgb[b])
        pltpu.async_copy(tdst_hbm.at[idb[b]], rbb[b], sgb[b])

    def drain_gather(b):
        pltpu.make_async_copy(tsrc_hbm.at[pl.ds(0, _CHG)], rab[b], sgb[b]).wait()
        pltpu.make_async_copy(tsrc_hbm.at[pl.ds(0, _CHG)], rbb[b], sgb[b]).wait()

    def fire_w(chunk, b):
        pltpu.async_copy(rab[b], ps_hbm.at[pl.ds(chunk * _CHG, _CHG)], swb[b])
        pltpu.async_copy(rbb[b], pd_hbm.at[pl.ds(chunk * _CHG, _CHG)], swb[b])

    def drain_w(b):
        pltpu.make_async_copy(rab[b], ps_hbm.at[pl.ds(0, _CHG)], swb[b]).wait()
        pltpu.make_async_copy(rbb[b], pd_hbm.at[pl.ds(0, _CHG)], swb[b]).wait()

    first = wid * cpw
    fire_idx(first, 0)
    drain_idx(0)
    fire_gather(0)
    fire_idx(first + 1, 1)

    def guard(cond, fn):
        if isinstance(cond, bool):
            if cond:
                fn()
        else:
            pl.when(cond)(fn)

    def step(i, b):
        guard(i + 1 < cpw, lambda: drain_idx(1 - b))
        guard(i >= 1, lambda: drain_w(1 - b))
        guard(i + 1 < cpw, lambda: fire_gather(1 - b))
        drain_gather(b)
        guard(i + 2 < cpw, lambda: fire_idx(first + i + 2, b))
        fire_w(first + i, b)

    def pair(p, carry):
        step(2 * p, 0)
        step(2 * p + 1, 1)
        return carry

    lax.fori_loop(0, cpw // 2, pair, 0)
    if cpw % 2:
        step(cpw - 1, 0)
    drain_w((cpw - 1) % 2)

    @pl.when(wid < extra)
    def _():
        chunk = _NW * cpw + wid
        fire_idx(chunk, 0)
        drain_idx(0)
        fire_gather(0)
        drain_gather(0)
        fire_w(chunk, 0)
        drain_w(0)



def _unpack_pair(w):
    lo = lax.bitcast_convert_type(w << 16, jnp.float32)
    hi = lax.bitcast_convert_type(w & jnp.uint32(0xFFFF0000), jnp.float32)
    return lo, hi


def _edge_body(ps_ref, pd_ref, bond_ref, bg_ref, s32_ref, kb_ref, out_ref):
    ws = lax.bitcast_convert_type(ps_ref[...], jnp.uint32)
    wd = lax.bitcast_convert_type(pd_ref[...], jnp.uint32)
    ts_s, tg_s = _unpack_pair(ws)
    ts_d, tg_d = _unpack_pair(wd)
    ts_pre = ts_s + ts_d
    tg_pre = tg_s + tg_d
    bond = bond_ref[...]
    row = bg_ref[0]
    ng = s32_ref.shape[0]
    onehot_t = (lax.broadcasted_iota(jnp.int32, (ng, row.shape[1]), 0)
                == row).astype(jnp.float32)
    contrib = lax.dot_general(onehot_t, s32_ref[...],
                              (((0,), (0,)), ((), ())),
                              preferred_element_type=jnp.float32)
    bk = jnp.dot(bond, kb_ref[...], preferred_element_type=jnp.float32)
    d = out_ref.shape[1]
    ts = ts_pre + bk[:, :d] + contrib[:, :d]
    tg = tg_pre + bk[:, d:] + contrib[:, d:]
    sig = 1.0 / (1.0 + jnp.exp(-ts))
    out_ref[...] = sig * _softplus(tg)



_TR = 512
_TRP = _TR + 16

_CHD = 64

def _scatter_body(tr0_hbm, src_hbm, agg_hbm, acc_sh, vb0, vb1,
                  ib0, ib1, ibuf2, zbuf, sp0, sp1):
    e = src_hbm.shape[0]
    nt = acc_sh.shape[0]
    nch = e // _CHD
    cpw = nch // _NW
    extra = nch - _NW * cpw
    da = acc_sh.shape[2]
    zr = zbuf.shape[0]
    cid = lax.axis_index("c")
    sid = lax.axis_index("s")
    wid = sid * _NC + cid
    vbb, ibb, spb = (vb0, vb1), (ib0, ib1), (sp0, sp1)

    def zero_row(r, carry):
        for j in range(da // _L):
            zbuf[r, pl.ds(j * _L, _L)] = jnp.zeros((_L,), jnp.float32)
        return carry

    lax.fori_loop(0, zr, zero_row, 0)
    for k in range(_TRP // zr):
        pltpu.sync_copy(zbuf, acc_sh.at[sid, pl.ds(k * zr, zr)])
        @pl.when(sid < nt - _NS)
        def _():
            pltpu.sync_copy(zbuf, acc_sh.at[_NS + sid, pl.ds(k * zr, zr)])
    plsc.subcore_barrier()

    def fire_p(cidx, b):
        base = cidx * _CHD
        pltpu.async_copy(src_hbm.at[pl.ds(base, _CHD)], ibb[b], spb[b])
        pltpu.async_copy(tr0_hbm.at[pl.ds(base, _CHD)], vbb[b], spb[b])

    def drain_p(b):
        pltpu.make_async_copy(src_hbm.at[pl.ds(0, _CHD)], ibb[b], spb[b]).wait()
        pltpu.make_async_copy(tr0_hbm.at[pl.ds(0, _CHD)], vbb[b],
                              spb[b]).wait()

    def scatter_chunk(b):
        ibuf = ibb[b]
        t_lo = ibuf[pl.ds(0, _L)][0] // _TR
        t_hi = ibuf[pl.ds(_CHD - _L, _L)][_L - 1] // _TR

        def tbody(t, carry):
            shift = t * _TR - 8
            for j in range(_CHD // _L):
                sl = pl.ds(j * _L, _L)
                ibuf2[sl] = jnp.clip(ibuf[sl] - shift, 0, _TR + 8)
            pltpu.sync_copy(vbb[b], acc_sh.at[t].at[ibuf2], add=True)
            return carry

        lax.fori_loop(t_lo, t_hi + 1, tbody, 0)

    first = wid * cpw
    fire_p(first, 0)
    fire_p(first + 1, 1)

    def step(i, b):
        drain_p(b)
        scatter_chunk(b)
        @pl.when(i + 2 < cpw)
        def _():
            fire_p(first + i + 2, b)

    def pair(p, carry):
        step(2 * p, 0)
        step(2 * p + 1, 1)
        return carry

    lax.fori_loop(0, cpw // 2, pair, 0)

    @pl.when(wid < extra)
    def _():
        chunk = _NW * cpw + wid
        fire_p(chunk, 0)
        drain_p(0)
        scatter_chunk(0)

    plsc.subcore_barrier()

    pltpu.sync_copy(acc_sh.at[sid, pl.ds(8, _TR)],
                    agg_hbm.at[pl.ds(cid * nt * _TR + sid * _TR, _TR)])
    @pl.when(sid < nt - _NS)
    def _():
        pltpu.sync_copy(acc_sh.at[_NS + sid, pl.ds(8, _TR)],
                        agg_hbm.at[pl.ds(cid * nt * _TR + (_NS + sid) * _TR, _TR)])



def _out_body(x_ref, a0_ref, a1_ref, a2_ref, a3_ref, out_ref):
    t = (x_ref[...] + a0_ref[...] + a1_ref[...]
         + a2_ref[...] + a3_ref[...])
    out_ref[...] = _softplus(t)



def kernel(atom_features, bond_features, state_attrs, pair_indices,
           atom_graph_indices, bond_graph_indices,
           kernel_s, bias_s, kernel_g, bias_g):
    del atom_graph_indices
    n, da = atom_features.shape
    e, de = bond_features.shape
    ng, dst_dim = state_attrs.shape
    dcat = 2 * da

    kk = jnp.concatenate([kernel_s, kernel_g], axis=1)
    k_src = kk[:da]
    k_dst = kk[da:2 * da]
    k_state = kk[2 * da:2 * da + dst_dim]
    k_bond = kk[2 * da + dst_dim:]
    bias = jnp.concatenate([bias_s, bias_g]).reshape(1, dcat)

    src = pair_indices[:, 0]
    dst = pair_indices[:, 1]

    nb = 10
    bn = n // nb
    tsrc, tdst, s32 = pl.pallas_call(
        _proj_body,
        grid=(nb,),
        in_specs=[
            pl.BlockSpec((bn, da), lambda i: (i, 0)),
            pl.BlockSpec((da, dcat), lambda i: (0, 0)),
            pl.BlockSpec((da, dcat), lambda i: (0, 0)),
            pl.BlockSpec((ng, dst_dim), lambda i: (0, 0)),
            pl.BlockSpec((dst_dim, dcat), lambda i: (0, 0)),
            pl.BlockSpec((1, dcat), lambda i: (0, 0)),
        ],
        out_specs=[
            pl.BlockSpec((bn, da), lambda i: (i, 0)),
            pl.BlockSpec((bn, da), lambda i: (i, 0)),
            pl.BlockSpec((ng, dcat), lambda i: (0, 0)),
        ],
        out_shape=[
            jax.ShapeDtypeStruct((n, da), jnp.int32),
            jax.ShapeDtypeStruct((n, da), jnp.int32),
            jax.ShapeDtypeStruct((ng, dcat), jnp.float32),
        ],
    )(atom_features, k_src, k_dst, state_attrs, k_state, bias)

    mesh = plsc.VectorSubcoreMesh(core_axis_name="c", subcore_axis_name="s")
    eh = e // 2
    be = 640
    nbe_h = eh // be
    bg3 = bond_graph_indices.reshape(e // be, 1, be)
    pre_halves = []
    for h in range(2):
        pre_s, pre_d = pl.kernel(
            _gather_body,
            mesh=mesh,
            out_type=[
                jax.ShapeDtypeStruct((eh, da), jnp.int32),
                jax.ShapeDtypeStruct((eh, da), jnp.int32),
            ],
            scratch_types=(
                [pltpu.VMEM((_CHG,), jnp.int32)] * 4
                + [pltpu.VMEM((_CHG, da), jnp.int32)] * 4
                + [pltpu.SemaphoreType.DMA] * 6
            ),
        )(tsrc, tdst, src[h * eh:(h + 1) * eh], dst[h * eh:(h + 1) * eh])
        pre_halves.append((pre_s, pre_d))

    trans_halves = []
    for h in range(2):
        off = h * nbe_h
        trans_halves.append(pl.pallas_call(
            _edge_body,
            grid=(nbe_h,),
            in_specs=[
                pl.BlockSpec((be, da), lambda i: (i, 0)),
                pl.BlockSpec((be, da), lambda i: (i, 0)),
                pl.BlockSpec((be, de), lambda i, off=off: (i + off, 0)),
                pl.BlockSpec((1, 1, be), lambda i, off=off: (i + off, 0, 0)),
                pl.BlockSpec((ng, dcat), lambda i: (0, 0)),
                pl.BlockSpec((de, dcat), lambda i: (0, 0)),
            ],
            out_specs=pl.BlockSpec((be, da), lambda i: (i, 0)),
            out_shape=jax.ShapeDtypeStruct((eh, da), jnp.float32),
        )(pre_halves[h][0], pre_halves[h][1], bond_features, bg3, s32, k_bond))

    nt = (n + _TR - 1) // _TR
    n_pad = nt * _TR
    aggs = []
    for h in range(2):
        aggs.append(pl.kernel(
            _scatter_body,
            mesh=mesh,
            out_type=jax.ShapeDtypeStruct((_NC * n_pad, da), jnp.float32),
            scratch_types=[
                pltpu.VMEM_SHARED((nt, _TRP, da), jnp.float32),
                pltpu.VMEM((_CHD, da), jnp.float32),
                pltpu.VMEM((_CHD, da), jnp.float32),
                pltpu.VMEM((_CHD,), jnp.int32),
                pltpu.VMEM((_CHD,), jnp.int32),
                pltpu.VMEM((_CHD,), jnp.int32),
                pltpu.VMEM((_TRP // 6, da), jnp.float32),
                pltpu.SemaphoreType.DMA,
                pltpu.SemaphoreType.DMA,
            ],
        )(trans_halves[h], src[h * eh:(h + 1) * eh]))

    bn_e = 80
    nb_e = n // bn_e
    off = n_pad // bn_e
    out = pl.pallas_call(
        _out_body,
        grid=(nb_e,),
        in_specs=[
            pl.BlockSpec((bn_e, da), lambda i: (i, 0)),
            pl.BlockSpec((bn_e, da), lambda i: (i, 0)),
            pl.BlockSpec((bn_e, da), lambda i: (i + off, 0)),
            pl.BlockSpec((bn_e, da), lambda i: (i, 0)),
            pl.BlockSpec((bn_e, da), lambda i: (i + off, 0)),
        ],
        out_specs=pl.BlockSpec((bn_e, da), lambda i: (i, 0)),
        out_shape=jax.ShapeDtypeStruct((n, da), jnp.float32),
    )(atom_features, aggs[0], aggs[0], aggs[1], aggs[1])
    return out

# --- scband reference (transcript-rebuilt; emitter-appended) ---
"""Pipeline reference for scband-gnconvolution-76733885710815 (READ-ONLY COPY).

The authoritative reference and input builder live on the scoring server;
editing this copy changes nothing except your own understanding.
"""

import jax, jax.numpy as jnp
import numpy as np

N_NODES = 10000
N_EDGES = 320000
D_ATOM = 128
D_EDGE = 16
D_STATE = 64
N_GRAPHS = 32
STEPS = 1


def _glorot(key, shape):
    fan_in, fan_out = shape[0], shape[1]
    limit = np.sqrt(6.0 / (fan_in + fan_out))
    return jax.random.uniform(key, shape, jnp.float32, -limit, limit)


def setup_inputs(seed: int = 0) -> dict:
    key = jax.random.key(seed)
    ks = jax.random.split(key, 10)
    atom_features = jax.random.normal(ks[0], (N_NODES, D_ATOM), jnp.float32)
    bond_features = jax.random.normal(ks[1], (N_EDGES, D_EDGE), jnp.float32)
    state_attrs = jax.random.normal(ks[2], (N_GRAPHS, D_STATE), jnp.float32)
    # segment_sum over pair_indices[:, 0] requires sorted segment ids (TF semantics)
    src = jnp.sort(jax.random.randint(ks[3], (N_EDGES,), 0, N_NODES, jnp.int32))
    dst = jax.random.randint(ks[4], (N_EDGES,), 0, N_NODES, jnp.int32)
    pair_indices = jnp.stack([src, dst], axis=1)
    atom_graph_indices = jnp.sort(jax.random.randint(ks[5], (N_NODES,), 0, N_GRAPHS, jnp.int32))
    bond_graph_indices = jnp.sort(jax.random.randint(ks[6], (N_EDGES,), 0, N_GRAPHS, jnp.int32))
    d_in = 2 * D_ATOM + D_EDGE + D_STATE
    kernel_s = _glorot(ks[7], (d_in, D_ATOM))
    bias_s = jnp.zeros((D_ATOM,), jnp.float32)
    kernel_g = _glorot(ks[8], (d_in, D_ATOM))
    bias_g = jnp.zeros((D_ATOM,), jnp.float32)
    return {
        "atom_features": atom_features,
        "bond_features": bond_features,
        "state_attrs": state_attrs,
        "pair_indices": pair_indices,
        "atom_graph_indices": atom_graph_indices,
        "bond_graph_indices": bond_graph_indices,
        "kernel_s": kernel_s,
        "bias_s": bias_s,
        "kernel_g": kernel_g,
        "bias_g": bias_g,
    }


def reference(atom_features, bond_features, state_attrs, pair_indices,
              atom_graph_indices, bond_graph_indices,
              kernel_s, bias_s, kernel_g, bias_g):
    n_nodes = atom_features.shape[0]
    x = atom_features
    for _ in range(STEPS):
        gathered = x[pair_indices]  # [E, 2, d_atom]
        edges_merge = jnp.concatenate([gathered[:, 0], gathered[:, 1]], axis=-1)
        state_rep = state_attrs[bond_graph_indices]  # [E, d_state]
        concat = jnp.concatenate([edges_merge, state_rep, bond_features], axis=-1)
        ts = jnp.matmul(concat, kernel_s) + bias_s
        tg = jnp.matmul(concat, kernel_g) + bias_g
        transformed = jax.nn.sigmoid(ts) * jax.nn.softplus(tg)
        agg = jax.ops.segment_sum(transformed, pair_indices[:, 0], num_segments=n_nodes)
        x = jax.nn.softplus(x + agg)
    return x

if __name__ == "__main__":
    import jax
    _d = setup_inputs()
    print(jax.jit(kernel)(*tuple(_d.values())))

</pallas_src>

<mosaic_0001>
#map = affine_map<(d0, d1) -> (0, 0)>
#map1 = affine_map<(d0, d1) -> (0)>
module attributes {stable_mosaic.version = 14 : i64} {
  func.func @_gather_body(%arg0: i32, %arg1: i32, %arg2: memref<10000x128xi32, #tpu.memory_space<hbm>>, %arg3: memref<10000x128xi32, #tpu.memory_space<hbm>>, %arg4: memref<160000xi32, #tpu.memory_space<hbm>>, %arg5: memref<160000xi32, #tpu.memory_space<hbm>>, %arg6: memref<160000x128xi32, #tpu.memory_space<hbm>>, %arg7: memref<160000x128xi32, #tpu.memory_space<hbm>>, %arg8: memref<128xi32, #tpu.memory_space<vmem>>, %arg9: memref<128xi32, #tpu.memory_space<vmem>>, %arg10: memref<128xi32, #tpu.memory_space<vmem>>, %arg11: memref<128xi32, #tpu.memory_space<vmem>>, %arg12: memref<128x128xi32, #tpu.memory_space<vmem>>, %arg13: memref<128x128xi32, #tpu.memory_space<vmem>>, %arg14: memref<128x128xi32, #tpu.memory_space<vmem>>, %arg15: memref<128x128xi32, #tpu.memory_space<vmem>>, %arg16: memref<!tpu.dma_semaphore, #tpu.memory_space<semaphore_mem>>, %arg17: memref<!tpu.dma_semaphore, #tpu.memory_space<semaphore_mem>>, %arg18: memref<!tpu.dma_semaphore, #tpu.memory_space<semaphore_mem>>, %arg19: memref<!tpu.dma_semaphore, #tpu.memory_space<semaphore_mem>>, %arg20: memref<!tpu.dma_semaphore, #tpu.memory_space<semaphore_mem>>, %arg21: memref<!tpu.dma_semaphore, #tpu.memory_space<semaphore_mem>>) attributes {dimension_semantics = [#tpu.dimension_semantics<core_parallel>, #tpu.dimension_semantics<subcore_parallel>], iteration_bounds = array<i64: 2, 16>, scalar_prefetch = 0 : i64, scratch_operands = 14 : i64, tpu.core_type = #tpu.core_type<sc_vector_subcore>, window_params = [{transform_indices = #map}, {transform_indices = #map}, {transform_indices = #map1}, {transform_indices = #map1}, {transform_indices = #map}, {transform_indices = #map}]} {
    %mul3A = arith.constant 2 : i32
    %mul3A_0 = arith.muli %arg1, %mul3A : i32
    %add3A = arith.addi %mul3A_0, %arg0 : i32
    %mul3A_1 = arith.constant 39 : i32
    %mul3A_2 = arith.muli %add3A, %mul3A_1 : i32
    %mul3A_3 = arith.constant 128 : i32
    %mul3A_4 = arith.muli %mul3A_2, %mul3A_3 : i32
    %dma_start3A = tpu.memref_slice %arg4[%mul3A_4] : memref<160000xi32, #tpu.memory_space<hbm>> -> memref<128xi32, #tpu.memory_space<hbm>>
    %dma_start3A_5 = tpu.memref_slice %arg4[%mul3A_4] : memref<160000xi32, #tpu.memory_space<hbm>> -> memref<128xi32, #tpu.memory_space<hbm>>
    tpu.enqueue_dma source(%dma_start3A_5 : memref<128xi32, #tpu.memory_space<hbm>>) target(%arg8 : memref<128xi32, #tpu.memory_space<vmem>>) target_semaphore(%arg16 : memref<!tpu.dma_semaphore, #tpu.memory_space<semaphore_mem>>)
    %dma_start3A_6 = tpu.memref_slice %arg5[%mul3A_4] : memref<160000xi32, #tpu.memory_space<hbm>> -> memref<128xi32, #tpu.memory_space<hbm>>
    %dma_start3A_7 = tpu.memref_slice %arg5[%mul3A_4] : memref<160000xi32, #tpu.memory_space<hbm>> -> memref<128xi32, #tpu.memory_space<hbm>>
    tpu.enqueue_dma source(%dma_start3A_7 : memref<128xi32, #tpu.memory_space<hbm>>) target(%arg10 : memref<128xi32, #tpu.memory_space<vmem>>) target_semaphore(%arg16 : memref<!tpu.dma_semaphore, #tpu.memory_space<semaphore_mem>>)
    %dma_wait3A = arith.constant 0 : i32
    %dma_wait3A_8 = tpu.memref_slice %arg4[%dma_wait3A] : memref<160000xi32, #tpu.memory_space<hbm>> -> memref<128xi32, #tpu.memory_space<hbm>>
    %dma_wait3A_9 = arith.constant 0 : i32
    %dma_wait3A_10 = tpu.memref_slice %arg4[%dma_wait3A_9] : memref<160000xi32, #tpu.memory_space<hbm>> -> memref<128xi32, #tpu.memory_space<hbm>>
    tpu.wait_dma2 semaphore(%arg16 : memref<!tpu.dma_semaphore, #tpu.memory_space<semaphore_mem>>) src(%dma_wait3A_10 : memref<128xi32, #tpu.memory_space<hbm>>) dst(%arg8 : memref<128xi32, #tpu.memory_space<vmem>>)
    %dma_wait3A_11 = arith.constant 0 : i32
    %dma_wait3A_12 = tpu.memref_slice %arg5[%dma_wait3A_11] : memref<160000xi32, #tpu.memory_space<hbm>> -> memref<128xi32, #tpu.memory_space<hbm>>
    %dma_wait3A_13 = arith.constant 0 : i32
    %dma_wait3A_14 = tpu.memref_slice %arg5[%dma_wait3A_13] : memref<160000xi32, #tpu.memory_space<hbm>> -> memref<128xi32, #tpu.memory_space<hbm>>
    tpu.wait_dma2 semaphore(%arg16 : memref<!tpu.dma_semaphore, #tpu.memory_space<semaphore_mem>>) src(%dma_wait3A_14 : memref<128xi32, #tpu.memory_space<hbm>>) dst(%arg10 : memref<128xi32, #tpu.memory_space<vmem>>)
    %dma_start3A_15 = arith.constant 0 : i32
    %dma_start3A_16 = arith.constant 0 : i32
    %dma_start3A_17 = tpu.memref_slice %arg2[%dma_start3A_15, %dma_start3A_16] : memref<10000x128xi32, #tpu.memory_space<hbm>> -> memref<10000x128xi32, #tpu.memory_space<hbm>>
    tpu.enqueue_indirect_dma source(%dma_start3A_17 : memref<10000x128xi32, #tpu.memory_space<hbm>>) target(%arg12 : memref<128x128xi32, #tpu.memory_space<vmem>>) offsets(%arg8 : memref<128xi32, #tpu.memory_space<vmem>>) semaphore(%arg18 : memref<!tpu.dma_semaphore, #tpu.memory_space<semaphore_mem>>)
    %dma_start3A_18 = arith.constant 0 : i32
    %dma_start3A_19 = arith.constant 0 : i32
    %dma_start3A_20 = tpu.memref_slice %arg3[%dma_start3A_18, %dma_start3A_19] : memref<10000x128xi32, #tpu.memory_space<hbm>> -> memref<10000x128xi32, #tpu.memory_space<hbm>>
    tpu.enqueue_indirect_dma source(%dma_start3A_20 : memref<10000x128xi32, #tpu.memory_space<hbm>>) target(%arg14 : memref<128x128xi32, #tpu.memory_space<vmem>>) offsets(%arg10 : memref<128xi32, #tpu.memory_space<vmem>>) semaphore(%arg18 : memref<!tpu.dma_semaphore, #tpu.memory_space<semaphore_mem>>)
    %add3A_21 = arith.constant 1 : i32
    %add3A_22 = arith.addi %mul3A_2, %add3A_21 : i32
    %mul3A_23 = arith.constant 128 : i32
    %mul3A_24 = arith.muli %add3A_22, %mul3A_23 : i32
    %dma_start3A_25 = tpu.memref_slice %arg4[%mul3A_24] : memref<160000xi32, #tpu.memory_space<hbm>> -> memref<128xi32, #tpu.memory_space<hbm>>
    %dma_start3A_26 = tpu.memref_slice %arg4[%mul3A_24] : memref<160000xi32, #tpu.memory_space<hbm>> -> memref<128xi32, #tpu.memory_space<hbm>>
    tpu.enqueue_dma source(%dma_start3A_26 : memref<128xi32, #tpu.memory_space<hbm>>) target(%arg9 : memref<128xi32, #tpu.memory_space<vmem>>) target_semaphore(%arg17 : memref<!tpu.dma_semaphore, #tpu.memory_space<semaphore_mem>>)
    %dma_start3A_27 = tpu.memref_slice %arg5[%mul3A_24] : memref<160000xi32, #tpu.memory_space<hbm>> -> memref<128xi32, #tpu.memory_space<hbm>>
    %dma_start3A_28 = tpu.memref_slice %arg5[%mul3A_24] : memref<160000xi32, #tpu.memory_space<hbm>> -> memref<128xi32, #tpu.memory_space<hbm>>
    tpu.enqueue_dma source(%dma_start3A_28 : memref<128xi32, #tpu.memory_space<hbm>>) target(%arg11 : memref<128xi32, #tpu.memory_space<vmem>>) target_semaphore(%arg17 : memref<!tpu.dma_semaphore, #tpu.memory_space<semaphore_mem>>)
    %scan3A = arith.constant 0 : i32
    %scan3A_29 = arith.constant 0 : i32
    %scan3A_30 = arith.constant 19 : i32
    %scan3A_31 = arith.addi %scan3A_29, %scan3A_30 : i32
    %scan3A_32 = arith.constant 1 : i32
    scf.for %scan3A_86 = %scan3A_29 to %scan3A_31 step %scan3A_32  : i32 {
      %mul3A_87 = arith.constant 2 : i32
      %mul3A_88 = arith.muli %mul3A_87, %scan3A_86 : i32
      %add3A_89 = arith.constant 1 : i32
      %add3A_90 = arith.addi %mul3A_88, %add3A_89 : i32
      %lt3A_91 = arith.constant 39 : i32
      %lt3A_92 = arith.cmpi slt, %add3A_90, %lt3A_91 : i32
      %convert_element_type3A_93 = arith.extui %lt3A_92 : i1 to i32
      %cond3A_94 = arith.constant 0 : i32
      %cond3A_95 = arith.cmpi ne, %convert_element_type3A_93, %cond3A_94 : i32
      scf.if %cond3A_95 {
        %dma_wait3A_194 = arith.constant 0 : i32
        %dma_wait3A_195 = tpu.memref_slice %arg4[%dma_wait3A_194] : memref<160000xi32, #tpu.memory_space<hbm>> -> memref<128xi32, #tpu.memory_space<hbm>>
        %dma_wait3A_196 = arith.constant 0 : i32
        %dma_wait3A_197 = tpu.memref_slice %arg4[%dma_wait3A_196] : memref<160000xi32, #tpu.memory_space<hbm>> -> memref<128xi32, #tpu.memory_space<hbm>>
        tpu.wait_dma2 semaphore(%arg17 : memref<!tpu.dma_semaphore, #tpu.memory_space<semaphore_mem>>) src(%dma_wait3A_197 : memref<128xi32, #tpu.memory_space<hbm>>) dst(%arg9 : memref<128xi32, #tpu.memory_space<vmem>>)
        %dma_wait3A_198 = arith.constant 0 : i32
        %dma_wait3A_199 = tpu.memref_slice %arg5[%dma_wait3A_198] : memref<160000xi32, #tpu.memory_space<hbm>> -> memref<128xi32, #tpu.memory_space<hbm>>
        %dma_wait3A_200 = arith.constant 0 : i32
        %dma_wait3A_201 = tpu.memref_slice %arg5[%dma_wait3A_200] : memref<160000xi32, #tpu.memory_space<hbm>> -> memref<128xi32, #tpu.memory_space<hbm>>
        tpu.wait_dma2 semaphore(%arg17 : memref<!tpu.dma_semaphore, #tpu.memory_space<semaphore_mem>>) src(%dma_wait3A_201 : memref<128xi32, #tpu.memory_space<hbm>>) dst(%arg11 : memref<128xi32, #tpu.memory_space<vmem>>)
      } else {
      }
      %ge3A = arith.constant 1 : i32
      %ge3A_96 = arith.cmpi sge, %mul3A_88, %ge3A : i32
      %convert_element_type3A_97 = arith.extui %ge3A_96 : i1 to i32
      %cond3A_98 = arith.constant 0 : i32
      %cond3A_99 = arith.cmpi ne, %convert_element_type3A_97, %cond3A_98 : i32
      scf.if %cond3A_99 {
        %dma_wait3A_194 = arith.constant 0 : i32
        %dma_wait3A_195 = arith.constant 0 : i32
        %dma_wait3A_196 = tpu.memref_slice %arg6[%dma_wait3A_194, %dma_wait3A_195] : memref<160000x128xi32, #tpu.memory_space<hbm>> -> memref<128x128xi32, #tpu.memory_space<hbm>>
        %dma_wait3A_197 = arith.constant 0 : i32
        %dma_wait3A_198 = arith.constant 0 : i32
        %dma_wait3A_199 = tpu.memref_slice %arg6[%dma_wait3A_197, %dma_wait3A_198] : memref<160000x128xi32, #tpu.memory_space<hbm>> -> memref<128x128xi32, #tpu.memory_space<hbm>>
        tpu.wait_dma2 semaphore(%arg21 : memref<!tpu.dma_semaphore, #tpu.memory_space<semaphore_mem>>) src(%arg13 : memref<128x128xi32, #tpu.memory_space<vmem>>) dst(%dma_wait3A_199 : memref<128x128xi32, #tpu.memory_space<hbm>>)
        %dma_wait3A_200 = arith.constant 0 : i32
        %dma_wait3A_201 = arith.constant 0 : i32
        %dma_wait3A_202 = tpu.memref_slice %arg7[%dma_wait3A_200, %dma_wait3A_201] : memref<160000x128xi32, #tpu.memory_space<hbm>> -> memref<128x128xi32, #tpu.memory_space<hbm>>
        %dma_wait3A_203 = arith.constant 0 : i32
        %dma_wait3A_204 = arith.constant 0 : i32
        %dma_wait3A_205 = tpu.memref_slice %arg7[%dma_wait3A_203, %dma_wait3A_204] : memref<160000x128xi32, #tpu.memory_space<hbm>> -> memref<128x128xi32, #tpu.memory_space<hbm>>
        tpu.wait_dma2 semaphore(%arg21 : memref<!tpu.dma_semaphore, #tpu.memory_space<semaphore_mem>>) src(%arg15 : memref<128x128xi32, #tpu.memory_space<vmem>>) dst(%dma_wait3A_205 : memref<128x128xi32, #tpu.memory_space<hbm>>)
      } else {
      }
      %add3A_100 = arith.constant 1 : i32
      %add3A_101 = arith.addi %mul3A_88, %add3A_100 : i32
      %lt3A_102 = arith.constant 39 : i32
      %lt3A_103 = arith.cmpi slt, %add3A_101, %lt3A_102 : i32
      %convert_element_type3A_104 = arith.extui %lt3A_103 : i1 to i32
      %cond3A_105 = arith.constant 0 : i32
      %cond3A_106 = arith.cmpi ne, %convert_element_type3A_104, %cond3A_105 : i32
      scf.if %cond3A_106 {
        %dma_start3A_194 = arith.constant 0 : i32
        %dma_start3A_195 = arith.constant 0 : i32
        %dma_start3A_196 = tpu.memref_slice %arg2[%dma_start3A_194, %dma_start3A_195] : memref<10000x128xi32, #tpu.memory_space<hbm>> -> memref<10000x128xi32, #tpu.memory_space<hbm>>
        tpu.enqueue_indirect_dma source(%dma_start3A_196 : memref<10000x128xi32, #tpu.memory_space<hbm>>) target(%arg13 : memref<128x128xi32, #tpu.memory_space<vmem>>) offsets(%arg9 : memref<128xi32, #tpu.memory_space<vmem>>) semaphore(%arg19 : memref<!tpu.dma_semaphore, #tpu.memory_space<semaphore_mem>>)
        %dma_start3A_197 = arith.constant 0 : i32
        %dma_start3A_198 = arith.constant 0 : i32
        %dma_start3A_199 = tpu.memref_slice %arg3[%dma_start3A_197, %dma_start3A_198] : memref<10000x128xi32, #tpu.memory_space<hbm>> -> memref<10000x128xi32, #tpu.memory_space<hbm>>
        tpu.enqueue_indirect_dma source(%dma_start3A_199 : memref<10000x128xi32, #tpu.memory_space<hbm>>) target(%arg15 : memref<128x128xi32, #tpu.memory_space<vmem>>) offsets(%arg11 : memref<128xi32, #tpu.memory_space<vmem>>) semaphore(%arg19 : memref<!tpu.dma_semaphore, #tpu.memory_space<semaphore_mem>>)
      } else {
      }
      %dma_wait3A_107 = arith.constant 0 : i32
      %dma_wait3A_108 = arith.constant 0 : i32
      %dma_wait3A_109 = tpu.memref_slice %arg2[%dma_wait3A_107, %dma_wait3A_108] : memref<10000x128xi32, #tpu.memory_space<hbm>> -> memref<128x128xi32, #tpu.memory_space<hbm>>
      %dma_wait3A_110 = arith.constant 0 : i32
      %dma_wait3A_111 = arith.constant 0 : i32
      %dma_wait3A_112 = tpu.memref_slice %arg2[%dma_wait3A_110, %dma_wait3A_111] : memref<10000x128xi32, #tpu.memory_space<hbm>> -> memref<128x128xi32, #tpu.memory_space<hbm>>
      tpu.wait_dma2 semaphore(%arg18 : memref<!tpu.dma_semaphore, #tpu.memory_space<semaphore_mem>>) src(%dma_wait3A_112 : memref<128x128xi32, #tpu.memory_space<hbm>>) dst(%arg12 : memref<128x128xi32, #tpu.memory_space<vmem>>)
      %dma_wait3A_113 = arith.constant 0 : i32
      %dma_wait3A_114 = arith.constant 0 : i32
      %dma_wait3A_115 = tpu.memref_slice %arg2[%dma_wait3A_113, %dma_wait3A_114] : memref<10000x128xi32, #tpu.memory_space<hbm>> -> memref<128x128xi32, #tpu.memory_space<hbm>>
      %dma_wait3A_116 = arith.constant 0 : i32
      %dma_wait3A_117 = arith.constant 0 : i32
      %dma_wait3A_118 = tpu.memref_slice %arg2[%dma_wait3A_116, %dma_wait3A_117] : memref<10000x128xi32, #tpu.memory_space<hbm>> -> memref<128x128xi32, #tpu.memory_space<hbm>>
      tpu.wait_dma2 semaphore(%arg18 : memref<!tpu.dma_semaphore, #tpu.memory_space<semaphore_mem>>) src(%dma_wait3A_118 : memref<128x128xi32, #tpu.memory_space<hbm>>) dst(%arg14 : memref<128x128xi32, #tpu.memory_space<vmem>>)
      %add3A_119 = arith.constant 2 : i32
      %add3A_120 = arith.addi %mul3A_88, %add3A_119 : i32
      %lt3A_121 = arith.constant 39 : i32
      %lt3A_122 = arith.cmpi slt, %add3A_120, %lt3A_121 : i32
      %convert_element_type3A_123 = arith.extui %lt3A_122 : i1 to i32
      %cond3A_124 = arith.constant 0 : i32
      %cond3A_125 = arith.cmpi ne, %convert_element_type3A_123, %cond3A_124 : i32
      scf.if %cond3A_125 {
        %add3A_194 = arith.addi %mul3A_2, %mul3A_88 : i32
        %add3A_195 = arith.constant 2 : i32
        %add3A_196 = arith.addi %add3A_194, %add3A_195 : i32
        %mul3A_197 = arith.constant 128 : i32
        %mul3A_198 = arith.muli %add3A_196, %mul3A_197 : i32
        %dma_start3A_199 = tpu.memref_slice %arg4[%mul3A_198] : memref<160000xi32, #tpu.memory_space<hbm>> -> memref<128xi32, #tpu.memory_space<hbm>>
        %dma_start3A_200 = tpu.memref_slice %arg4[%mul3A_198] : memref<160000xi32, #tpu.memory_space<hbm>> -> memref<128xi32, #tpu.memory_space<hbm>>
        tpu.enqueue_dma source(%dma_start3A_200 : memref<128xi32, #tpu.memory_space<hbm>>) target(%arg8 : memref<128xi32, #tpu.memory_space<vmem>>) target_semaphore(%arg16 : memref<!tpu.dma_semaphore, #tpu.memory_space<semaphore_mem>>)
        %dma_start3A_201 = tpu.memref_slice %arg5[%mul3A_198] : memref<160000xi32, #tpu.memory_space<hbm>> -> memref<128xi32, #tpu.memory_space<hbm>>
        %dma_start3A_202 = tpu.memref_slice %arg5[%mul3A_198] : memref<160000xi32, #tpu.memory_space<hbm>> -> memref<128xi32, #tpu.memory_space<hbm>>
        tpu.enqueue_dma source(%dma_start3A_202 : memref<128xi32, #tpu.memory_space<hbm>>) target(%arg10 : memref<128xi32, #tpu.memory_space<vmem>>) target_semaphore(%arg16 : memref<!tpu.dma_semaphore, #tpu.memory_space<semaphore_mem>>)
      } else {
      }
      %add3A_126 = arith.addi %mul3A_2, %mul3A_88 : i32
      %mul3A_127 = arith.constant 128 : i32
      %mul3A_128 = arith.muli %add3A_126, %mul3A_127 : i32
      %dma_start3A_129 = arith.constant 0 : i32
      %dma_start3A_130 = tpu.memref_slice %arg6[%mul3A_128, %dma_start3A_129] : memref<160000x128xi32, #tpu.memory_space<hbm>> -> memref<128x128xi32, #tpu.memory_space<hbm>>
      %dma_start3A_131 = arith.constant 0 : i32
      %dma_start3A_132 = tpu.memref_slice %arg6[%mul3A_128, %dma_start3A_131] : memref<160000x128xi32, #tpu.memory_space<hbm>> -> memref<128x128xi32, #tpu.memory_space<hbm>>
      tpu.enqueue_dma source(%arg12 : memref<128x128xi32, #tpu.memory_space<vmem>>) target(%dma_start3A_132 : memref<128x128xi32, #tpu.memory_space<hbm>>) target_semaphore(%arg20 : memref<!tpu.dma_semaphore, #tpu.memory_space<semaphore_mem>>)
      %mul3A_133 = arith.constant 128 : i32
      %mul3A_134 = arith.muli %add3A_126, %mul3A_133 : i32
      %dma_start3A_135 = arith.constant 0 : i32
      %dma_start3A_136 = tpu.memref_slice %arg7[%mul3A_134, %dma_start3A_135] : memref<160000x128xi32, #tpu.memory_space<hbm>> -> memref<128x128xi32, #tpu.memory_space<hbm>>
      %dma_start3A_137 = arith.constant 0 : i32
      %dma_start3A_138 = tpu.memref_slice %arg7[%mul3A_134, %dma_start3A_137] : memref<160000x128xi32, #tpu.memory_space<hbm>> -> memref<128x128xi32, #tpu.memory_space<hbm>>
      tpu.enqueue_dma source(%arg14 : memref<128x128xi32, #tpu.memory_space<vmem>>) target(%dma_start3A_138 : memref<128x128xi32, #tpu.memory_space<hbm>>) target_semaphore(%arg20 : memref<!tpu.dma_semaphore, #tpu.memory_space<semaphore_mem>>)
      %mul3A_139 = arith.constant 2 : i32
      %mul3A_140 = arith.muli %mul3A_139, %scan3A_86 : i32
      %add3A_141 = arith.constant 1 : i32
      %add3A_142 = arith.addi %mul3A_140, %add3A_141 : i32
      %add3A_143 = arith.constant 1 : i32
      %add3A_144 = arith.addi %add3A_142, %add3A_143 : i32
      %lt3A_145 = arith.constant 39 : i32
      %lt3A_146 = arith.cmpi slt, %add3A_144, %lt3A_145 : i32
      %convert_element_type3A_147 = arith.extui %lt3A_146 : i1 to i32
      %cond3A_148 = arith.constant 0 : i32
      %cond3A_149 = arith.cmpi ne, %convert_element_type3A_147, %cond3A_148 : i32
      scf.if %cond3A_149 {
        %dma_wait3A_194 = arith.constant 0 : i32
        %dma_wait3A_195 = tpu.memref_slice %arg4[%dma_wait3A_194] : memref<160000xi32, #tpu.memory_space<hbm>> -> memref<128xi32, #tpu.memory_space<hbm>>
        %dma_wait3A_196 = arith.constant 0 : i32
        %dma_wait3A_197 = tpu.memref_slice %arg4[%dma_wait3A_196] : memref<160000xi32, #tpu.memory_space<hbm>> -> memref<128xi32, #tpu.memory_space<hbm>>
        tpu.wait_dma2 semaphore(%arg16 : memref<!tpu.dma_semaphore, #tpu.memory_space<semaphore_mem>>) src(%dma_wait3A_197 : memref<128xi32, #tpu.memory_space<hbm>>) dst(%arg8 : memref<128xi32, #tpu.memory_space<vmem>>)
        %dma_wait3A_198 = arith.constant 0 : i32
        %dma_wait3A_199 = tpu.memref_slice %arg5[%dma_wait3A_198] : memref<160000xi32, #tpu.memory_space<hbm>> -> memref<128xi32, #tpu.memory_space<hbm>>
        %dma_wait3A_200 = arith.constant 0 : i32
        %dma_wait3A_201 = tpu.memref_slice %arg5[%dma_wait3A_200] : memref<160000xi32, #tpu.memory_space<hbm>> -> memref<128xi32, #tpu.memory_space<hbm>>
        tpu.wait_dma2 semaphore(%arg16 : memref<!tpu.dma_semaphore, #tpu.memory_space<semaphore_mem>>) src(%dma_wait3A_201 : memref<128xi32, #tpu.memory_space<hbm>>) dst(%arg10 : memref<128xi32, #tpu.memory_space<vmem>>)
      } else {
      }
      %ge3A_150 = arith.constant 1 : i32
      %ge3A_151 = arith.cmpi sge, %add3A_142, %ge3A_150 : i32
      %convert_element_type3A_152 = arith.extui %ge3A_151 : i1 to i32
      %cond3A_153 = arith.constant 0 : i32
      %cond3A_154 = arith.cmpi ne, %convert_element_type3A_152, %cond3A_153 : i32
      scf.if %cond3A_154 {
        %dma_wait3A_194 = arith.constant 0 : i32
        %dma_wait3A_195 = arith.constant 0 : i32
        %dma_wait3A_196 = tpu.memref_slice %arg6[%dma_wait3A_194, %dma_wait3A_195] : memref<160000x128xi32, #tpu.memory_space<hbm>> -> memref<128x128xi32, #tpu.memory_space<hbm>>
        %dma_wait3A_197 = arith.constant 0 : i32
        %dma_wait3A_198 = arith.constant 0 : i32
        %dma_wait3A_199 = tpu.memref_slice %arg6[%dma_wait3A_197, %dma_wait3A_198] : memref<160000x128xi32, #tpu.memory_space<hbm>> -> memref<128x128xi32, #tpu.memory_space<hbm>>
        tpu.wait_dma2 semaphore(%arg20 : memref<!tpu.dma_semaphore, #tpu.memory_space<semaphore_mem>>) src(%arg12 : memref<128x128xi32, #tpu.memory_space<vmem>>) dst(%dma_wait3A_199 : memref<128x128xi32, #tpu.memory_space<hbm>>)
        %dma_wait3A_200 = arith.constant 0 : i32
        %dma_wait3A_201 = arith.constant 0 : i32
        %dma_wait3A_202 = tpu.memref_slice %arg7[%dma_wait3A_200, %dma_wait3A_201] : memref<160000x128xi32, #tpu.memory_space<hbm>> -> memref<128x128xi32, #tpu.memory_space<hbm>>
        %dma_wait3A_203 = arith.constant 0 : i32
        %dma_wait3A_204 = arith.constant 0 : i32
        %dma_wait3A_205 = tpu.memref_slice %arg7[%dma_wait3A_203, %dma_wait3A_204] : memref<160000x128xi32, #tpu.memory_space<hbm>> -> memref<128x128xi32, #tpu.memory_space<hbm>>
        tpu.wait_dma2 semaphore(%arg20 : memref<!tpu.dma_semaphore, #tpu.memory_space<semaphore_mem>>) src(%arg14 : memref<128x128xi32, #tpu.memory_space<vmem>>) dst(%dma_wait3A_205 : memref<128x128xi32, #tpu.memory_space<hbm>>)
      } else {
      }
      %add3A_155 = arith.constant 1 : i32
      %add3A_156 = arith.addi %add3A_142, %add3A_155 : i32
      %lt3A_157 = arith.constant 39 : i32
      %lt3A_158 = arith.cmpi slt, %add3A_156, %lt3A_157 : i32
      %convert_element_type3A_159 = arith.extui %lt3A_158 : i1 to i32
      %cond3A_160 = arith.constant 0 : i32
      %cond3A_161 = arith.cmpi ne, %convert_element_type3A_159, %cond3A_160 : i32
      scf.if %cond3A_161 {
        %dma_start3A_194 = arith.constant 0 : i32
        %dma_start3A_195 = arith.constant 0 : i32
        %dma_start3A_196 = tpu.memref_slice %arg2[%dma_start3A_194, %dma_start3A_195] : memref<10000x128xi32, #tpu.memory_space<hbm>> -> memref<10000x128xi32, #tpu.memory_space<hbm>>
        tpu.enqueue_indirect_dma source(%dma_start3A_196 : memref<10000x128xi32, #tpu.memory_space<hbm>>) target(%arg12 : memref<128x128xi32, #tpu.memory_space<vmem>>) offsets(%arg8 : memref<128xi32, #tpu.memory_space<vmem>>) semaphore(%arg18 : memref<!tpu.dma_semaphore, #tpu.memory_space<semaphore_mem>>)
        %dma_start3A_197 = arith.constant 0 : i32
        %dma_start3A_198 = arith.constant 0 : i32
        %dma_start3A_199 = tpu.memref_slice %arg3[%dma_start3A_197, %dma_start3A_198] : memref<10000x128xi32, #tpu.memory_space<hbm>> -> memref<10000x128xi32, #tpu.memory_space<hbm>>
        tpu.enqueue_indirect_dma source(%dma_start3A_199 : memref<10000x128xi32, #tpu.memory_space<hbm>>) target(%arg14 : memref<128x128xi32, #tpu.memory_space<vmem>>) offsets(%arg10 : memref<128xi32, #tpu.memory_space<vmem>>) semaphore(%arg18 : memref<!tpu.dma_semaphore, #tpu.memory_space<semaphore_mem>>)
      } else {
      }
      %dma_wait3A_162 = arith.constant 0 : i32
      %dma_wait3A_163 = arith.constant 0 : i32
      %dma_wait3A_164 = tpu.memref_slice %arg2[%dma_wait3A_162, %dma_wait3A_163] : memref<10000x128xi32, #tpu.memory_space<hbm>> -> memref<128x128xi32, #tpu.memory_space<hbm>>
      %dma_wait3A_165 = arith.constant 0 : i32
      %dma_wait3A_166 = arith.constant 0 : i32
      %dma_wait3A_167 = tpu.memref_slice %arg2[%dma_wait3A_165, %dma_wait3A_166] : memref<10000x128xi32, #tpu.memory_space<hbm>> -> memref<128x128xi32, #tpu.memory_space<hbm>>
      tpu.wait_dma2 semaphore(%arg19 : memref<!tpu.dma_semaphore, #tpu.memory_space<semaphore_mem>>) src(%dma_wait3A_167 : memref<128x128xi32, #tpu.memory_space<hbm>>) dst(%arg13 : memref<128x128xi32, #tpu.memory_space<vmem>>)
      %dma_wait3A_168 = arith.constant 0 : i32
      %dma_wait3A_169 = arith.constant 0 : i32
      %dma_wait3A_170 = tpu.memref_slice %arg2[%dma_wait3A_168, %dma_wait3A_169] : memref<10000x128xi32, #tpu.memory_space<hbm>> -> memref<128x128xi32, #tpu.memory_space<hbm>>
      %dma_wait3A_171 = arith.constant 0 : i32
      %dma_wait3A_172 = arith.constant 0 : i32
      %dma_wait3A_173 = tpu.memref_slice %arg2[%dma_wait3A_171, %dma_wait3A_172] : memref<10000x128xi32, #tpu.memory_space<hbm>> -> memref<128x128xi32, #tpu.memory_space<hbm>>
      tpu.wait_dma2 semaphore(%arg19 : memref<!tpu.dma_semaphore, #tpu.memory_space<semaphore_mem>>) src(%dma_wait3A_173 : memref<128x128xi32, #tpu.memory_space<hbm>>) dst(%arg15 : memref<128x128xi32, #tpu.memory_space<vmem>>)
      %add3A_174 = arith.constant 2 : i32
      %add3A_175 = arith.addi %add3A_142, %add3A_174 : i32
      %lt3A_176 = arith.constant 39 : i32
      %lt3A_177 = arith.cmpi slt, %add3A_175, %lt3A_176 : i32
      %convert_element_type3A_178 = arith.extui %lt3A_177 : i1 to i32
      %cond3A_179 = arith.constant 0 : i32
      %cond3A_180 = arith.cmpi ne, %convert_element_type3A_178, %cond3A_179 : i32
      scf.if %cond3A_180 {
        %add3A_194 = arith.addi %mul3A_2, %add3A_142 : i32
        %add3A_195 = arith.constant 2 : i32
        %add3A_196 = arith.addi %add3A_194, %add3A_195 : i32
        %mul3A_197 = arith.constant 128 : i32
        %mul3A_198 = arith.muli %add3A_196, %mul3A_197 : i32
        %dma_start3A_199 = tpu.memref_slice %arg4[%mul3A_198] : memref<160000xi32, #tpu.memory_space<hbm>> -> memref<128xi32, #tpu.memory_space<hbm>>
        %dma_start3A_200 = tpu.memref_slice %arg4[%mul3A_198] : memref<160000xi32, #tpu.memory_space<hbm>> -> memref<128xi32, #tpu.memory_space<hbm>>
        tpu.enqueue_dma source(%dma_start3A_200 : memref<128xi32, #tpu.memory_space<hbm>>) target(%arg9 : memref<128xi32, #tpu.memory_space<vmem>>) target_semaphore(%arg17 : memref<!tpu.dma_semaphore, #tpu.memory_space<semaphore_mem>>)
        %dma_start3A_201 = tpu.memref_slice %arg5[%mul3A_198] : memref<160000xi32, #tpu.memory_space<hbm>> -> memref<128xi32, #tpu.memory_space<hbm>>
        %dma_start3A_202 = tpu.memref_slice %arg5[%mul3A_198] : memref<160000xi32, #tpu.memory_space<hbm>> -> memref<128xi32, #tpu.memory_space<hbm>>
        tpu.enqueue_dma source(%dma_start3A_202 : memref<128xi32, #tpu.memory_space<hbm>>) target(%arg11 : memref<128xi32, #tpu.memory_space<vmem>>) target_semaphore(%arg17 : memref<!tpu.dma_semaphore, #tpu.memory_space<semaphore_mem>>)
      } else {
      }
      %add3A_181 = arith.addi %mul3A_2, %add3A_142 : i32
      %mul3A_182 = arith.constant 128 : i32
      %mul3A_183 = arith.muli %add3A_181, %mul3A_182 : i32
      %dma_start3A_184 = arith.constant 0 : i32
      %dma_start3A_185 = tpu.memref_slice %arg6[%mul3A_183, %dma_start3A_184] : memref<160000x128xi32, #tpu.memory_space<hbm>> -> memref<128x128xi32, #tpu.memory_space<hbm>>
      %dma_start3A_186 = arith.constant 0 : i32
      %dma_start3A_187 = tpu.memref_slice %arg6[%mul3A_183, %dma_start3A_186] : memref<160000x128xi32, #tpu.memory_space<hbm>> -> memref<128x128xi32, #tpu.memory_space<hbm>>
      tpu.enqueue_dma source(%arg13 : memref<128x128xi32, #tpu.memory_space<vmem>>) target(%dma_start3A_187 : memref<128x128xi32, #tpu.memory_space<hbm>>) target_semaphore(%arg21 : memref<!tpu.dma_semaphore, #tpu.memory_space<semaphore_mem>>)
      %mul3A_188 = arith.constant 128 : i32
      %mul3A_189 = arith.muli %add3A_181, %mul3A_188 : i32
      %dma_start3A_190 = arith.constant 0 : i32
      %dma_start3A_191 = tpu.memref_slice %arg7[%mul3A_189, %dma_start3A_190] : memref<160000x128xi32, #tpu.memory_space<hbm>> -> memref<128x128xi32, #tpu.memory_space<hbm>>
      %dma_start3A_192 = arith.constant 0 : i32
      %dma_start3A_193 = tpu.memref_slice %arg7[%mul3A_189, %dma_start3A_192] : memref<160000x128xi32, #tpu.memory_space<hbm>> -> memref<128x128xi32, #tpu.memory_space<hbm>>
      tpu.enqueue_dma source(%arg15 : memref<128x128xi32, #tpu.memory_space<vmem>>) target(%dma_start3A_193 : memref<128x128xi32, #tpu.memory_space<hbm>>) target_semaphore(%arg21 : memref<!tpu.dma_semaphore, #tpu.memory_space<semaphore_mem>>)
    }
    %scan3A_33 = arith.constant 19 : i32
    %dma_wait3A_34 = arith.constant 0 : i32
    %dma_wait3A_35 = arith.constant 0 : i32
    %dma_wait3A_36 = tpu.memref_slice %arg6[%dma_wait3A_34, %dma_wait3A_35] : memref<160000x128xi32, #tpu.memory_space<hbm>> -> memref<128x128xi32, #tpu.memory_space<hbm>>
    %dma_wait3A_37 = arith.constant 0 : i32
    %dma_wait3A_38 = arith.constant 0 : i32
    %dma_wait3A_39 = tpu.memref_slice %arg6[%dma_wait3A_37, %dma_wait3A_38] : memref<160000x128xi32, #tpu.memory_space<hbm>> -> memref<128x128xi32, #tpu.memory_space<hbm>>
    tpu.wait_dma2 semaphore(%arg21 : memref<!tpu.dma_semaphore, #tpu.memory_space<semaphore_mem>>) src(%arg13 : memref<128x128xi32, #tpu.memory_space<vmem>>) dst(%dma_wait3A_39 : memref<128x128xi32, #tpu.memory_space<hbm>>)
    %dma_wait3A_40 = arith.constant 0 : i32
    %dma_wait3A_41 = arith.constant 0 : i32
    %dma_wait3A_42 = tpu.memref_slice %arg7[%dma_wait3A_40, %dma_wait3A_41] : memref<160000x128xi32, #tpu.memory_space<hbm>> -> memref<128x128xi32, #tpu.memory_space<hbm>>
    %dma_wait3A_43 = arith.constant 0 : i32
    %dma_wait3A_44 = arith.constant 0 : i32
    %dma_wait3A_45 = tpu.memref_slice %arg7[%dma_wait3A_43, %dma_wait3A_44] : memref<160000x128xi32, #tpu.memory_space<hbm>> -> memref<128x128xi32, #tpu.memory_space<hbm>>
    tpu.wait_dma2 semaphore(%arg21 : memref<!tpu.dma_semaphore, #tpu.memory_space<semaphore_mem>>) src(%arg15 : memref<128x128xi32, #tpu.memory_space<vmem>>) dst(%dma_wait3A_45 : memref<128x128xi32, #tpu.memory_space<hbm>>)
    %dma_wait3A_46 = arith.constant 0 : i32
    %dma_wait3A_47 = arith.constant 0 : i32
    %dma_wait3A_48 = tpu.memref_slice %arg2[%dma_wait3A_46, %dma_wait3A_47] : memref<10000x128xi32, #tpu.memory_space<hbm>> -> memref<128x128xi32, #tpu.memory_space<hbm>>
    %dma_wait3A_49 = arith.constant 0 : i32
    %dma_wait3A_50 = arith.constant 0 : i32
    %dma_wait3A_51 = tpu.memref_slice %arg2[%dma_wait3A_49, %dma_wait3A_50] : memref<10000x128xi32, #tpu.memory_space<hbm>> -> memref<128x128xi32, #tpu.memory_space<hbm>>
    tpu.wait_dma2 semaphore(%arg18 : memref<!tpu.dma_semaphore, #tpu.memory_space<semaphore_mem>>) src(%dma_wait3A_51 : memref<128x128xi32, #tpu.memory_space<hbm>>) dst(%arg12 : memref<128x128xi32, #tpu.memory_space<vmem>>)
    %dma_wait3A_52 = arith.constant 0 : i32
    %dma_wait3A_53 = arith.constant 0 : i32
    %dma_wait3A_54 = tpu.memref_slice %arg2[%dma_wait3A_52, %dma_wait3A_53] : memref<10000x128xi32, #tpu.memory_space<hbm>> -> memref<128x128xi32, #tpu.memory_space<hbm>>
    %dma_wait3A_55 = arith.constant 0 : i32
    %dma_wait3A_56 = arith.constant 0 : i32
    %dma_wait3A_57 = tpu.memref_slice %arg2[%dma_wait3A_55, %dma_wait3A_56] : memref<10000x128xi32, #tpu.memory_space<hbm>> -> memref<128x128xi32, #tpu.memory_space<hbm>>
    tpu.wait_dma2 semaphore(%arg18 : memref<!tpu.dma_semaphore, #tpu.memory_space<semaphore_mem>>) src(%dma_wait3A_57 : memref<128x128xi32, #tpu.memory_space<hbm>>) dst(%arg14 : memref<128x128xi32, #tpu.memory_space<vmem>>)
    %add3A_58 = arith.constant 38 : i32
    %add3A_59 = arith.addi %mul3A_2, %add3A_58 : i32
    %mul3A_60 = arith.constant 128 : i32
    %mul3A_61 = arith.muli %add3A_59, %mul3A_60 : i32
    %dma_start3A_62 = arith.constant 0 : i32
    %dma_start3A_63 = tpu.memref_slice %arg6[%mul3A_61, %dma_start3A_62] : memref<160000x128xi32, #tpu.memory_space<hbm>> -> memref<128x128xi32, #tpu.memory_space<hbm>>
    %dma_start3A_64 = arith.constant 0 : i32
    %dma_start3A_65 = tpu.memref_slice %arg6[%mul3A_61, %dma_start3A_64] : memref<160000x128xi32, #tpu.memory_space<hbm>> -> memref<128x128xi32, #tpu.memory_space<hbm>>
    tpu.enqueue_dma source(%arg12 : memref<128x128xi32, #tpu.memory_space<vmem>>) target(%dma_start3A_65 : memref<128x128xi32, #tpu.memory_space<hbm>>) target_semaphore(%arg20 : memref<!tpu.dma_semaphore, #tpu.memory_space<semaphore_mem>>)
    %mul3A_66 = arith.constant 128 : i32
    %mul3A_67 = arith.muli %add3A_59, %mul3A_66 : i32
    %dma_start3A_68 = arith.constant 0 : i32
    %dma_start3A_69 = tpu.memref_slice %arg7[%mul3A_67, %dma_start3A_68] : memref<160000x128xi32, #tpu.memory_space<hbm>> -> memref<128x128xi32, #tpu.memory_space<hbm>>
    %dma_start3A_70 = arith.constant 0 : i32
    %dma_start3A_71 = tpu.memref_slice %arg7[%mul3A_67, %dma_start3A_70] : memref<160000x128xi32, #tpu.memory_space<hbm>> -> memref<128x128xi32, #tpu.memory_space<hbm>>
    tpu.enqueue_dma source(%arg14 : memref<128x128xi32, #tpu.memory_space<vmem>>) target(%dma_start3A_71 : memref<128x128xi32, #tpu.memory_space<hbm>>) target_semaphore(%arg20 : memref<!tpu.dma_semaphore, #tpu.memory_space<semaphore_mem>>)
    %dma_wait3A_72 = arith.constant 0 : i32
    %dma_wait3A_73 = arith.constant 0 : i32
    %dma_wait3A_74 = tpu.memref_slice %arg6[%dma_wait3A_72, %dma_wait3A_73] : memref<160000x128xi32, #tpu.memory_space<hbm>> -> memref<128x128xi32, #tpu.memory_space<hbm>>
    %dma_wait3A_75 = arith.constant 0 : i32
    %dma_wait3A_76 = arith.constant 0 : i32
    %dma_wait3A_77 = tpu.memref_slice %arg6[%dma_wait3A_75, %dma_wait3A_76] : memref<160000x128xi32, #tpu.memory_space<hbm>> -> memref<128x128xi32, #tpu.memory_space<hbm>>
    tpu.wait_dma2 semaphore(%arg20 : memref<!tpu.dma_semaphore, #tpu.memory_space<semaphore_mem>>) src(%arg12 : memref<128x128xi32, #tpu.memory_space<vmem>>) dst(%dma_wait3A_77 : memref<128x128xi32, #tpu.memory_space<hbm>>)
    %dma_wait3A_78 = arith.constant 0 : i32
    %dma_wait3A_79 = arith.constant 0 : i32
    %dma_wait3A_80 = tpu.memref_slice %arg7[%dma_wait3A_78, %dma_wait3A_79] : memref<160000x128xi32, #tpu.memory_space<hbm>> -> memref<128x128xi32, #tpu.memory_space<hbm>>
    %dma_wait3A_81 = arith.constant 0 : i32
    %dma_wait3A_82 = arith.constant 0 : i32
    %dma_wait3A_83 = tpu.memref_slice %arg7[%dma_wait3A_81, %dma_wait3A_82] : memref<160000x128xi32, #tpu.memory_space<hbm>> -> memref<128x128xi32, #tpu.memory_space<hbm>>
    tpu.wait_dma2 semaphore(%arg20 : memref<!tpu.dma_semaphore, #tpu.memory_space<semaphore_mem>>) src(%arg14 : memref<128x128xi32, #tpu.memory_space<vmem>>) dst(%dma_wait3A_83 : memref<128x128xi32, #tpu.memory_space<hbm>>)
    %lt3A = arith.constant 2 : i32
    %lt3A_84 = arith.cmpi slt, %add3A, %lt3A : i32
    %convert_element_type3A = arith.extui %lt3A_84 : i1 to i32
    %cond3A = arith.constant 0 : i32
    %cond3A_85 = arith.cmpi ne, %convert_element_type3A, %cond3A : i32
    scf.if %cond3A_85 {
      %add3A_86 = arith.constant 1248 : i32
      %add3A_87 = arith.addi %add3A_86, %add3A : i32
      %mul3A_88 = arith.constant 128 : i32
      %mul3A_89 = arith.muli %add3A_87, %mul3A_88 : i32
      %dma_start3A_90 = tpu.memref_slice %arg4[%mul3A_89] : memref<160000xi32, #tpu.memory_space<hbm>> -> memref<128xi32, #tpu.memory_space<hbm>>
      %dma_start3A_91 = tpu.memref_slice %arg4[%mul3A_89] : memref<160000xi32, #tpu.memory_space<hbm>> -> memref<128xi32, #tpu.memory_space<hbm>>
      tpu.enqueue_dma source(%dma_start3A_91 : memref<128xi32, #tpu.memory_space<hbm>>) target(%arg8 : memref<128xi32, #tpu.memory_space<vmem>>) target_semaphore(%arg16 : memref<!tpu.dma_semaphore, #tpu.memory_space<semaphore_mem>>)
      %dma_start3A_92 = tpu.memref_slice %arg5[%mul3A_89] : memref<160000xi32, #tpu.memory_space<hbm>> -> memref<128xi32, #tpu.memory_space<hbm>>
      %dma_start3A_93 = tpu.memref_slice %arg5[%mul3A_89] : memref<160000xi32, #tpu.memory_space<hbm>> -> memref<128xi32, #tpu.memory_space<hbm>>
      tpu.enqueue_dma source(%dma_start3A_93 : memref<128xi32, #tpu.memory_space<hbm>>) target(%arg10 : memref<128xi32, #tpu.memory_space<vmem>>) target_semaphore(%arg16 : memref<!tpu.dma_semaphore, #tpu.memory_space<semaphore_mem>>)
      %dma_wait3A_94 = arith.constant 0 : i32
      %dma_wait3A_95 = tpu.memref_slice %arg4[%dma_wait3A_94] : memref<160000xi32, #tpu.memory_space<hbm>> -> memref<128xi32, #tpu.memory_space<hbm>>
      %dma_wait3A_96 = arith.constant 0 : i32
      %dma_wait3A_97 = tpu.memref_slice %arg4[%dma_wait3A_96] : memref<160000xi32, #tpu.memory_space<hbm>> -> memref<128xi32, #tpu.memory_space<hbm>>
      tpu.wait_dma2 semaphore(%arg16 : memref<!tpu.dma_semaphore, #tpu.memory_space<semaphore_mem>>) src(%dma_wait3A_97 : memref<128xi32, #tpu.memory_space<hbm>>) dst(%arg8 : memref<128xi32, #tpu.memory_space<vmem>>)
      %dma_wait3A_98 = arith.constant 0 : i32
      %dma_wait3A_99 = tpu.memref_slice %arg5[%dma_wait3A_98] : memref<160000xi32, #tpu.memory_space<hbm>> -> memref<128xi32, #tpu.memory_space<hbm>>
      %dma_wait3A_100 = arith.constant 0 : i32
      %dma_wait3A_101 = tpu.memref_slice %arg5[%dma_wait3A_100] : memref<160000xi32, #tpu.memory_space<hbm>> -> memref<128xi32, #tpu.memory_space<hbm>>
      tpu.wait_dma2 semaphore(%arg16 : memref<!tpu.dma_semaphore, #tpu.memory_space<semaphore_mem>>) src(%dma_wait3A_101 : memref<128xi32, #tpu.memory_space<hbm>>) dst(%arg10 : memref<128xi32, #tpu.memory_space<vmem>>)
      %dma_start3A_102 = arith.constant 0 : i32
      %dma_start3A_103 = arith.constant 0 : i32
      %dma_start3A_104 = tpu.memref_slice %arg2[%dma_start3A_102, %dma_start3A_103] : memref<10000x128xi32, #tpu.memory_space<hbm>> -> memref<10000x128xi32, #tpu.memory_space<hbm>>
      tpu.enqueue_indirect_dma source(%dma_start3A_104 : memref<10000x128xi32, #tpu.memory_space<hbm>>) target(%arg12 : memref<128x128xi32, #tpu.memory_space<vmem>>) offsets(%arg8 : memref<128xi32, #tpu.memory_space<vmem>>) semaphore(%arg18 : memref<!tpu.dma_semaphore, #tpu.memory_space<semaphore_mem>>)
      %dma_start3A_105 = arith.constant 0 : i32
      %dma_start3A_106 = arith.constant 0 : i32
      %dma_start3A_107 = tpu.memref_slice %arg3[%dma_start3A_105, %dma_start3A_106] : memref<10000x128xi32, #tpu.memory_space<hbm>> -> memref<10000x128xi32, #tpu.memory_space<hbm>>
      tpu.enqueue_indirect_dma source(%dma_start3A_107 : memref<10000x128xi32, #tpu.memory_space<hbm>>) target(%arg14 : memref<128x128xi32, #tpu.memory_space<vmem>>) offsets(%arg10 : memref<128xi32, #tpu.memory_space<vmem>>) semaphore(%arg18 : memref<!tpu.dma_semaphore, #tpu.memory_space<semaphore_mem>>)
      %dma_wait3A_108 = arith.constant 0 : i32
      %dma_wait3A_109 = arith.constant 0 : i32
      %dma_wait3A_110 = tpu.memref_slice %arg2[%dma_wait3A_108, %dma_wait3A_109] : memref<10000x128xi32, #tpu.memory_space<hbm>> -> memref<128x128xi32, #tpu.memory_space<hbm>>
      %dma_wait3A_111 = arith.constant 0 : i32
      %dma_wait3A_112 = arith.constant 0 : i32
      %dma_wait3A_113 = tpu.memref_slice %arg2[%dma_wait3A_111, %dma_wait3A_112] : memref<10000x128xi32, #tpu.memory_space<hbm>> -> memref<128x128xi32, #tpu.memory_space<hbm>>
      tpu.wait_dma2 semaphore(%arg18 : memref<!tpu.dma_semaphore, #tpu.memory_space<semaphore_mem>>) src(%dma_wait3A_113 : memref<128x128xi32, #tpu.memory_space<hbm>>) dst(%arg12 : memref<128x128xi32, #tpu.memory_space<vmem>>)
      %dma_wait3A_114 = arith.constant 0 : i32
      %dma_wait3A_115 = arith.constant 0 : i32
      %dma_wait3A_116 = tpu.memref_slice %arg2[%dma_wait3A_114, %dma_wait3A_115] : memref<10000x128xi32, #tpu.memory_space<hbm>> -> memref<128x128xi32, #tpu.memory_space<hbm>>
      %dma_wait3A_117 = arith.constant 0 : i32
      %dma_wait3A_118 = arith.constant 0 : i32
      %dma_wait3A_119 = tpu.memref_slice %arg2[%dma_wait3A_117, %dma_wait3A_118] : memref<10000x128xi32, #tpu.memory_space<hbm>> -> memref<128x128xi32, #tpu.memory_space<hbm>>
      tpu.wait_dma2 semaphore(%arg18 : memref<!tpu.dma_semaphore, #tpu.memory_space<semaphore_mem>>) src(%dma_wait3A_119 : memref<128x128xi32, #tpu.memory_space<hbm>>) dst(%arg14 : memref<128x128xi32, #tpu.memory_space<vmem>>)
      %mul3A_120 = arith.constant 128 : i32
      %mul3A_121 = arith.muli %add3A_87, %mul3A_120 : i32
      %dma_start3A_122 = arith.constant 0 : i32
      %dma_start3A_123 = tpu.memref_slice %arg6[%mul3A_121, %dma_start3A_122] : memref<160000x128xi32, #tpu.memory_space<hbm>> -> memref<128x128xi32, #tpu.memory_space<hbm>>
      %dma_start3A_124 = arith.constant 0 : i32
      %dma_start3A_125 = tpu.memref_slice %arg6[%mul3A_121, %dma_start3A_124] : memref<160000x128xi32, #tpu.memory_space<hbm>> -> memref<128x128xi32, #tpu.memory_space<hbm>>
      tpu.enqueue_dma source(%arg12 : memref<128x128xi32, #tpu.memory_space<vmem>>) target(%dma_start3A_125 : memref<128x128xi32, #tpu.memory_space<hbm>>) target_semaphore(%arg20 : memref<!tpu.dma_semaphore, #tpu.memory_space<semaphore_mem>>)
      %mul3A_126 = arith.constant 128 : i32
      %mul3A_127 = arith.muli %add3A_87, %mul3A_126 : i32
      %dma_start3A_128 = arith.constant 0 : i32
      %dma_start3A_129 = tpu.memref_slice %arg7[%mul3A_127, %dma_start3A_128] : memref<160000x128xi32, #tpu.memory_space<hbm>> -> memref<128x128xi32, #tpu.memory_space<hbm>>
      %dma_start3A_130 = arith.constant 0 : i32
      %dma_start3A_131 = tpu.memref_slice %arg7[%mul3A_127, %dma_start3A_130] : memref<160000x128xi32, #tpu.memory_space<hbm>> -> memref<128x128xi32, #tpu.memory_space<hbm>>
      tpu.enqueue_dma source(%arg14 : memref<128x128xi32, #tpu.memory_space<vmem>>) target(%dma_start3A_131 : memref<128x128xi32, #tpu.memory_space<hbm>>) target_semaphore(%arg20 : memref<!tpu.dma_semaphore, #tpu.memory_space<semaphore_mem>>)
      %dma_wait3A_132 = arith.constant 0 : i32
      %dma_wait3A_133 = arith.constant 0 : i32
      %dma_wait3A_134 = tpu.memref_slice %arg6[%dma_wait3A_132, %dma_wait3A_133] : memref<160000x128xi32, #tpu.memory_space<hbm>> -> memref<128x128xi32, #tpu.memory_space<hbm>>
      %dma_wait3A_135 = arith.constant 0 : i32
      %dma_wait3A_136 = arith.constant 0 : i32
      %dma_wait3A_137 = tpu.memref_slice %arg6[%dma_wait3A_135, %dma_wait3A_136] : memref<160000x128xi32, #tpu.memory_space<hbm>> -> memref<128x128xi32, #tpu.memory_space<hbm>>
      tpu.wait_dma2 semaphore(%arg20 : memref<!tpu.dma_semaphore, #tpu.memory_space<semaphore_mem>>) src(%arg12 : memref<128x128xi32, #tpu.memory_space<vmem>>) dst(%dma_wait3A_137 : memref<128x128xi32, #tpu.memory_space<hbm>>)
      %dma_wait3A_138 = arith.constant 0 : i32
      %dma_wait3A_139 = arith.constant 0 : i32
      %dma_wait3A_140 = tpu.memref_slice %arg7[%dma_wait3A_138, %dma_wait3A_139] : memref<160000x128xi32, #tpu.memory_space<hbm>> -> memref<128x128xi32, #tpu.memory_space<hbm>>
      %dma_wait3A_141 = arith.constant 0 : i32
      %dma_wait3A_142 = arith.constant 0 : i32
      %dma_wait3A_143 = tpu.memref_slice %arg7[%dma_wait3A_141, %dma_wait3A_142] : memref<160000x128xi32, #tpu.memory_space<hbm>> -> memref<128x128xi32, #tpu.memory_space<hbm>>
      tpu.wait_dma2 semaphore(%arg20 : memref<!tpu.dma_semaphore, #tpu.memory_space<semaphore_mem>>) src(%arg14 : memref<128x128xi32, #tpu.memory_space<vmem>>) dst(%dma_wait3A_143 : memref<128x128xi32, #tpu.memory_space<hbm>>)
    } else {
    }
    return
  }
}

#map = affine_map<(d0, d1) -> (0, 0)>
#map1 = affine_map<(d0, d1) -> (0)>
module attributes {stable_mosaic.version = 14 : i64} {
  func.func @_scatter_body(%arg0: i32, %arg1: i32, %arg2: memref<160000x128xf32, #tpu.memory_space<hbm>>, %arg3: memref<160000xi32, #tpu.memory_space<hbm>>, %arg4: memref<20480x128xf32, #tpu.memory_space<hbm>>, %arg5: memref<20x528x128xf32, #tpu.memory_space<vmem_shared>>, %arg6: memref<64x128xf32, #tpu.memory_space<vmem>>, %arg7: memref<64x128xf32, #tpu.memory_space<vmem>>, %arg8: memref<64xi32, #tpu.memory_space<vmem>>, %arg9: memref<64xi32, #tpu.memory_space<vmem>>, %arg10: memref<64xi32, #tpu.memory_space<vmem>>, %arg11: memref<88x128xf32, #tpu.memory_space<vmem>>, %arg12: memref<!tpu.dma_semaphore, #tpu.memory_space<semaphore_mem>>, %arg13: memref<!tpu.dma_semaphore, #tpu.memory_space<semaphore_mem>>) attributes {dimension_semantics = [#tpu.dimension_semantics<core_parallel>, #tpu.dimension_semantics<subcore_parallel>], iteration_bounds = array<i64: 2, 16>, scalar_prefetch = 0 : i64, scratch_operands = 9 : i64, tpu.core_type = #tpu.core_type<sc_vector_subcore>, window_params = [{transform_indices = #map}, {transform_indices = #map1}, {transform_indices = #map}]} {
    %mul3A = arith.constant 2 : i32
    %mul3A_0 = arith.muli %arg1, %mul3A : i32
    %add3A = arith.addi %mul3A_0, %arg0 : i32
    %scan3A = arith.constant 0 : i32
    %scan3A_1 = arith.constant 0 : i32
    %scan3A_2 = arith.constant 88 : i32
    %scan3A_3 = arith.addi %scan3A_1, %scan3A_2 : i32
    %scan3A_4 = arith.constant 1 : i32
    scf.for %scan3A_76 = %scan3A_1 to %scan3A_3 step %scan3A_4  : i32 {
      %broadcast_in_dim3A = arith.constant 0.000000e+00 : f32
      %broadcast_in_dim3A_77 = vector.broadcast %broadcast_in_dim3A : f32 to vector<16xf32>
      %swap3A = arith.index_cast %scan3A_76 : i32 to index
      %swap3A_78 = arith.constant 0 : index
      %swap3A_79 = tpu.vector_load %arg11[%swap3A, %swap3A_78] {strides = array<i32>} : memref<88x128xf32, #tpu.memory_space<vmem>>, vector<1x16xf32>,
      %swap3A_80 = vector.shape_cast %swap3A_79 : vector<1x16xf32> to vector<16xf32>
      %swap3A_81 = vector.shape_cast %broadcast_in_dim3A_77 : vector<16xf32> to vector<1x16xf32>
      tpu.vector_store %arg11[%swap3A, %swap3A_78], %swap3A_81 {strides = array<i32>} : memref<88x128xf32, #tpu.memory_space<vmem>>, vector<1x16xf32>,
      %broadcast_in_dim3A_82 = arith.constant 0.000000e+00 : f32
      %broadcast_in_dim3A_83 = vector.broadcast %broadcast_in_dim3A_82 : f32 to vector<16xf32>
      %swap3A_84 = arith.index_cast %scan3A_76 : i32 to index
      %swap3A_85 = arith.constant 16 : index
      %swap3A_86 = tpu.vector_load %arg11[%swap3A_84, %swap3A_85] {strides = array<i32>} : memref<88x128xf32, #tpu.memory_space<vmem>>, vector<1x16xf32>,
      %swap3A_87 = vector.shape_cast %swap3A_86 : vector<1x16xf32> to vector<16xf32>
      %swap3A_88 = vector.shape_cast %broadcast_in_dim3A_83 : vector<16xf32> to vector<1x16xf32>
      tpu.vector_store %arg11[%swap3A_84, %swap3A_85], %swap3A_88 {strides = array<i32>} : memref<88x128xf32, #tpu.memory_space<vmem>>, vector<1x16xf32>,
      %broadcast_in_dim3A_89 = arith.constant 0.000000e+00 : f32
      %broadcast_in_dim3A_90 = vector.broadcast %broadcast_in_dim3A_89 : f32 to vector<16xf32>
      %swap3A_91 = arith.index_cast %scan3A_76 : i32 to index
      %swap3A_92 = arith.constant 32 : index
      %swap3A_93 = tpu.vector_load %arg11[%swap3A_91, %swap3A_92] {strides = array<i32>} : memref<88x128xf32, #tpu.memory_space<vmem>>, vector<1x16xf32>,
      %swap3A_94 = vector.shape_cast %swap3A_93 : vector<1x16xf32> to vector<16xf32>
      %swap3A_95 = vector.shape_cast %broadcast_in_dim3A_90 : vector<16xf32> to vector<1x16xf32>
      tpu.vector_store %arg11[%swap3A_91, %swap3A_92], %swap3A_95 {strides = array<i32>} : memref<88x128xf32, #tpu.memory_space<vmem>>, vector<1x16xf32>,
      %broadcast_in_dim3A_96 = arith.constant 0.000000e+00 : f32
      %broadcast_in_dim3A_97 = vector.broadcast %broadcast_in_dim3A_96 : f32 to vector<16xf32>
      %swap3A_98 = arith.index_cast %scan3A_76 : i32 to index
      %swap3A_99 = arith.constant 48 : index
      %swap3A_100 = tpu.vector_load %arg11[%swap3A_98, %swap3A_99] {strides = array<i32>} : memref<88x128xf32, #tpu.memory_space<vmem>>, vector<1x16xf32>,
      %swap3A_101 = vector.shape_cast %swap3A_100 : vector<1x16xf32> to vector<16xf32>
      %swap3A_102 = vector.shape_cast %broadcast_in_dim3A_97 : vector<16xf32> to vector<1x16xf32>
      tpu.vector_store %arg11[%swap3A_98, %swap3A_99], %swap3A_102 {strides = array<i32>} : memref<88x128xf32, #tpu.memory_space<vmem>>, vector<1x16xf32>,
      %broadcast_in_dim3A_103 = arith.constant 0.000000e+00 : f32
      %broadcast_in_dim3A_104 = vector.broadcast %broadcast_in_dim3A_103 : f32 to vector<16xf32>
      %swap3A_105 = arith.index_cast %scan3A_76 : i32 to index
      %swap3A_106 = arith.constant 64 : index
      %swap3A_107 = tpu.vector_load %arg11[%swap3A_105, %swap3A_106] {strides = array<i32>} : memref<88x128xf32, #tpu.memory_space<vmem>>, vector<1x16xf32>,
      %swap3A_108 = vector.shape_cast %swap3A_107 : vector<1x16xf32> to vector<16xf32>
      %swap3A_109 = vector.shape_cast %broadcast_in_dim3A_104 : vector<16xf32> to vector<1x16xf32>
      tpu.vector_store %arg11[%swap3A_105, %swap3A_106], %swap3A_109 {strides = array<i32>} : memref<88x128xf32, #tpu.memory_space<vmem>>, vector<1x16xf32>,
      %broadcast_in_dim3A_110 = arith.constant 0.000000e+00 : f32
      %broadcast_in_dim3A_111 = vector.broadcast %broadcast_in_dim3A_110 : f32 to vector<16xf32>
      %swap3A_112 = arith.index_cast %scan3A_76 : i32 to index
      %swap3A_113 = arith.constant 80 : index
      %swap3A_114 = tpu.vector_load %arg11[%swap3A_112, %swap3A_113] {strides = array<i32>} : memref<88x128xf32, #tpu.memory_space<vmem>>, vector<1x16xf32>,
      %swap3A_115 = vector.shape_cast %swap3A_114 : vector<1x16xf32> to vector<16xf32>
      %swap3A_116 = vector.shape_cast %broadcast_in_dim3A_111 : vector<16xf32> to vector<1x16xf32>
      tpu.vector_store %arg11[%swap3A_112, %swap3A_113], %swap3A_116 {strides = array<i32>} : memref<88x128xf32, #tpu.memory_space<vmem>>, vector<1x16xf32>,
      %broadcast_in_dim3A_117 = arith.constant 0.000000e+00 : f32
      %broadcast_in_dim3A_118 = vector.broadcast %broadcast_in_dim3A_117 : f32 to vector<16xf32>
      %swap3A_119 = arith.index_cast %scan3A_76 : i32 to index
      %swap3A_120 = arith.constant 96 : index
      %swap3A_121 = tpu.vector_load %arg11[%swap3A_119, %swap3A_120] {strides = array<i32>} : memref<88x128xf32, #tpu.memory_space<vmem>>, vector<1x16xf32>,
      %swap3A_122 = vector.shape_cast %swap3A_121 : vector<1x16xf32> to vector<16xf32>
      %swap3A_123 = vector.shape_cast %broadcast_in_dim3A_118 : vector<16xf32> to vector<1x16xf32>
      tpu.vector_store %arg11[%swap3A_119, %swap3A_120], %swap3A_123 {strides = array<i32>} : memref<88x128xf32, #tpu.memory_space<vmem>>, vector<1x16xf32>,
      %broadcast_in_dim3A_124 = arith.constant 0.000000e+00 : f32
      %broadcast_in_dim3A_125 = vector.broadcast %broadcast_in_dim3A_124 : f32 to vector<16xf32>
      %swap3A_126 = arith.index_cast %scan3A_76 : i32 to index
      %swap3A_127 = arith.constant 112 : index
      %swap3A_128 = tpu.vector_load %arg11[%swap3A_126, %swap3A_127] {strides = array<i32>} : memref<88x128xf32, #tpu.memory_space<vmem>>, vector<1x16xf32>,
      %swap3A_129 = vector.shape_cast %swap3A_128 : vector<1x16xf32> to vector<16xf32>
      %swap3A_130 = vector.shape_cast %broadcast_in_dim3A_125 : vector<16xf32> to vector<1x16xf32>
      tpu.vector_store %arg11[%swap3A_126, %swap3A_127], %swap3A_130 {strides = array<i32>} : memref<88x128xf32, #tpu.memory_space<vmem>>, vector<1x16xf32>,
    }
    %scan3A_5 = arith.constant 88 : i32
    "tpu.region"() ({
      %run_scoped3A = tpu.sem_alloc : memref<!tpu.dma_semaphore, #tpu.memory_space<semaphore_mem>>
      %dma_start3A_76 = arith.constant 0 : i32
      %dma_start3A_77 = arith.constant 0 : i32
      %dma_start3A_78 = tpu.memref_slice %arg5[%arg1, %dma_start3A_76, %dma_start3A_77] : memref<20x528x128xf32, #tpu.memory_space<vmem_shared>> -> memref<1x88x128xf32, #tpu.memory_space<vmem_shared>>
      %dma_start3A_79 = tpu.memref_squeeze %dma_start3A_78 : memref<1x88x128xf32, #tpu.memory_space<vmem_shared>> -> memref<88x128xf32, #tpu.memory_space<vmem_shared>>
      %dma_start3A_80 = arith.constant 0 : i32
      %dma_start3A_81 = arith.constant 0 : i32
      %dma_start3A_82 = tpu.memref_slice %arg5[%arg1, %dma_start3A_80, %dma_start3A_81] : memref<20x528x128xf32, #tpu.memory_space<vmem_shared>> -> memref<1x88x128xf32, #tpu.memory_space<vmem_shared>>
      %dma_start3A_83 = tpu.memref_squeeze %dma_start3A_82 : memref<1x88x128xf32, #tpu.memory_space<vmem_shared>> -> memref<88x128xf32, #tpu.memory_space<vmem_shared>>
      tpu.enqueue_dma source(%arg11 : memref<88x128xf32, #tpu.memory_space<vmem>>) target(%dma_start3A_83 : memref<88x128xf32, #tpu.memory_space<vmem_shared>>) target_semaphore(%run_scoped3A : memref<!tpu.dma_semaphore, #tpu.memory_space<semaphore_mem>>)
      %dma_wait3A = arith.constant 0 : i32
      %dma_wait3A_84 = arith.constant 0 : i32
      %dma_wait3A_85 = tpu.memref_slice %arg5[%arg1, %dma_wait3A, %dma_wait3A_84] : memref<20x528x128xf32, #tpu.memory_space<vmem_shared>> -> memref<1x88x128xf32, #tpu.memory_space<vmem_shared>>
      %dma_wait3A_86 = tpu.memref_squeeze %dma_wait3A_85 : memref<1x88x128xf32, #tpu.memory_space<vmem_shared>> -> memref<88x128xf32, #tpu.memory_space<vmem_shared>>
      %dma_wait3A_87 = arith.constant 0 : i32
      %dma_wait3A_88 = arith.constant 0 : i32
      %dma_wait3A_89 = tpu.memref_slice %arg5[%arg1, %dma_wait3A_87, %dma_wait3A_88] : memref<20x528x128xf32, #tpu.memory_space<vmem_shared>> -> memref<1x88x128xf32, #tpu.memory_space<vmem_shared>>
      %dma_wait3A_90 = tpu.memref_squeeze %dma_wait3A_89 : memref<1x88x128xf32, #tpu.memory_space<vmem_shared>> -> memref<88x128xf32, #tpu.memory_space<vmem_shared>>
      tpu.wait_dma2 semaphore(%run_scoped3A : memref<!tpu.dma_semaphore, #tpu.memory_space<semaphore_mem>>) src(%arg11 : memref<88x128xf32, #tpu.memory_space<vmem>>) dst(%dma_wait3A_90 : memref<88x128xf32, #tpu.memory_space<vmem_shared>>)
      tpu.yield
    }) : () -> ()
    %lt3A = arith.constant 4 : i32
    %lt3A_6 = arith.cmpi slt, %arg1, %lt3A : i32
    %convert_element_type3A = arith.extui %lt3A_6 : i1 to i32
    %cond3A = arith.constant 0 : i32
    %cond3A_7 = arith.cmpi ne, %convert_element_type3A, %cond3A : i32
    scf.if %cond3A_7 {
      %add3A_76 = arith.constant 16 : i32
      %add3A_77 = arith.addi %add3A_76, %arg1 : i32
      "tpu.region"() ({
        %run_scoped3A = tpu.sem_alloc : memref<!tpu.dma_semaphore, #tpu.memory_space<semaphore_mem>>
        %dma_start3A_78 = arith.constant 0 : i32
        %dma_start3A_79 = arith.constant 0 : i32
        %dma_start3A_80 = tpu.memref_slice %arg5[%add3A_77, %dma_start3A_78, %dma_start3A_79] : memref<20x528x128xf32, #tpu.memory_space<vmem_shared>> -> memref<1x88x128xf32, #tpu.memory_space<vmem_shared>>
        %dma_start3A_81 = tpu.memref_squeeze %dma_start3A_80 : memref<1x88x128xf32, #tpu.memory_space<vmem_shared>> -> memref<88x128xf32, #tpu.memory_space<vmem_shared>>
        %dma_start3A_82 = arith.constant 0 : i32
        %dma_start3A_83 = arith.constant 0 : i32
        %dma_start3A_84 = tpu.memref_slice %arg5[%add3A_77, %dma_start3A_82, %dma_start3A_83] : memref<20x528x128xf32, #tpu.memory_space<vmem_shared>> -> memref<1x88x128xf32, #tpu.memory_space<vmem_shared>>
        %dma_start3A_85 = tpu.memref_squeeze %dma_start3A_84 : memref<1x88x128xf32, #tpu.memory_space<vmem_shared>> -> memref<88x128xf32, #tpu.memory_space<vmem_shared>>
        tpu.enqueue_dma source(%arg11 : memref<88x128xf32, #tpu.memory_space<vmem>>) target(%dma_start3A_85 : memref<88x128xf32, #tpu.memory_space<vmem_shared>>) target_semaphore(%run_scoped3A : memref<!tpu.dma_semaphore, #tpu.memory_space<semaphore_mem>>)
        %dma_wait3A = arith.constant 0 : i32
        %dma_wait3A_86 = arith.constant 0 : i32
        %dma_wait3A_87 = tpu.memref_slice %arg5[%add3A_77, %dma_wait3A, %dma_wait3A_86] : memref<20x528x128xf32, #tpu.memory_space<vmem_shared>> -> memref<1x88x128xf32, #tpu.memory_space<vmem_shared>>
        %dma_wait3A_88 = tpu.memref_squeeze %dma_wait3A_87 : memref<1x88x128xf32, #tpu.memory_space<vmem_shared>> -> memref<88x128xf32, #tpu.memory_space<vmem_shared>>
        %dma_wait3A_89 = arith.constant 0 : i32
        %dma_wait3A_90 = arith.constant 0 : i32
        %dma_wait3A_91 = tpu.memref_slice %arg5[%add3A_77, %dma_wait3A_89, %dma_wait3A_90] : memref<20x528x128xf32, #tpu.memory_space<vmem_shared>> -> memref<1x88x128xf32, #tpu.memory_space<vmem_shared>>
        %dma_wait3A_92 = tpu.memref_squeeze %dma_wait3A_91 : memref<1x88x128xf32, #tpu.memory_space<vmem_shared>> -> memref<88x128xf32, #tpu.memory_space<vmem_shared>>
        tpu.wait_dma2 semaphore(%run_scoped3A : memref<!tpu.dma_semaphore, #tpu.memory_space<semaphore_mem>>) src(%arg11 : memref<88x128xf32, #tpu.memory_space<vmem>>) dst(%dma_wait3A_92 : memref<88x128xf32, #tpu.memory_space<vmem_shared>>)
        tpu.yield
      }) : () -> ()
    } else {
    }
    "tpu.region"() ({
      %run_scoped3A = tpu.sem_alloc : memref<!tpu.dma_semaphore, #tpu.memory_space<semaphore_mem>>
      %dma_start3A_76 = arith.constant 88 : i32
      %dma_start3A_77 = arith.constant 0 : i32
      %dma_start3A_78 = tpu.memref_slice %arg5[%arg1, %dma_start3A_76, %dma_start3A_77] : memref<20x528x128xf32, #tpu.memory_space<vmem_shared>> -> memref<1x88x128xf32, #tpu.memory_space<vmem_shared>>
      %dma_start3A_79 = tpu.memref_squeeze %dma_start3A_78 : memref<1x88x128xf32, #tpu.memory_space<vmem_shared>> -> memref<88x128xf32, #tpu.memory_space<vmem_shared>>
      %dma_start3A_80 = arith.constant 88 : i32
      %dma_start3A_81 = arith.constant 0 : i32
      %dma_start3A_82 = tpu.memref_slice %arg5[%arg1, %dma_start3A_80, %dma_start3A_81] : memref<20x528x128xf32, #tpu.memory_space<vmem_shared>> -> memref<1x88x128xf32, #tpu.memory_space<vmem_shared>>
      %dma_start3A_83 = tpu.memref_squeeze %dma_start3A_82 : memref<1x88x128xf32, #tpu.memory_space<vmem_shared>> -> memref<88x128xf32, #tpu.memory_space<vmem_shared>>
      tpu.enqueue_dma source(%arg11 : memref<88x128xf32, #tpu.memory_space<vmem>>) target(%dma_start3A_83 : memref<88x128xf32, #tpu.memory_space<vmem_shared>>) target_semaphore(%run_scoped3A : memref<!tpu.dma_semaphore, #tpu.memory_space<semaphore_mem>>)
      %dma_wait3A = arith.constant 88 : i32
      %dma_wait3A_84 = arith.constant 0 : i32
      %dma_wait3A_85 = tpu.memref_slice %arg5[%arg1, %dma_wait3A, %dma_wait3A_84] : memref<20x528x128xf32, #tpu.memory_space<vmem_shared>> -> memref<1x88x128xf32, #tpu.memory_space<vmem_shared>>
      %dma_wait3A_86 = tpu.memref_squeeze %dma_wait3A_85 : memref<1x88x128xf32, #tpu.memory_space<vmem_shared>> -> memref<88x128xf32, #tpu.memory_space<vmem_shared>>
      %dma_wait3A_87 = arith.constant 88 : i32
      %dma_wait3A_88 = arith.constant 0 : i32
      %dma_wait3A_89 = tpu.memref_slice %arg5[%arg1, %dma_wait3A_87, %dma_wait3A_88] : memref<20x528x128xf32, #tpu.memory_space<vmem_shared>> -> memref<1x88x128xf32, #tpu.memory_space<vmem_shared>>
      %dma_wait3A_90 = tpu.memref_squeeze %dma_wait3A_89 : memref<1x88x128xf32, #tpu.memory_space<vmem_shared>> -> memref<88x128xf32, #tpu.memory_space<vmem_shared>>
      tpu.wait_dma2 semaphore(%run_scoped3A : memref<!tpu.dma_semaphore, #tpu.memory_space<semaphore_mem>>) src(%arg11 : memref<88x128xf32, #tpu.memory_space<vmem>>) dst(%dma_wait3A_90 : memref<88x128xf32, #tpu.memory_space<vmem_shared>>)
      tpu.yield
    }) : () -> ()
    %lt3A_8 = arith.constant 4 : i32
    %lt3A_9 = arith.cmpi slt, %arg1, %lt3A_8 : i32
    %convert_element_type3A_10 = arith.extui %lt3A_9 : i1 to i32
    %cond3A_11 = arith.constant 0 : i32
    %cond3A_12 = arith.cmpi ne, %convert_element_type3A_10, %cond3A_11 : i32
    scf.if %cond3A_12 {
      %add3A_76 = arith.constant 16 : i32
      %add3A_77 = arith.addi %add3A_76, %arg1 : i32
      "tpu.region"() ({
        %run_scoped3A = tpu.sem_alloc : memref<!tpu.dma_semaphore, #tpu.memory_space<semaphore_mem>>
        %dma_start3A_78 = arith.constant 88 : i32
        %dma_start3A_79 = arith.constant 0 : i32
        %dma_start3A_80 = tpu.memref_slice %arg5[%add3A_77, %dma_start3A_78, %dma_start3A_79] : memref<20x528x128xf32, #tpu.memory_space<vmem_shared>> -> memref<1x88x128xf32, #tpu.memory_space<vmem_shared>>
        %dma_start3A_81 = tpu.memref_squeeze %dma_start3A_80 : memref<1x88x128xf32, #tpu.memory_space<vmem_shared>> -> memref<88x128xf32, #tpu.memory_space<vmem_shared>>
        %dma_start3A_82 = arith.constant 88 : i32
        %dma_start3A_83 = arith.constant 0 : i32
        %dma_start3A_84 = tpu.memref_slice %arg5[%add3A_77, %dma_start3A_82, %dma_start3A_83] : memref<20x528x128xf32, #tpu.memory_space<vmem_shared>> -> memref<1x88x128xf32, #tpu.memory_space<vmem_shared>>
        %dma_start3A_85 = tpu.memref_squeeze %dma_start3A_84 : memref<1x88x128xf32, #tpu.memory_space<vmem_shared>> -> memref<88x128xf32, #tpu.memory_space<vmem_shared>>
        tpu.enqueue_dma source(%arg11 : memref<88x128xf32, #tpu.memory_space<vmem>>) target(%dma_start3A_85 : memref<88x128xf32, #tpu.memory_space<vmem_shared>>) target_semaphore(%run_scoped3A : memref<!tpu.dma_semaphore, #tpu.memory_space<semaphore_mem>>)
        %dma_wait3A = arith.constant 88 : i32
        %dma_wait3A_86 = arith.constant 0 : i32
        %dma_wait3A_87 = tpu.memref_slice %arg5[%add3A_77, %dma_wait3A, %dma_wait3A_86] : memref<20x528x128xf32, #tpu.memory_space<vmem_shared>> -> memref<1x88x128xf32, #tpu.memory_space<vmem_shared>>
        %dma_wait3A_88 = tpu.memref_squeeze %dma_wait3A_87 : memref<1x88x128xf32, #tpu.memory_space<vmem_shared>> -> memref<88x128xf32, #tpu.memory_space<vmem_shared>>
        %dma_wait3A_89 = arith.constant 88 : i32
        %dma_wait3A_90 = arith.constant 0 : i32
        %dma_wait3A_91 = tpu.memref_slice %arg5[%add3A_77, %dma_wait3A_89, %dma_wait3A_90] : memref<20x528x128xf32, #tpu.memory_space<vmem_shared>> -> memref<1x88x128xf32, #tpu.memory_space<vmem_shared>>
        %dma_wait3A_92 = tpu.memref_squeeze %dma_wait3A_91 : memref<1x88x128xf32, #tpu.memory_space<vmem_shared>> -> memref<88x128xf32, #tpu.memory_space<vmem_shared>>
        tpu.wait_dma2 semaphore(%run_scoped3A : memref<!tpu.dma_semaphore, #tpu.memory_space<semaphore_mem>>) src(%arg11 : memref<88x128xf32, #tpu.memory_space<vmem>>) dst(%dma_wait3A_92 : memref<88x128xf32, #tpu.memory_space<vmem_shared>>)
        tpu.yield
      }) : () -> ()
    } else {
    }
    "tpu.region"() ({
      %run_scoped3A = tpu.sem_alloc : memref<!tpu.dma_semaphore, #tpu.memory_space<semaphore_mem>>
      %dma_start3A_76 = arith.constant 176 : i32
      %dma_start3A_77 = arith.constant 0 : i32
      %dma_start3A_78 = tpu.memref_slice %arg5[%arg1, %dma_start3A_76, %dma_start3A_77] : memref<20x528x128xf32, #tpu.memory_space<vmem_shared>> -> memref<1x88x128xf32, #tpu.memory_space<vmem_shared>>
      %dma_start3A_79 = tpu.memref_squeeze %dma_start3A_78 : memref<1x88x128xf32, #tpu.memory_space<vmem_shared>> -> memref<88x128xf32, #tpu.memory_space<vmem_shared>>
      %dma_start3A_80 = arith.constant 176 : i32
      %dma_start3A_81 = arith.constant 0 : i32
      %dma_start3A_82 = tpu.memref_slice %arg5[%arg1, %dma_start3A_80, %dma_start3A_81] : memref<20x528x128xf32, #tpu.memory_space<vmem_shared>> -> memref<1x88x128xf32, #tpu.memory_space<vmem_shared>>
      %dma_start3A_83 = tpu.memref_squeeze %dma_start3A_82 : memref<1x88x128xf32, #tpu.memory_space<vmem_shared>> -> memref<88x128xf32, #tpu.memory_space<vmem_shared>>
      tpu.enqueue_dma source(%arg11 : memref<88x128xf32, #tpu.memory_space<vmem>>) target(%dma_start3A_83 : memref<88x128xf32, #tpu.memory_space<vmem_shared>>) target_semaphore(%run_scoped3A : memref<!tpu.dma_semaphore, #tpu.memory_space<semaphore_mem>>)
      %dma_wait3A = arith.constant 176 : i32
      %dma_wait3A_84 = arith.constant 0 : i32
      %dma_wait3A_85 = tpu.memref_slice %arg5[%arg1, %dma_wait3A, %dma_wait3A_84] : memref<20x528x128xf32, #tpu.memory_space<vmem_shared>> -> memref<1x88x128xf32, #tpu.memory_space<vmem_shared>>
      %dma_wait3A_86 = tpu.memref_squeeze %dma_wait3A_85 : memref<1x88x128xf32, #tpu.memory_space<vmem_shared>> -> memref<88x128xf32, #tpu.memory_space<vmem_shared>>
      %dma_wait3A_87 = arith.constant 176 : i32
      %dma_wait3A_88 = arith.constant 0 : i32
      %dma_wait3A_89 = tpu.memref_slice %arg5[%arg1, %dma_wait3A_87, %dma_wait3A_88] : memref<20x528x128xf32, #tpu.memory_space<vmem_shared>> -> memref<1x88x128xf32, #tpu.memory_space<vmem_shared>>
      %dma_wait3A_90 = tpu.memref_squeeze %dma_wait3A_89 : memref<1x88x128xf32, #tpu.memory_space<vmem_shared>> -> memref<88x128xf32, #tpu.memory_space<vmem_shared>>
      tpu.wait_dma2 semaphore(%run_scoped3A : memref<!tpu.dma_semaphore, #tpu.memory_space<semaphore_mem>>) src(%arg11 : memref<88x128xf32, #tpu.memory_space<vmem>>) dst(%dma_wait3A_90 : memref<88x128xf32, #tpu.memory_space<vmem_shared>>)
      tpu.yield
    }) : () -> ()
    %lt3A_13 = arith.constant 4 : i32
    %lt3A_14 = arith.cmpi slt, %arg1, %lt3A_13 : i32
    %convert_element_type3A_15 = arith.extui %lt3A_14 : i1 to i32
    %cond3A_16 = arith.constant 0 : i32
    %cond3A_17 = arith.cmpi ne, %convert_element_type3A_15, %cond3A_16 : i32
    scf.if %cond3A_17 {
      %add3A_76 = arith.constant 16 : i32
      %add3A_77 = arith.addi %add3A_76, %arg1 : i32
      "tpu.region"() ({
        %run_scoped3A = tpu.sem_alloc : memref<!tpu.dma_semaphore, #tpu.memory_space<semaphore_mem>>
        %dma_start3A_78 = arith.constant 176 : i32
        %dma_start3A_79 = arith.constant 0 : i32
        %dma_start3A_80 = tpu.memref_slice %arg5[%add3A_77, %dma_start3A_78, %dma_start3A_79] : memref<20x528x128xf32, #tpu.memory_space<vmem_shared>> -> memref<1x88x128xf32, #tpu.memory_space<vmem_shared>>
        %dma_start3A_81 = tpu.memref_squeeze %dma_start3A_80 : memref<1x88x128xf32, #tpu.memory_space<vmem_shared>> -> memref<88x128xf32, #tpu.memory_space<vmem_shared>>
        %dma_start3A_82 = arith.constant 176 : i32
        %dma_start3A_83 = arith.constant 0 : i32
        %dma_start3A_84 = tpu.memref_slice %arg5[%add3A_77, %dma_start3A_82, %dma_start3A_83] : memref<20x528x128xf32, #tpu.memory_space<vmem_shared>> -> memref<1x88x128xf32, #tpu.memory_space<vmem_shared>>
        %dma_start3A_85 = tpu.memref_squeeze %dma_start3A_84 : memref<1x88x128xf32, #tpu.memory_space<vmem_shared>> -> memref<88x128xf32, #tpu.memory_space<vmem_shared>>
        tpu.enqueue_dma source(%arg11 : memref<88x128xf32, #tpu.memory_space<vmem>>) target(%dma_start3A_85 : memref<88x128xf32, #tpu.memory_space<vmem_shared>>) target_semaphore(%run_scoped3A : memref<!tpu.dma_semaphore, #tpu.memory_space<semaphore_mem>>)
        %dma_wait3A = arith.constant 176 : i32
        %dma_wait3A_86 = arith.constant 0 : i32
        %dma_wait3A_87 = tpu.memref_slice %arg5[%add3A_77, %dma_wait3A, %dma_wait3A_86] : memref<20x528x128xf32, #tpu.memory_space<vmem_shared>> -> memref<1x88x128xf32, #tpu.memory_space<vmem_shared>>
        %dma_wait3A_88 = tpu.memref_squeeze %dma_wait3A_87 : memref<1x88x128xf32, #tpu.memory_space<vmem_shared>> -> memref<88x128xf32, #tpu.memory_space<vmem_shared>>
        %dma_wait3A_89 = arith.constant 176 : i32
        %dma_wait3A_90 = arith.constant 0 : i32
        %dma_wait3A_91 = tpu.memref_slice %arg5[%add3A_77, %dma_wait3A_89, %dma_wait3A_90] : memref<20x528x128xf32, #tpu.memory_space<vmem_shared>> -> memref<1x88x128xf32, #tpu.memory_space<vmem_shared>>
        %dma_wait3A_92 = tpu.memref_squeeze %dma_wait3A_91 : memref<1x88x128xf32, #tpu.memory_space<vmem_shared>> -> memref<88x128xf32, #tpu.memory_space<vmem_shared>>
        tpu.wait_dma2 semaphore(%run_scoped3A : memref<!tpu.dma_semaphore, #tpu.memory_space<semaphore_mem>>) src(%arg11 : memref<88x128xf32, #tpu.memory_space<vmem>>) dst(%dma_wait3A_92 : memref<88x128xf32, #tpu.memory_space<vmem_shared>>)
        tpu.yield
      }) : () -> ()
    } else {
    }
    "tpu.region"() ({
      %run_scoped3A = tpu.sem_alloc : memref<!tpu.dma_semaphore, #tpu.memory_space<semaphore_mem>>
      %dma_start3A_76 = arith.constant 264 : i32
      %dma_start3A_77 = arith.constant 0 : i32
      %dma_start3A_78 = tpu.memref_slice %arg5[%arg1, %dma_start3A_76, %dma_start3A_77] : memref<20x528x128xf32, #tpu.memory_space<vmem_shared>> -> memref<1x88x128xf32, #tpu.memory_space<vmem_shared>>
      %dma_start3A_79 = tpu.memref_squeeze %dma_start3A_78 : memref<1x88x128xf32, #tpu.memory_space<vmem_shared>> -> memref<88x128xf32, #tpu.memory_space<vmem_shared>>
      %dma_start3A_80 = arith.constant 264 : i32
      %dma_start3A_81 = arith.constant 0 : i32
      %dma_start3A_82 = tpu.memref_slice %arg5[%arg1, %dma_start3A_80, %dma_start3A_81] : memref<20x528x128xf32, #tpu.memory_space<vmem_shared>> -> memref<1x88x128xf32, #tpu.memory_space<vmem_shared>>
      %dma_start3A_83 = tpu.memref_squeeze %dma_start3A_82 : memref<1x88x128xf32, #tpu.memory_space<vmem_shared>> -> memref<88x128xf32, #tpu.memory_space<vmem_shared>>
      tpu.enqueue_dma source(%arg11 : memref<88x128xf32, #tpu.memory_space<vmem>>) target(%dma_start3A_83 : memref<88x128xf32, #tpu.memory_space<vmem_shared>>) target_semaphore(%run_scoped3A : memref<!tpu.dma_semaphore, #tpu.memory_space<semaphore_mem>>)
      %dma_wait3A = arith.constant 264 : i32
      %dma_wait3A_84 = arith.constant 0 : i32
      %dma_wait3A_85 = tpu.memref_slice %arg5[%arg1, %dma_wait3A, %dma_wait3A_84] : memref<20x528x128xf32, #tpu.memory_space<vmem_shared>> -> memref<1x88x128xf32, #tpu.memory_space<vmem_shared>>
      %dma_wait3A_86 = tpu.memref_squeeze %dma_wait3A_85 : memref<1x88x128xf32, #tpu.memory_space<vmem_shared>> -> memref<88x128xf32, #tpu.memory_space<vmem_shared>>
      %dma_wait3A_87 = arith.constant 264 : i32
      %dma_wait3A_88 = arith.constant 0 : i32
      %dma_wait3A_89 = tpu.memref_slice %arg5[%arg1, %dma_wait3A_87, %dma_wait3A_88] : memref<20x528x128xf32, #tpu.memory_space<vmem_shared>> -> memref<1x88x128xf32, #tpu.memory_space<vmem_shared>>
      %dma_wait3A_90 = tpu.memref_squeeze %dma_wait3A_89 : memref<1x88x128xf32, #tpu.memory_space<vmem_shared>> -> memref<88x128xf32, #tpu.memory_space<vmem_shared>>
      tpu.wait_dma2 semaphore(%run_scoped3A : memref<!tpu.dma_semaphore, #tpu.memory_space<semaphore_mem>>) src(%arg11 : memref<88x128xf32, #tpu.memory_space<vmem>>) dst(%dma_wait3A_90 : memref<88x128xf32, #tpu.memory_space<vmem_shared>>)
      tpu.yield
    }) : () -> ()
    %lt3A_18 = arith.constant 4 : i32
    %lt3A_19 = arith.cmpi slt, %arg1, %lt3A_18 : i32
    %convert_element_type3A_20 = arith.extui %lt3A_19 : i1 to i32
    %cond3A_21 = arith.constant 0 : i32
    %cond3A_22 = arith.cmpi ne, %convert_element_type3A_20, %cond3A_21 : i32
    scf.if %cond3A_22 {
      %add3A_76 = arith.constant 16 : i32
      %add3A_77 = arith.addi %add3A_76, %arg1 : i32
      "tpu.region"() ({
        %run_scoped3A = tpu.sem_alloc : memref<!tpu.dma_semaphore, #tpu.memory_space<semaphore_mem>>
        %dma_start3A_78 = arith.constant 264 : i32
        %dma_start3A_79 = arith.constant 0 : i32
        %dma_start3A_80 = tpu.memref_slice %arg5[%add3A_77, %dma_start3A_78, %dma_start3A_79] : memref<20x528x128xf32, #tpu.memory_space<vmem_shared>> -> memref<1x88x128xf32, #tpu.memory_space<vmem_shared>>
        %dma_start3A_81 = tpu.memref_squeeze %dma_start3A_80 : memref<1x88x128xf32, #tpu.memory_space<vmem_shared>> -> memref<88x128xf32, #tpu.memory_space<vmem_shared>>
        %dma_start3A_82 = arith.constant 264 : i32
        %dma_start3A_83 = arith.constant 0 : i32
        %dma_start3A_84 = tpu.memref_slice %arg5[%add3A_77, %dma_start3A_82, %dma_start3A_83] : memref<20x528x128xf32, #tpu.memory_space<vmem_shared>> -> memref<1x88x128xf32, #tpu.memory_space<vmem_shared>>
        %dma_start3A_85 = tpu.memref_squeeze %dma_start3A_84 : memref<1x88x128xf32, #tpu.memory_space<vmem_shared>> -> memref<88x128xf32, #tpu.memory_space<vmem_shared>>
        tpu.enqueue_dma source(%arg11 : memref<88x128xf32, #tpu.memory_space<vmem>>) target(%dma_start3A_85 : memref<88x128xf32, #tpu.memory_space<vmem_shared>>) target_semaphore(%run_scoped3A : memref<!tpu.dma_semaphore, #tpu.memory_space<semaphore_mem>>)
        %dma_wait3A = arith.constant 264 : i32
        %dma_wait3A_86 = arith.constant 0 : i32
        %dma_wait3A_87 = tpu.memref_slice %arg5[%add3A_77, %dma_wait3A, %dma_wait3A_86] : memref<20x528x128xf32, #tpu.memory_space<vmem_shared>> -> memref<1x88x128xf32, #tpu.memory_space<vmem_shared>>
        %dma_wait3A_88 = tpu.memref_squeeze %dma_wait3A_87 : memref<1x88x128xf32, #tpu.memory_space<vmem_shared>> -> memref<88x128xf32, #tpu.memory_space<vmem_shared>>
        %dma_wait3A_89 = arith.constant 264 : i32
        %dma_wait3A_90 = arith.constant 0 : i32
        %dma_wait3A_91 = tpu.memref_slice %arg5[%add3A_77, %dma_wait3A_89, %dma_wait3A_90] : memref<20x528x128xf32, #tpu.memory_space<vmem_shared>> -> memref<1x88x128xf32, #tpu.memory_space<vmem_shared>>
        %dma_wait3A_92 = tpu.memref_squeeze %dma_wait3A_91 : memref<1x88x128xf32, #tpu.memory_space<vmem_shared>> -> memref<88x128xf32, #tpu.memory_space<vmem_shared>>
        tpu.wait_dma2 semaphore(%run_scoped3A : memref<!tpu.dma_semaphore, #tpu.memory_space<semaphore_mem>>) src(%arg11 : memref<88x128xf32, #tpu.memory_space<vmem>>) dst(%dma_wait3A_92 : memref<88x128xf32, #tpu.memory_space<vmem_shared>>)
        tpu.yield
      }) : () -> ()
    } else {
    }
    "tpu.region"() ({
      %run_scoped3A = tpu.sem_alloc : memref<!tpu.dma_semaphore, #tpu.memory_space<semaphore_mem>>
      %dma_start3A_76 = arith.constant 352 : i32
      %dma_start3A_77 = arith.constant 0 : i32
      %dma_start3A_78 = tpu.memref_slice %arg5[%arg1, %dma_start3A_76, %dma_start3A_77] : memref<20x528x128xf32, #tpu.memory_space<vmem_shared>> -> memref<1x88x128xf32, #tpu.memory_space<vmem_shared>>
      %dma_start3A_79 = tpu.memref_squeeze %dma_start3A_78 : memref<1x88x128xf32, #tpu.memory_space<vmem_shared>> -> memref<88x128xf32, #tpu.memory_space<vmem_shared>>
      %dma_start3A_80 = arith.constant 352 : i32
      %dma_start3A_81 = arith.constant 0 : i32
      %dma_start3A_82 = tpu.memref_slice %arg5[%arg1, %dma_start3A_80, %dma_start3A_81] : memref<20x528x128xf32, #tpu.memory_space<vmem_shared>> -> memref<1x88x128xf32, #tpu.memory_space<vmem_shared>>
      %dma_start3A_83 = tpu.memref_squeeze %dma_start3A_82 : memref<1x88x128xf32, #tpu.memory_space<vmem_shared>> -> memref<88x128xf32, #tpu.memory_space<vmem_shared>>
      tpu.enqueue_dma source(%arg11 : memref<88x128xf32, #tpu.memory_space<vmem>>) target(%dma_start3A_83 : memref<88x128xf32, #tpu.memory_space<vmem_shared>>) target_semaphore(%run_scoped3A : memref<!tpu.dma_semaphore, #tpu.memory_space<semaphore_mem>>)
      %dma_wait3A = arith.constant 352 : i32
      %dma_wait3A_84 = arith.constant 0 : i32
      %dma_wait3A_85 = tpu.memref_slice %arg5[%arg1, %dma_wait3A, %dma_wait3A_84] : memref<20x528x128xf32, #tpu.memory_space<vmem_shared>> -> memref<1x88x128xf32, #tpu.memory_space<vmem_shared>>
      %dma_wait3A_86 = tpu.memref_squeeze %dma_wait3A_85 : memref<1x88x128xf32, #tpu.memory_space<vmem_shared>> -> memref<88x128xf32, #tpu.memory_space<vmem_shared>>
      %dma_wait3A_87 = arith.constant 352 : i32
      %dma_wait3A_88 = arith.constant 0 : i32
      %dma_wait3A_89 = tpu.memref_slice %arg5[%arg1, %dma_wait3A_87, %dma_wait3A_88] : memref<20x528x128xf32, #tpu.memory_space<vmem_shared>> -> memref<1x88x128xf32, #tpu.memory_space<vmem_shared>>
      %dma_wait3A_90 = tpu.memref_squeeze %dma_wait3A_89 : memref<1x88x128xf32, #tpu.memory_space<vmem_shared>> -> memref<88x128xf32, #tpu.memory_space<vmem_shared>>
      tpu.wait_dma2 semaphore(%run_scoped3A : memref<!tpu.dma_semaphore, #tpu.memory_space<semaphore_mem>>) src(%arg11 : memref<88x128xf32, #tpu.memory_space<vmem>>) dst(%dma_wait3A_90 : memref<88x128xf32, #tpu.memory_space<vmem_shared>>)
      tpu.yield
    }) : () -> ()
    %lt3A_23 = arith.constant 4 : i32
    %lt3A_24 = arith.cmpi slt, %arg1, %lt3A_23 : i32
    %convert_element_type3A_25 = arith.extui %lt3A_24 : i1 to i32
    %cond3A_26 = arith.constant 0 : i32
    %cond3A_27 = arith.cmpi ne, %convert_element_type3A_25, %cond3A_26 : i32
    scf.if %cond3A_27 {
      %add3A_76 = arith.constant 16 : i32
      %add3A_77 = arith.addi %add3A_76, %arg1 : i32
      "tpu.region"() ({
        %run_scoped3A = tpu.sem_alloc : memref<!tpu.dma_semaphore, #tpu.memory_space<semaphore_mem>>
        %dma_start3A_78 = arith.constant 352 : i32
        %dma_start3A_79 = arith.constant 0 : i32
        %dma_start3A_80 = tpu.memref_slice %arg5[%add3A_77, %dma_start3A_78, %dma_start3A_79] : memref<20x528x128xf32, #tpu.memory_space<vmem_shared>> -> memref<1x88x128xf32, #tpu.memory_space<vmem_shared>>
        %dma_start3A_81 = tpu.memref_squeeze %dma_start3A_80 : memref<1x88x128xf32, #tpu.memory_space<vmem_shared>> -> memref<88x128xf32, #tpu.memory_space<vmem_shared>>
        %dma_start3A_82 = arith.constant 352 : i32
        %dma_start3A_83 = arith.constant 0 : i32
        %dma_start3A_84 = tpu.memref_slice %arg5[%add3A_77, %dma_start3A_82, %dma_start3A_83] : memref<20x528x128xf32, #tpu.memory_space<vmem_shared>> -> memref<1x88x128xf32, #tpu.memory_space<vmem_shared>>
        %dma_start3A_85 = tpu.memref_squeeze %dma_start3A_84 : memref<1x88x128xf32, #tpu.memory_space<vmem_shared>> -> memref<88x128xf32, #tpu.memory_space<vmem_shared>>
        tpu.enqueue_dma source(%arg11 : memref<88x128xf32, #tpu.memory_space<vmem>>) target(%dma_start3A_85 : memref<88x128xf32, #tpu.memory_space<vmem_shared>>) target_semaphore(%run_scoped3A : memref<!tpu.dma_semaphore, #tpu.memory_space<semaphore_mem>>)
        %dma_wait3A = arith.constant 352 : i32
        %dma_wait3A_86 = arith.constant 0 : i32
        %dma_wait3A_87 = tpu.memref_slice %arg5[%add3A_77, %dma_wait3A, %dma_wait3A_86] : memref<20x528x128xf32, #tpu.memory_space<vmem_shared>> -> memref<1x88x128xf32, #tpu.memory_space<vmem_shared>>
        %dma_wait3A_88 = tpu.memref_squeeze %dma_wait3A_87 : memref<1x88x128xf32, #tpu.memory_space<vmem_shared>> -> memref<88x128xf32, #tpu.memory_space<vmem_shared>>
        %dma_wait3A_89 = arith.constant 352 : i32
        %dma_wait3A_90 = arith.constant 0 : i32
        %dma_wait3A_91 = tpu.memref_slice %arg5[%add3A_77, %dma_wait3A_89, %dma_wait3A_90] : memref<20x528x128xf32, #tpu.memory_space<vmem_shared>> -> memref<1x88x128xf32, #tpu.memory_space<vmem_shared>>
        %dma_wait3A_92 = tpu.memref_squeeze %dma_wait3A_91 : memref<1x88x128xf32, #tpu.memory_space<vmem_shared>> -> memref<88x128xf32, #tpu.memory_space<vmem_shared>>
        tpu.wait_dma2 semaphore(%run_scoped3A : memref<!tpu.dma_semaphore, #tpu.memory_space<semaphore_mem>>) src(%arg11 : memref<88x128xf32, #tpu.memory_space<vmem>>) dst(%dma_wait3A_92 : memref<88x128xf32, #tpu.memory_space<vmem_shared>>)
        tpu.yield
      }) : () -> ()
    } else {
    }
    "tpu.region"() ({
      %run_scoped3A = tpu.sem_alloc : memref<!tpu.dma_semaphore, #tpu.memory_space<semaphore_mem>>
      %dma_start3A_76 = arith.constant 440 : i32
      %dma_start3A_77 = arith.constant 0 : i32
      %dma_start3A_78 = tpu.memref_slice %arg5[%arg1, %dma_start3A_76, %dma_start3A_77] : memref<20x528x128xf32, #tpu.memory_space<vmem_shared>> -> memref<1x88x128xf32, #tpu.memory_space<vmem_shared>>
      %dma_start3A_79 = tpu.memref_squeeze %dma_start3A_78 : memref<1x88x128xf32, #tpu.memory_space<vmem_shared>> -> memref<88x128xf32, #tpu.memory_space<vmem_shared>>
      %dma_start3A_80 = arith.constant 440 : i32
      %dma_start3A_81 = arith.constant 0 : i32
      %dma_start3A_82 = tpu.memref_slice %arg5[%arg1, %dma_start3A_80, %dma_start3A_81] : memref<20x528x128xf32, #tpu.memory_space<vmem_shared>> -> memref<1x88x128xf32, #tpu.memory_space<vmem_shared>>
      %dma_start3A_83 = tpu.memref_squeeze %dma_start3A_82 : memref<1x88x128xf32, #tpu.memory_space<vmem_shared>> -> memref<88x128xf32, #tpu.memory_space<vmem_shared>>
      tpu.enqueue_dma source(%arg11 : memref<88x128xf32, #tpu.memory_space<vmem>>) target(%dma_start3A_83 : memref<88x128xf32, #tpu.memory_space<vmem_shared>>) target_semaphore(%run_scoped3A : memref<!tpu.dma_semaphore, #tpu.memory_space<semaphore_mem>>)
      %dma_wait3A = arith.constant 440 : i32
      %dma_wait3A_84 = arith.constant 0 : i32
      %dma_wait3A_85 = tpu.memref_slice %arg5[%arg1, %dma_wait3A, %dma_wait3A_84] : memref<20x528x128xf32, #tpu.memory_space<vmem_shared>> -> memref<1x88x128xf32, #tpu.memory_space<vmem_shared>>
      %dma_wait3A_86 = tpu.memref_squeeze %dma_wait3A_85 : memref<1x88x128xf32, #tpu.memory_space<vmem_shared>> -> memref<88x128xf32, #tpu.memory_space<vmem_shared>>
      %dma_wait3A_87 = arith.constant 440 : i32
      %dma_wait3A_88 = arith.constant 0 : i32
      %dma_wait3A_89 = tpu.memref_slice %arg5[%arg1, %dma_wait3A_87, %dma_wait3A_88] : memref<20x528x128xf32, #tpu.memory_space<vmem_shared>> -> memref<1x88x128xf32, #tpu.memory_space<vmem_shared>>
      %dma_wait3A_90 = tpu.memref_squeeze %dma_wait3A_89 : memref<1x88x128xf32, #tpu.memory_space<vmem_shared>> -> memref<88x128xf32, #tpu.memory_space<vmem_shared>>
      tpu.wait_dma2 semaphore(%run_scoped3A : memref<!tpu.dma_semaphore, #tpu.memory_space<semaphore_mem>>) src(%arg11 : memref<88x128xf32, #tpu.memory_space<vmem>>) dst(%dma_wait3A_90 : memref<88x128xf32, #tpu.memory_space<vmem_shared>>)
      tpu.yield
    }) : () -> ()
    %lt3A_28 = arith.constant 4 : i32
    %lt3A_29 = arith.cmpi slt, %arg1, %lt3A_28 : i32
    %convert_element_type3A_30 = arith.extui %lt3A_29 : i1 to i32
    %cond3A_31 = arith.constant 0 : i32
    %cond3A_32 = arith.cmpi ne, %convert_element_type3A_30, %cond3A_31 : i32
    scf.if %cond3A_32 {
      %add3A_76 = arith.constant 16 : i32
      %add3A_77 = arith.addi %add3A_76, %arg1 : i32
      "tpu.region"() ({
        %run_scoped3A = tpu.sem_alloc : memref<!tpu.dma_semaphore, #tpu.memory_space<semaphore_mem>>
        %dma_start3A_78 = arith.constant 440 : i32
        %dma_start3A_79 = arith.constant 0 : i32
        %dma_start3A_80 = tpu.memref_slice %arg5[%add3A_77, %dma_start3A_78, %dma_start3A_79] : memref<20x528x128xf32, #tpu.memory_space<vmem_shared>> -> memref<1x88x128xf32, #tpu.memory_space<vmem_shared>>
        %dma_start3A_81 = tpu.memref_squeeze %dma_start3A_80 : memref<1x88x128xf32, #tpu.memory_space<vmem_shared>> -> memref<88x128xf32, #tpu.memory_space<vmem_shared>>
        %dma_start3A_82 = arith.constant 440 : i32
        %dma_start3A_83 = arith.constant 0 : i32
        %dma_start3A_84 = tpu.memref_slice %arg5[%add3A_77, %dma_start3A_82, %dma_start3A_83] : memref<20x528x128xf32, #tpu.memory_space<vmem_shared>> -> memref<1x88x128xf32, #tpu.memory_space<vmem_shared>>
        %dma_start3A_85 = tpu.memref_squeeze %dma_start3A_84 : memref<1x88x128xf32, #tpu.memory_space<vmem_shared>> -> memref<88x128xf32, #tpu.memory_space<vmem_shared>>
        tpu.enqueue_dma source(%arg11 : memref<88x128xf32, #tpu.memory_space<vmem>>) target(%dma_start3A_85 : memref<88x128xf32, #tpu.memory_space<vmem_shared>>) target_semaphore(%run_scoped3A : memref<!tpu.dma_semaphore, #tpu.memory_space<semaphore_mem>>)
        %dma_wait3A = arith.constant 440 : i32
        %dma_wait3A_86 = arith.constant 0 : i32
        %dma_wait3A_87 = tpu.memref_slice %arg5[%add3A_77, %dma_wait3A, %dma_wait3A_86] : memref<20x528x128xf32, #tpu.memory_space<vmem_shared>> -> memref<1x88x128xf32, #tpu.memory_space<vmem_shared>>
        %dma_wait3A_88 = tpu.memref_squeeze %dma_wait3A_87 : memref<1x88x128xf32, #tpu.memory_space<vmem_shared>> -> memref<88x128xf32, #tpu.memory_space<vmem_shared>>
        %dma_wait3A_89 = arith.constant 440 : i32
        %dma_wait3A_90 = arith.constant 0 : i32
        %dma_wait3A_91 = tpu.memref_slice %arg5[%add3A_77, %dma_wait3A_89, %dma_wait3A_90] : memref<20x528x128xf32, #tpu.memory_space<vmem_shared>> -> memref<1x88x128xf32, #tpu.memory_space<vmem_shared>>
        %dma_wait3A_92 = tpu.memref_squeeze %dma_wait3A_91 : memref<1x88x128xf32, #tpu.memory_space<vmem_shared>> -> memref<88x128xf32, #tpu.memory_space<vmem_shared>>
        tpu.wait_dma2 semaphore(%run_scoped3A : memref<!tpu.dma_semaphore, #tpu.memory_space<semaphore_mem>>) src(%arg11 : memref<88x128xf32, #tpu.memory_space<vmem>>) dst(%dma_wait3A_92 : memref<88x128xf32, #tpu.memory_space<vmem_shared>>)
        tpu.yield
      }) : () -> ()
    } else {
    }
    %barrier3A = arith.constant 0 : index
    tpu.barrier barrier_id(%barrier3A)
    %mul3A_33 = arith.constant 78 : i32
    %mul3A_34 = arith.muli %add3A, %mul3A_33 : i32
    %mul3A_35 = arith.constant 64 : i32
    %mul3A_36 = arith.muli %mul3A_34, %mul3A_35 : i32
    %dma_start3A = tpu.memref_slice %arg3[%mul3A_36] : memref<160000xi32, #tpu.memory_space<hbm>> -> memref<64xi32, #tpu.memory_space<hbm>>
    %dma_start3A_37 = tpu.memref_slice %arg3[%mul3A_36] : memref<160000xi32, #tpu.memory_space<hbm>> -> memref<64xi32, #tpu.memory_space<hbm>>
    tpu.enqueue_dma source(%dma_start3A_37 : memref<64xi32, #tpu.memory_space<hbm>>) target(%arg8 : memref<64xi32, #tpu.memory_space<vmem>>) target_semaphore(%arg12 : memref<!tpu.dma_semaphore, #tpu.memory_space<semaphore_mem>>)
    %dma_start3A_38 = arith.constant 0 : i32
    %dma_start3A_39 = tpu.memref_slice %arg2[%mul3A_36, %dma_start3A_38] : memref<160000x128xf32, #tpu.memory_space<hbm>> -> memref<64x128xf32, #tpu.memory_space<hbm>>
    %dma_start3A_40 = arith.constant 0 : i32
    %dma_start3A_41 = tpu.memref_slice %arg2[%mul3A_36, %dma_start3A_40] : memref<160000x128xf32, #tpu.memory_space<hbm>> -> memref<64x128xf32, #tpu.memory_space<hbm>>
    tpu.enqueue_dma source(%dma_start3A_41 : memref<64x128xf32, #tpu.memory_space<hbm>>) target(%arg6 : memref<64x128xf32, #tpu.memory_space<vmem>>) target_semaphore(%arg12 : memref<!tpu.dma_semaphore, #tpu.memory_space<semaphore_mem>>)
    %add3A_42 = arith.constant 1 : i32
    %add3A_43 = arith.addi %mul3A_34, %add3A_42 : i32
    %mul3A_44 = arith.constant 64 : i32
    %mul3A_45 = arith.muli %add3A_43, %mul3A_44 : i32
    %dma_start3A_46 = tpu.memref_slice %arg3[%mul3A_45] : memref<160000xi32, #tpu.memory_space<hbm>> -> memref<64xi32, #tpu.memory_space<hbm>>
    %dma_start3A_47 = tpu.memref_slice %arg3[%mul3A_45] : memref<160000xi32, #tpu.memory_space<hbm>> -> memref<64xi32, #tpu.memory_space<hbm>>
    tpu.enqueue_dma source(%dma_start3A_47 : memref<64xi32, #tpu.memory_space<hbm>>) target(%arg9 : memref<64xi32, #tpu.memory_space<vmem>>) target_semaphore(%arg13 : memref<!tpu.dma_semaphore, #tpu.memory_space<semaphore_mem>>)
    %dma_start3A_48 = arith.constant 0 : i32
    %dma_start3A_49 = tpu.memref_slice %arg2[%mul3A_45, %dma_start3A_48] : memref<160000x128xf32, #tpu.memory_space<hbm>> -> memref<64x128xf32, #tpu.memory_space<hbm>>
    %dma_start3A_50 = arith.constant 0 : i32
    %dma_start3A_51 = tpu.memref_slice %arg2[%mul3A_45, %dma_start3A_50] : memref<160000x128xf32, #tpu.memory_space<hbm>> -> memref<64x128xf32, #tpu.memory_space<hbm>>
    tpu.enqueue_dma source(%dma_start3A_51 : memref<64x128xf32, #tpu.memory_space<hbm>>) target(%arg7 : memref<64x128xf32, #tpu.memory_space<vmem>>) target_semaphore(%arg13 : memref<!tpu.dma_semaphore, #tpu.memory_space<semaphore_mem>>)
    %scan3A_52 = arith.constant 0 : i32
    %scan3A_53 = arith.constant 0 : i32
    %scan3A_54 = arith.constant 39 : i32
    %scan3A_55 = arith.addi %scan3A_53, %scan3A_54 : i32
    %scan3A_56 = arith.constant 1 : i32
    scf.for %scan3A_76 = %scan3A_53 to %scan3A_55 step %scan3A_56  : i32 {
      %mul3A_77 = arith.constant 2 : i32
      %mul3A_78 = arith.muli %mul3A_77, %scan3A_76 : i32
      %dma_wait3A = arith.constant 0 : i32
      %dma_wait3A_79 = tpu.memref_slice %arg3[%dma_wait3A] : memref<160000xi32, #tpu.memory_space<hbm>> -> memref<64xi32, #tpu.memory_space<hbm>>
      %dma_wait3A_80 = arith.constant 0 : i32
      %dma_wait3A_81 = tpu.memref_slice %arg3[%dma_wait3A_80] : memref<160000xi32, #tpu.memory_space<hbm>> -> memref<64xi32, #tpu.memory_space<hbm>>
      tpu.wait_dma2 semaphore(%arg12 : memref<!tpu.dma_semaphore, #tpu.memory_space<semaphore_mem>>) src(%dma_wait3A_81 : memref<64xi32, #tpu.memory_space<hbm>>) dst(%arg8 : memref<64xi32, #tpu.memory_space<vmem>>)
      %dma_wait3A_82 = arith.constant 0 : i32
      %dma_wait3A_83 = arith.constant 0 : i32
      %dma_wait3A_84 = tpu.memref_slice %arg2[%dma_wait3A_82, %dma_wait3A_83] : memref<160000x128xf32, #tpu.memory_space<hbm>> -> memref<64x128xf32, #tpu.memory_space<hbm>>
      %dma_wait3A_85 = arith.constant 0 : i32
      %dma_wait3A_86 = arith.constant 0 : i32
      %dma_wait3A_87 = tpu.memref_slice %arg2[%dma_wait3A_85, %dma_wait3A_86] : memref<160000x128xf32, #tpu.memory_space<hbm>> -> memref<64x128xf32, #tpu.memory_space<hbm>>
      tpu.wait_dma2 semaphore(%arg12 : memref<!tpu.dma_semaphore, #tpu.memory_space<semaphore_mem>>) src(%dma_wait3A_87 : memref<64x128xf32, #tpu.memory_space<hbm>>) dst(%arg6 : memref<64x128xf32, #tpu.memory_space<vmem>>)
      %get3A = arith.constant 0 : index
      %get3A_88 = tpu.vector_load %arg8[%get3A] {strides = array<i32>} : memref<64xi32, #tpu.memory_space<vmem>>, vector<16xi32>,
      %get3A_89 = vector.shape_cast %get3A_88 : vector<16xi32> to vector<16xi32>
      %slice3A = vector.extract_strided_slice %get3A_89 {offsets = [0], sizes = [1], strides = [1]} : vector<16xi32> to vector<1xi32>
      %squeeze3A = vector.extract %slice3A[0] : i32 from vector<1xi32>
      %jit3A = arith.constant 512 : i32
      %div3A = arith.divsi %squeeze3A, %jit3A : i32
      %sign3A = arith.constant 0 : i32
      %sign3A_90 = arith.cmpi sgt, %squeeze3A, %sign3A : i32
      %sign3A_91 = arith.extui %sign3A_90 : i1 to i32
      %sign3A_92 = arith.constant 0 : i32
      %sign3A_93 = arith.cmpi slt, %squeeze3A, %sign3A_92 : i32
      %sign3A_94 = arith.extui %sign3A_93 : i1 to i32
      %sign3A_95 = arith.subi %sign3A_91, %sign3A_94 : i32
      %sign3A_96 = arith.constant 0 : i32
      %sign3A_97 = arith.cmpi sgt, %jit3A, %sign3A_96 : i32
      %sign3A_98 = arith.extui %sign3A_97 : i1 to i32
      %sign3A_99 = arith.constant 0 : i32
      %sign3A_100 = arith.cmpi slt, %jit3A, %sign3A_99 : i32
      %sign3A_101 = arith.extui %sign3A_100 : i1 to i32
      %sign3A_102 = arith.subi %sign3A_98, %sign3A_101 : i32
      %ne3A = arith.cmpi ne, %sign3A_95, %sign3A_102 : i32
      %rem3A = arith.remsi %squeeze3A, %jit3A : i32
      %ne3A_103 = arith.constant 0 : i32
      %ne3A_104 = arith.cmpi ne, %rem3A, %ne3A_103 : i32
      %and3A = arith.andi %ne3A, %ne3A_104 : i1
      %sub3A = arith.constant 1 : i32
      %sub3A_105 = arith.subi %div3A, %sub3A : i32
      %select_n3A = arith.select %and3A, %sub3A_105, %div3A : i32
      %get3A_106 = arith.constant 48 : index
      %get3A_107 = tpu.vector_load %arg8[%get3A_106] {strides = array<i32>} : memref<64xi32, #tpu.memory_space<vmem>>, vector<16xi32>,
      %get3A_108 = vector.shape_cast %get3A_107 : vector<16xi32> to vector<16xi32>
      %slice3A_109 = vector.extract_strided_slice %get3A_108 {offsets = [15], sizes = [1], strides = [1]} : vector<16xi32> to vector<1xi32>
      %squeeze3A_110 = vector.extract %slice3A_109[0] : i32 from vector<1xi32>
      %jit3A_111 = arith.constant 512 : i32
      %div3A_112 = arith.divsi %squeeze3A_110, %jit3A_111 : i32
      %sign3A_113 = arith.constant 0 : i32
      %sign3A_114 = arith.cmpi sgt, %squeeze3A_110, %sign3A_113 : i32
      %sign3A_115 = arith.extui %sign3A_114 : i1 to i32
      %sign3A_116 = arith.constant 0 : i32
      %sign3A_117 = arith.cmpi slt, %squeeze3A_110, %sign3A_116 : i32
      %sign3A_118 = arith.extui %sign3A_117 : i1 to i32
      %sign3A_119 = arith.subi %sign3A_115, %sign3A_118 : i32
      %sign3A_120 = arith.constant 0 : i32
      %sign3A_121 = arith.cmpi sgt, %jit3A_111, %sign3A_120 : i32
      %sign3A_122 = arith.extui %sign3A_121 : i1 to i32
      %sign3A_123 = arith.constant 0 : i32
      %sign3A_124 = arith.cmpi slt, %jit3A_111, %sign3A_123 : i32
      %sign3A_125 = arith.extui %sign3A_124 : i1 to i32
      %sign3A_126 = arith.subi %sign3A_122, %sign3A_125 : i32
      %ne3A_127 = arith.cmpi ne, %sign3A_119, %sign3A_126 : i32
      %rem3A_128 = arith.remsi %squeeze3A_110, %jit3A_111 : i32
      %ne3A_129 = arith.constant 0 : i32
      %ne3A_130 = arith.cmpi ne, %rem3A_128, %ne3A_129 : i32
      %and3A_131 = arith.andi %ne3A_127, %ne3A_130 : i1
      %sub3A_132 = arith.constant 1 : i32
      %sub3A_133 = arith.subi %div3A_112, %sub3A_132 : i32
      %select_n3A_134 = arith.select %and3A_131, %sub3A_133, %div3A_112 : i32
      %add3A_135 = arith.constant 1 : i32
      %add3A_136 = arith.addi %select_n3A_134, %add3A_135 : i32
      %while3A = arith.constant 0 : i32
      %while3A_137 = arith.subi %add3A_136, %select_n3A : i32
      %while3A_138 = arith.addi %select_n3A, %while3A_137 : i32
      %while3A_139 = arith.constant 1 : i32
      %while3A_140 = arith.divsi %while3A_137, %while3A_139 : i32
      %while3A_141 = arith.muli %while3A_140, %while3A_139 : i32
      %while3A_142 = arith.addi %select_n3A, %while3A_141 : i32
      %while3A_143 = arith.constant 1 : i32
      scf.for %while3A_242 = %select_n3A to %while3A_142 step %while3A_143  : i32 {
        %mul3A_243 = arith.constant 512 : i32
        %mul3A_244 = arith.muli %while3A_242, %mul3A_243 : i32
        %sub3A_245 = arith.constant 8 : i32
        %sub3A_246 = arith.subi %mul3A_244, %sub3A_245 : i32
        %get3A_247 = arith.constant 0 : index
        %get3A_248 = tpu.vector_load %arg8[%get3A_247] {strides = array<i32>} : memref<64xi32, #tpu.memory_space<vmem>>, vector<16xi32>,
        %get3A_249 = vector.shape_cast %get3A_248 : vector<16xi32> to vector<16xi32>
        %sub3A_250 = vector.broadcast %sub3A_246 : i32 to vector<16xi32>
        %sub3A_251 = arith.subi %get3A_249, %sub3A_250 : vector<16xi32>
        %jit3A_252 = arith.constant 0 : i32
        %jit3A_253 = arith.constant 520 : i32
        %max3A = vector.broadcast %jit3A_252 : i32 to vector<16xi32>
        %max3A_254 = arith.maxsi %max3A, %sub3A_251 : vector<16xi32>
        %min3A = vector.broadcast %jit3A_253 : i32 to vector<16xi32>
        %min3A_255 = arith.minsi %min3A, %max3A_254 : vector<16xi32>
        %swap3A = arith.constant 0 : index
        %swap3A_256 = tpu.vector_load %arg10[%swap3A] {strides = array<i32>} : memref<64xi32, #tpu.memory_space<vmem>>, vector<16xi32>,
        %swap3A_257 = vector.shape_cast %swap3A_256 : vector<16xi32> to vector<16xi32>
        %swap3A_258 = vector.shape_cast %min3A_255 : vector<16xi32> to vector<16xi32>
        tpu.vector_store %arg10[%swap3A], %swap3A_258 {strides = array<i32>} : memref<64xi32, #tpu.memory_space<vmem>>, vector<16xi32>,
        %get3A_259 = arith.constant 16 : index
        %get3A_260 = tpu.vector_load %arg8[%get3A_259] {strides = array<i32>} : memref<64xi32, #tpu.memory_space<vmem>>, vector<16xi32>,
        %get3A_261 = vector.shape_cast %get3A_260 : vector<16xi32> to vector<16xi32>
        %sub3A_262 = vector.broadcast %sub3A_246 : i32 to vector<16xi32>
        %sub3A_263 = arith.subi %get3A_261, %sub3A_262 : vector<16xi32>
        %jit3A_264 = arith.constant 0 : i32
        %jit3A_265 = arith.constant 520 : i32
        %max3A_266 = vector.broadcast %jit3A_264 : i32 to vector<16xi32>
        %max3A_267 = arith.maxsi %max3A_266, %sub3A_263 : vector<16xi32>
        %min3A_268 = vector.broadcast %jit3A_265 : i32 to vector<16xi32>
        %min3A_269 = arith.minsi %min3A_268, %max3A_267 : vector<16xi32>
        %swap3A_270 = arith.constant 16 : index
        %swap3A_271 = tpu.vector_load %arg10[%swap3A_270] {strides = array<i32>} : memref<64xi32, #tpu.memory_space<vmem>>, vector<16xi32>,
        %swap3A_272 = vector.shape_cast %swap3A_271 : vector<16xi32> to vector<16xi32>
        %swap3A_273 = vector.shape_cast %min3A_269 : vector<16xi32> to vector<16xi32>
        tpu.vector_store %arg10[%swap3A_270], %swap3A_273 {strides = array<i32>} : memref<64xi32, #tpu.memory_space<vmem>>, vector<16xi32>,
        %get3A_274 = arith.constant 32 : index
        %get3A_275 = tpu.vector_load %arg8[%get3A_274] {strides = array<i32>} : memref<64xi32, #tpu.memory_space<vmem>>, vector<16xi32>,
        %get3A_276 = vector.shape_cast %get3A_275 : vector<16xi32> to vector<16xi32>
        %sub3A_277 = vector.broadcast %sub3A_246 : i32 to vector<16xi32>
        %sub3A_278 = arith.subi %get3A_276, %sub3A_277 : vector<16xi32>
        %jit3A_279 = arith.constant 0 : i32
        %jit3A_280 = arith.constant 520 : i32
        %max3A_281 = vector.broadcast %jit3A_279 : i32 to vector<16xi32>
        %max3A_282 = arith.maxsi %max3A_281, %sub3A_278 : vector<16xi32>
        %min3A_283 = vector.broadcast %jit3A_280 : i32 to vector<16xi32>
        %min3A_284 = arith.minsi %min3A_283, %max3A_282 : vector<16xi32>
        %swap3A_285 = arith.constant 32 : index
        %swap3A_286 = tpu.vector_load %arg10[%swap3A_285] {strides = array<i32>} : memref<64xi32, #tpu.memory_space<vmem>>, vector<16xi32>,
        %swap3A_287 = vector.shape_cast %swap3A_286 : vector<16xi32> to vector<16xi32>
        %swap3A_288 = vector.shape_cast %min3A_284 : vector<16xi32> to vector<16xi32>
        tpu.vector_store %arg10[%swap3A_285], %swap3A_288 {strides = array<i32>} : memref<64xi32, #tpu.memory_space<vmem>>, vector<16xi32>,
        %get3A_289 = arith.constant 48 : index
        %get3A_290 = tpu.vector_load %arg8[%get3A_289] {strides = array<i32>} : memref<64xi32, #tpu.memory_space<vmem>>, vector<16xi32>,
        %get3A_291 = vector.shape_cast %get3A_290 : vector<16xi32> to vector<16xi32>
        %sub3A_292 = vector.broadcast %sub3A_246 : i32 to vector<16xi32>
        %sub3A_293 = arith.subi %get3A_291, %sub3A_292 : vector<16xi32>
        %jit3A_294 = arith.constant 0 : i32
        %jit3A_295 = arith.constant 520 : i32
        %max3A_296 = vector.broadcast %jit3A_294 : i32 to vector<16xi32>
        %max3A_297 = arith.maxsi %max3A_296, %sub3A_293 : vector<16xi32>
        %min3A_298 = vector.broadcast %jit3A_295 : i32 to vector<16xi32>
        %min3A_299 = arith.minsi %min3A_298, %max3A_297 : vector<16xi32>
        %swap3A_300 = arith.constant 48 : index
        %swap3A_301 = tpu.vector_load %arg10[%swap3A_300] {strides = array<i32>} : memref<64xi32, #tpu.memory_space<vmem>>, vector<16xi32>,
        %swap3A_302 = vector.shape_cast %swap3A_301 : vector<16xi32> to vector<16xi32>
        %swap3A_303 = vector.shape_cast %min3A_299 : vector<16xi32> to vector<16xi32>
        tpu.vector_store %arg10[%swap3A_300], %swap3A_303 {strides = array<i32>} : memref<64xi32, #tpu.memory_space<vmem>>, vector<16xi32>,
        "tpu.region"() ({
          %run_scoped3A = tpu.sem_alloc : memref<!tpu.dma_semaphore, #tpu.memory_space<semaphore_mem>>
          %dma_start3A_304 = arith.constant 0 : i32
          %dma_start3A_305 = arith.constant 0 : i32
          %dma_start3A_306 = tpu.memref_slice %arg5[%while3A_242, %dma_start3A_304, %dma_start3A_305] : memref<20x528x128xf32, #tpu.memory_space<vmem_shared>> -> memref<1x528x128xf32, #tpu.memory_space<vmem_shared>>
          %dma_start3A_307 = tpu.memref_squeeze %dma_start3A_306 : memref<1x528x128xf32, #tpu.memory_space<vmem_shared>> -> memref<528x128xf32, #tpu.memory_space<vmem_shared>>
          %dma_start3A_308 = arith.constant 0 : i32
          %dma_start3A_309 = arith.constant 0 : i32
          %dma_start3A_310 = tpu.memref_slice %dma_start3A_307[%dma_start3A_308, %dma_start3A_309] : memref<528x128xf32, #tpu.memory_space<vmem_shared>> -> memref<528x128xf32, #tpu.memory_space<vmem_shared>>
          tpu.enqueue_indirect_dma source(%arg6 : memref<64x128xf32, #tpu.memory_space<vmem>>) target(%dma_start3A_310 : memref<528x128xf32, #tpu.memory_space<vmem_shared>>) offsets(%arg10 : memref<64xi32, #tpu.memory_space<vmem>>) semaphore(%run_scoped3A : memref<!tpu.dma_semaphore, #tpu.memory_space<semaphore_mem>>) {add = true}
          %dma_wait3A_311 = arith.constant 0 : i32
          %dma_wait3A_312 = arith.constant 0 : i32
          %dma_wait3A_313 = tpu.memref_slice %arg5[%while3A_242, %dma_wait3A_311, %dma_wait3A_312] : memref<20x528x128xf32, #tpu.memory_space<vmem_shared>> -> memref<1x528x128xf32, #tpu.memory_space<vmem_shared>>
          %dma_wait3A_314 = tpu.memref_squeeze %dma_wait3A_313 : memref<1x528x128xf32, #tpu.memory_space<vmem_shared>> -> memref<528x128xf32, #tpu.memory_space<vmem_shared>>
          %dma_wait3A_315 = arith.constant 0 : i32
          %dma_wait3A_316 = arith.constant 0 : i32
          %dma_wait3A_317 = tpu.memref_slice %dma_wait3A_314[%dma_wait3A_315, %dma_wait3A_316] : memref<528x128xf32, #tpu.memory_space<vmem_shared>> -> memref<528x128xf32, #tpu.memory_space<vmem_shared>>
          tpu.wait_indirect_dma semaphore(%run_scoped3A : memref<!tpu.dma_semaphore, #tpu.memory_space<semaphore_mem>>) src(%arg6 : memref<64x128xf32, #tpu.memory_space<vmem>>) dst(%dma_wait3A_317 : memref<528x128xf32, #tpu.memory_space<vmem_shared>>)
          tpu.yield
        }) : () -> ()
      }
      %while3A_144 = arith.constant 1 : i32
      scf.for %while3A_242 = %while3A_142 to %while3A_138 step %while3A_144  : i32 {
        %mul3A_243 = arith.constant 512 : i32
        %mul3A_244 = arith.muli %while3A_242, %mul3A_243 : i32
        %sub3A_245 = arith.constant 8 : i32
        %sub3A_246 = arith.subi %mul3A_244, %sub3A_245 : i32
        %get3A_247 = arith.constant 0 : index
        %get3A_248 = tpu.vector_load %arg8[%get3A_247] {strides = array<i32>} : memref<64xi32, #tpu.memory_space<vmem>>, vector<16xi32>,
        %get3A_249 = vector.shape_cast %get3A_248 : vector<16xi32> to vector<16xi32>
        %sub3A_250 = vector.broadcast %sub3A_246 : i32 to vector<16xi32>
        %sub3A_251 = arith.subi %get3A_249, %sub3A_250 : vector<16xi32>
        %jit3A_252 = arith.constant 0 : i32
        %jit3A_253 = arith.constant 520 : i32
        %max3A = vector.broadcast %jit3A_252 : i32 to vector<16xi32>
        %max3A_254 = arith.maxsi %max3A, %sub3A_251 : vector<16xi32>
        %min3A = vector.broadcast %jit3A_253 : i32 to vector<16xi32>
        %min3A_255 = arith.minsi %min3A, %max3A_254 : vector<16xi32>
        %swap3A = arith.constant 0 : index
        %swap3A_256 = tpu.vector_load %arg10[%swap3A] {strides = array<i32>} : memref<64xi32, #tpu.memory_space<vmem>>, vector<16xi32>,
        %swap3A_257 = vector.shape_cast %swap3A_256 : vector<16xi32> to vector<16xi32>
        %swap3A_258 = vector.shape_cast %min3A_255 : vector<16xi32> to vector<16xi32>
        tpu.vector_store %arg10[%swap3A], %swap3A_258 {strides = array<i32>} : memref<64xi32, #tpu.memory_space<vmem>>, vector<16xi32>,
        %get3A_259 = arith.constant 16 : index
        %get3A_260 = tpu.vector_load %arg8[%get3A_259] {strides = array<i32>} : memref<64xi32, #tpu.memory_space<vmem>>, vector<16xi32>,
        %get3A_261 = vector.shape_cast %get3A_260 : vector<16xi32> to vector<16xi32>
        %sub3A_262 = vector.broadcast %sub3A_246 : i32 to vector<16xi32>
        %sub3A_263 = arith.subi %get3A_261, %sub3A_262 : vector<16xi32>
        %jit3A_264 = arith.constant 0 : i32
        %jit3A_265 = arith.constant 520 : i32
        %max3A_266 = vector.broadcast %jit3A_264 : i32 to vector<16xi32>
        %max3A_267 = arith.maxsi %max3A_266, %sub3A_263 : vector<16xi32>
        %min3A_268 = vector.broadcast %jit3A_265 : i32 to vector<16xi32>
        %min3A_269 = arith.minsi %min3A_268, %max3A_267 : vector<16xi32>
        %swap3A_270 = arith.constant 16 : index
        %swap3A_271 = tpu.vector_load %arg10[%swap3A_270] {strides = array<i32>} : memref<64xi32, #tpu.memory_space<vmem>>, vector<16xi32>,
        %swap3A_272 = vector.shape_cast %swap3A_271 : vector<16xi32> to vector<16xi32>
        %swap3A_273 = vector.shape_cast %min3A_269 : vector<16xi32> to vector<16xi32>
        tpu.vector_store %arg10[%swap3A_270], %swap3A_273 {strides = array<i32>} : memref<64xi32, #tpu.memory_space<vmem>>, vector<16xi32>,
        %get3A_274 = arith.constant 32 : index
        %get3A_275 = tpu.vector_load %arg8[%get3A_274] {strides = array<i32>} : memref<64xi32, #tpu.memory_space<vmem>>, vector<16xi32>,
        %get3A_276 = vector.shape_cast %get3A_275 : vector<16xi32> to vector<16xi32>
        %sub3A_277 = vector.broadcast %sub3A_246 : i32 to vector<16xi32>
        %sub3A_278 = arith.subi %get3A_276, %sub3A_277 : vector<16xi32>
        %jit3A_279 = arith.constant 0 : i32
        %jit3A_280 = arith.constant 520 : i32
        %max3A_281 = vector.broadcast %jit3A_279 : i32 to vector<16xi32>
        %max3A_282 = arith.maxsi %max3A_281, %sub3A_278 : vector<16xi32>
        %min3A_283 = vector.broadcast %jit3A_280 : i32 to vector<16xi32>
        %min3A_284 = arith.minsi %min3A_283, %max3A_282 : vector<16xi32>
        %swap3A_285 = arith.constant 32 : index
        %swap3A_286 = tpu.vector_load %arg10[%swap3A_285] {strides = array<i32>} : memref<64xi32, #tpu.memory_space<vmem>>, vector<16xi32>,
        %swap3A_287 = vector.shape_cast %swap3A_286 : vector<16xi32> to vector<16xi32>
        %swap3A_288 = vector.shape_cast %min3A_284 : vector<16xi32> to vector<16xi32>
        tpu.vector_store %arg10[%swap3A_285], %swap3A_288 {strides = array<i32>} : memref<64xi32, #tpu.memory_space<vmem>>, vector<16xi32>,
        %get3A_289 = arith.constant 48 : index
        %get3A_290 = tpu.vector_load %arg8[%get3A_289] {strides = array<i32>} : memref<64xi32, #tpu.memory_space<vmem>>, vector<16xi32>,
        %get3A_291 = vector.shape_cast %get3A_290 : vector<16xi32> to vector<16xi32>
        %sub3A_292 = vector.broadcast %sub3A_246 : i32 to vector<16xi32>
        %sub3A_293 = arith.subi %get3A_291, %sub3A_292 : vector<16xi32>
        %jit3A_294 = arith.constant 0 : i32
        %jit3A_295 = arith.constant 520 : i32
        %max3A_296 = vector.broadcast %jit3A_294 : i32 to vector<16xi32>
        %max3A_297 = arith.maxsi %max3A_296, %sub3A_293 : vector<16xi32>
        %min3A_298 = vector.broadcast %jit3A_295 : i32 to vector<16xi32>
        %min3A_299 = arith.minsi %min3A_298, %max3A_297 : vector<16xi32>
        %swap3A_300 = arith.constant 48 : index
        %swap3A_301 = tpu.vector_load %arg10[%swap3A_300] {strides = array<i32>} : memref<64xi32, #tpu.memory_space<vmem>>, vector<16xi32>,
        %swap3A_302 = vector.shape_cast %swap3A_301 : vector<16xi32> to vector<16xi32>
        %swap3A_303 = vector.shape_cast %min3A_299 : vector<16xi32> to vector<16xi32>
        tpu.vector_store %arg10[%swap3A_300], %swap3A_303 {strides = array<i32>} : memref<64xi32, #tpu.memory_space<vmem>>, vector<16xi32>,
        "tpu.region"() ({
          %run_scoped3A = tpu.sem_alloc : memref<!tpu.dma_semaphore, #tpu.memory_space<semaphore_mem>>
          %dma_start3A_304 = arith.constant 0 : i32
          %dma_start3A_305 = arith.constant 0 : i32
          %dma_start3A_306 = tpu.memref_slice %arg5[%while3A_242, %dma_start3A_304, %dma_start3A_305] : memref<20x528x128xf32, #tpu.memory_space<vmem_shared>> -> memref<1x528x128xf32, #tpu.memory_space<vmem_shared>>
          %dma_start3A_307 = tpu.memref_squeeze %dma_start3A_306 : memref<1x528x128xf32, #tpu.memory_space<vmem_shared>> -> memref<528x128xf32, #tpu.memory_space<vmem_shared>>
          %dma_start3A_308 = arith.constant 0 : i32
          %dma_start3A_309 = arith.constant 0 : i32
          %dma_start3A_310 = tpu.memref_slice %dma_start3A_307[%dma_start3A_308, %dma_start3A_309] : memref<528x128xf32, #tpu.memory_space<vmem_shared>> -> memref<528x128xf32, #tpu.memory_space<vmem_shared>>
          tpu.enqueue_indirect_dma source(%arg6 : memref<64x128xf32, #tpu.memory_space<vmem>>) target(%dma_start3A_310 : memref<528x128xf32, #tpu.memory_space<vmem_shared>>) offsets(%arg10 : memref<64xi32, #tpu.memory_space<vmem>>) semaphore(%run_scoped3A : memref<!tpu.dma_semaphore, #tpu.memory_space<semaphore_mem>>) {add = true}
          %dma_wait3A_311 = arith.constant 0 : i32
          %dma_wait3A_312 = arith.constant 0 : i32
          %dma_wait3A_313 = tpu.memref_slice %arg5[%while3A_242, %dma_wait3A_311, %dma_wait3A_312] : memref<20x528x128xf32, #tpu.memory_space<vmem_shared>> -> memref<1x528x128xf32, #tpu.memory_space<vmem_shared>>
          %dma_wait3A_314 = tpu.memref_squeeze %dma_wait3A_313 : memref<1x528x128xf32, #tpu.memory_space<vmem_shared>> -> memref<528x128xf32, #tpu.memory_space<vmem_shared>>
          %dma_wait3A_315 = arith.constant 0 : i32
          %dma_wait3A_316 = arith.constant 0 : i32
          %dma_wait3A_317 = tpu.memref_slice %dma_wait3A_314[%dma_wait3A_315, %dma_wait3A_316] : memref<528x128xf32, #tpu.memory_space<vmem_shared>> -> memref<528x128xf32, #tpu.memory_space<vmem_shared>>
          tpu.wait_indirect_dma semaphore(%run_scoped3A : memref<!tpu.dma_semaphore, #tpu.memory_space<semaphore_mem>>) src(%arg6 : memref<64x128xf32, #tpu.memory_space<vmem>>) dst(%dma_wait3A_317 : memref<528x128xf32, #tpu.memory_space<vmem_shared>>)
          tpu.yield
        }) : () -> ()
      }
      %add3A_145 = arith.constant 2 : i32
      %add3A_146 = arith.addi %mul3A_78, %add3A_145 : i32
      %lt3A_147 = arith.constant 78 : i32
      %lt3A_148 = arith.cmpi slt, %add3A_146, %lt3A_147 : i32
      %convert_element_type3A_149 = arith.extui %lt3A_148 : i1 to i32
      %cond3A_150 = arith.constant 0 : i32
      %cond3A_151 = arith.cmpi ne, %convert_element_type3A_149, %cond3A_150 : i32
      scf.if %cond3A_151 {
        %add3A_242 = arith.addi %mul3A_34, %mul3A_78 : i32
        %add3A_243 = arith.constant 2 : i32
        %add3A_244 = arith.addi %add3A_242, %add3A_243 : i32
        %mul3A_245 = arith.constant 64 : i32
        %mul3A_246 = arith.muli %add3A_244, %mul3A_245 : i32
        %dma_start3A_247 = tpu.memref_slice %arg3[%mul3A_246] : memref<160000xi32, #tpu.memory_space<hbm>> -> memref<64xi32, #tpu.memory_space<hbm>>
        %dma_start3A_248 = tpu.memref_slice %arg3[%mul3A_246] : memref<160000xi32, #tpu.memory_space<hbm>> -> memref<64xi32, #tpu.memory_space<hbm>>
        tpu.enqueue_dma source(%dma_start3A_248 : memref<64xi32, #tpu.memory_space<hbm>>) target(%arg8 : memref<64xi32, #tpu.memory_space<vmem>>) target_semaphore(%arg12 : memref<!tpu.dma_semaphore, #tpu.memory_space<semaphore_mem>>)
        %dma_start3A_249 = arith.constant 0 : i32
        %dma_start3A_250 = tpu.memref_slice %arg2[%mul3A_246, %dma_start3A_249] : memref<160000x128xf32, #tpu.memory_space<hbm>> -> memref<64x128xf32, #tpu.memory_space<hbm>>
        %dma_start3A_251 = arith.constant 0 : i32
        %dma_start3A_252 = tpu.memref_slice %arg2[%mul3A_246, %dma_start3A_251] : memref<160000x128xf32, #tpu.memory_space<hbm>> -> memref<64x128xf32, #tpu.memory_space<hbm>>
        tpu.enqueue_dma source(%dma_start3A_252 : memref<64x128xf32, #tpu.memory_space<hbm>>) target(%arg6 : memref<64x128xf32, #tpu.memory_space<vmem>>) target_semaphore(%arg12 : memref<!tpu.dma_semaphore, #tpu.memory_space<semaphore_mem>>)
      } else {
      }
      %mul3A_152 = arith.constant 2 : i32
      %mul3A_153 = arith.muli %mul3A_152, %scan3A_76 : i32
      %add3A_154 = arith.constant 1 : i32
      %add3A_155 = arith.addi %mul3A_153, %add3A_154 : i32
      %dma_wait3A_156 = arith.constant 0 : i32
      %dma_wait3A_157 = tpu.memref_slice %arg3[%dma_wait3A_156] : memref<160000xi32, #tpu.memory_space<hbm>> -> memref<64xi32, #tpu.memory_space<hbm>>
      %dma_wait3A_158 = arith.constant 0 : i32
      %dma_wait3A_159 = tpu.memref_slice %arg3[%dma_wait3A_158] : memref<160000xi32, #tpu.memory_space<hbm>> -> memref<64xi32, #tpu.memory_space<hbm>>
      tpu.wait_dma2 semaphore(%arg13 : memref<!tpu.dma_semaphore, #tpu.memory_space<semaphore_mem>>) src(%dma_wait3A_159 : memref<64xi32, #tpu.memory_space<hbm>>) dst(%arg9 : memref<64xi32, #tpu.memory_space<vmem>>)
      %dma_wait3A_160 = arith.constant 0 : i32
      %dma_wait3A_161 = arith.constant 0 : i32
      %dma_wait3A_162 = tpu.memref_slice %arg2[%dma_wait3A_160, %dma_wait3A_161] : memref<160000x128xf32, #tpu.memory_space<hbm>> -> memref<64x128xf32, #tpu.memory_space<hbm>>
      %dma_wait3A_163 = arith.constant 0 : i32
      %dma_wait3A_164 = arith.constant 0 : i32
      %dma_wait3A_165 = tpu.memref_slice %arg2[%dma_wait3A_163, %dma_wait3A_164] : memref<160000x128xf32, #tpu.memory_space<hbm>> -> memref<64x128xf32, #tpu.memory_space<hbm>>
      tpu.wait_dma2 semaphore(%arg13 : memref<!tpu.dma_semaphore, #tpu.memory_space<semaphore_mem>>) src(%dma_wait3A_165 : memref<64x128xf32, #tpu.memory_space<hbm>>) dst(%arg7 : memref<64x128xf32, #tpu.memory_space<vmem>>)
      %get3A_166 = arith.constant 0 : index
      %get3A_167 = tpu.vector_load %arg9[%get3A_166] {strides = array<i32>} : memref<64xi32, #tpu.memory_space<vmem>>, vector<16xi32>,
      %get3A_168 = vector.shape_cast %get3A_167 : vector<16xi32> to vector<16xi32>
      %slice3A_169 = vector.extract_strided_slice %get3A_168 {offsets = [0], sizes = [1], strides = [1]} : vector<16xi32> to vector<1xi32>
      %squeeze3A_170 = vector.extract %slice3A_169[0] : i32 from vector<1xi32>
      %jit3A_171 = arith.constant 512 : i32
      %div3A_172 = arith.divsi %squeeze3A_170, %jit3A_171 : i32
      %sign3A_173 = arith.constant 0 : i32
      %sign3A_174 = arith.cmpi sgt, %squeeze3A_170, %sign3A_173 : i32
      %sign3A_175 = arith.extui %sign3A_174 : i1 to i32
      %sign3A_176 = arith.constant 0 : i32
      %sign3A_177 = arith.cmpi slt, %squeeze3A_170, %sign3A_176 : i32
      %sign3A_178 = arith.extui %sign3A_177 : i1 to i32
      %sign3A_179 = arith.subi %sign3A_175, %sign3A_178 : i32
      %sign3A_180 = arith.constant 0 : i32
      %sign3A_181 = arith.cmpi sgt, %jit3A_171, %sign3A_180 : i32
      %sign3A_182 = arith.extui %sign3A_181 : i1 to i32
      %sign3A_183 = arith.constant 0 : i32
      %sign3A_184 = arith.cmpi slt, %jit3A_171, %sign3A_183 : i32
      %sign3A_185 = arith.extui %sign3A_184 : i1 to i32
      %sign3A_186 = arith.subi %sign3A_182, %sign3A_185 : i32
      %ne3A_187 = arith.cmpi ne, %sign3A_179, %sign3A_186 : i32
      %rem3A_188 = arith.remsi %squeeze3A_170, %jit3A_171 : i32
      %ne3A_189 = arith.constant 0 : i32
      %ne3A_190 = arith.cmpi ne, %rem3A_188, %ne3A_189 : i32
      %and3A_191 = arith.andi %ne3A_187, %ne3A_190 : i1
      %sub3A_192 = arith.constant 1 : i32
      %sub3A_193 = arith.subi %div3A_172, %sub3A_192 : i32
      %select_n3A_194 = arith.select %and3A_191, %sub3A_193, %div3A_172 : i32
      %get3A_195 = arith.constant 48 : index
      %get3A_196 = tpu.vector_load %arg9[%get3A_195] {strides = array<i32>} : memref<64xi32, #tpu.memory_space<vmem>>, vector<16xi32>,
      %get3A_197 = vector.shape_cast %get3A_196 : vector<16xi32> to vector<16xi32>
      %slice3A_198 = vector.extract_strided_slice %get3A_197 {offsets = [15], sizes = [1], strides = [1]} : vector<16xi32> to vector<1xi32>
      %squeeze3A_199 = vector.extract %slice3A_198[0] : i32 from vector<1xi32>
      %jit3A_200 = arith.constant 512 : i32
      %div3A_201 = arith.divsi %squeeze3A_199, %jit3A_200 : i32
      %sign3A_202 = arith.constant 0 : i32
      %sign3A_203 = arith.cmpi sgt, %squeeze3A_199, %sign3A_202 : i32
      %sign3A_204 = arith.extui %sign3A_203 : i1 to i32
      %sign3A_205 = arith.constant 0 : i32
      %sign3A_206 = arith.cmpi slt, %squeeze3A_199, %sign3A_205 : i32
      %sign3A_207 = arith.extui %sign3A_206 : i1 to i32
      %sign3A_208 = arith.subi %sign3A_204, %sign3A_207 : i32
      %sign3A_209 = arith.constant 0 : i32
      %sign3A_210 = arith.cmpi sgt, %jit3A_200, %sign3A_209 : i32
      %sign3A_211 = arith.extui %sign3A_210 : i1 to i32
      %sign3A_212 = arith.constant 0 : i32
      %sign3A_213 = arith.cmpi slt, %jit3A_200, %sign3A_212 : i32
      %sign3A_214 = arith.extui %sign3A_213 : i1 to i32
      %sign3A_215 = arith.subi %sign3A_211, %sign3A_214 : i32
      %ne3A_216 = arith.cmpi ne, %sign3A_208, %sign3A_215 : i32
      %rem3A_217 = arith.remsi %squeeze3A_199, %jit3A_200 : i32
      %ne3A_218 = arith.constant 0 : i32
      %ne3A_219 = arith.cmpi ne, %rem3A_217, %ne3A_218 : i32
      %and3A_220 = arith.andi %ne3A_216, %ne3A_219 : i1
      %sub3A_221 = arith.constant 1 : i32
      %sub3A_222 = arith.subi %div3A_201, %sub3A_221 : i32
      %select_n3A_223 = arith.select %and3A_220, %sub3A_222, %div3A_201 : i32
      %add3A_224 = arith.constant 1 : i32
      %add3A_225 = arith.addi %select_n3A_223, %add3A_224 : i32
      %while3A_226 = arith.constant 0 : i32
      %while3A_227 = arith.subi %add3A_225, %select_n3A_194 : i32
      %while3A_228 = arith.addi %select_n3A_194, %while3A_227 : i32
      %while3A_229 = arith.constant 1 : i32
      %while3A_230 = arith.divsi %while3A_227, %while3A_229 : i32
      %while3A_231 = arith.muli %while3A_230, %while3A_229 : i32
      %while3A_232 = arith.addi %select_n3A_194, %while3A_231 : i32
      %while3A_233 = arith.constant 1 : i32
      scf.for %while3A_242 = %select_n3A_194 to %while3A_232 step %while3A_233  : i32 {
        %mul3A_243 = arith.constant 512 : i32
        %mul3A_244 = arith.muli %while3A_242, %mul3A_243 : i32
        %sub3A_245 = arith.constant 8 : i32
        %sub3A_246 = arith.subi %mul3A_244, %sub3A_245 : i32
        %get3A_247 = arith.constant 0 : index
        %get3A_248 = tpu.vector_load %arg9[%get3A_247] {strides = array<i32>} : memref<64xi32, #tpu.memory_space<vmem>>, vector<16xi32>,
        %get3A_249 = vector.shape_cast %get3A_248 : vector<16xi32> to vector<16xi32>
        %sub3A_250 = vector.broadcast %sub3A_246 : i32 to vector<16xi32>
        %sub3A_251 = arith.subi %get3A_249, %sub3A_250 : vector<16xi32>
        %jit3A_252 = arith.constant 0 : i32
        %jit3A_253 = arith.constant 520 : i32
        %max3A = vector.broadcast %jit3A_252 : i32 to vector<16xi32>
        %max3A_254 = arith.maxsi %max3A, %sub3A_251 : vector<16xi32>
        %min3A = vector.broadcast %jit3A_253 : i32 to vector<16xi32>
        %min3A_255 = arith.minsi %min3A, %max3A_254 : vector<16xi32>
        %swap3A = arith.constant 0 : index
        %swap3A_256 = tpu.vector_load %arg10[%swap3A] {strides = array<i32>} : memref<64xi32, #tpu.memory_space<vmem>>, vector<16xi32>,
        %swap3A_257 = vector.shape_cast %swap3A_256 : vector<16xi32> to vector<16xi32>
        %swap3A_258 = vector.shape_cast %min3A_255 : vector<16xi32> to vector<16xi32>
        tpu.vector_store %arg10[%swap3A], %swap3A_258 {strides = array<i32>} : memref<64xi32, #tpu.memory_space<vmem>>, vector<16xi32>,
        %get3A_259 = arith.constant 16 : index
        %get3A_260 = tpu.vector_load %arg9[%get3A_259] {strides = array<i32>} : memref<64xi32, #tpu.memory_space<vmem>>, vector<16xi32>,
        %get3A_261 = vector.shape_cast %get3A_260 : vector<16xi32> to vector<16xi32>
        %sub3A_262 = vector.broadcast %sub3A_246 : i32 to vector<16xi32>
        %sub3A_263 = arith.subi %get3A_261, %sub3A_262 : vector<16xi32>
        %jit3A_264 = arith.constant 0 : i32
        %jit3A_265 = arith.constant 520 : i32
        %max3A_266 = vector.broadcast %jit3A_264 : i32 to vector<16xi32>
        %max3A_267 = arith.maxsi %max3A_266, %sub3A_263 : vector<16xi32>
        %min3A_268 = vector.broadcast %jit3A_265 : i32 to vector<16xi32>
        %min3A_269 = arith.minsi %min3A_268, %max3A_267 : vector<16xi32>
        %swap3A_270 = arith.constant 16 : index
        %swap3A_271 = tpu.vector_load %arg10[%swap3A_270] {strides = array<i32>} : memref<64xi32, #tpu.memory_space<vmem>>, vector<16xi32>,
        %swap3A_272 = vector.shape_cast %swap3A_271 : vector<16xi32> to vector<16xi32>
        %swap3A_273 = vector.shape_cast %min3A_269 : vector<16xi32> to vector<16xi32>
        tpu.vector_store %arg10[%swap3A_270], %swap3A_273 {strides = array<i32>} : memref<64xi32, #tpu.memory_space<vmem>>, vector<16xi32>,
        %get3A_274 = arith.constant 32 : index
        %get3A_275 = tpu.vector_load %arg9[%get3A_274] {strides = array<i32>} : memref<64xi32, #tpu.memory_space<vmem>>, vector<16xi32>,
        %get3A_276 = vector.shape_cast %get3A_275 : vector<16xi32> to vector<16xi32>
        %sub3A_277 = vector.broadcast %sub3A_246 : i32 to vector<16xi32>
        %sub3A_278 = arith.subi %get3A_276, %sub3A_277 : vector<16xi32>
        %jit3A_279 = arith.constant 0 : i32
        %jit3A_280 = arith.constant 520 : i32
        %max3A_281 = vector.broadcast %jit3A_279 : i32 to vector<16xi32>
        %max3A_282 = arith.maxsi %max3A_281, %sub3A_278 : vector<16xi32>
        %min3A_283 = vector.broadcast %jit3A_280 : i32 to vector<16xi32>
        %min3A_284 = arith.minsi %min3A_283, %max3A_282 : vector<16xi32>
        %swap3A_285 = arith.constant 32 : index
        %swap3A_286 = tpu.vector_load %arg10[%swap3A_285] {strides = array<i32>} : memref<64xi32, #tpu.memory_space<vmem>>, vector<16xi32>,
        %swap3A_287 = vector.shape_cast %swap3A_286 : vector<16xi32> to vector<16xi32>
        %swap3A_288 = vector.shape_cast %min3A_284 : vector<16xi32> to vector<16xi32>
        tpu.vector_store %arg10[%swap3A_285], %swap3A_288 {strides = array<i32>} : memref<64xi32, #tpu.memory_space<vmem>>, vector<16xi32>,
        %get3A_289 = arith.constant 48 : index
        %get3A_290 = tpu.vector_load %arg9[%get3A_289] {strides = array<i32>} : memref<64xi32, #tpu.memory_space<vmem>>, vector<16xi32>,
        %get3A_291 = vector.shape_cast %get3A_290 : vector<16xi32> to vector<16xi32>
        %sub3A_292 = vector.broadcast %sub3A_246 : i32 to vector<16xi32>
        %sub3A_293 = arith.subi %get3A_291, %sub3A_292 : vector<16xi32>
        %jit3A_294 = arith.constant 0 : i32
        %jit3A_295 = arith.constant 520 : i32
        %max3A_296 = vector.broadcast %jit3A_294 : i32 to vector<16xi32>
        %max3A_297 = arith.maxsi %max3A_296, %sub3A_293 : vector<16xi32>
        %min3A_298 = vector.broadcast %jit3A_295 : i32 to vector<16xi32>
        %min3A_299 = arith.minsi %min3A_298, %max3A_297 : vector<16xi32>
        %swap3A_300 = arith.constant 48 : index
        %swap3A_301 = tpu.vector_load %arg10[%swap3A_300] {strides = array<i32>} : memref<64xi32, #tpu.memory_space<vmem>>, vector<16xi32>,
        %swap3A_302 = vector.shape_cast %swap3A_301 : vector<16xi32> to vector<16xi32>
        %swap3A_303 = vector.shape_cast %min3A_299 : vector<16xi32> to vector<16xi32>
        tpu.vector_store %arg10[%swap3A_300], %swap3A_303 {strides = array<i32>} : memref<64xi32, #tpu.memory_space<vmem>>, vector<16xi32>,
        "tpu.region"() ({
          %run_scoped3A = tpu.sem_alloc : memref<!tpu.dma_semaphore, #tpu.memory_space<semaphore_mem>>
          %dma_start3A_304 = arith.constant 0 : i32
          %dma_start3A_305 = arith.constant 0 : i32
          %dma_start3A_306 = tpu.memref_slice %arg5[%while3A_242, %dma_start3A_304, %dma_start3A_305] : memref<20x528x128xf32, #tpu.memory_space<vmem_shared>> -> memref<1x528x128xf32, #tpu.memory_space<vmem_shared>>
          %dma_start3A_307 = tpu.memref_squeeze %dma_start3A_306 : memref<1x528x128xf32, #tpu.memory_space<vmem_shared>> -> memref<528x128xf32, #tpu.memory_space<vmem_shared>>
          %dma_start3A_308 = arith.constant 0 : i32
          %dma_start3A_309 = arith.constant 0 : i32
          %dma_start3A_310 = tpu.memref_slice %dma_start3A_307[%dma_start3A_308, %dma_start3A_309] : memref<528x128xf32, #tpu.memory_space<vmem_shared>> -> memref<528x128xf32, #tpu.memory_space<vmem_shared>>
          tpu.enqueue_indirect_dma source(%arg7 : memref<64x128xf32, #tpu.memory_space<vmem>>) target(%dma_start3A_310 : memref<528x128xf32, #tpu.memory_space<vmem_shared>>) offsets(%arg10 : memref<64xi32, #tpu.memory_space<vmem>>) semaphore(%run_scoped3A : memref<!tpu.dma_semaphore, #tpu.memory_space<semaphore_mem>>) {add = true}
          %dma_wait3A_311 = arith.constant 0 : i32
          %dma_wait3A_312 = arith.constant 0 : i32
          %dma_wait3A_313 = tpu.memref_slice %arg5[%while3A_242, %dma_wait3A_311, %dma_wait3A_312] : memref<20x528x128xf32, #tpu.memory_space<vmem_shared>> -> memref<1x528x128xf32, #tpu.memory_space<vmem_shared>>
          %dma_wait3A_314 = tpu.memref_squeeze %dma_wait3A_313 : memref<1x528x128xf32, #tpu.memory_space<vmem_shared>> -> memref<528x128xf32, #tpu.memory_space<vmem_shared>>
          %dma_wait3A_315 = arith.constant 0 : i32
          %dma_wait3A_316 = arith.constant 0 : i32
          %dma_wait3A_317 = tpu.memref_slice %dma_wait3A_314[%dma_wait3A_315, %dma_wait3A_316] : memref<528x128xf32, #tpu.memory_space<vmem_shared>> -> memref<528x128xf32, #tpu.memory_space<vmem_shared>>
          tpu.wait_indirect_dma semaphore(%run_scoped3A : memref<!tpu.dma_semaphore, #tpu.memory_space<semaphore_mem>>) src(%arg7 : memref<64x128xf32, #tpu.memory_space<vmem>>) dst(%dma_wait3A_317 : memref<528x128xf32, #tpu.memory_space<vmem_shared>>)
          tpu.yield
        }) : () -> ()
      }
      %while3A_234 = arith.constant 1 : i32
      scf.for %while3A_242 = %while3A_232 to %while3A_228 step %while3A_234  : i32 {
        %mul3A_243 = arith.constant 512 : i32
        %mul3A_244 = arith.muli %while3A_242, %mul3A_243 : i32
        %sub3A_245 = arith.constant 8 : i32
        %sub3A_246 = arith.subi %mul3A_244, %sub3A_245 : i32
        %get3A_247 = arith.constant 0 : index
        %get3A_248 = tpu.vector_load %arg9[%get3A_247] {strides = array<i32>} : memref<64xi32, #tpu.memory_space<vmem>>, vector<16xi32>,
        %get3A_249 = vector.shape_cast %get3A_248 : vector<16xi32> to vector<16xi32>
        %sub3A_250 = vector.broadcast %sub3A_246 : i32 to vector<16xi32>
        %sub3A_251 = arith.subi %get3A_249, %sub3A_250 : vector<16xi32>
        %jit3A_252 = arith.constant 0 : i32
        %jit3A_253 = arith.constant 520 : i32
        %max3A = vector.broadcast %jit3A_252 : i32 to vector<16xi32>
        %max3A_254 = arith.maxsi %max3A, %sub3A_251 : vector<16xi32>
        %min3A = vector.broadcast %jit3A_253 : i32 to vector<16xi32>
        %min3A_255 = arith.minsi %min3A, %max3A_254 : vector<16xi32>
        %swap3A = arith.constant 0 : index
        %swap3A_256 = tpu.vector_load %arg10[%swap3A] {strides = array<i32>} : memref<64xi32, #tpu.memory_space<vmem>>, vector<16xi32>,
        %swap3A_257 = vector.shape_cast %swap3A_256 : vector<16xi32> to vector<16xi32>
        %swap3A_258 = vector.shape_cast %min3A_255 : vector<16xi32> to vector<16xi32>
        tpu.vector_store %arg10[%swap3A], %swap3A_258 {strides = array<i32>} : memref<64xi32, #tpu.memory_space<vmem>>, vector<16xi32>,
        %get3A_259 = arith.constant 16 : index
        %get3A_260 = tpu.vector_load %arg9[%get3A_259] {strides = array<i32>} : memref<64xi32, #tpu.memory_space<vmem>>, vector<16xi32>,
        %get3A_261 = vector.shape_cast %get3A_260 : vector<16xi32> to vector<16xi32>
        %sub3A_262 = vector.broadcast %sub3A_246 : i32 to vector<16xi32>
        %sub3A_263 = arith.subi %get3A_261, %sub3A_262 : vector<16xi32>
        %jit3A_264 = arith.constant 0 : i32
        %jit3A_265 = arith.constant 520 : i32
        %max3A_266 = vector.broadcast %jit3A_264 : i32 to vector<16xi32>
        %max3A_267 = arith.maxsi %max3A_266, %sub3A_263 : vector<16xi32>
        %min3A_268 = vector.broadcast %jit3A_265 : i32 to vector<16xi32>
        %min3A_269 = arith.minsi %min3A_268, %max3A_267 : vector<16xi32>
        %swap3A_270 = arith.constant 16 : index
        %swap3A_271 = tpu.vector_load %arg10[%swap3A_270] {strides = array<i32>} : memref<64xi32, #tpu.memory_space<vmem>>, vector<16xi32>,
        %swap3A_272 = vector.shape_cast %swap3A_271 : vector<16xi32> to vector<16xi32>
        %swap3A_273 = vector.shape_cast %min3A_269 : vector<16xi32> to vector<16xi32>
        tpu.vector_store %arg10[%swap3A_270], %swap3A_273 {strides = array<i32>} : memref<64xi32, #tpu.memory_space<vmem>>, vector<16xi32>,
        %get3A_274 = arith.constant 32 : index
        %get3A_275 = tpu.vector_load %arg9[%get3A_274] {strides = array<i32>} : memref<64xi32, #tpu.memory_space<vmem>>, vector<16xi32>,
        %get3A_276 = vector.shape_cast %get3A_275 : vector<16xi32> to vector<16xi32>
        %sub3A_277 = vector.broadcast %sub3A_246 : i32 to vector<16xi32>
        %sub3A_278 = arith.subi %get3A_276, %sub3A_277 : vector<16xi32>
        %jit3A_279 = arith.constant 0 : i32
        %jit3A_280 = arith.constant 520 : i32
        %max3A_281 = vector.broadcast %jit3A_279 : i32 to vector<16xi32>
        %max3A_282 = arith.maxsi %max3A_281, %sub3A_278 : vector<16xi32>
        %min3A_283 = vector.broadcast %jit3A_280 : i32 to vector<16xi32>
        %min3A_284 = arith.minsi %min3A_283, %max3A_282 : vector<16xi32>
        %swap3A_285 = arith.constant 32 : index
        %swap3A_286 = tpu.vector_load %arg10[%swap3A_285] {strides = array<i32>} : memref<64xi32, #tpu.memory_space<vmem>>, vector<16xi32>,
        %swap3A_287 = vector.shape_cast %swap3A_286 : vector<16xi32> to vector<16xi32>
        %swap3A_288 = vector.shape_cast %min3A_284 : vector<16xi32> to vector<16xi32>
        tpu.vector_store %arg10[%swap3A_285], %swap3A_288 {strides = array<i32>} : memref<64xi32, #tpu.memory_space<vmem>>, vector<16xi32>,
        %get3A_289 = arith.constant 48 : index
        %get3A_290 = tpu.vector_load %arg9[%get3A_289] {strides = array<i32>} : memref<64xi32, #tpu.memory_space<vmem>>, vector<16xi32>,
        %get3A_291 = vector.shape_cast %get3A_290 : vector<16xi32> to vector<16xi32>
        %sub3A_292 = vector.broadcast %sub3A_246 : i32 to vector<16xi32>
        %sub3A_293 = arith.subi %get3A_291, %sub3A_292 : vector<16xi32>
        %jit3A_294 = arith.constant 0 : i32
        %jit3A_295 = arith.constant 520 : i32
        %max3A_296 = vector.broadcast %jit3A_294 : i32 to vector<16xi32>
        %max3A_297 = arith.maxsi %max3A_296, %sub3A_293 : vector<16xi32>
        %min3A_298 = vector.broadcast %jit3A_295 : i32 to vector<16xi32>
        %min3A_299 = arith.minsi %min3A_298, %max3A_297 : vector<16xi32>
        %swap3A_300 = arith.constant 48 : index
        %swap3A_301 = tpu.vector_load %arg10[%swap3A_300] {strides = array<i32>} : memref<64xi32, #tpu.memory_space<vmem>>, vector<16xi32>,
        %swap3A_302 = vector.shape_cast %swap3A_301 : vector<16xi32> to vector<16xi32>
        %swap3A_303 = vector.shape_cast %min3A_299 : vector<16xi32> to vector<16xi32>
        tpu.vector_store %arg10[%swap3A_300], %swap3A_303 {strides = array<i32>} : memref<64xi32, #tpu.memory_space<vmem>>, vector<16xi32>,
        "tpu.region"() ({
          %run_scoped3A = tpu.sem_alloc : memref<!tpu.dma_semaphore, #tpu.memory_space<semaphore_mem>>
          %dma_start3A_304 = arith.constant 0 : i32
          %dma_start3A_305 = arith.constant 0 : i32
          %dma_start3A_306 = tpu.memref_slice %arg5[%while3A_242, %dma_start3A_304, %dma_start3A_305] : memref<20x528x128xf32, #tpu.memory_space<vmem_shared>> -> memref<1x528x128xf32, #tpu.memory_space<vmem_shared>>
          %dma_start3A_307 = tpu.memref_squeeze %dma_start3A_306 : memref<1x528x128xf32, #tpu.memory_space<vmem_shared>> -> memref<528x128xf32, #tpu.memory_space<vmem_shared>>
          %dma_start3A_308 = arith.constant 0 : i32
          %dma_start3A_309 = arith.constant 0 : i32
          %dma_start3A_310 = tpu.memref_slice %dma_start3A_307[%dma_start3A_308, %dma_start3A_309] : memref<528x128xf32, #tpu.memory_space<vmem_shared>> -> memref<528x128xf32, #tpu.memory_space<vmem_shared>>
          tpu.enqueue_indirect_dma source(%arg7 : memref<64x128xf32, #tpu.memory_space<vmem>>) target(%dma_start3A_310 : memref<528x128xf32, #tpu.memory_space<vmem_shared>>) offsets(%arg10 : memref<64xi32, #tpu.memory_space<vmem>>) semaphore(%run_scoped3A : memref<!tpu.dma_semaphore, #tpu.memory_space<semaphore_mem>>) {add = true}
          %dma_wait3A_311 = arith.constant 0 : i32
          %dma_wait3A_312 = arith.constant 0 : i32
          %dma_wait3A_313 = tpu.memref_slice %arg5[%while3A_242, %dma_wait3A_311, %dma_wait3A_312] : memref<20x528x128xf32, #tpu.memory_space<vmem_shared>> -> memref<1x528x128xf32, #tpu.memory_space<vmem_shared>>
          %dma_wait3A_314 = tpu.memref_squeeze %dma_wait3A_313 : memref<1x528x128xf32, #tpu.memory_space<vmem_shared>> -> memref<528x128xf32, #tpu.memory_space<vmem_shared>>
          %dma_wait3A_315 = arith.constant 0 : i32
          %dma_wait3A_316 = arith.constant 0 : i32
          %dma_wait3A_317 = tpu.memref_slice %dma_wait3A_314[%dma_wait3A_315, %dma_wait3A_316] : memref<528x128xf32, #tpu.memory_space<vmem_shared>> -> memref<528x128xf32, #tpu.memory_space<vmem_shared>>
          tpu.wait_indirect_dma semaphore(%run_scoped3A : memref<!tpu.dma_semaphore, #tpu.memory_space<semaphore_mem>>) src(%arg7 : memref<64x128xf32, #tpu.memory_space<vmem>>) dst(%dma_wait3A_317 : memref<528x128xf32, #tpu.memory_space<vmem_shared>>)
          tpu.yield
        }) : () -> ()
      }
      %add3A_235 = arith.constant 2 : i32
      %add3A_236 = arith.addi %add3A_155, %add3A_235 : i32
      %lt3A_237 = arith.constant 78 : i32
      %lt3A_238 = arith.cmpi slt, %add3A_236, %lt3A_237 : i32
      %convert_element_type3A_239 = arith.extui %lt3A_238 : i1 to i32
      %cond3A_240 = arith.constant 0 : i32
      %cond3A_241 = arith.cmpi ne, %convert_element_type3A_239, %cond3A_240 : i32
      scf.if %cond3A_241 {
        %add3A_242 = arith.addi %mul3A_34, %add3A_155 : i32
        %add3A_243 = arith.constant 2 : i32
        %add3A_244 = arith.addi %add3A_242, %add3A_243 : i32
        %mul3A_245 = arith.constant 64 : i32
        %mul3A_246 = arith.muli %add3A_244, %mul3A_245 : i32
        %dma_start3A_247 = tpu.memref_slice %arg3[%mul3A_246] : memref<160000xi32, #tpu.memory_space<hbm>> -> memref<64xi32, #tpu.memory_space<hbm>>
        %dma_start3A_248 = tpu.memref_slice %arg3[%mul3A_246] : memref<160000xi32, #tpu.memory_space<hbm>> -> memref<64xi32, #tpu.memory_space<hbm>>
        tpu.enqueue_dma source(%dma_start3A_248 : memref<64xi32, #tpu.memory_space<hbm>>) target(%arg9 : memref<64xi32, #tpu.memory_space<vmem>>) target_semaphore(%arg13 : memref<!tpu.dma_semaphore, #tpu.memory_space<semaphore_mem>>)
        %dma_start3A_249 = arith.constant 0 : i32
        %dma_start3A_250 = tpu.memref_slice %arg2[%mul3A_246, %dma_start3A_249] : memref<160000x128xf32, #tpu.memory_space<hbm>> -> memref<64x128xf32, #tpu.memory_space<hbm>>
        %dma_start3A_251 = arith.constant 0 : i32
        %dma_start3A_252 = tpu.memref_slice %arg2[%mul3A_246, %dma_start3A_251] : memref<160000x128xf32, #tpu.memory_space<hbm>> -> memref<64x128xf32, #tpu.memory_space<hbm>>
        tpu.enqueue_dma source(%dma_start3A_252 : memref<64x128xf32, #tpu.memory_space<hbm>>) target(%arg7 : memref<64x128xf32, #tpu.memory_space<vmem>>) target_semaphore(%arg13 : memref<!tpu.dma_semaphore, #tpu.memory_space<semaphore_mem>>)
      } else {
      }
    }
    %scan3A_57 = arith.constant 39 : i32
    %lt3A_58 = arith.constant 4 : i32
    %lt3A_59 = arith.cmpi slt, %add3A, %lt3A_58 : i32
    %convert_element_type3A_60 = arith.extui %lt3A_59 : i1 to i32
    %cond3A_61 = arith.constant 0 : i32
    %cond3A_62 = arith.cmpi ne, %convert_element_type3A_60, %cond3A_61 : i32
    scf.if %cond3A_62 {
      %add3A_76 = arith.constant 2496 : i32
      %add3A_77 = arith.addi %add3A_76, %add3A : i32
      %mul3A_78 = arith.constant 64 : i32
      %mul3A_79 = arith.muli %add3A_77, %mul3A_78 : i32
      %dma_start3A_80 = tpu.memref_slice %arg3[%mul3A_79] : memref<160000xi32, #tpu.memory_space<hbm>> -> memref<64xi32, #tpu.memory_space<hbm>>
      %dma_start3A_81 = tpu.memref_slice %arg3[%mul3A_79] : memref<160000xi32, #tpu.memory_space<hbm>> -> memref<64xi32, #tpu.memory_space<hbm>>
      tpu.enqueue_dma source(%dma_start3A_81 : memref<64xi32, #tpu.memory_space<hbm>>) target(%arg8 : memref<64xi32, #tpu.memory_space<vmem>>) target_semaphore(%arg12 : memref<!tpu.dma_semaphore, #tpu.memory_space<semaphore_mem>>)
      %dma_start3A_82 = arith.constant 0 : i32
      %dma_start3A_83 = tpu.memref_slice %arg2[%mul3A_79, %dma_start3A_82] : memref<160000x128xf32, #tpu.memory_space<hbm>> -> memref<64x128xf32, #tpu.memory_space<hbm>>
      %dma_start3A_84 = arith.constant 0 : i32
      %dma_start3A_85 = tpu.memref_slice %arg2[%mul3A_79, %dma_start3A_84] : memref<160000x128xf32, #tpu.memory_space<hbm>> -> memref<64x128xf32, #tpu.memory_space<hbm>>
      tpu.enqueue_dma source(%dma_start3A_85 : memref<64x128xf32, #tpu.memory_space<hbm>>) target(%arg6 : memref<64x128xf32, #tpu.memory_space<vmem>>) target_semaphore(%arg12 : memref<!tpu.dma_semaphore, #tpu.memory_space<semaphore_mem>>)
      %dma_wait3A = arith.constant 0 : i32
      %dma_wait3A_86 = tpu.memref_slice %arg3[%dma_wait3A] : memref<160000xi32, #tpu.memory_space<hbm>> -> memref<64xi32, #tpu.memory_space<hbm>>
      %dma_wait3A_87 = arith.constant 0 : i32
      %dma_wait3A_88 = tpu.memref_slice %arg3[%dma_wait3A_87] : memref<160000xi32, #tpu.memory_space<hbm>> -> memref<64xi32, #tpu.memory_space<hbm>>
      tpu.wait_dma2 semaphore(%arg12 : memref<!tpu.dma_semaphore, #tpu.memory_space<semaphore_mem>>) src(%dma_wait3A_88 : memref<64xi32, #tpu.memory_space<hbm>>) dst(%arg8 : memref<64xi32, #tpu.memory_space<vmem>>)
      %dma_wait3A_89 = arith.constant 0 : i32
      %dma_wait3A_90 = arith.constant 0 : i32
      %dma_wait3A_91 = tpu.memref_slice %arg2[%dma_wait3A_89, %dma_wait3A_90] : memref<160000x128xf32, #tpu.memory_space<hbm>> -> memref<64x128xf32, #tpu.memory_space<hbm>>
      %dma_wait3A_92 = arith.constant 0 : i32
      %dma_wait3A_93 = arith.constant 0 : i32
      %dma_wait3A_94 = tpu.memref_slice %arg2[%dma_wait3A_92, %dma_wait3A_93] : memref<160000x128xf32, #tpu.memory_space<hbm>> -> memref<64x128xf32, #tpu.memory_space<hbm>>
      tpu.wait_dma2 semaphore(%arg12 : memref<!tpu.dma_semaphore, #tpu.memory_space<semaphore_mem>>) src(%dma_wait3A_94 : memref<64x128xf32, #tpu.memory_space<hbm>>) dst(%arg6 : memref<64x128xf32, #tpu.memory_space<vmem>>)
      %get3A = arith.constant 0 : index
      %get3A_95 = tpu.vector_load %arg8[%get3A] {strides = array<i32>} : memref<64xi32, #tpu.memory_space<vmem>>, vector<16xi32>,
      %get3A_96 = vector.shape_cast %get3A_95 : vector<16xi32> to vector<16xi32>
      %slice3A = vector.extract_strided_slice %get3A_96 {offsets = [0], sizes = [1], strides = [1]} : vector<16xi32> to vector<1xi32>
      %squeeze3A = vector.extract %slice3A[0] : i32 from vector<1xi32>
      %jit3A = arith.constant 512 : i32
      %div3A = arith.divsi %squeeze3A, %jit3A : i32
      %sign3A = arith.constant 0 : i32
      %sign3A_97 = arith.cmpi sgt, %squeeze3A, %sign3A : i32
      %sign3A_98 = arith.extui %sign3A_97 : i1 to i32
      %sign3A_99 = arith.constant 0 : i32
      %sign3A_100 = arith.cmpi slt, %squeeze3A, %sign3A_99 : i32
      %sign3A_101 = arith.extui %sign3A_100 : i1 to i32
      %sign3A_102 = arith.subi %sign3A_98, %sign3A_101 : i32
      %sign3A_103 = arith.constant 0 : i32
      %sign3A_104 = arith.cmpi sgt, %jit3A, %sign3A_103 : i32
      %sign3A_105 = arith.extui %sign3A_104 : i1 to i32
      %sign3A_106 = arith.constant 0 : i32
      %sign3A_107 = arith.cmpi slt, %jit3A, %sign3A_106 : i32
      %sign3A_108 = arith.extui %sign3A_107 : i1 to i32
      %sign3A_109 = arith.subi %sign3A_105, %sign3A_108 : i32
      %ne3A = arith.cmpi ne, %sign3A_102, %sign3A_109 : i32
      %rem3A = arith.remsi %squeeze3A, %jit3A : i32
      %ne3A_110 = arith.constant 0 : i32
      %ne3A_111 = arith.cmpi ne, %rem3A, %ne3A_110 : i32
      %and3A = arith.andi %ne3A, %ne3A_111 : i1
      %sub3A = arith.constant 1 : i32
      %sub3A_112 = arith.subi %div3A, %sub3A : i32
      %select_n3A = arith.select %and3A, %sub3A_112, %div3A : i32
      %get3A_113 = arith.constant 48 : index
      %get3A_114 = tpu.vector_load %arg8[%get3A_113] {strides = array<i32>} : memref<64xi32, #tpu.memory_space<vmem>>, vector<16xi32>,
      %get3A_115 = vector.shape_cast %get3A_114 : vector<16xi32> to vector<16xi32>
      %slice3A_116 = vector.extract_strided_slice %get3A_115 {offsets = [15], sizes = [1], strides = [1]} : vector<16xi32> to vector<1xi32>
      %squeeze3A_117 = vector.extract %slice3A_116[0] : i32 from vector<1xi32>
      %jit3A_118 = arith.constant 512 : i32
      %div3A_119 = arith.divsi %squeeze3A_117, %jit3A_118 : i32
      %sign3A_120 = arith.constant 0 : i32
      %sign3A_121 = arith.cmpi sgt, %squeeze3A_117, %sign3A_120 : i32
      %sign3A_122 = arith.extui %sign3A_121 : i1 to i32
      %sign3A_123 = arith.constant 0 : i32
      %sign3A_124 = arith.cmpi slt, %squeeze3A_117, %sign3A_123 : i32
      %sign3A_125 = arith.extui %sign3A_124 : i1 to i32
      %sign3A_126 = arith.subi %sign3A_122, %sign3A_125 : i32
      %sign3A_127 = arith.constant 0 : i32
      %sign3A_128 = arith.cmpi sgt, %jit3A_118, %sign3A_127 : i32
      %sign3A_129 = arith.extui %sign3A_128 : i1 to i32
      %sign3A_130 = arith.constant 0 : i32
      %sign3A_131 = arith.cmpi slt, %jit3A_118, %sign3A_130 : i32
      %sign3A_132 = arith.extui %sign3A_131 : i1 to i32
      %sign3A_133 = arith.subi %sign3A_129, %sign3A_132 : i32
      %ne3A_134 = arith.cmpi ne, %sign3A_126, %sign3A_133 : i32
      %rem3A_135 = arith.remsi %squeeze3A_117, %jit3A_118 : i32
      %ne3A_136 = arith.constant 0 : i32
      %ne3A_137 = arith.cmpi ne, %rem3A_135, %ne3A_136 : i32
      %and3A_138 = arith.andi %ne3A_134, %ne3A_137 : i1
      %sub3A_139 = arith.constant 1 : i32
      %sub3A_140 = arith.subi %div3A_119, %sub3A_139 : i32
      %select_n3A_141 = arith.select %and3A_138, %sub3A_140, %div3A_119 : i32
      %add3A_142 = arith.constant 1 : i32
      %add3A_143 = arith.addi %select_n3A_141, %add3A_142 : i32
      %while3A = arith.constant 0 : i32
      %while3A_144 = arith.subi %add3A_143, %select_n3A : i32
      %while3A_145 = arith.addi %select_n3A, %while3A_144 : i32
      %while3A_146 = arith.constant 1 : i32
      %while3A_147 = arith.divsi %while3A_144, %while3A_146 : i32
      %while3A_148 = arith.muli %while3A_147, %while3A_146 : i32
      %while3A_149 = arith.addi %select_n3A, %while3A_148 : i32
      %while3A_150 = arith.constant 1 : i32
      scf.for %while3A_152 = %select_n3A to %while3A_149 step %while3A_150  : i32 {
        %mul3A_153 = arith.constant 512 : i32
        %mul3A_154 = arith.muli %while3A_152, %mul3A_153 : i32
        %sub3A_155 = arith.constant 8 : i32
        %sub3A_156 = arith.subi %mul3A_154, %sub3A_155 : i32
        %get3A_157 = arith.constant 0 : index
        %get3A_158 = tpu.vector_load %arg8[%get3A_157] {strides = array<i32>} : memref<64xi32, #tpu.memory_space<vmem>>, vector<16xi32>,
        %get3A_159 = vector.shape_cast %get3A_158 : vector<16xi32> to vector<16xi32>
        %sub3A_160 = vector.broadcast %sub3A_156 : i32 to vector<16xi32>
        %sub3A_161 = arith.subi %get3A_159, %sub3A_160 : vector<16xi32>
        %jit3A_162 = arith.constant 0 : i32
        %jit3A_163 = arith.constant 520 : i32
        %max3A = vector.broadcast %jit3A_162 : i32 to vector<16xi32>
        %max3A_164 = arith.maxsi %max3A, %sub3A_161 : vector<16xi32>
        %min3A = vector.broadcast %jit3A_163 : i32 to vector<16xi32>
        %min3A_165 = arith.minsi %min3A, %max3A_164 : vector<16xi32>
        %swap3A = arith.constant 0 : index
        %swap3A_166 = tpu.vector_load %arg10[%swap3A] {strides = array<i32>} : memref<64xi32, #tpu.memory_space<vmem>>, vector<16xi32>,
        %swap3A_167 = vector.shape_cast %swap3A_166 : vector<16xi32> to vector<16xi32>
        %swap3A_168 = vector.shape_cast %min3A_165 : vector<16xi32> to vector<16xi32>
        tpu.vector_store %arg10[%swap3A], %swap3A_168 {strides = array<i32>} : memref<64xi32, #tpu.memory_space<vmem>>, vector<16xi32>,
        %get3A_169 = arith.constant 16 : index
        %get3A_170 = tpu.vector_load %arg8[%get3A_169] {strides = array<i32>} : memref<64xi32, #tpu.memory_space<vmem>>, vector<16xi32>,
        %get3A_171 = vector.shape_cast %get3A_170 : vector<16xi32> to vector<16xi32>
        %sub3A_172 = vector.broadcast %sub3A_156 : i32 to vector<16xi32>
        %sub3A_173 = arith.subi %get3A_171, %sub3A_172 : vector<16xi32>
        %jit3A_174 = arith.constant 0 : i32
        %jit3A_175 = arith.constant 520 : i32
        %max3A_176 = vector.broadcast %jit3A_174 : i32 to vector<16xi32>
        %max3A_177 = arith.maxsi %max3A_176, %sub3A_173 : vector<16xi32>
        %min3A_178 = vector.broadcast %jit3A_175 : i32 to vector<16xi32>
        %min3A_179 = arith.minsi %min3A_178, %max3A_177 : vector<16xi32>
        %swap3A_180 = arith.constant 16 : index
        %swap3A_181 = tpu.vector_load %arg10[%swap3A_180] {strides = array<i32>} : memref<64xi32, #tpu.memory_space<vmem>>, vector<16xi32>,
        %swap3A_182 = vector.shape_cast %swap3A_181 : vector<16xi32> to vector<16xi32>
        %swap3A_183 = vector.shape_cast %min3A_179 : vector<16xi32> to vector<16xi32>
        tpu.vector_store %arg10[%swap3A_180], %swap3A_183 {strides = array<i32>} : memref<64xi32, #tpu.memory_space<vmem>>, vector<16xi32>,
        %get3A_184 = arith.constant 32 : index
        %get3A_185 = tpu.vector_load %arg8[%get3A_184] {strides = array<i32>} : memref<64xi32, #tpu.memory_space<vmem>>, vector<16xi32>,
        %get3A_186 = vector.shape_cast %get3A_185 : vector<16xi32> to vector<16xi32>
        %sub3A_187 = vector.broadcast %sub3A_156 : i32 to vector<16xi32>
        %sub3A_188 = arith.subi %get3A_186, %sub3A_187 : vector<16xi32>
        %jit3A_189 = arith.constant 0 : i32
        %jit3A_190 = arith.constant 520 : i32
        %max3A_191 = vector.broadcast %jit3A_189 : i32 to vector<16xi32>
        %max3A_192 = arith.maxsi %max3A_191, %sub3A_188 : vector<16xi32>
        %min3A_193 = vector.broadcast %jit3A_190 : i32 to vector<16xi32>
        %min3A_194 = arith.minsi %min3A_193, %max3A_192 : vector<16xi32>
        %swap3A_195 = arith.constant 32 : index
        %swap3A_196 = tpu.vector_load %arg10[%swap3A_195] {strides = array<i32>} : memref<64xi32, #tpu.memory_space<vmem>>, vector<16xi32>,
        %swap3A_197 = vector.shape_cast %swap3A_196 : vector<16xi32> to vector<16xi32>
        %swap3A_198 = vector.shape_cast %min3A_194 : vector<16xi32> to vector<16xi32>
        tpu.vector_store %arg10[%swap3A_195], %swap3A_198 {strides = array<i32>} : memref<64xi32, #tpu.memory_space<vmem>>, vector<16xi32>,
        %get3A_199 = arith.constant 48 : index
        %get3A_200 = tpu.vector_load %arg8[%get3A_199] {strides = array<i32>} : memref<64xi32, #tpu.memory_space<vmem>>, vector<16xi32>,
        %get3A_201 = vector.shape_cast %get3A_200 : vector<16xi32> to vector<16xi32>
        %sub3A_202 = vector.broadcast %sub3A_156 : i32 to vector<16xi32>
        %sub3A_203 = arith.subi %get3A_201, %sub3A_202 : vector<16xi32>
        %jit3A_204 = arith.constant 0 : i32
        %jit3A_205 = arith.constant 520 : i32
        %max3A_206 = vector.broadcast %jit3A_204 : i32 to vector<16xi32>
        %max3A_207 = arith.maxsi %max3A_206, %sub3A_203 : vector<16xi32>
        %min3A_208 = vector.broadcast %jit3A_205 : i32 to vector<16xi32>
        %min3A_209 = arith.minsi %min3A_208, %max3A_207 : vector<16xi32>
        %swap3A_210 = arith.constant 48 : index
        %swap3A_211 = tpu.vector_load %arg10[%swap3A_210] {strides = array<i32>} : memref<64xi32, #tpu.memory_space<vmem>>, vector<16xi32>,
        %swap3A_212 = vector.shape_cast %swap3A_211 : vector<16xi32> to vector<16xi32>
        %swap3A_213 = vector.shape_cast %min3A_209 : vector<16xi32> to vector<16xi32>
        tpu.vector_store %arg10[%swap3A_210], %swap3A_213 {strides = array<i32>} : memref<64xi32, #tpu.memory_space<vmem>>, vector<16xi32>,
        "tpu.region"() ({
          %run_scoped3A = tpu.sem_alloc : memref<!tpu.dma_semaphore, #tpu.memory_space<semaphore_mem>>
          %dma_start3A_214 = arith.constant 0 : i32
          %dma_start3A_215 = arith.constant 0 : i32
          %dma_start3A_216 = tpu.memref_slice %arg5[%while3A_152, %dma_start3A_214, %dma_start3A_215] : memref<20x528x128xf32, #tpu.memory_space<vmem_shared>> -> memref<1x528x128xf32, #tpu.memory_space<vmem_shared>>
          %dma_start3A_217 = tpu.memref_squeeze %dma_start3A_216 : memref<1x528x128xf32, #tpu.memory_space<vmem_shared>> -> memref<528x128xf32, #tpu.memory_space<vmem_shared>>
          %dma_start3A_218 = arith.constant 0 : i32
          %dma_start3A_219 = arith.constant 0 : i32
          %dma_start3A_220 = tpu.memref_slice %dma_start3A_217[%dma_start3A_218, %dma_start3A_219] : memref<528x128xf32, #tpu.memory_space<vmem_shared>> -> memref<528x128xf32, #tpu.memory_space<vmem_shared>>
          tpu.enqueue_indirect_dma source(%arg6 : memref<64x128xf32, #tpu.memory_space<vmem>>) target(%dma_start3A_220 : memref<528x128xf32, #tpu.memory_space<vmem_shared>>) offsets(%arg10 : memref<64xi32, #tpu.memory_space<vmem>>) semaphore(%run_scoped3A : memref<!tpu.dma_semaphore, #tpu.memory_space<semaphore_mem>>) {add = true}
          %dma_wait3A_221 = arith.constant 0 : i32
          %dma_wait3A_222 = arith.constant 0 : i32
          %dma_wait3A_223 = tpu.memref_slice %arg5[%while3A_152, %dma_wait3A_221, %dma_wait3A_222] : memref<20x528x128xf32, #tpu.memory_space<vmem_shared>> -> memref<1x528x128xf32, #tpu.memory_space<vmem_shared>>
          %dma_wait3A_224 = tpu.memref_squeeze %dma_wait3A_223 : memref<1x528x128xf32, #tpu.memory_space<vmem_shared>> -> memref<528x128xf32, #tpu.memory_space<vmem_shared>>
          %dma_wait3A_225 = arith.constant 0 : i32
          %dma_wait3A_226 = arith.constant 0 : i32
          %dma_wait3A_227 = tpu.memref_slice %dma_wait3A_224[%dma_wait3A_225, %dma_wait3A_226] : memref<528x128xf32, #tpu.memory_space<vmem_shared>> -> memref<528x128xf32, #tpu.memory_space<vmem_shared>>
          tpu.wait_indirect_dma semaphore(%run_scoped3A : memref<!tpu.dma_semaphore, #tpu.memory_space<semaphore_mem>>) src(%arg6 : memref<64x128xf32, #tpu.memory_space<vmem>>) dst(%dma_wait3A_227 : memref<528x128xf32, #tpu.memory_space<vmem_shared>>)
          tpu.yield
        }) : () -> ()
      }
      %while3A_151 = arith.constant 1 : i32
      scf.for %while3A_152 = %while3A_149 to %while3A_145 step %while3A_151  : i32 {
        %mul3A_153 = arith.constant 512 : i32
        %mul3A_154 = arith.muli %while3A_152, %mul3A_153 : i32
        %sub3A_155 = arith.constant 8 : i32
        %sub3A_156 = arith.subi %mul3A_154, %sub3A_155 : i32
        %get3A_157 = arith.constant 0 : index
        %get3A_158 = tpu.vector_load %arg8[%get3A_157] {strides = array<i32>} : memref<64xi32, #tpu.memory_space<vmem>>, vector<16xi32>,
        %get3A_159 = vector.shape_cast %get3A_158 : vector<16xi32> to vector<16xi32>
        %sub3A_160 = vector.broadcast %sub3A_156 : i32 to vector<16xi32>
        %sub3A_161 = arith.subi %get3A_159, %sub3A_160 : vector<16xi32>
        %jit3A_162 = arith.constant 0 : i32
        %jit3A_163 = arith.constant 520 : i32
        %max3A = vector.broadcast %jit3A_162 : i32 to vector<16xi32>
        %max3A_164 = arith.maxsi %max3A, %sub3A_161 : vector<16xi32>
        %min3A = vector.broadcast %jit3A_163 : i32 to vector<16xi32>
        %min3A_165 = arith.minsi %min3A, %max3A_164 : vector<16xi32>
        %swap3A = arith.constant 0 : index
        %swap3A_166 = tpu.vector_load %arg10[%swap3A] {strides = array<i32>} : memref<64xi32, #tpu.memory_space<vmem>>, vector<16xi32>,
        %swap3A_167 = vector.shape_cast %swap3A_166 : vector<16xi32> to vector<16xi32>
        %swap3A_168 = vector.shape_cast %min3A_165 : vector<16xi32> to vector<16xi32>
        tpu.vector_store %arg10[%swap3A], %swap3A_168 {strides = array<i32>} : memref<64xi32, #tpu.memory_space<vmem>>, vector<16xi32>,
        %get3A_169 = arith.constant 16 : index
        %get3A_170 = tpu.vector_load %arg8[%get3A_169] {strides = array<i32>} : memref<64xi32, #tpu.memory_space<vmem>>, vector<16xi32>,
        %get3A_171 = vector.shape_cast %get3A_170 : vector<16xi32> to vector<16xi32>
        %sub3A_172 = vector.broadcast %sub3A_156 : i32 to vector<16xi32>
        %sub3A_173 = arith.subi %get3A_171, %sub3A_172 : vector<16xi32>
        %jit3A_174 = arith.constant 0 : i32
        %jit3A_175 = arith.constant 520 : i32
        %max3A_176 = vector.broadcast %jit3A_174 : i32 to vector<16xi32>
        %max3A_177 = arith.maxsi %max3A_176, %sub3A_173 : vector<16xi32>
        %min3A_178 = vector.broadcast %jit3A_175 : i32 to vector<16xi32>
        %min3A_179 = arith.minsi %min3A_178, %max3A_177 : vector<16xi32>
        %swap3A_180 = arith.constant 16 : index
        %swap3A_181 = tpu.vector_load %arg10[%swap3A_180] {strides = array<i32>} : memref<64xi32, #tpu.memory_space<vmem>>, vector<16xi32>,
        %swap3A_182 = vector.shape_cast %swap3A_181 : vector<16xi32> to vector<16xi32>
        %swap3A_183 = vector.shape_cast %min3A_179 : vector<16xi32> to vector<16xi32>
        tpu.vector_store %arg10[%swap3A_180], %swap3A_183 {strides = array<i32>} : memref<64xi32, #tpu.memory_space<vmem>>, vector<16xi32>,
        %get3A_184 = arith.constant 32 : index
        %get3A_185 = tpu.vector_load %arg8[%get3A_184] {strides = array<i32>} : memref<64xi32, #tpu.memory_space<vmem>>, vector<16xi32>,
        %get3A_186 = vector.shape_cast %get3A_185 : vector<16xi32> to vector<16xi32>
        %sub3A_187 = vector.broadcast %sub3A_156 : i32 to vector<16xi32>
        %sub3A_188 = arith.subi %get3A_186, %sub3A_187 : vector<16xi32>
        %jit3A_189 = arith.constant 0 : i32
        %jit3A_190 = arith.constant 520 : i32
        %max3A_191 = vector.broadcast %jit3A_189 : i32 to vector<16xi32>
        %max3A_192 = arith.maxsi %max3A_191, %sub3A_188 : vector<16xi32>
        %min3A_193 = vector.broadcast %jit3A_190 : i32 to vector<16xi32>
        %min3A_194 = arith.minsi %min3A_193, %max3A_192 : vector<16xi32>
        %swap3A_195 = arith.constant 32 : index
        %swap3A_196 = tpu.vector_load %arg10[%swap3A_195] {strides = array<i32>} : memref<64xi32, #tpu.memory_space<vmem>>, vector<16xi32>,
        %swap3A_197 = vector.shape_cast %swap3A_196 : vector<16xi32> to vector<16xi32>
        %swap3A_198 = vector.shape_cast %min3A_194 : vector<16xi32> to vector<16xi32>
        tpu.vector_store %arg10[%swap3A_195], %swap3A_198 {strides = array<i32>} : memref<64xi32, #tpu.memory_space<vmem>>, vector<16xi32>,
        %get3A_199 = arith.constant 48 : index
        %get3A_200 = tpu.vector_load %arg8[%get3A_199] {strides = array<i32>} : memref<64xi32, #tpu.memory_space<vmem>>, vector<16xi32>,
        %get3A_201 = vector.shape_cast %get3A_200 : vector<16xi32> to vector<16xi32>
        %sub3A_202 = vector.broadcast %sub3A_156 : i32 to vector<16xi32>
        %sub3A_203 = arith.subi %get3A_201, %sub3A_202 : vector<16xi32>
        %jit3A_204 = arith.constant 0 : i32
        %jit3A_205 = arith.constant 520 : i32
        %max3A_206 = vector.broadcast %jit3A_204 : i32 to vector<16xi32>
        %max3A_207 = arith.maxsi %max3A_206, %sub3A_203 : vector<16xi32>
        %min3A_208 = vector.broadcast %jit3A_205 : i32 to vector<16xi32>
        %min3A_209 = arith.minsi %min3A_208, %max3A_207 : vector<16xi32>
        %swap3A_210 = arith.constant 48 : index
        %swap3A_211 = tpu.vector_load %arg10[%swap3A_210] {strides = array<i32>} : memref<64xi32, #tpu.memory_space<vmem>>, vector<16xi32>,
        %swap3A_212 = vector.shape_cast %swap3A_211 : vector<16xi32> to vector<16xi32>
        %swap3A_213 = vector.shape_cast %min3A_209 : vector<16xi32> to vector<16xi32>
        tpu.vector_store %arg10[%swap3A_210], %swap3A_213 {strides = array<i32>} : memref<64xi32, #tpu.memory_space<vmem>>, vector<16xi32>,
        "tpu.region"() ({
          %run_scoped3A = tpu.sem_alloc : memref<!tpu.dma_semaphore, #tpu.memory_space<semaphore_mem>>
          %dma_start3A_214 = arith.constant 0 : i32
          %dma_start3A_215 = arith.constant 0 : i32
          %dma_start3A_216 = tpu.memref_slice %arg5[%while3A_152, %dma_start3A_214, %dma_start3A_215] : memref<20x528x128xf32, #tpu.memory_space<vmem_shared>> -> memref<1x528x128xf32, #tpu.memory_space<vmem_shared>>
          %dma_start3A_217 = tpu.memref_squeeze %dma_start3A_216 : memref<1x528x128xf32, #tpu.memory_space<vmem_shared>> -> memref<528x128xf32, #tpu.memory_space<vmem_shared>>
          %dma_start3A_218 = arith.constant 0 : i32
          %dma_start3A_219 = arith.constant 0 : i32
          %dma_start3A_220 = tpu.memref_slice %dma_start3A_217[%dma_start3A_218, %dma_start3A_219] : memref<528x128xf32, #tpu.memory_space<vmem_shared>> -> memref<528x128xf32, #tpu.memory_space<vmem_shared>>
          tpu.enqueue_indirect_dma source(%arg6 : memref<64x128xf32, #tpu.memory_space<vmem>>) target(%dma_start3A_220 : memref<528x128xf32, #tpu.memory_space<vmem_shared>>) offsets(%arg10 : memref<64xi32, #tpu.memory_space<vmem>>) semaphore(%run_scoped3A : memref<!tpu.dma_semaphore, #tpu.memory_space<semaphore_mem>>) {add = true}
          %dma_wait3A_221 = arith.constant 0 : i32
          %dma_wait3A_222 = arith.constant 0 : i32
          %dma_wait3A_223 = tpu.memref_slice %arg5[%while3A_152, %dma_wait3A_221, %dma_wait3A_222] : memref<20x528x128xf32, #tpu.memory_space<vmem_shared>> -> memref<1x528x128xf32, #tpu.memory_space<vmem_shared>>
          %dma_wait3A_224 = tpu.memref_squeeze %dma_wait3A_223 : memref<1x528x128xf32, #tpu.memory_space<vmem_shared>> -> memref<528x128xf32, #tpu.memory_space<vmem_shared>>
          %dma_wait3A_225 = arith.constant 0 : i32
          %dma_wait3A_226 = arith.constant 0 : i32
          %dma_wait3A_227 = tpu.memref_slice %dma_wait3A_224[%dma_wait3A_225, %dma_wait3A_226] : memref<528x128xf32, #tpu.memory_space<vmem_shared>> -> memref<528x128xf32, #tpu.memory_space<vmem_shared>>
          tpu.wait_indirect_dma semaphore(%run_scoped3A : memref<!tpu.dma_semaphore, #tpu.memory_space<semaphore_mem>>) src(%arg6 : memref<64x128xf32, #tpu.memory_space<vmem>>) dst(%dma_wait3A_227 : memref<528x128xf32, #tpu.memory_space<vmem_shared>>)
          tpu.yield
        }) : () -> ()
      }
    } else {
    }
    %barrier3A_63 = arith.constant 0 : index
    tpu.barrier barrier_id(%barrier3A_63)
    %mul3A_64 = arith.constant 20 : i32
    %mul3A_65 = arith.muli %arg0, %mul3A_64 : i32
    %mul3A_66 = arith.constant 512 : i32
    %mul3A_67 = arith.muli %mul3A_65, %mul3A_66 : i32
    %mul3A_68 = arith.constant 512 : i32
    %mul3A_69 = arith.muli %arg1, %mul3A_68 : i32
    %add3A_70 = arith.addi %mul3A_67, %mul3A_69 : i32
    "tpu.region"() ({
      %run_scoped3A = tpu.sem_alloc : memref<!tpu.dma_semaphore, #tpu.memory_space<semaphore_mem>>
      %dma_start3A_76 = arith.constant 0 : i32
      %dma_start3A_77 = tpu.memref_slice %arg4[%add3A_70, %dma_start3A_76] : memref<20480x128xf32, #tpu.memory_space<hbm>> -> memref<512x128xf32, #tpu.memory_space<hbm>>
      %dma_start3A_78 = arith.constant 8 : i32
      %dma_start3A_79 = arith.constant 0 : i32
      %dma_start3A_80 = tpu.memref_slice %arg5[%arg1, %dma_start3A_78, %dma_start3A_79] : memref<20x528x128xf32, #tpu.memory_space<vmem_shared>> -> memref<1x512x128xf32, #tpu.memory_space<vmem_shared>>
      %dma_start3A_81 = tpu.memref_squeeze %dma_start3A_80 : memref<1x512x128xf32, #tpu.memory_space<vmem_shared>> -> memref<512x128xf32, #tpu.memory_space<vmem_shared>>
      tpu.enqueue_dma source(%dma_start3A_81 : memref<512x128xf32, #tpu.memory_space<vmem_shared>>) target(%dma_start3A_77 : memref<512x128xf32, #tpu.memory_space<hbm>>) target_semaphore(%run_scoped3A : memref<!tpu.dma_semaphore, #tpu.memory_space<semaphore_mem>>)
      %dma_wait3A = arith.constant 0 : i32
      %dma_wait3A_82 = tpu.memref_slice %arg4[%add3A_70, %dma_wait3A] : memref<20480x128xf32, #tpu.memory_space<hbm>> -> memref<512x128xf32, #tpu.memory_space<hbm>>
      %dma_wait3A_83 = arith.constant 8 : i32
      %dma_wait3A_84 = arith.constant 0 : i32
      %dma_wait3A_85 = tpu.memref_slice %arg5[%arg1, %dma_wait3A_83, %dma_wait3A_84] : memref<20x528x128xf32, #tpu.memory_space<vmem_shared>> -> memref<1x512x128xf32, #tpu.memory_space<vmem_shared>>
      %dma_wait3A_86 = tpu.memref_squeeze %dma_wait3A_85 : memref<1x512x128xf32, #tpu.memory_space<vmem_shared>> -> memref<512x128xf32, #tpu.memory_space<vmem_shared>>
      tpu.wait_dma2 semaphore(%run_scoped3A : memref<!tpu.dma_semaphore, #tpu.memory_space<semaphore_mem>>) src(%dma_wait3A_86 : memref<512x128xf32, #tpu.memory_space<vmem_shared>>) dst(%dma_wait3A_82 : memref<512x128xf32, #tpu.memory_space<hbm>>)
      tpu.yield
    }) : () -> ()
    %lt3A_71 = arith.constant 4 : i32
    %lt3A_72 = arith.cmpi slt, %arg1, %lt3A_71 : i32
    %convert_element_type3A_73 = arith.extui %lt3A_72 : i1 to i32
    %cond3A_74 = arith.constant 0 : i32
    %cond3A_75 = arith.cmpi ne, %convert_element_type3A_73, %cond3A_74 : i32
    scf.if %cond3A_75 {
      %add3A_76 = arith.constant 16 : i32
      %add3A_77 = arith.addi %add3A_76, %arg1 : i32
      %mul3A_78 = arith.constant 20 : i32
      %mul3A_79 = arith.muli %arg0, %mul3A_78 : i32
      %mul3A_80 = arith.constant 512 : i32
      %mul3A_81 = arith.muli %mul3A_79, %mul3A_80 : i32
      %add3A_82 = arith.constant 16 : i32
      %add3A_83 = arith.addi %add3A_82, %arg1 : i32
      %mul3A_84 = arith.constant 512 : i32
      %mul3A_85 = arith.muli %add3A_83, %mul3A_84 : i32
      %add3A_86 = arith.addi %mul3A_81, %mul3A_85 : i32
      "tpu.region"() ({
        %run_scoped3A = tpu.sem_alloc : memref<!tpu.dma_semaphore, #tpu.memory_space<semaphore_mem>>
        %dma_start3A_87 = arith.constant 0 : i32
        %dma_start3A_88 = tpu.memref_slice %arg4[%add3A_86, %dma_start3A_87] : memref<20480x128xf32, #tpu.memory_space<hbm>> -> memref<512x128xf32, #tpu.memory_space<hbm>>
        %dma_start3A_89 = arith.constant 8 : i32
        %dma_start3A_90 = arith.constant 0 : i32
        %dma_start3A_91 = tpu.memref_slice %arg5[%add3A_77, %dma_start3A_89, %dma_start3A_90] : memref<20x528x128xf32, #tpu.memory_space<vmem_shared>> -> memref<1x512x128xf32, #tpu.memory_space<vmem_shared>>
        %dma_start3A_92 = tpu.memref_squeeze %dma_start3A_91 : memref<1x512x128xf32, #tpu.memory_space<vmem_shared>> -> memref<512x128xf32, #tpu.memory_space<vmem_shared>>
        tpu.enqueue_dma source(%dma_start3A_92 : memref<512x128xf32, #tpu.memory_space<vmem_shared>>) target(%dma_start3A_88 : memref<512x128xf32, #tpu.memory_space<hbm>>) target_semaphore(%run_scoped3A : memref<!tpu.dma_semaphore, #tpu.memory_space<semaphore_mem>>)
        %dma_wait3A = arith.constant 0 : i32
        %dma_wait3A_93 = tpu.memref_slice %arg4[%add3A_86, %dma_wait3A] : memref<20480x128xf32, #tpu.memory_space<hbm>> -> memref<512x128xf32, #tpu.memory_space<hbm>>
        %dma_wait3A_94 = arith.constant 8 : i32
        %dma_wait3A_95 = arith.constant 0 : i32
        %dma_wait3A_96 = tpu.memref_slice %arg5[%add3A_77, %dma_wait3A_94, %dma_wait3A_95] : memref<20x528x128xf32, #tpu.memory_space<vmem_shared>> -> memref<1x512x128xf32, #tpu.memory_space<vmem_shared>>
        %dma_wait3A_97 = tpu.memref_squeeze %dma_wait3A_96 : memref<1x512x128xf32, #tpu.memory_space<vmem_shared>> -> memref<512x128xf32, #tpu.memory_space<vmem_shared>>
        tpu.wait_dma2 semaphore(%run_scoped3A : memref<!tpu.dma_semaphore, #tpu.memory_space<semaphore_mem>>) src(%dma_wait3A_97 : memref<512x128xf32, #tpu.memory_space<vmem_shared>>) dst(%dma_wait3A_93 : memref<512x128xf32, #tpu.memory_space<hbm>>)
        tpu.yield
      }) : () -> ()
    } else {
    }
    return
  }
}

#map = affine_map<(d0, d1) -> (0, 0)>
#map1 = affine_map<(d0, d1) -> (0)>
module attributes {stable_mosaic.version = 14 : i64} {
  func.func @_scatter_body(%arg0: i32, %arg1: i32, %arg2: memref<160000x128xf32, #tpu.memory_space<hbm>>, %arg3: memref<160000xi32, #tpu.memory_space<hbm>>, %arg4: memref<20480x128xf32, #tpu.memory_space<hbm>>, %arg5: memref<20x528x128xf32, #tpu.memory_space<vmem_shared>>, %arg6: memref<64x128xf32, #tpu.memory_space<vmem>>, %arg7: memref<64x128xf32, #tpu.memory_space<vmem>>, %arg8: memref<64xi32, #tpu.memory_space<vmem>>, %arg9: memref<64xi32, #tpu.memory_space<vmem>>, %arg10: memref<64xi32, #tpu.memory_space<vmem>>, %arg11: memref<88x128xf32, #tpu.memory_space<vmem>>, %arg12: memref<!tpu.dma_semaphore, #tpu.memory_space<semaphore_mem>>, %arg13: memref<!tpu.dma_semaphore, #tpu.memory_space<semaphore_mem>>) attributes {dimension_semantics = [#tpu.dimension_semantics<core_parallel>, #tpu.dimension_semantics<subcore_parallel>], iteration_bounds = array<i64: 2, 16>, scalar_prefetch = 0 : i64, scratch_operands = 9 : i64, tpu.core_type = #tpu.core_type<sc_vector_subcore>, window_params = [{transform_indices = #map}, {transform_indices = #map1}, {transform_indices = #map}]} {
    %mul3A = arith.constant 2 : i32
    %mul3A_0 = arith.muli %arg1, %mul3A : i32
    %add3A = arith.addi %mul3A_0, %arg0 : i32
    %scan3A = arith.constant 0 : i32
    %scan3A_1 = arith.constant 0 : i32
    %scan3A_2 = arith.constant 88 : i32
    %scan3A_3 = arith.addi %scan3A_1, %scan3A_2 : i32
    %scan3A_4 = arith.constant 1 : i32
    scf.for %scan3A_76 = %scan3A_1 to %scan3A_3 step %scan3A_4  : i32 {
      %broadcast_in_dim3A = arith.constant 0.000000e+00 : f32
      %broadcast_in_dim3A_77 = vector.broadcast %broadcast_in_dim3A : f32 to vector<16xf32>
      %swap3A = arith.index_cast %scan3A_76 : i32 to index
      %swap3A_78 = arith.constant 0 : index
      %swap3A_79 = tpu.vector_load %arg11[%swap3A, %swap3A_78] {strides = array<i32>} : memref<88x128xf32, #tpu.memory_space<vmem>>, vector<1x16xf32>,
      %swap3A_80 = vector.shape_cast %swap3A_79 : vector<1x16xf32> to vector<16xf32>
      %swap3A_81 = vector.shape_cast %broadcast_in_dim3A_77 : vector<16xf32> to vector<1x16xf32>
      tpu.vector_store %arg11[%swap3A, %swap3A_78], %swap3A_81 {strides = array<i32>} : memref<88x128xf32, #tpu.memory_space<vmem>>, vector<1x16xf32>,
      %broadcast_in_dim3A_82 = arith.constant 0.000000e+00 : f32
      %broadcast_in_dim3A_83 = vector.broadcast %broadcast_in_dim3A_82 : f32 to vector<16xf32>
      %swap3A_84 = arith.index_cast %scan3A_76 : i32 to index
      %swap3A_85 = arith.constant 16 : index
      %swap3A_86 = tpu.vector_load %arg11[%swap3A_84, %swap3A_85] {strides = array<i32>} : memref<88x128xf32, #tpu.memory_space<vmem>>, vector<1x16xf32>,
      %swap3A_87 = vector.shape_cast %swap3A_86 : vector<1x16xf32> to vector<16xf32>
      %swap3A_88 = vector.shape_cast %broadcast_in_dim3A_83 : vector<16xf32> to vector<1x16xf32>
      tpu.vector_store %arg11[%swap3A_84, %swap3A_85], %swap3A_88 {strides = array<i32>} : memref<88x128xf32, #tpu.memory_space<vmem>>, vector<1x16xf32>,
      %broadcast_in_dim3A_89 = arith.constant 0.000000e+00 : f32
      %broadcast_in_dim3A_90 = vector.broadcast %broadcast_in_dim3A_89 : f32 to vector<16xf32>
      %swap3A_91 = arith.index_cast %scan3A_76 : i32 to index
      %swap3A_92 = arith.constant 32 : index
      %swap3A_93 = tpu.vector_load %arg11[%swap3A_91, %swap3A_92] {strides = array<i32>} : memref<88x128xf32, #tpu.memory_space<vmem>>, vector<1x16xf32>,
      %swap3A_94 = vector.shape_cast %swap3A_93 : vector<1x16xf32> to vector<16xf32>
      %swap3A_95 = vector.shape_cast %broadcast_in_dim3A_90 : vector<16xf32> to vector<1x16xf32>
      tpu.vector_store %arg11[%swap3A_91, %swap3A_92], %swap3A_95 {strides = array<i32>} : memref<88x128xf32, #tpu.memory_space<vmem>>, vector<1x16xf32>,
      %broadcast_in_dim3A_96 = arith.constant 0.000000e+00 : f32
      %broadcast_in_dim3A_97 = vector.broadcast %broadcast_in_dim3A_96 : f32 to vector<16xf32>
      %swap3A_98 = arith.index_cast %scan3A_76 : i32 to index
      %swap3A_99 = arith.constant 48 : index
      %swap3A_100 = tpu.vector_load %arg11[%swap3A_98, %swap3A_99] {strides = array<i32>} : memref<88x128xf32, #tpu.memory_space<vmem>>, vector<1x16xf32>,
      %swap3A_101 = vector.shape_cast %swap3A_100 : vector<1x16xf32> to vector<16xf32>
      %swap3A_102 = vector.shape_cast %broadcast_in_dim3A_97 : vector<16xf32> to vector<1x16xf32>
      tpu.vector_store %arg11[%swap3A_98, %swap3A_99], %swap3A_102 {strides = array<i32>} : memref<88x128xf32, #tpu.memory_space<vmem>>, vector<1x16xf32>,
      %broadcast_in_dim3A_103 = arith.constant 0.000000e+00 : f32
      %broadcast_in_dim3A_104 = vector.broadcast %broadcast_in_dim3A_103 : f32 to vector<16xf32>
      %swap3A_105 = arith.index_cast %scan3A_76 : i32 to index
      %swap3A_106 = arith.constant 64 : index
      %swap3A_107 = tpu.vector_load %arg11[%swap3A_105, %swap3A_106] {strides = array<i32>} : memref<88x128xf32, #tpu.memory_space<vmem>>, vector<1x16xf32>,
      %swap3A_108 = vector.shape_cast %swap3A_107 : vector<1x16xf32> to vector<16xf32>
      %swap3A_109 = vector.shape_cast %broadcast_in_dim3A_104 : vector<16xf32> to vector<1x16xf32>
      tpu.vector_store %arg11[%swap3A_105, %swap3A_106], %swap3A_109 {strides = array<i32>} : memref<88x128xf32, #tpu.memory_space<vmem>>, vector<1x16xf32>,
      %broadcast_in_dim3A_110 = arith.constant 0.000000e+00 : f32
      %broadcast_in_dim3A_111 = vector.broadcast %broadcast_in_dim3A_110 : f32 to vector<16xf32>
      %swap3A_112 = arith.index_cast %scan3A_76 : i32 to index
      %swap3A_113 = arith.constant 80 : index
      %swap3A_114 = tpu.vector_load %arg11[%swap3A_112, %swap3A_113] {strides = array<i32>} : memref<88x128xf32, #tpu.memory_space<vmem>>, vector<1x16xf32>,
      %swap3A_115 = vector.shape_cast %swap3A_114 : vector<1x16xf32> to vector<16xf32>
      %swap3A_116 = vector.shape_cast %broadcast_in_dim3A_111 : vector<16xf32> to vector<1x16xf32>
      tpu.vector_store %arg11[%swap3A_112, %swap3A_113], %swap3A_116 {strides = array<i32>} : memref<88x128xf32, #tpu.memory_space<vmem>>, vector<1x16xf32>,
      %broadcast_in_dim3A_117 = arith.constant 0.000000e+00 : f32
      %broadcast_in_dim3A_118 = vector.broadcast %broadcast_in_dim3A_117 : f32 to vector<16xf32>
      %swap3A_119 = arith.index_cast %scan3A_76 : i32 to index
      %swap3A_120 = arith.constant 96 : index
      %swap3A_121 = tpu.vector_load %arg11[%swap3A_119, %swap3A_120] {strides = array<i32>} : memref<88x128xf32, #tpu.memory_space<vmem>>, vector<1x16xf32>,
      %swap3A_122 = vector.shape_cast %swap3A_121 : vector<1x16xf32> to vector<16xf32>
      %swap3A_123 = vector.shape_cast %broadcast_in_dim3A_118 : vector<16xf32> to vector<1x16xf32>
      tpu.vector_store %arg11[%swap3A_119, %swap3A_120], %swap3A_123 {strides = array<i32>} : memref<88x128xf32, #tpu.memory_space<vmem>>, vector<1x16xf32>,
      %broadcast_in_dim3A_124 = arith.constant 0.000000e+00 : f32
      %broadcast_in_dim3A_125 = vector.broadcast %broadcast_in_dim3A_124 : f32 to vector<16xf32>
      %swap3A_126 = arith.index_cast %scan3A_76 : i32 to index
      %swap3A_127 = arith.constant 112 : index
      %swap3A_128 = tpu.vector_load %arg11[%swap3A_126, %swap3A_127] {strides = array<i32>} : memref<88x128xf32, #tpu.memory_space<vmem>>, vector<1x16xf32>,
      %swap3A_129 = vector.shape_cast %swap3A_128 : vector<1x16xf32> to vector<16xf32>
      %swap3A_130 = vector.shape_cast %broadcast_in_dim3A_125 : vector<16xf32> to vector<1x16xf32>
      tpu.vector_store %arg11[%swap3A_126, %swap3A_127], %swap3A_130 {strides = array<i32>} : memref<88x128xf32, #tpu.memory_space<vmem>>, vector<1x16xf32>,
    }
    %scan3A_5 = arith.constant 88 : i32
    "tpu.region"() ({
      %run_scoped3A = tpu.sem_alloc : memref<!tpu.dma_semaphore, #tpu.memory_space<semaphore_mem>>
      %dma_start3A_76 = arith.constant 0 : i32
      %dma_start3A_77 = arith.constant 0 : i32
      %dma_start3A_78 = tpu.memref_slice %arg5[%arg1, %dma_start3A_76, %dma_start3A_77] : memref<20x528x128xf32, #tpu.memory_space<vmem_shared>> -> memref<1x88x128xf32, #tpu.memory_space<vmem_shared>>
      %dma_start3A_79 = tpu.memref_squeeze %dma_start3A_78 : memref<1x88x128xf32, #tpu.memory_space<vmem_shared>> -> memref<88x128xf32, #tpu.memory_space<vmem_shared>>
      %dma_start3A_80 = arith.constant 0 : i32
      %dma_start3A_81 = arith.constant 0 : i32
      %dma_start3A_82 = tpu.memref_slice %arg5[%arg1, %dma_start3A_80, %dma_start3A_81] : memref<20x528x128xf32, #tpu.memory_space<vmem_shared>> -> memref<1x88x128xf32, #tpu.memory_space<vmem_shared>>
      %dma_start3A_83 = tpu.memref_squeeze %dma_start3A_82 : memref<1x88x128xf32, #tpu.memory_space<vmem_shared>> -> memref<88x128xf32, #tpu.memory_space<vmem_shared>>
      tpu.enqueue_dma source(%arg11 : memref<88x128xf32, #tpu.memory_space<vmem>>) target(%dma_start3A_83 : memref<88x128xf32, #tpu.memory_space<vmem_shared>>) target_semaphore(%run_scoped3A : memref<!tpu.dma_semaphore, #tpu.memory_space<semaphore_mem>>)
      %dma_wait3A = arith.constant 0 : i32
      %dma_wait3A_84 = arith.constant 0 : i32
      %dma_wait3A_85 = tpu.memref_slice %arg5[%arg1, %dma_wait3A, %dma_wait3A_84] : memref<20x528x128xf32, #tpu.memory_space<vmem_shared>> -> memref<1x88x128xf32, #tpu.memory_space<vmem_shared>>
      %dma_wait3A_86 = tpu.memref_squeeze %dma_wait3A_85 : memref<1x88x128xf32, #tpu.memory_space<vmem_shared>> -> memref<88x128xf32, #tpu.memory_space<vmem_shared>>
      %dma_wait3A_87 = arith.constant 0 : i32
      %dma_wait3A_88 = arith.constant 0 : i32
      %dma_wait3A_89 = tpu.memref_slice %arg5[%arg1, %dma_wait3A_87, %dma_wait3A_88] : memref<20x528x128xf32, #tpu.memory_space<vmem_shared>> -> memref<1x88x128xf32, #tpu.memory_space<vmem_shared>>
      %dma_wait3A_90 = tpu.memref_squeeze %dma_wait3A_89 : memref<1x88x128xf32, #tpu.memory_space<vmem_shared>> -> memref<88x128xf32, #tpu.memory_space<vmem_shared>>
      tpu.wait_dma2 semaphore(%run_scoped3A : memref<!tpu.dma_semaphore, #tpu.memory_space<semaphore_mem>>) src(%arg11 : memref<88x128xf32, #tpu.memory_space<vmem>>) dst(%dma_wait3A_90 : memref<88x128xf32, #tpu.memory_space<vmem_shared>>)
      tpu.yield
    }) : () -> ()
    %lt3A = arith.constant 4 : i32
    %lt3A_6 = arith.cmpi slt, %arg1, %lt3A : i32
    %convert_element_type3A = arith.extui %lt3A_6 : i1 to i32
    %cond3A = arith.constant 0 : i32
    %cond3A_7 = arith.cmpi ne, %convert_element_type3A, %cond3A : i32
    scf.if %cond3A_7 {
      %add3A_76 = arith.constant 16 : i32
      %add3A_77 = arith.addi %add3A_76, %arg1 : i32
      "tpu.region"() ({
        %run_scoped3A = tpu.sem_alloc : memref<!tpu.dma_semaphore, #tpu.memory_space<semaphore_mem>>
        %dma_start3A_78 = arith.constant 0 : i32
        %dma_start3A_79 = arith.constant 0 : i32
        %dma_start3A_80 = tpu.memref_slice %arg5[%add3A_77, %dma_start3A_78, %dma_start3A_79] : memref<20x528x128xf32, #tpu.memory_space<vmem_shared>> -> memref<1x88x128xf32, #tpu.memory_space<vmem_shared>>
        %dma_start3A_81 = tpu.memref_squeeze %dma_start3A_80 : memref<1x88x128xf32, #tpu.memory_space<vmem_shared>> -> memref<88x128xf32, #tpu.memory_space<vmem_shared>>
        %dma_start3A_82 = arith.constant 0 : i32
        %dma_start3A_83 = arith.constant 0 : i32
        %dma_start3A_84 = tpu.memref_slice %arg5[%add3A_77, %dma_start3A_82, %dma_start3A_83] : memref<20x528x128xf32, #tpu.memory_space<vmem_shared>> -> memref<1x88x128xf32, #tpu.memory_space<vmem_shared>>
        %dma_start3A_85 = tpu.memref_squeeze %dma_start3A_84 : memref<1x88x128xf32, #tpu.memory_space<vmem_shared>> -> memref<88x128xf32, #tpu.memory_space<vmem_shared>>
        tpu.enqueue_dma source(%arg11 : memref<88x128xf32, #tpu.memory_space<vmem>>) target(%dma_start3A_85 : memref<88x128xf32, #tpu.memory_space<vmem_shared>>) target_semaphore(%run_scoped3A : memref<!tpu.dma_semaphore, #tpu.memory_space<semaphore_mem>>)
        %dma_wait3A = arith.constant 0 : i32
        %dma_wait3A_86 = arith.constant 0 : i32
        %dma_wait3A_87 = tpu.memref_slice %arg5[%add3A_77, %dma_wait3A, %dma_wait3A_86] : memref<20x528x128xf32, #tpu.memory_space<vmem_shared>> -> memref<1x88x128xf32, #tpu.memory_space<vmem_shared>>
        %dma_wait3A_88 = tpu.memref_squeeze %dma_wait3A_87 : memref<1x88x128xf32, #tpu.memory_space<vmem_shared>> -> memref<88x128xf32, #tpu.memory_space<vmem_shared>>
        %dma_wait3A_89 = arith.constant 0 : i32
        %dma_wait3A_90 = arith.constant 0 : i32
        %dma_wait3A_91 = tpu.memref_slice %arg5[%add3A_77, %dma_wait3A_89, %dma_wait3A_90] : memref<20x528x128xf32, #tpu.memory_space<vmem_shared>> -> memref<1x88x128xf32, #tpu.memory_space<vmem_shared>>
        %dma_wait3A_92 = tpu.memref_squeeze %dma_wait3A_91 : memref<1x88x128xf32, #tpu.memory_space<vmem_shared>> -> memref<88x128xf32, #tpu.memory_space<vmem_shared>>
        tpu.wait_dma2 semaphore(%run_scoped3A : memref<!tpu.dma_semaphore, #tpu.memory_space<semaphore_mem>>) src(%arg11 : memref<88x128xf32, #tpu.memory_space<vmem>>) dst(%dma_wait3A_92 : memref<88x128xf32, #tpu.memory_space<vmem_shared>>)
        tpu.yield
      }) : () -> ()
    } else {
    }
    "tpu.region"() ({
      %run_scoped3A = tpu.sem_alloc : memref<!tpu.dma_semaphore, #tpu.memory_space<semaphore_mem>>
      %dma_start3A_76 = arith.constant 88 : i32
      %dma_start3A_77 = arith.constant 0 : i32
      %dma_start3A_78 = tpu.memref_slice %arg5[%arg1, %dma_start3A_76, %dma_start3A_77] : memref<20x528x128xf32, #tpu.memory_space<vmem_shared>> -> memref<1x88x128xf32, #tpu.memory_space<vmem_shared>>
      %dma_start3A_79 = tpu.memref_squeeze %dma_start3A_78 : memref<1x88x128xf32, #tpu.memory_space<vmem_shared>> -> memref<88x128xf32, #tpu.memory_space<vmem_shared>>
      %dma_start3A_80 = arith.constant 88 : i32
      %dma_start3A_81 = arith.constant 0 : i32
      %dma_start3A_82 = tpu.memref_slice %arg5[%arg1, %dma_start3A_80, %dma_start3A_81] : memref<20x528x128xf32, #tpu.memory_space<vmem_shared>> -> memref<1x88x128xf32, #tpu.memory_space<vmem_shared>>
      %dma_start3A_83 = tpu.memref_squeeze %dma_start3A_82 : memref<1x88x128xf32, #tpu.memory_space<vmem_shared>> -> memref<88x128xf32, #tpu.memory_space<vmem_shared>>
      tpu.enqueue_dma source(%arg11 : memref<88x128xf32, #tpu.memory_space<vmem>>) target(%dma_start3A_83 : memref<88x128xf32, #tpu.memory_space<vmem_shared>>) target_semaphore(%run_scoped3A : memref<!tpu.dma_semaphore, #tpu.memory_space<semaphore_mem>>)
      %dma_wait3A = arith.constant 88 : i32
      %dma_wait3A_84 = arith.constant 0 : i32
      %dma_wait3A_85 = tpu.memref_slice %arg5[%arg1, %dma_wait3A, %dma_wait3A_84] : memref<20x528x128xf32, #tpu.memory_space<vmem_shared>> -> memref<1x88x128xf32, #tpu.memory_space<vmem_shared>>
      %dma_wait3A_86 = tpu.memref_squeeze %dma_wait3A_85 : memref<1x88x128xf32, #tpu.memory_space<vmem_shared>> -> memref<88x128xf32, #tpu.memory_space<vmem_shared>>
      %dma_wait3A_87 = arith.constant 88 : i32
      %dma_wait3A_88 = arith.constant 0 : i32
      %dma_wait3A_89 = tpu.memref_slice %arg5[%arg1, %dma_wait3A_87, %dma_wait3A_88] : memref<20x528x128xf32, #tpu.memory_space<vmem_shared>> -> memref<1x88x128xf32, #tpu.memory_space<vmem_shared>>
      %dma_wait3A_90 = tpu.memref_squeeze %dma_wait3A_89 : memref<1x88x128xf32, #tpu.memory_space<vmem_shared>> -> memref<88x128xf32, #tpu.memory_space<vmem_shared>>
      tpu.wait_dma2 semaphore(%run_scoped3A : memref<!tpu.dma_semaphore, #tpu.memory_space<semaphore_mem>>) src(%arg11 : memref<88x128xf32, #tpu.memory_space<vmem>>) dst(%dma_wait3A_90 : memref<88x128xf32, #tpu.memory_space<vmem_shared>>)
      tpu.yield
    }) : () -> ()
    %lt3A_8 = arith.constant 4 : i32
    %lt3A_9 = arith.cmpi slt, %arg1, %lt3A_8 : i32
    %convert_element_type3A_10 = arith.extui %lt3A_9 : i1 to i32
    %cond3A_11 = arith.constant 0 : i32
    %cond3A_12 = arith.cmpi ne, %convert_element_type3A_10, %cond3A_11 : i32
    scf.if %cond3A_12 {
      %add3A_76 = arith.constant 16 : i32
      %add3A_77 = arith.addi %add3A_76, %arg1 : i32
      "tpu.region"() ({
        %run_scoped3A = tpu.sem_alloc : memref<!tpu.dma_semaphore, #tpu.memory_space<semaphore_mem>>
        %dma_start3A_78 = arith.constant 88 : i32
        %dma_start3A_79 = arith.constant 0 : i32
        %dma_start3A_80 = tpu.memref_slice %arg5[%add3A_77, %dma_start3A_78, %dma_start3A_79] : memref<20x528x128xf32, #tpu.memory_space<vmem_shared>> -> memref<1x88x128xf32, #tpu.memory_space<vmem_shared>>
        %dma_start3A_81 = tpu.memref_squeeze %dma_start3A_80 : memref<1x88x128xf32, #tpu.memory_space<vmem_shared>> -> memref<88x128xf32, #tpu.memory_space<vmem_shared>>
        %dma_start3A_82 = arith.constant 88 : i32
        %dma_start3A_83 = arith.constant 0 : i32
        %dma_start3A_84 = tpu.memref_slice %arg5[%add3A_77, %dma_start3A_82, %dma_start3A_83] : memref<20x528x128xf32, #tpu.memory_space<vmem_shared>> -> memref<1x88x128xf32, #tpu.memory_space<vmem_shared>>
        %dma_start3A_85 = tpu.memref_squeeze %dma_start3A_84 : memref<1x88x128xf32, #tpu.memory_space<vmem_shared>> -> memref<88x128xf32, #tpu.memory_space<vmem_shared>>
        tpu.enqueue_dma source(%arg11 : memref<88x128xf32, #tpu.memory_space<vmem>>) target(%dma_start3A_85 : memref<88x128xf32, #tpu.memory_space<vmem_shared>>) target_semaphore(%run_scoped3A : memref<!tpu.dma_semaphore, #tpu.memory_space<semaphore_mem>>)
        %dma_wait3A = arith.constant 88 : i32
        %dma_wait3A_86 = arith.constant 0 : i32
        %dma_wait3A_87 = tpu.memref_slice %arg5[%add3A_77, %dma_wait3A, %dma_wait3A_86] : memref<20x528x128xf32, #tpu.memory_space<vmem_shared>> -> memref<1x88x128xf32, #tpu.memory_space<vmem_shared>>
        %dma_wait3A_88 = tpu.memref_squeeze %dma_wait3A_87 : memref<1x88x128xf32, #tpu.memory_space<vmem_shared>> -> memref<88x128xf32, #tpu.memory_space<vmem_shared>>
        %dma_wait3A_89 = arith.constant 88 : i32
        %dma_wait3A_90 = arith.constant 0 : i32
        %dma_wait3A_91 = tpu.memref_slice %arg5[%add3A_77, %dma_wait3A_89, %dma_wait3A_90] : memref<20x528x128xf32, #tpu.memory_space<vmem_shared>> -> memref<1x88x128xf32, #tpu.memory_space<vmem_shared>>
        %dma_wait3A_92 = tpu.memref_squeeze %dma_wait3A_91 : memref<1x88x128xf32, #tpu.memory_space<vmem_shared>> -> memref<88x128xf32, #tpu.memory_space<vmem_shared>>
        tpu.wait_dma2 semaphore(%run_scoped3A : memref<!tpu.dma_semaphore, #tpu.memory_space<semaphore_mem>>) src(%arg11 : memref<88x128xf32, #tpu.memory_space<vmem>>) dst(%dma_wait3A_92 : memref<88x128xf32, #tpu.memory_space<vmem_shared>>)
        tpu.yield
      }) : () -> ()
    } else {
    }
    "tpu.region"() ({
      %run_scoped3A = tpu.sem_alloc : memref<!tpu.dma_semaphore, #tpu.memory_space<semaphore_mem>>
      %dma_start3A_76 = arith.constant 176 : i32
      %dma_start3A_77 = arith.constant 0 : i32
      %dma_start3A_78 = tpu.memref_slice %arg5[%arg1, %dma_start3A_76, %dma_start3A_77] : memref<20x528x128xf32, #tpu.memory_space<vmem_shared>> -> memref<1x88x128xf32, #tpu.memory_space<vmem_shared>>
      %dma_start3A_79 = tpu.memref_squeeze %dma_start3A_78 : memref<1x88x128xf32, #tpu.memory_space<vmem_shared>> -> memref<88x128xf32, #tpu.memory_space<vmem_shared>>
      %dma_start3A_80 = arith.constant 176 : i32
      %dma_start3A_81 = arith.constant 0 : i32
      %dma_start3A_82 = tpu.memref_slice %arg5[%arg1, %dma_start3A_80, %dma_start3A_81] : memref<20x528x128xf32, #tpu.memory_space<vmem_shared>> -> memref<1x88x128xf32, #tpu.memory_space<vmem_shared>>
      %dma_start3A_83 = tpu.memref_squeeze %dma_start3A_82 : memref<1x88x128xf32, #tpu.memory_space<vmem_shared>> -> memref<88x128xf32, #tpu.memory_space<vmem_shared>>
      tpu.enqueue_dma source(%arg11 : memref<88x128xf32, #tpu.memory_space<vmem>>) target(%dma_start3A_83 : memref<88x128xf32, #tpu.memory_space<vmem_shared>>) target_semaphore(%run_scoped3A : memref<!tpu.dma_semaphore, #tpu.memory_space<semaphore_mem>>)
      %dma_wait3A = arith.constant 176 : i32
      %dma_wait3A_84 = arith.constant 0 : i32
      %dma_wait3A_85 = tpu.memref_slice %arg5[%arg1, %dma_wait3A, %dma_wait3A_84] : memref<20x528x128xf32, #tpu.memory_space<vmem_shared>> -> memref<1x88x128xf32, #tpu.memory_space<vmem_shared>>
      %dma_wait3A_86 = tpu.memref_squeeze %dma_wait3A_85 : memref<1x88x128xf32, #tpu.memory_space<vmem_shared>> -> memref<88x128xf32, #tpu.memory_space<vmem_shared>>
      %dma_wait3A_87 = arith.constant 176 : i32
      %dma_wait3A_88 = arith.constant 0 : i32
      %dma_wait3A_89 = tpu.memref_slice %arg5[%arg1, %dma_wait3A_87, %dma_wait3A_88] : memref<20x528x128xf32, #tpu.memory_space<vmem_shared>> -> memref<1x88x128xf32, #tpu.memory_space<vmem_shared>>
      %dma_wait3A_90 = tpu.memref_squeeze %dma_wait3A_89 : memref<1x88x128xf32, #tpu.memory_space<vmem_shared>> -> memref<88x128xf32, #tpu.memory_space<vmem_shared>>
      tpu.wait_dma2 semaphore(%run_scoped3A : memref<!tpu.dma_semaphore, #tpu.memory_space<semaphore_mem>>) src(%arg11 : memref<88x128xf32, #tpu.memory_space<vmem>>) dst(%dma_wait3A_90 : memref<88x128xf32, #tpu.memory_space<vmem_shared>>)
      tpu.yield
    }) : () -> ()
    %lt3A_13 = arith.constant 4 : i32
    %lt3A_14 = arith.cmpi slt, %arg1, %lt3A_13 : i32
    %convert_element_type3A_15 = arith.extui %lt3A_14 : i1 to i32
    %cond3A_16 = arith.constant 0 : i32
    %cond3A_17 = arith.cmpi ne, %convert_element_type3A_15, %cond3A_16 : i32
    scf.if %cond3A_17 {
      %add3A_76 = arith.constant 16 : i32
      %add3A_77 = arith.addi %add3A_76, %arg1 : i32
      "tpu.region"() ({
        %run_scoped3A = tpu.sem_alloc : memref<!tpu.dma_semaphore, #tpu.memory_space<semaphore_mem>>
        %dma_start3A_78 = arith.constant 176 : i32
        %dma_start3A_79 = arith.constant 0 : i32
        %dma_start3A_80 = tpu.memref_slice %arg5[%add3A_77, %dma_start3A_78, %dma_start3A_79] : memref<20x528x128xf32, #tpu.memory_space<vmem_shared>> -> memref<1x88x128xf32, #tpu.memory_space<vmem_shared>>
        %dma_start3A_81 = tpu.memref_squeeze %dma_start3A_80 : memref<1x88x128xf32, #tpu.memory_space<vmem_shared>> -> memref<88x128xf32, #tpu.memory_space<vmem_shared>>
        %dma_start3A_82 = arith.constant 176 : i32
        %dma_start3A_83 = arith.constant 0 : i32
        %dma_start3A_84 = tpu.memref_slice %arg5[%add3A_77, %dma_start3A_82, %dma_start3A_83] : memref<20x528x128xf32, #tpu.memory_space<vmem_shared>> -> memref<1x88x128xf32, #tpu.memory_space<vmem_shared>>
        %dma_start3A_85 = tpu.memref_squeeze %dma_start3A_84 : memref<1x88x128xf32, #tpu.memory_space<vmem_shared>> -> memref<88x128xf32, #tpu.memory_space<vmem_shared>>
        tpu.enqueue_dma source(%arg11 : memref<88x128xf32, #tpu.memory_space<vmem>>) target(%dma_start3A_85 : memref<88x128xf32, #tpu.memory_space<vmem_shared>>) target_semaphore(%run_scoped3A : memref<!tpu.dma_semaphore, #tpu.memory_space<semaphore_mem>>)
        %dma_wait3A = arith.constant 176 : i32
        %dma_wait3A_86 = arith.constant 0 : i32
        %dma_wait3A_87 = tpu.memref_slice %arg5[%add3A_77, %dma_wait3A, %dma_wait3A_86] : memref<20x528x128xf32, #tpu.memory_space<vmem_shared>> -> memref<1x88x128xf32, #tpu.memory_space<vmem_shared>>
        %dma_wait3A_88 = tpu.memref_squeeze %dma_wait3A_87 : memref<1x88x128xf32, #tpu.memory_space<vmem_shared>> -> memref<88x128xf32, #tpu.memory_space<vmem_shared>>
        %dma_wait3A_89 = arith.constant 176 : i32
        %dma_wait3A_90 = arith.constant 0 : i32
        %dma_wait3A_91 = tpu.memref_slice %arg5[%add3A_77, %dma_wait3A_89, %dma_wait3A_90] : memref<20x528x128xf32, #tpu.memory_space<vmem_shared>> -> memref<1x88x128xf32, #tpu.memory_space<vmem_shared>>
        %dma_wait3A_92 = tpu.memref_squeeze %dma_wait3A_91 : memref<1x88x128xf32, #tpu.memory_space<vmem_shared>> -> memref<88x128xf32, #tpu.memory_space<vmem_shared>>
        tpu.wait_dma2 semaphore(%run_scoped3A : memref<!tpu.dma_semaphore, #tpu.memory_space<semaphore_mem>>) src(%arg11 : memref<88x128xf32, #tpu.memory_space<vmem>>) dst(%dma_wait3A_92 : memref<88x128xf32, #tpu.memory_space<vmem_shared>>)
        tpu.yield
      }) : () -> ()
    } else {
    }
    "tpu.region"() ({
      %run_scoped3A = tpu.sem_alloc : memref<!tpu.dma_semaphore, #tpu.memory_space<semaphore_mem>>
      %dma_start3A_76 = arith.constant 264 : i32
      %dma_start3A_77 = arith.constant 0 : i32
      %dma_start3A_78 = tpu.memref_slice %arg5[%arg1, %dma_start3A_76, %dma_start3A_77] : memref<20x528x128xf32, #tpu.memory_space<vmem_shared>> -> memref<1x88x128xf32, #tpu.memory_space<vmem_shared>>
      %dma_start3A_79 = tpu.memref_squeeze %dma_start3A_78 : memref<1x88x128xf32, #tpu.memory_space<vmem_shared>> -> memref<88x128xf32, #tpu.memory_space<vmem_shared>>
      %dma_start3A_80 = arith.constant 264 : i32
      %dma_start3A_81 = arith.constant 0 : i32
      %dma_start3A_82 = tpu.memref_slice %arg5[%arg1, %dma_start3A_80, %dma_start3A_81] : memref<20x528x128xf32, #tpu.memory_space<vmem_shared>> -> memref<1x88x128xf32, #tpu.memory_space<vmem_shared>>
      %dma_start3A_83 = tpu.memref_squeeze %dma_start3A_82 : memref<1x88x128xf32, #tpu.memory_space<vmem_shared>> -> memref<88x128xf32, #tpu.memory_space<vmem_shared>>
      tpu.enqueue_dma source(%arg11 : memref<88x128xf32, #tpu.memory_space<vmem>>) target(%dma_start3A_83 : memref<88x128xf32, #tpu.memory_space<vmem_shared>>) target_semaphore(%run_scoped3A : memref<!tpu.dma_semaphore, #tpu.memory_space<semaphore_mem>>)
      %dma_wait3A = arith.constant 264 : i32
      %dma_wait3A_84 = arith.constant 0 : i32
      %dma_wait3A_85 = tpu.memref_slice %arg5[%arg1, %dma_wait3A, %dma_wait3A_84] : memref<20x528x128xf32, #tpu.memory_space<vmem_shared>> -> memref<1x88x128xf32, #tpu.memory_space<vmem_shared>>
      %dma_wait3A_86 = tpu.memref_squeeze %dma_wait3A_85 : memref<1x88x128xf32, #tpu.memory_space<vmem_shared>> -> memref<88x128xf32, #tpu.memory_space<vmem_shared>>
      %dma_wait3A_87 = arith.constant 264 : i32
      %dma_wait3A_88 = arith.constant 0 : i32
      %dma_wait3A_89 = tpu.memref_slice %arg5[%arg1, %dma_wait3A_87, %dma_wait3A_88] : memref<20x528x128xf32, #tpu.memory_space<vmem_shared>> -> memref<1x88x128xf32, #tpu.memory_space<vmem_shared>>
      %dma_wait3A_90 = tpu.memref_squeeze %dma_wait3A_89 : memref<1x88x128xf32, #tpu.memory_space<vmem_shared>> -> memref<88x128xf32, #tpu.memory_space<vmem_shared>>
      tpu.wait_dma2 semaphore(%run_scoped3A : memref<!tpu.dma_semaphore, #tpu.memory_space<semaphore_mem>>) src(%arg11 : memref<88x128xf32, #tpu.memory_space<vmem>>) dst(%dma_wait3A_90 : memref<88x128xf32, #tpu.memory_space<vmem_shared>>)
      tpu.yield
    }) : () -> ()
    %lt3A_18 = arith.constant 4 : i32
    %lt3A_19 = arith.cmpi slt, %arg1, %lt3A_18 : i32
    %convert_element_type3A_20 = arith.extui %lt3A_19 : i1 to i32
    %cond3A_21 = arith.constant 0 : i32
    %cond3A_22 = arith.cmpi ne, %convert_element_type3A_20, %cond3A_21 : i32
    scf.if %cond3A_22 {
      %add3A_76 = arith.constant 16 : i32
      %add3A_77 = arith.addi %add3A_76, %arg1 : i32
      "tpu.region"() ({
        %run_scoped3A = tpu.sem_alloc : memref<!tpu.dma_semaphore, #tpu.memory_space<semaphore_mem>>
        %dma_start3A_78 = arith.constant 264 : i32
        %dma_start3A_79 = arith.constant 0 : i32
        %dma_start3A_80 = tpu.memref_slice %arg5[%add3A_77, %dma_start3A_78, %dma_start3A_79] : memref<20x528x128xf32, #tpu.memory_space<vmem_shared>> -> memref<1x88x128xf32, #tpu.memory_space<vmem_shared>>
        %dma_start3A_81 = tpu.memref_squeeze %dma_start3A_80 : memref<1x88x128xf32, #tpu.memory_space<vmem_shared>> -> memref<88x128xf32, #tpu.memory_space<vmem_shared>>
        %dma_start3A_82 = arith.constant 264 : i32
        %dma_start3A_83 = arith.constant 0 : i32
        %dma_start3A_84 = tpu.memref_slice %arg5[%add3A_77, %dma_start3A_82, %dma_start3A_83] : memref<20x528x128xf32, #tpu.memory_space<vmem_shared>> -> memref<1x88x128xf32, #tpu.memory_space<vmem_shared>>
        %dma_start3A_85 = tpu.memref_squeeze %dma_start3A_84 : memref<1x88x128xf32, #tpu.memory_space<vmem_shared>> -> memref<88x128xf32, #tpu.memory_space<vmem_shared>>
        tpu.enqueue_dma source(%arg11 : memref<88x128xf32, #tpu.memory_space<vmem>>) target(%dma_start3A_85 : memref<88x128xf32, #tpu.memory_space<vmem_shared>>) target_semaphore(%run_scoped3A : memref<!tpu.dma_semaphore, #tpu.memory_space<semaphore_mem>>)
        %dma_wait3A = arith.constant 264 : i32
        %dma_wait3A_86 = arith.constant 0 : i32
        %dma_wait3A_87 = tpu.memref_slice %arg5[%add3A_77, %dma_wait3A, %dma_wait3A_86] : memref<20x528x128xf32, #tpu.memory_space<vmem_shared>> -> memref<1x88x128xf32, #tpu.memory_space<vmem_shared>>
        %dma_wait3A_88 = tpu.memref_squeeze %dma_wait3A_87 : memref<1x88x128xf32, #tpu.memory_space<vmem_shared>> -> memref<88x128xf32, #tpu.memory_space<vmem_shared>>
        %dma_wait3A_89 = arith.constant 264 : i32
        %dma_wait3A_90 = arith.constant 0 : i32
        %dma_wait3A_91 = tpu.memref_slice %arg5[%add3A_77, %dma_wait3A_89, %dma_wait3A_90] : memref<20x528x128xf32, #tpu.memory_space<vmem_shared>> -> memref<1x88x128xf32, #tpu.memory_space<vmem_shared>>
        %dma_wait3A_92 = tpu.memref_squeeze %dma_wait3A_91 : memref<1x88x128xf32, #tpu.memory_space<vmem_shared>> -> memref<88x128xf32, #tpu.memory_space<vmem_shared>>
        tpu.wait_dma2 semaphore(%run_scoped3A : memref<!tpu.dma_semaphore, #tpu.memory_space<semaphore_mem>>) src(%arg11 : memref<88x128xf32, #tpu.memory_space<vmem>>) dst(%dma_wait3A_92 : memref<88x128xf32, #tpu.memory_space<vmem_shared>>)
        tpu.yield
      }) : () -> ()
    } else {
    }
    "tpu.region"() ({
      %run_scoped3A = tpu.sem_alloc : memref<!tpu.dma_semaphore, #tpu.memory_space<semaphore_mem>>
      %dma_start3A_76 = arith.constant 352 : i32
      %dma_start3A_77 = arith.constant 0 : i32
      %dma_start3A_78 = tpu.memref_slice %arg5[%arg1, %dma_start3A_76, %dma_start3A_77] : memref<20x528x128xf32, #tpu.memory_space<vmem_shared>> -> memref<1x88x128xf32, #tpu.memory_space<vmem_shared>>
      %dma_start3A_79 = tpu.memref_squeeze %dma_start3A_78 : memref<1x88x128xf32, #tpu.memory_space<vmem_shared>> -> memref<88x128xf32, #tpu.memory_space<vmem_shared>>
      %dma_start3A_80 = arith.constant 352 : i32
      %dma_start3A_81 = arith.constant 0 : i32
      %dma_start3A_82 = tpu.memref_slice %arg5[%arg1, %dma_start3A_80, %dma_start3A_81] : memref<20x528x128xf32, #tpu.memory_space<vmem_shared>> -> memref<1x88x128xf32, #tpu.memory_space<vmem_shared>>
      %dma_start3A_83 = tpu.memref_squeeze %dma_start3A_82 : memref<1x88x128xf32, #tpu.memory_space<vmem_shared>> -> memref<88x128xf32, #tpu.memory_space<vmem_shared>>
      tpu.enqueue_dma source(%arg11 : memref<88x128xf32, #tpu.memory_space<vmem>>) target(%dma_start3A_83 : memref<88x128xf32, #tpu.memory_space<vmem_shared>>) target_semaphore(%run_scoped3A : memref<!tpu.dma_semaphore, #tpu.memory_space<semaphore_mem>>)
      %dma_wait3A = arith.constant 352 : i32
      %dma_wait3A_84 = arith.constant 0 : i32
      %dma_wait3A_85 = tpu.memref_slice %arg5[%arg1, %dma_wait3A, %dma_wait3A_84] : memref<20x528x128xf32, #tpu.memory_space<vmem_shared>> -> memref<1x88x128xf32, #tpu.memory_space<vmem_shared>>
      %dma_wait3A_86 = tpu.memref_squeeze %dma_wait3A_85 : memref<1x88x128xf32, #tpu.memory_space<vmem_shared>> -> memref<88x128xf32, #tpu.memory_space<vmem_shared>>
      %dma_wait3A_87 = arith.constant 352 : i32
      %dma_wait3A_88 = arith.constant 0 : i32
      %dma_wait3A_89 = tpu.memref_slice %arg5[%arg1, %dma_wait3A_87, %dma_wait3A_88] : memref<20x528x128xf32, #tpu.memory_space<vmem_shared>> -> memref<1x88x128xf32, #tpu.memory_space<vmem_shared>>
      %dma_wait3A_90 = tpu.memref_squeeze %dma_wait3A_89 : memref<1x88x128xf32, #tpu.memory_space<vmem_shared>> -> memref<88x128xf32, #tpu.memory_space<vmem_shared>>
      tpu.wait_dma2 semaphore(%run_scoped3A : memref<!tpu.dma_semaphore, #tpu.memory_space<semaphore_mem>>) src(%arg11 : memref<88x128xf32, #tpu.memory_space<vmem>>) dst(%dma_wait3A_90 : memref<88x128xf32, #tpu.memory_space<vmem_shared>>)
      tpu.yield
    }) : () -> ()
    %lt3A_23 = arith.constant 4 : i32
    %lt3A_24 = arith.cmpi slt, %arg1, %lt3A_23 : i32
    %convert_element_type3A_25 = arith.extui %lt3A_24 : i1 to i32
    %cond3A_26 = arith.constant 0 : i32
    %cond3A_27 = arith.cmpi ne, %convert_element_type3A_25, %cond3A_26 : i32
    scf.if %cond3A_27 {
      %add3A_76 = arith.constant 16 : i32
      %add3A_77 = arith.addi %add3A_76, %arg1 : i32
      "tpu.region"() ({
        %run_scoped3A = tpu.sem_alloc : memref<!tpu.dma_semaphore, #tpu.memory_space<semaphore_mem>>
        %dma_start3A_78 = arith.constant 352 : i32
        %dma_start3A_79 = arith.constant 0 : i32
        %dma_start3A_80 = tpu.memref_slice %arg5[%add3A_77, %dma_start3A_78, %dma_start3A_79] : memref<20x528x128xf32, #tpu.memory_space<vmem_shared>> -> memref<1x88x128xf32, #tpu.memory_space<vmem_shared>>
        %dma_start3A_81 = tpu.memref_squeeze %dma_start3A_80 : memref<1x88x128xf32, #tpu.memory_space<vmem_shared>> -> memref<88x128xf32, #tpu.memory_space<vmem_shared>>
        %dma_start3A_82 = arith.constant 352 : i32
        %dma_start3A_83 = arith.constant 0 : i32
        %dma_start3A_84 = tpu.memref_slice %arg5[%add3A_77, %dma_start3A_82, %dma_start3A_83] : memref<20x528x128xf32, #tpu.memory_space<vmem_shared>> -> memref<1x88x128xf32, #tpu.memory_space<vmem_shared>>
        %dma_start3A_85 = tpu.memref_squeeze %dma_start3A_84 : memref<1x88x128xf32, #tpu.memory_space<vmem_shared>> -> memref<88x128xf32, #tpu.memory_space<vmem_shared>>
        tpu.enqueue_dma source(%arg11 : memref<88x128xf32, #tpu.memory_space<vmem>>) target(%dma_start3A_85 : memref<88x128xf32, #tpu.memory_space<vmem_shared>>) target_semaphore(%run_scoped3A : memref<!tpu.dma_semaphore, #tpu.memory_space<semaphore_mem>>)
        %dma_wait3A = arith.constant 352 : i32
        %dma_wait3A_86 = arith.constant 0 : i32
        %dma_wait3A_87 = tpu.memref_slice %arg5[%add3A_77, %dma_wait3A, %dma_wait3A_86] : memref<20x528x128xf32, #tpu.memory_space<vmem_shared>> -> memref<1x88x128xf32, #tpu.memory_space<vmem_shared>>
        %dma_wait3A_88 = tpu.memref_squeeze %dma_wait3A_87 : memref<1x88x128xf32, #tpu.memory_space<vmem_shared>> -> memref<88x128xf32, #tpu.memory_space<vmem_shared>>
        %dma_wait3A_89 = arith.constant 352 : i32
        %dma_wait3A_90 = arith.constant 0 : i32
        %dma_wait3A_91 = tpu.memref_slice %arg5[%add3A_77, %dma_wait3A_89, %dma_wait3A_90] : memref<20x528x128xf32, #tpu.memory_space<vmem_shared>> -> memref<1x88x128xf32, #tpu.memory_space<vmem_shared>>
        %dma_wait3A_92 = tpu.memref_squeeze %dma_wait3A_91 : memref<1x88x128xf32, #tpu.memory_space<vmem_shared>> -> memref<88x128xf32, #tpu.memory_space<vmem_shared>>
        tpu.wait_dma2 semaphore(%run_scoped3A : memref<!tpu.dma_semaphore, #tpu.memory_space<semaphore_mem>>) src(%arg11 : memref<88x128xf32, #tpu.memory_space<vmem>>) dst(%dma_wait3A_92 : memref<88x128xf32, #tpu.memory_space<vmem_shared>>)
        tpu.yield
      }) : () -> ()
    } else {
    }
    "tpu.region"() ({
      %run_scoped3A = tpu.sem_alloc : memref<!tpu.dma_semaphore, #tpu.memory_space<semaphore_mem>>
      %dma_start3A_76 = arith.constant 440 : i32
      %dma_start3A_77 = arith.constant 0 : i32
      %dma_start3A_78 = tpu.memref_slice %arg5[%arg1, %dma_start3A_76, %dma_start3A_77] : memref<20x528x128xf32, #tpu.memory_space<vmem_shared>> -> memref<1x88x128xf32, #tpu.memory_space<vmem_shared>>
      %dma_start3A_79 = tpu.memref_squeeze %dma_start3A_78 : memref<1x88x128xf32, #tpu.memory_space<vmem_shared>> -> memref<88x128xf32, #tpu.memory_space<vmem_shared>>
      %dma_start3A_80 = arith.constant 440 : i32
      %dma_start3A_81 = arith.constant 0 : i32
      %dma_start3A_82 = tpu.memref_slice %arg5[%arg1, %dma_start3A_80, %dma_start3A_81] : memref<20x528x128xf32, #tpu.memory_space<vmem_shared>> -> memref<1x88x128xf32, #tpu.memory_space<vmem_shared>>
      %dma_start3A_83 = tpu.memref_squeeze %dma_start3A_82 : memref<1x88x128xf32, #tpu.memory_space<vmem_shared>> -> memref<88x128xf32, #tpu.memory_space<vmem_shared>>
      tpu.enqueue_dma source(%arg11 : memref<88x128xf32, #tpu.memory_space<vmem>>) target(%dma_start3A_83 : memref<88x128xf32, #tpu.memory_space<vmem_shared>>) target_semaphore(%run_scoped3A : memref<!tpu.dma_semaphore, #tpu.memory_space<semaphore_mem>>)
      %dma_wait3A = arith.constant 440 : i32
      %dma_wait3A_84 = arith.constant 0 : i32
      %dma_wait3A_85 = tpu.memref_slice %arg5[%arg1, %dma_wait3A, %dma_wait3A_84] : memref<20x528x128xf32, #tpu.memory_space<vmem_shared>> -> memref<1x88x128xf32, #tpu.memory_space<vmem_shared>>
      %dma_wait3A_86 = tpu.memref_squeeze %dma_wait3A_85 : memref<1x88x128xf32, #tpu.memory_space<vmem_shared>> -> memref<88x128xf32, #tpu.memory_space<vmem_shared>>
      %dma_wait3A_87 = arith.constant 440 : i32
      %dma_wait3A_88 = arith.constant 0 : i32
      %dma_wait3A_89 = tpu.memref_slice %arg5[%arg1, %dma_wait3A_87, %dma_wait3A_88] : memref<20x528x128xf32, #tpu.memory_space<vmem_shared>> -> memref<1x88x128xf32, #tpu.memory_space<vmem_shared>>
      %dma_wait3A_90 = tpu.memref_squeeze %dma_wait3A_89 : memref<1x88x128xf32, #tpu.memory_space<vmem_shared>> -> memref<88x128xf32, #tpu.memory_space<vmem_shared>>
      tpu.wait_dma2 semaphore(%run_scoped3A : memref<!tpu.dma_semaphore, #tpu.memory_space<semaphore_mem>>) src(%arg11 : memref<88x128xf32, #tpu.memory_space<vmem>>) dst(%dma_wait3A_90 : memref<88x128xf32, #tpu.memory_space<vmem_shared>>)
      tpu.yield
    }) : () -> ()
    %lt3A_28 = arith.constant 4 : i32
    %lt3A_29 = arith.cmpi slt, %arg1, %lt3A_28 : i32
    %convert_element_type3A_30 = arith.extui %lt3A_29 : i1 to i32
    %cond3A_31 = arith.constant 0 : i32
    %cond3A_32 = arith.cmpi ne, %convert_element_type3A_30, %cond3A_31 : i32
    scf.if %cond3A_32 {
      %add3A_76 = arith.constant 16 : i32
      %add3A_77 = arith.addi %add3A_76, %arg1 : i32
      "tpu.region"() ({
        %run_scoped3A = tpu.sem_alloc : memref<!tpu.dma_semaphore, #tpu.memory_space<semaphore_mem>>
        %dma_start3A_78 = arith.constant 440 : i32
        %dma_start3A_79 = arith.constant 0 : i32
        %dma_start3A_80 = tpu.memref_slice %arg5[%add3A_77, %dma_start3A_78, %dma_start3A_79] : memref<20x528x128xf32, #tpu.memory_space<vmem_shared>> -> memref<1x88x128xf32, #tpu.memory_space<vmem_shared>>
        %dma_start3A_81 = tpu.memref_squeeze %dma_start3A_80 : memref<1x88x128xf32, #tpu.memory_space<vmem_shared>> -> memref<88x128xf32, #tpu.memory_space<vmem_shared>>
        %dma_start3A_82 = arith.constant 440 : i32
        %dma_start3A_83 = arith.constant 0 : i32
        %dma_start3A_84 = tpu.memref_slice %arg5[%add3A_77, %dma_start3A_82, %dma_start3A_83] : memref<20x528x128xf32, #tpu.memory_space<vmem_shared>> -> memref<1x88x128xf32, #tpu.memory_space<vmem_shared>>
        %dma_start3A_85 = tpu.memref_squeeze %dma_start3A_84 : memref<1x88x128xf32, #tpu.memory_space<vmem_shared>> -> memref<88x128xf32, #tpu.memory_space<vmem_shared>>
        tpu.enqueue_dma source(%arg11 : memref<88x128xf32, #tpu.memory_space<vmem>>) target(%dma_start3A_85 : memref<88x128xf32, #tpu.memory_space<vmem_shared>>) target_semaphore(%run_scoped3A : memref<!tpu.dma_semaphore, #tpu.memory_space<semaphore_mem>>)
        %dma_wait3A = arith.constant 440 : i32
        %dma_wait3A_86 = arith.constant 0 : i32
        %dma_wait3A_87 = tpu.memref_slice %arg5[%add3A_77, %dma_wait3A, %dma_wait3A_86] : memref<20x528x128xf32, #tpu.memory_space<vmem_shared>> -> memref<1x88x128xf32, #tpu.memory_space<vmem_shared>>
        %dma_wait3A_88 = tpu.memref_squeeze %dma_wait3A_87 : memref<1x88x128xf32, #tpu.memory_space<vmem_shared>> -> memref<88x128xf32, #tpu.memory_space<vmem_shared>>
        %dma_wait3A_89 = arith.constant 440 : i32
        %dma_wait3A_90 = arith.constant 0 : i32
        %dma_wait3A_91 = tpu.memref_slice %arg5[%add3A_77, %dma_wait3A_89, %dma_wait3A_90] : memref<20x528x128xf32, #tpu.memory_space<vmem_shared>> -> memref<1x88x128xf32, #tpu.memory_space<vmem_shared>>
        %dma_wait3A_92 = tpu.memref_squeeze %dma_wait3A_91 : memref<1x88x128xf32, #tpu.memory_space<vmem_shared>> -> memref<88x128xf32, #tpu.memory_space<vmem_shared>>
        tpu.wait_dma2 semaphore(%run_scoped3A : memref<!tpu.dma_semaphore, #tpu.memory_space<semaphore_mem>>) src(%arg11 : memref<88x128xf32, #tpu.memory_space<vmem>>) dst(%dma_wait3A_92 : memref<88x128xf32, #tpu.memory_space<vmem_shared>>)
        tpu.yield
      }) : () -> ()
    } else {
    }
    %barrier3A = arith.constant 0 : index
    tpu.barrier barrier_id(%barrier3A)
    %mul3A_33 = arith.constant 78 : i32
    %mul3A_34 = arith.muli %add3A, %mul3A_33 : i32
    %mul3A_35 = arith.constant 64 : i32
    %mul3A_36 = arith.muli %mul3A_34, %mul3A_35 : i32
    %dma_start3A = tpu.memref_slice %arg3[%mul3A_36] : memref<160000xi32, #tpu.memory_space<hbm>> -> memref<64xi32, #tpu.memory_space<hbm>>
    %dma_start3A_37 = tpu.memref_slice %arg3[%mul3A_36] : memref<160000xi32, #tpu.memory_space<hbm>> -> memref<64xi32, #tpu.memory_space<hbm>>
    tpu.enqueue_dma source(%dma_start3A_37 : memref<64xi32, #tpu.memory_space<hbm>>) target(%arg8 : memref<64xi32, #tpu.memory_space<vmem>>) target_semaphore(%arg12 : memref<!tpu.dma_semaphore, #tpu.memory_space<semaphore_mem>>)
    %dma_start3A_38 = arith.constant 0 : i32
    %dma_start3A_39 = tpu.memref_slice %arg2[%mul3A_36, %dma_start3A_38] : memref<160000x128xf32, #tpu.memory_space<hbm>> -> memref<64x128xf32, #tpu.memory_space<hbm>>
    %dma_start3A_40 = arith.constant 0 : i32
    %dma_start3A_41 = tpu.memref_slice %arg2[%mul3A_36, %dma_start3A_40] : memref<160000x128xf32, #tpu.memory_space<hbm>> -> memref<64x128xf32, #tpu.memory_space<hbm>>
    tpu.enqueue_dma source(%dma_start3A_41 : memref<64x128xf32, #tpu.memory_space<hbm>>) target(%arg6 : memref<64x128xf32, #tpu.memory_space<vmem>>) target_semaphore(%arg12 : memref<!tpu.dma_semaphore, #tpu.memory_space<semaphore_mem>>)
    %add3A_42 = arith.constant 1 : i32
    %add3A_43 = arith.addi %mul3A_34, %add3A_42 : i32
    %mul3A_44 = arith.constant 64 : i32
    %mul3A_45 = arith.muli %add3A_43, %mul3A_44 : i32
    %dma_start3A_46 = tpu.memref_slice %arg3[%mul3A_45] : memref<160000xi32, #tpu.memory_space<hbm>> -> memref<64xi32, #tpu.memory_space<hbm>>
    %dma_start3A_47 = tpu.memref_slice %arg3[%mul3A_45] : memref<160000xi32, #tpu.memory_space<hbm>> -> memref<64xi32, #tpu.memory_space<hbm>>
    tpu.enqueue_dma source(%dma_start3A_47 : memref<64xi32, #tpu.memory_space<hbm>>) target(%arg9 : memref<64xi32, #tpu.memory_space<vmem>>) target_semaphore(%arg13 : memref<!tpu.dma_semaphore, #tpu.memory_space<semaphore_mem>>)
    %dma_start3A_48 = arith.constant 0 : i32
    %dma_start3A_49 = tpu.memref_slice %arg2[%mul3A_45, %dma_start3A_48] : memref<160000x128xf32, #tpu.memory_space<hbm>> -> memref<64x128xf32, #tpu.memory_space<hbm>>
    %dma_start3A_50 = arith.constant 0 : i32
    %dma_start3A_51 = tpu.memref_slice %arg2[%mul3A_45, %dma_start3A_50] : memref<160000x128xf32, #tpu.memory_space<hbm>> -> memref<64x128xf32, #tpu.memory_space<hbm>>
    tpu.enqueue_dma source(%dma_start3A_51 : memref<64x128xf32, #tpu.memory_space<hbm>>) target(%arg7 : memref<64x128xf32, #tpu.memory_space<vmem>>) target_semaphore(%arg13 : memref<!tpu.dma_semaphore, #tpu.memory_space<semaphore_mem>>)
    %scan3A_52 = arith.constant 0 : i32
    %scan3A_53 = arith.constant 0 : i32
    %scan3A_54 = arith.constant 39 : i32
    %scan3A_55 = arith.addi %scan3A_53, %scan3A_54 : i32
    %scan3A_56 = arith.constant 1 : i32
    scf.for %scan3A_76 = %scan3A_53 to %scan3A_55 step %scan3A_56  : i32 {
      %mul3A_77 = arith.constant 2 : i32
      %mul3A_78 = arith.muli %mul3A_77, %scan3A_76 : i32
      %dma_wait3A = arith.constant 0 : i32
      %dma_wait3A_79 = tpu.memref_slice %arg3[%dma_wait3A] : memref<160000xi32, #tpu.memory_space<hbm>> -> memref<64xi32, #tpu.memory_space<hbm>>
      %dma_wait3A_80 = arith.constant 0 : i32
      %dma_wait3A_81 = tpu.memref_slice %arg3[%dma_wait3A_80] : memref<160000xi32, #tpu.memory_space<hbm>> -> memref<64xi32, #tpu.memory_space<hbm>>
      tpu.wait_dma2 semaphore(%arg12 : memref<!tpu.dma_semaphore, #tpu.memory_space<semaphore_mem>>) src(%dma_wait3A_81 : memref<64xi32, #tpu.memory_space<hbm>>) dst(%arg8 : memref<64xi32, #tpu.memory_space<vmem>>)
      %dma_wait3A_82 = arith.constant 0 : i32
      %dma_wait3A_83 = arith.constant 0 : i32
      %dma_wait3A_84 = tpu.memref_slice %arg2[%dma_wait3A_82, %dma_wait3A_83] : memref<160000x128xf32, #tpu.memory_space<hbm>> -> memref<64x128xf32, #tpu.memory_space<hbm>>
      %dma_wait3A_85 = arith.constant 0 : i32
      %dma_wait3A_86 = arith.constant 0 : i32
      %dma_wait3A_87 = tpu.memref_slice %arg2[%dma_wait3A_85, %dma_wait3A_86] : memref<160000x128xf32, #tpu.memory_space<hbm>> -> memref<64x128xf32, #tpu.memory_space<hbm>>
      tpu.wait_dma2 semaphore(%arg12 : memref<!tpu.dma_semaphore, #tpu.memory_space<semaphore_mem>>) src(%dma_wait3A_87 : memref<64x128xf32, #tpu.memory_space<hbm>>) dst(%arg6 : memref<64x128xf32, #tpu.memory_space<vmem>>)
      %get3A = arith.constant 0 : index
      %get3A_88 = tpu.vector_load %arg8[%get3A] {strides = array<i32>} : memref<64xi32, #tpu.memory_space<vmem>>, vector<16xi32>,
      %get3A_89 = vector.shape_cast %get3A_88 : vector<16xi32> to vector<16xi32>
      %slice3A = vector.extract_strided_slice %get3A_89 {offsets = [0], sizes = [1], strides = [1]} : vector<16xi32> to vector<1xi32>
      %squeeze3A = vector.extract %slice3A[0] : i32 from vector<1xi32>
      %jit3A = arith.constant 512 : i32
      %div3A = arith.divsi %squeeze3A, %jit3A : i32
      %sign3A = arith.constant 0 : i32
      %sign3A_90 = arith.cmpi sgt, %squeeze3A, %sign3A : i32
      %sign3A_91 = arith.extui %sign3A_90 : i1 to i32
      %sign3A_92 = arith.constant 0 : i32
      %sign3A_93 = arith.cmpi slt, %squeeze3A, %sign3A_92 : i32
      %sign3A_94 = arith.extui %sign3A_93 : i1 to i32
      %sign3A_95 = arith.subi %sign3A_91, %sign3A_94 : i32
      %sign3A_96 = arith.constant 0 : i32
      %sign3A_97 = arith.cmpi sgt, %jit3A, %sign3A_96 : i32
      %sign3A_98 = arith.extui %sign3A_97 : i1 to i32
      %sign3A_99 = arith.constant 0 : i32
      %sign3A_100 = arith.cmpi slt, %jit3A, %sign3A_99 : i32
      %sign3A_101 = arith.extui %sign3A_100 : i1 to i32
      %sign3A_102 = arith.subi %sign3A_98, %sign3A_101 : i32
      %ne3A = arith.cmpi ne, %sign3A_95, %sign3A_102 : i32
      %rem3A = arith.remsi %squeeze3A, %jit3A : i32
      %ne3A_103 = arith.constant 0 : i32
      %ne3A_104 = arith.cmpi ne, %rem3A, %ne3A_103 : i32
      %and3A = arith.andi %ne3A, %ne3A_104 : i1
      %sub3A = arith.constant 1 : i32
      %sub3A_105 = arith.subi %div3A, %sub3A : i32
      %select_n3A = arith.select %and3A, %sub3A_105, %div3A : i32
      %get3A_106 = arith.constant 48 : index
      %get3A_107 = tpu.vector_load %arg8[%get3A_106] {strides = array<i32>} : memref<64xi32, #tpu.memory_space<vmem>>, vector<16xi32>,
      %get3A_108 = vector.shape_cast %get3A_107 : vector<16xi32> to vector<16xi32>
      %slice3A_109 = vector.extract_strided_slice %get3A_108 {offsets = [15], sizes = [1], strides = [1]} : vector<16xi32> to vector<1xi32>
      %squeeze3A_110 = vector.extract %slice3A_109[0] : i32 from vector<1xi32>
      %jit3A_111 = arith.constant 512 : i32
      %div3A_112 = arith.divsi %squeeze3A_110, %jit3A_111 : i32
      %sign3A_113 = arith.constant 0 : i32
      %sign3A_114 = arith.cmpi sgt, %squeeze3A_110, %sign3A_113 : i32
      %sign3A_115 = arith.extui %sign3A_114 : i1 to i32
      %sign3A_116 = arith.constant 0 : i32
      %sign3A_117 = arith.cmpi slt, %squeeze3A_110, %sign3A_116 : i32
      %sign3A_118 = arith.extui %sign3A_117 : i1 to i32
      %sign3A_119 = arith.subi %sign3A_115, %sign3A_118 : i32
      %sign3A_120 = arith.constant 0 : i32
      %sign3A_121 = arith.cmpi sgt, %jit3A_111, %sign3A_120 : i32
      %sign3A_122 = arith.extui %sign3A_121 : i1 to i32
      %sign3A_123 = arith.constant 0 : i32
      %sign3A_124 = arith.cmpi slt, %jit3A_111, %sign3A_123 : i32
      %sign3A_125 = arith.extui %sign3A_124 : i1 to i32
      %sign3A_126 = arith.subi %sign3A_122, %sign3A_125 : i32
      %ne3A_127 = arith.cmpi ne, %sign3A_119, %sign3A_126 : i32
      %rem3A_128 = arith.remsi %squeeze3A_110, %jit3A_111 : i32
      %ne3A_129 = arith.constant 0 : i32
      %ne3A_130 = arith.cmpi ne, %rem3A_128, %ne3A_129 : i32
      %and3A_131 = arith.andi %ne3A_127, %ne3A_130 : i1
      %sub3A_132 = arith.constant 1 : i32
      %sub3A_133 = arith.subi %div3A_112, %sub3A_132 : i32
      %select_n3A_134 = arith.select %and3A_131, %sub3A_133, %div3A_112 : i32
      %add3A_135 = arith.constant 1 : i32
      %add3A_136 = arith.addi %select_n3A_134, %add3A_135 : i32
      %while3A = arith.constant 0 : i32
      %while3A_137 = arith.subi %add3A_136, %select_n3A : i32
      %while3A_138 = arith.addi %select_n3A, %while3A_137 : i32
      %while3A_139 = arith.constant 1 : i32
      %while3A_140 = arith.divsi %while3A_137, %while3A_139 : i32
      %while3A_141 = arith.muli %while3A_140, %while3A_139 : i32
      %while3A_142 = arith.addi %select_n3A, %while3A_141 : i32
      %while3A_143 = arith.constant 1 : i32
      scf.for %while3A_242 = %select_n3A to %while3A_142 step %while3A_143  : i32 {
        %mul3A_243 = arith.constant 512 : i32
        %mul3A_244 = arith.muli %while3A_242, %mul3A_243 : i32
        %sub3A_245 = arith.constant 8 : i32
        %sub3A_246 = arith.subi %mul3A_244, %sub3A_245 : i32
        %get3A_247 = arith.constant 0 : index
        %get3A_248 = tpu.vector_load %arg8[%get3A_247] {strides = array<i32>} : memref<64xi32, #tpu.memory_space<vmem>>, vector<16xi32>,
        %get3A_249 = vector.shape_cast %get3A_248 : vector<16xi32> to vector<16xi32>
        %sub3A_250 = vector.broadcast %sub3A_246 : i32 to vector<16xi32>
        %sub3A_251 = arith.subi %get3A_249, %sub3A_250 : vector<16xi32>
        %jit3A_252 = arith.constant 0 : i32
        %jit3A_253 = arith.constant 520 : i32
        %max3A = vector.broadcast %jit3A_252 : i32 to vector<16xi32>
        %max3A_254 = arith.maxsi %max3A, %sub3A_251 : vector<16xi32>
        %min3A = vector.broadcast %jit3A_253 : i32 to vector<16xi32>
        %min3A_255 = arith.minsi %min3A, %max3A_254 : vector<16xi32>
        %swap3A = arith.constant 0 : index
        %swap3A_256 = tpu.vector_load %arg10[%swap3A] {strides = array<i32>} : memref<64xi32, #tpu.memory_space<vmem>>, vector<16xi32>,
        %swap3A_257 = vector.shape_cast %swap3A_256 : vector<16xi32> to vector<16xi32>
        %swap3A_258 = vector.shape_cast %min3A_255 : vector<16xi32> to vector<16xi32>
        tpu.vector_store %arg10[%swap3A], %swap3A_258 {strides = array<i32>} : memref<64xi32, #tpu.memory_space<vmem>>, vector<16xi32>,
        %get3A_259 = arith.constant 16 : index
        %get3A_260 = tpu.vector_load %arg8[%get3A_259] {strides = array<i32>} : memref<64xi32, #tpu.memory_space<vmem>>, vector<16xi32>,
        %get3A_261 = vector.shape_cast %get3A_260 : vector<16xi32> to vector<16xi32>
        %sub3A_262 = vector.broadcast %sub3A_246 : i32 to vector<16xi32>
        %sub3A_263 = arith.subi %get3A_261, %sub3A_262 : vector<16xi32>
        %jit3A_264 = arith.constant 0 : i32
        %jit3A_265 = arith.constant 520 : i32
        %max3A_266 = vector.broadcast %jit3A_264 : i32 to vector<16xi32>
        %max3A_267 = arith.maxsi %max3A_266, %sub3A_263 : vector<16xi32>
        %min3A_268 = vector.broadcast %jit3A_265 : i32 to vector<16xi32>
        %min3A_269 = arith.minsi %min3A_268, %max3A_267 : vector<16xi32>
        %swap3A_270 = arith.constant 16 : index
        %swap3A_271 = tpu.vector_load %arg10[%swap3A_270] {strides = array<i32>} : memref<64xi32, #tpu.memory_space<vmem>>, vector<16xi32>,
        %swap3A_272 = vector.shape_cast %swap3A_271 : vector<16xi32> to vector<16xi32>
        %swap3A_273 = vector.shape_cast %min3A_269 : vector<16xi32> to vector<16xi32>
        tpu.vector_store %arg10[%swap3A_270], %swap3A_273 {strides = array<i32>} : memref<64xi32, #tpu.memory_space<vmem>>, vector<16xi32>,
        %get3A_274 = arith.constant 32 : index
        %get3A_275 = tpu.vector_load %arg8[%get3A_274] {strides = array<i32>} : memref<64xi32, #tpu.memory_space<vmem>>, vector<16xi32>,
        %get3A_276 = vector.shape_cast %get3A_275 : vector<16xi32> to vector<16xi32>
        %sub3A_277 = vector.broadcast %sub3A_246 : i32 to vector<16xi32>
        %sub3A_278 = arith.subi %get3A_276, %sub3A_277 : vector<16xi32>
        %jit3A_279 = arith.constant 0 : i32
        %jit3A_280 = arith.constant 520 : i32
        %max3A_281 = vector.broadcast %jit3A_279 : i32 to vector<16xi32>
        %max3A_282 = arith.maxsi %max3A_281, %sub3A_278 : vector<16xi32>
        %min3A_283 = vector.broadcast %jit3A_280 : i32 to vector<16xi32>
        %min3A_284 = arith.minsi %min3A_283, %max3A_282 : vector<16xi32>
        %swap3A_285 = arith.constant 32 : index
        %swap3A_286 = tpu.vector_load %arg10[%swap3A_285] {strides = array<i32>} : memref<64xi32, #tpu.memory_space<vmem>>, vector<16xi32>,
        %swap3A_287 = vector.shape_cast %swap3A_286 : vector<16xi32> to vector<16xi32>
        %swap3A_288 = vector.shape_cast %min3A_284 : vector<16xi32> to vector<16xi32>
        tpu.vector_store %arg10[%swap3A_285], %swap3A_288 {strides = array<i32>} : memref<64xi32, #tpu.memory_space<vmem>>, vector<16xi32>,
        %get3A_289 = arith.constant 48 : index
        %get3A_290 = tpu.vector_load %arg8[%get3A_289] {strides = array<i32>} : memref<64xi32, #tpu.memory_space<vmem>>, vector<16xi32>,
        %get3A_291 = vector.shape_cast %get3A_290 : vector<16xi32> to vector<16xi32>
        %sub3A_292 = vector.broadcast %sub3A_246 : i32 to vector<16xi32>
        %sub3A_293 = arith.subi %get3A_291, %sub3A_292 : vector<16xi32>
        %jit3A_294 = arith.constant 0 : i32
        %jit3A_295 = arith.constant 520 : i32
        %max3A_296 = vector.broadcast %jit3A_294 : i32 to vector<16xi32>
        %max3A_297 = arith.maxsi %max3A_296, %sub3A_293 : vector<16xi32>
        %min3A_298 = vector.broadcast %jit3A_295 : i32 to vector<16xi32>
        %min3A_299 = arith.minsi %min3A_298, %max3A_297 : vector<16xi32>
        %swap3A_300 = arith.constant 48 : index
        %swap3A_301 = tpu.vector_load %arg10[%swap3A_300] {strides = array<i32>} : memref<64xi32, #tpu.memory_space<vmem>>, vector<16xi32>,
        %swap3A_302 = vector.shape_cast %swap3A_301 : vector<16xi32> to vector<16xi32>
        %swap3A_303 = vector.shape_cast %min3A_299 : vector<16xi32> to vector<16xi32>
        tpu.vector_store %arg10[%swap3A_300], %swap3A_303 {strides = array<i32>} : memref<64xi32, #tpu.memory_space<vmem>>, vector<16xi32>,
        "tpu.region"() ({
          %run_scoped3A = tpu.sem_alloc : memref<!tpu.dma_semaphore, #tpu.memory_space<semaphore_mem>>
          %dma_start3A_304 = arith.constant 0 : i32
          %dma_start3A_305 = arith.constant 0 : i32
          %dma_start3A_306 = tpu.memref_slice %arg5[%while3A_242, %dma_start3A_304, %dma_start3A_305] : memref<20x528x128xf32, #tpu.memory_space<vmem_shared>> -> memref<1x528x128xf32, #tpu.memory_space<vmem_shared>>
          %dma_start3A_307 = tpu.memref_squeeze %dma_start3A_306 : memref<1x528x128xf32, #tpu.memory_space<vmem_shared>> -> memref<528x128xf32, #tpu.memory_space<vmem_shared>>
          %dma_start3A_308 = arith.constant 0 : i32
          %dma_start3A_309 = arith.constant 0 : i32
          %dma_start3A_310 = tpu.memref_slice %dma_start3A_307[%dma_start3A_308, %dma_start3A_309] : memref<528x128xf32, #tpu.memory_space<vmem_shared>> -> memref<528x128xf32, #tpu.memory_space<vmem_shared>>
          tpu.enqueue_indirect_dma source(%arg6 : memref<64x128xf32, #tpu.memory_space<vmem>>) target(%dma_start3A_310 : memref<528x128xf32, #tpu.memory_space<vmem_shared>>) offsets(%arg10 : memref<64xi32, #tpu.memory_space<vmem>>) semaphore(%run_scoped3A : memref<!tpu.dma_semaphore, #tpu.memory_space<semaphore_mem>>) {add = true}
          %dma_wait3A_311 = arith.constant 0 : i32
          %dma_wait3A_312 = arith.constant 0 : i32
          %dma_wait3A_313 = tpu.memref_slice %arg5[%while3A_242, %dma_wait3A_311, %dma_wait3A_312] : memref<20x528x128xf32, #tpu.memory_space<vmem_shared>> -> memref<1x528x128xf32, #tpu.memory_space<vmem_shared>>
          %dma_wait3A_314 = tpu.memref_squeeze %dma_wait3A_313 : memref<1x528x128xf32, #tpu.memory_space<vmem_shared>> -> memref<528x128xf32, #tpu.memory_space<vmem_shared>>
          %dma_wait3A_315 = arith.constant 0 : i32
          %dma_wait3A_316 = arith.constant 0 : i32
          %dma_wait3A_317 = tpu.memref_slice %dma_wait3A_314[%dma_wait3A_315, %dma_wait3A_316] : memref<528x128xf32, #tpu.memory_space<vmem_shared>> -> memref<528x128xf32, #tpu.memory_space<vmem_shared>>
          tpu.wait_indirect_dma semaphore(%run_scoped3A : memref<!tpu.dma_semaphore, #tpu.memory_space<semaphore_mem>>) src(%arg6 : memref<64x128xf32, #tpu.memory_space<vmem>>) dst(%dma_wait3A_317 : memref<528x128xf32, #tpu.memory_space<vmem_shared>>)
          tpu.yield
        }) : () -> ()
      }
      %while3A_144 = arith.constant 1 : i32
      scf.for %while3A_242 = %while3A_142 to %while3A_138 step %while3A_144  : i32 {
        %mul3A_243 = arith.constant 512 : i32
        %mul3A_244 = arith.muli %while3A_242, %mul3A_243 : i32
        %sub3A_245 = arith.constant 8 : i32
        %sub3A_246 = arith.subi %mul3A_244, %sub3A_245 : i32
        %get3A_247 = arith.constant 0 : index
        %get3A_248 = tpu.vector_load %arg8[%get3A_247] {strides = array<i32>} : memref<64xi32, #tpu.memory_space<vmem>>, vector<16xi32>,
        %get3A_249 = vector.shape_cast %get3A_248 : vector<16xi32> to vector<16xi32>
        %sub3A_250 = vector.broadcast %sub3A_246 : i32 to vector<16xi32>
        %sub3A_251 = arith.subi %get3A_249, %sub3A_250 : vector<16xi32>
        %jit3A_252 = arith.constant 0 : i32
        %jit3A_253 = arith.constant 520 : i32
        %max3A = vector.broadcast %jit3A_252 : i32 to vector<16xi32>
        %max3A_254 = arith.maxsi %max3A, %sub3A_251 : vector<16xi32>
        %min3A = vector.broadcast %jit3A_253 : i32 to vector<16xi32>
        %min3A_255 = arith.minsi %min3A, %max3A_254 : vector<16xi32>
        %swap3A = arith.constant 0 : index
        %swap3A_256 = tpu.vector_load %arg10[%swap3A] {strides = array<i32>} : memref<64xi32, #tpu.memory_space<vmem>>, vector<16xi32>,
        %swap3A_257 = vector.shape_cast %swap3A_256 : vector<16xi32> to vector<16xi32>
        %swap3A_258 = vector.shape_cast %min3A_255 : vector<16xi32> to vector<16xi32>
        tpu.vector_store %arg10[%swap3A], %swap3A_258 {strides = array<i32>} : memref<64xi32, #tpu.memory_space<vmem>>, vector<16xi32>,
        %get3A_259 = arith.constant 16 : index
        %get3A_260 = tpu.vector_load %arg8[%get3A_259] {strides = array<i32>} : memref<64xi32, #tpu.memory_space<vmem>>, vector<16xi32>,
        %get3A_261 = vector.shape_cast %get3A_260 : vector<16xi32> to vector<16xi32>
        %sub3A_262 = vector.broadcast %sub3A_246 : i32 to vector<16xi32>
        %sub3A_263 = arith.subi %get3A_261, %sub3A_262 : vector<16xi32>
        %jit3A_264 = arith.constant 0 : i32
        %jit3A_265 = arith.constant 520 : i32
        %max3A_266 = vector.broadcast %jit3A_264 : i32 to vector<16xi32>
        %max3A_267 = arith.maxsi %max3A_266, %sub3A_263 : vector<16xi32>
        %min3A_268 = vector.broadcast %jit3A_265 : i32 to vector<16xi32>
        %min3A_269 = arith.minsi %min3A_268, %max3A_267 : vector<16xi32>
        %swap3A_270 = arith.constant 16 : index
        %swap3A_271 = tpu.vector_load %arg10[%swap3A_270] {strides = array<i32>} : memref<64xi32, #tpu.memory_space<vmem>>, vector<16xi32>,
        %swap3A_272 = vector.shape_cast %swap3A_271 : vector<16xi32> to vector<16xi32>
        %swap3A_273 = vector.shape_cast %min3A_269 : vector<16xi32> to vector<16xi32>
        tpu.vector_store %arg10[%swap3A_270], %swap3A_273 {strides = array<i32>} : memref<64xi32, #tpu.memory_space<vmem>>, vector<16xi32>,
        %get3A_274 = arith.constant 32 : index
        %get3A_275 = tpu.vector_load %arg8[%get3A_274] {strides = array<i32>} : memref<64xi32, #tpu.memory_space<vmem>>, vector<16xi32>,
        %get3A_276 = vector.shape_cast %get3A_275 : vector<16xi32> to vector<16xi32>
        %sub3A_277 = vector.broadcast %sub3A_246 : i32 to vector<16xi32>
        %sub3A_278 = arith.subi %get3A_276, %sub3A_277 : vector<16xi32>
        %jit3A_279 = arith.constant 0 : i32
        %jit3A_280 = arith.constant 520 : i32
        %max3A_281 = vector.broadcast %jit3A_279 : i32 to vector<16xi32>
        %max3A_282 = arith.maxsi %max3A_281, %sub3A_278 : vector<16xi32>
        %min3A_283 = vector.broadcast %jit3A_280 : i32 to vector<16xi32>
        %min3A_284 = arith.minsi %min3A_283, %max3A_282 : vector<16xi32>
        %swap3A_285 = arith.constant 32 : index
        %swap3A_286 = tpu.vector_load %arg10[%swap3A_285] {strides = array<i32>} : memref<64xi32, #tpu.memory_space<vmem>>, vector<16xi32>,
        %swap3A_287 = vector.shape_cast %swap3A_286 : vector<16xi32> to vector<16xi32>
        %swap3A_288 = vector.shape_cast %min3A_284 : vector<16xi32> to vector<16xi32>
        tpu.vector_store %arg10[%swap3A_285], %swap3A_288 {strides = array<i32>} : memref<64xi32, #tpu.memory_space<vmem>>, vector<16xi32>,
        %get3A_289 = arith.constant 48 : index
        %get3A_290 = tpu.vector_load %arg8[%get3A_289] {strides = array<i32>} : memref<64xi32, #tpu.memory_space<vmem>>, vector<16xi32>,
        %get3A_291 = vector.shape_cast %get3A_290 : vector<16xi32> to vector<16xi32>
        %sub3A_292 = vector.broadcast %sub3A_246 : i32 to vector<16xi32>
        %sub3A_293 = arith.subi %get3A_291, %sub3A_292 : vector<16xi32>
        %jit3A_294 = arith.constant 0 : i32
        %jit3A_295 = arith.constant 520 : i32
        %max3A_296 = vector.broadcast %jit3A_294 : i32 to vector<16xi32>
        %max3A_297 = arith.maxsi %max3A_296, %sub3A_293 : vector<16xi32>
        %min3A_298 = vector.broadcast %jit3A_295 : i32 to vector<16xi32>
        %min3A_299 = arith.minsi %min3A_298, %max3A_297 : vector<16xi32>
        %swap3A_300 = arith.constant 48 : index
        %swap3A_301 = tpu.vector_load %arg10[%swap3A_300] {strides = array<i32>} : memref<64xi32, #tpu.memory_space<vmem>>, vector<16xi32>,
        %swap3A_302 = vector.shape_cast %swap3A_301 : vector<16xi32> to vector<16xi32>
        %swap3A_303 = vector.shape_cast %min3A_299 : vector<16xi32> to vector<16xi32>
        tpu.vector_store %arg10[%swap3A_300], %swap3A_303 {strides = array<i32>} : memref<64xi32, #tpu.memory_space<vmem>>, vector<16xi32>,
        "tpu.region"() ({
          %run_scoped3A = tpu.sem_alloc : memref<!tpu.dma_semaphore, #tpu.memory_space<semaphore_mem>>
          %dma_start3A_304 = arith.constant 0 : i32
          %dma_start3A_305 = arith.constant 0 : i32
          %dma_start3A_306 = tpu.memref_slice %arg5[%while3A_242, %dma_start3A_304, %dma_start3A_305] : memref<20x528x128xf32, #tpu.memory_space<vmem_shared>> -> memref<1x528x128xf32, #tpu.memory_space<vmem_shared>>
          %dma_start3A_307 = tpu.memref_squeeze %dma_start3A_306 : memref<1x528x128xf32, #tpu.memory_space<vmem_shared>> -> memref<528x128xf32, #tpu.memory_space<vmem_shared>>
          %dma_start3A_308 = arith.constant 0 : i32
          %dma_start3A_309 = arith.constant 0 : i32
          %dma_start3A_310 = tpu.memref_slice %dma_start3A_307[%dma_start3A_308, %dma_start3A_309] : memref<528x128xf32, #tpu.memory_space<vmem_shared>> -> memref<528x128xf32, #tpu.memory_space<vmem_shared>>
          tpu.enqueue_indirect_dma source(%arg6 : memref<64x128xf32, #tpu.memory_space<vmem>>) target(%dma_start3A_310 : memref<528x128xf32, #tpu.memory_space<vmem_shared>>) offsets(%arg10 : memref<64xi32, #tpu.memory_space<vmem>>) semaphore(%run_scoped3A : memref<!tpu.dma_semaphore, #tpu.memory_space<semaphore_mem>>) {add = true}
          %dma_wait3A_311 = arith.constant 0 : i32
          %dma_wait3A_312 = arith.constant 0 : i32
          %dma_wait3A_313 = tpu.memref_slice %arg5[%while3A_242, %dma_wait3A_311, %dma_wait3A_312] : memref<20x528x128xf32, #tpu.memory_space<vmem_shared>> -> memref<1x528x128xf32, #tpu.memory_space<vmem_shared>>
          %dma_wait3A_314 = tpu.memref_squeeze %dma_wait3A_313 : memref<1x528x128xf32, #tpu.memory_space<vmem_shared>> -> memref<528x128xf32, #tpu.memory_space<vmem_shared>>
          %dma_wait3A_315 = arith.constant 0 : i32
          %dma_wait3A_316 = arith.constant 0 : i32
          %dma_wait3A_317 = tpu.memref_slice %dma_wait3A_314[%dma_wait3A_315, %dma_wait3A_316] : memref<528x128xf32, #tpu.memory_space<vmem_shared>> -> memref<528x128xf32, #tpu.memory_space<vmem_shared>>
          tpu.wait_indirect_dma semaphore(%run_scoped3A : memref<!tpu.dma_semaphore, #tpu.memory_space<semaphore_mem>>) src(%arg6 : memref<64x128xf32, #tpu.memory_space<vmem>>) dst(%dma_wait3A_317 : memref<528x128xf32, #tpu.memory_space<vmem_shared>>)
          tpu.yield
        }) : () -> ()
      }
      %add3A_145 = arith.constant 2 : i32
      %add3A_146 = arith.addi %mul3A_78, %add3A_145 : i32
      %lt3A_147 = arith.constant 78 : i32
      %lt3A_148 = arith.cmpi slt, %add3A_146, %lt3A_147 : i32
      %convert_element_type3A_149 = arith.extui %lt3A_148 : i1 to i32
      %cond3A_150 = arith.constant 0 : i32
      %cond3A_151 = arith.cmpi ne, %convert_element_type3A_149, %cond3A_150 : i32
      scf.if %cond3A_151 {
        %add3A_242 = arith.addi %mul3A_34, %mul3A_78 : i32
        %add3A_243 = arith.constant 2 : i32
        %add3A_244 = arith.addi %add3A_242, %add3A_243 : i32
        %mul3A_245 = arith.constant 64 : i32
        %mul3A_246 = arith.muli %add3A_244, %mul3A_245 : i32
        %dma_start3A_247 = tpu.memref_slice %arg3[%mul3A_246] : memref<160000xi32, #tpu.memory_space<hbm>> -> memref<64xi32, #tpu.memory_space<hbm>>
        %dma_start3A_248 = tpu.memref_slice %arg3[%mul3A_246] : memref<160000xi32, #tpu.memory_space<hbm>> -> memref<64xi32, #tpu.memory_space<hbm>>
        tpu.enqueue_dma source(%dma_start3A_248 : memref<64xi32, #tpu.memory_space<hbm>>) target(%arg8 : memref<64xi32, #tpu.memory_space<vmem>>) target_semaphore(%arg12 : memref<!tpu.dma_semaphore, #tpu.memory_space<semaphore_mem>>)
        %dma_start3A_249 = arith.constant 0 : i32
        %dma_start3A_250 = tpu.memref_slice %arg2[%mul3A_246, %dma_start3A_249] : memref<160000x128xf32, #tpu.memory_space<hbm>> -> memref<64x128xf32, #tpu.memory_space<hbm>>
        %dma_start3A_251 = arith.constant 0 : i32
        %dma_start3A_252 = tpu.memref_slice %arg2[%mul3A_246, %dma_start3A_251] : memref<160000x128xf32, #tpu.memory_space<hbm>> -> memref<64x128xf32, #tpu.memory_space<hbm>>
        tpu.enqueue_dma source(%dma_start3A_252 : memref<64x128xf32, #tpu.memory_space<hbm>>) target(%arg6 : memref<64x128xf32, #tpu.memory_space<vmem>>) target_semaphore(%arg12 : memref<!tpu.dma_semaphore, #tpu.memory_space<semaphore_mem>>)
      } else {
      }
      %mul3A_152 = arith.constant 2 : i32
      %mul3A_153 = arith.muli %mul3A_152, %scan3A_76 : i32
      %add3A_154 = arith.constant 1 : i32
      %add3A_155 = arith.addi %mul3A_153, %add3A_154 : i32
      %dma_wait3A_156 = arith.constant 0 : i32
      %dma_wait3A_157 = tpu.memref_slice %arg3[%dma_wait3A_156] : memref<160000xi32, #tpu.memory_space<hbm>> -> memref<64xi32, #tpu.memory_space<hbm>>
      %dma_wait3A_158 = arith.constant 0 : i32
      %dma_wait3A_159 = tpu.memref_slice %arg3[%dma_wait3A_158] : memref<160000xi32, #tpu.memory_space<hbm>> -> memref<64xi32, #tpu.memory_space<hbm>>
      tpu.wait_dma2 semaphore(%arg13 : memref<!tpu.dma_semaphore, #tpu.memory_space<semaphore_mem>>) src(%dma_wait3A_159 : memref<64xi32, #tpu.memory_space<hbm>>) dst(%arg9 : memref<64xi32, #tpu.memory_space<vmem>>)
      %dma_wait3A_160 = arith.constant 0 : i32
      %dma_wait3A_161 = arith.constant 0 : i32
      %dma_wait3A_162 = tpu.memref_slice %arg2[%dma_wait3A_160, %dma_wait3A_161] : memref<160000x128xf32, #tpu.memory_space<hbm>> -> memref<64x128xf32, #tpu.memory_space<hbm>>
      %dma_wait3A_163 = arith.constant 0 : i32
      %dma_wait3A_164 = arith.constant 0 : i32
      %dma_wait3A_165 = tpu.memref_slice %arg2[%dma_wait3A_163, %dma_wait3A_164] : memref<160000x128xf32, #tpu.memory_space<hbm>> -> memref<64x128xf32, #tpu.memory_space<hbm>>
      tpu.wait_dma2 semaphore(%arg13 : memref<!tpu.dma_semaphore, #tpu.memory_space<semaphore_mem>>) src(%dma_wait3A_165 : memref<64x128xf32, #tpu.memory_space<hbm>>) dst(%arg7 : memref<64x128xf32, #tpu.memory_space<vmem>>)
      %get3A_166 = arith.constant 0 : index
      %get3A_167 = tpu.vector_load %arg9[%get3A_166] {strides = array<i32>} : memref<64xi32, #tpu.memory_space<vmem>>, vector<16xi32>,
      %get3A_168 = vector.shape_cast %get3A_167 : vector<16xi32> to vector<16xi32>
      %slice3A_169 = vector.extract_strided_slice %get3A_168 {offsets = [0], sizes = [1], strides = [1]} : vector<16xi32> to vector<1xi32>
      %squeeze3A_170 = vector.extract %slice3A_169[0] : i32 from vector<1xi32>
      %jit3A_171 = arith.constant 512 : i32
      %div3A_172 = arith.divsi %squeeze3A_170, %jit3A_171 : i32
      %sign3A_173 = arith.constant 0 : i32
      %sign3A_174 = arith.cmpi sgt, %squeeze3A_170, %sign3A_173 : i32
      %sign3A_175 = arith.extui %sign3A_174 : i1 to i32
      %sign3A_176 = arith.constant 0 : i32
      %sign3A_177 = arith.cmpi slt, %squeeze3A_170, %sign3A_176 : i32
      %sign3A_178 = arith.extui %sign3A_177 : i1 to i32
      %sign3A_179 = arith.subi %sign3A_175, %sign3A_178 : i32
      %sign3A_180 = arith.constant 0 : i32
      %sign3A_181 = arith.cmpi sgt, %jit3A_171, %sign3A_180 : i32
      %sign3A_182 = arith.extui %sign3A_181 : i1 to i32
      %sign3A_183 = arith.constant 0 : i32
      %sign3A_184 = arith.cmpi slt, %jit3A_171, %sign3A_183 : i32
      %sign3A_185 = arith.extui %sign3A_184 : i1 to i32
      %sign3A_186 = arith.subi %sign3A_182, %sign3A_185 : i32
      %ne3A_187 = arith.cmpi ne, %sign3A_179, %sign3A_186 : i32
      %rem3A_188 = arith.remsi %squeeze3A_170, %jit3A_171 : i32
      %ne3A_189 = arith.constant 0 : i32
      %ne3A_190 = arith.cmpi ne, %rem3A_188, %ne3A_189 : i32
      %and3A_191 = arith.andi %ne3A_187, %ne3A_190 : i1
      %sub3A_192 = arith.constant 1 : i32
      %sub3A_193 = arith.subi %div3A_172, %sub3A_192 : i32
      %select_n3A_194 = arith.select %and3A_191, %sub3A_193, %div3A_172 : i32
      %get3A_195 = arith.constant 48 : index
      %get3A_196 = tpu.vector_load %arg9[%get3A_195] {strides = array<i32>} : memref<64xi32, #tpu.memory_space<vmem>>, vector<16xi32>,
      %get3A_197 = vector.shape_cast %get3A_196 : vector<16xi32> to vector<16xi32>
      %slice3A_198 = vector.extract_strided_slice %get3A_197 {offsets = [15], sizes = [1], strides = [1]} : vector<16xi32> to vector<1xi32>
      %squeeze3A_199 = vector.extract %slice3A_198[0] : i32 from vector<1xi32>
      %jit3A_200 = arith.constant 512 : i32
      %div3A_201 = arith.divsi %squeeze3A_199, %jit3A_200 : i32
      %sign3A_202 = arith.constant 0 : i32
      %sign3A_203 = arith.cmpi sgt, %squeeze3A_199, %sign3A_202 : i32
      %sign3A_204 = arith.extui %sign3A_203 : i1 to i32
      %sign3A_205 = arith.constant 0 : i32
      %sign3A_206 = arith.cmpi slt, %squeeze3A_199, %sign3A_205 : i32
      %sign3A_207 = arith.extui %sign3A_206 : i1 to i32
      %sign3A_208 = arith.subi %sign3A_204, %sign3A_207 : i32
      %sign3A_209 = arith.constant 0 : i32
      %sign3A_210 = arith.cmpi sgt, %jit3A_200, %sign3A_209 : i32
      %sign3A_211 = arith.extui %sign3A_210 : i1 to i32
      %sign3A_212 = arith.constant 0 : i32
      %sign3A_213 = arith.cmpi slt, %jit3A_200, %sign3A_212 : i32
      %sign3A_214 = arith.extui %sign3A_213 : i1 to i32
      %sign3A_215 = arith.subi %sign3A_211, %sign3A_214 : i32
      %ne3A_216 = arith.cmpi ne, %sign3A_208, %sign3A_215 : i32
      %rem3A_217 = arith.remsi %squeeze3A_199, %jit3A_200 : i32
      %ne3A_218 = arith.constant 0 : i32
      %ne3A_219 = arith.cmpi ne, %rem3A_217, %ne3A_218 : i32
      %and3A_220 = arith.andi %ne3A_216, %ne3A_219 : i1
      %sub3A_221 = arith.constant 1 : i32
      %sub3A_222 = arith.subi %div3A_201, %sub3A_221 : i32
      %select_n3A_223 = arith.select %and3A_220, %sub3A_222, %div3A_201 : i32
      %add3A_224 = arith.constant 1 : i32
      %add3A_225 = arith.addi %select_n3A_223, %add3A_224 : i32
      %while3A_226 = arith.constant 0 : i32
      %while3A_227 = arith.subi %add3A_225, %select_n3A_194 : i32
      %while3A_228 = arith.addi %select_n3A_194, %while3A_227 : i32
      %while3A_229 = arith.constant 1 : i32
      %while3A_230 = arith.divsi %while3A_227, %while3A_229 : i32
      %while3A_231 = arith.muli %while3A_230, %while3A_229 : i32
      %while3A_232 = arith.addi %select_n3A_194, %while3A_231 : i32
      %while3A_233 = arith.constant 1 : i32
      scf.for %while3A_242 = %select_n3A_194 to %while3A_232 step %while3A_233  : i32 {
        %mul3A_243 = arith.constant 512 : i32
        %mul3A_244 = arith.muli %while3A_242, %mul3A_243 : i32
        %sub3A_245 = arith.constant 8 : i32
        %sub3A_246 = arith.subi %mul3A_244, %sub3A_245 : i32
        %get3A_247 = arith.constant 0 : index
        %get3A_248 = tpu.vector_load %arg9[%get3A_247] {strides = array<i32>} : memref<64xi32, #tpu.memory_space<vmem>>, vector<16xi32>,
        %get3A_249 = vector.shape_cast %get3A_248 : vector<16xi32> to vector<16xi32>
        %sub3A_250 = vector.broadcast %sub3A_246 : i32 to vector<16xi32>
        %sub3A_251 = arith.subi %get3A_249, %sub3A_250 : vector<16xi32>
        %jit3A_252 = arith.constant 0 : i32
        %jit3A_253 = arith.constant 520 : i32
        %max3A = vector.broadcast %jit3A_252 : i32 to vector<16xi32>
        %max3A_254 = arith.maxsi %max3A, %sub3A_251 : vector<16xi32>
        %min3A = vector.broadcast %jit3A_253 : i32 to vector<16xi32>
        %min3A_255 = arith.minsi %min3A, %max3A_254 : vector<16xi32>
        %swap3A = arith.constant 0 : index
        %swap3A_256 = tpu.vector_load %arg10[%swap3A] {strides = array<i32>} : memref<64xi32, #tpu.memory_space<vmem>>, vector<16xi32>,
        %swap3A_257 = vector.shape_cast %swap3A_256 : vector<16xi32> to vector<16xi32>
        %swap3A_258 = vector.shape_cast %min3A_255 : vector<16xi32> to vector<16xi32>
        tpu.vector_store %arg10[%swap3A], %swap3A_258 {strides = array<i32>} : memref<64xi32, #tpu.memory_space<vmem>>, vector<16xi32>,
        %get3A_259 = arith.constant 16 : index
        %get3A_260 = tpu.vector_load %arg9[%get3A_259] {strides = array<i32>} : memref<64xi32, #tpu.memory_space<vmem>>, vector<16xi32>,
        %get3A_261 = vector.shape_cast %get3A_260 : vector<16xi32> to vector<16xi32>
        %sub3A_262 = vector.broadcast %sub3A_246 : i32 to vector<16xi32>
        %sub3A_263 = arith.subi %get3A_261, %sub3A_262 : vector<16xi32>
        %jit3A_264 = arith.constant 0 : i32
        %jit3A_265 = arith.constant 520 : i32
        %max3A_266 = vector.broadcast %jit3A_264 : i32 to vector<16xi32>
        %max3A_267 = arith.maxsi %max3A_266, %sub3A_263 : vector<16xi32>
        %min3A_268 = vector.broadcast %jit3A_265 : i32 to vector<16xi32>
        %min3A_269 = arith.minsi %min3A_268, %max3A_267 : vector<16xi32>
        %swap3A_270 = arith.constant 16 : index
        %swap3A_271 = tpu.vector_load %arg10[%swap3A_270] {strides = array<i32>} : memref<64xi32, #tpu.memory_space<vmem>>, vector<16xi32>,
        %swap3A_272 = vector.shape_cast %swap3A_271 : vector<16xi32> to vector<16xi32>
        %swap3A_273 = vector.shape_cast %min3A_269 : vector<16xi32> to vector<16xi32>
        tpu.vector_store %arg10[%swap3A_270], %swap3A_273 {strides = array<i32>} : memref<64xi32, #tpu.memory_space<vmem>>, vector<16xi32>,
        %get3A_274 = arith.constant 32 : index
        %get3A_275 = tpu.vector_load %arg9[%get3A_274] {strides = array<i32>} : memref<64xi32, #tpu.memory_space<vmem>>, vector<16xi32>,
        %get3A_276 = vector.shape_cast %get3A_275 : vector<16xi32> to vector<16xi32>
        %sub3A_277 = vector.broadcast %sub3A_246 : i32 to vector<16xi32>
        %sub3A_278 = arith.subi %get3A_276, %sub3A_277 : vector<16xi32>
        %jit3A_279 = arith.constant 0 : i32
        %jit3A_280 = arith.constant 520 : i32
        %max3A_281 = vector.broadcast %jit3A_279 : i32 to vector<16xi32>
        %max3A_282 = arith.maxsi %max3A_281, %sub3A_278 : vector<16xi32>
        %min3A_283 = vector.broadcast %jit3A_280 : i32 to vector<16xi32>
        %min3A_284 = arith.minsi %min3A_283, %max3A_282 : vector<16xi32>
        %swap3A_285 = arith.constant 32 : index
        %swap3A_286 = tpu.vector_load %arg10[%swap3A_285] {strides = array<i32>} : memref<64xi32, #tpu.memory_space<vmem>>, vector<16xi32>,
        %swap3A_287 = vector.shape_cast %swap3A_286 : vector<16xi32> to vector<16xi32>
        %swap3A_288 = vector.shape_cast %min3A_284 : vector<16xi32> to vector<16xi32>
        tpu.vector_store %arg10[%swap3A_285], %swap3A_288 {strides = array<i32>} : memref<64xi32, #tpu.memory_space<vmem>>, vector<16xi32>,
        %get3A_289 = arith.constant 48 : index
        %get3A_290 = tpu.vector_load %arg9[%get3A_289] {strides = array<i32>} : memref<64xi32, #tpu.memory_space<vmem>>, vector<16xi32>,
        %get3A_291 = vector.shape_cast %get3A_290 : vector<16xi32> to vector<16xi32>
        %sub3A_292 = vector.broadcast %sub3A_246 : i32 to vector<16xi32>
        %sub3A_293 = arith.subi %get3A_291, %sub3A_292 : vector<16xi32>
        %jit3A_294 = arith.constant 0 : i32
        %jit3A_295 = arith.constant 520 : i32
        %max3A_296 = vector.broadcast %jit3A_294 : i32 to vector<16xi32>
        %max3A_297 = arith.maxsi %max3A_296, %sub3A_293 : vector<16xi32>
        %min3A_298 = vector.broadcast %jit3A_295 : i32 to vector<16xi32>
        %min3A_299 = arith.minsi %min3A_298, %max3A_297 : vector<16xi32>
        %swap3A_300 = arith.constant 48 : index
        %swap3A_301 = tpu.vector_load %arg10[%swap3A_300] {strides = array<i32>} : memref<64xi32, #tpu.memory_space<vmem>>, vector<16xi32>,
        %swap3A_302 = vector.shape_cast %swap3A_301 : vector<16xi32> to vector<16xi32>
        %swap3A_303 = vector.shape_cast %min3A_299 : vector<16xi32> to vector<16xi32>
        tpu.vector_store %arg10[%swap3A_300], %swap3A_303 {strides = array<i32>} : memref<64xi32, #tpu.memory_space<vmem>>, vector<16xi32>,
        "tpu.region"() ({
          %run_scoped3A = tpu.sem_alloc : memref<!tpu.dma_semaphore, #tpu.memory_space<semaphore_mem>>
          %dma_start3A_304 = arith.constant 0 : i32
          %dma_start3A_305 = arith.constant 0 : i32
          %dma_start3A_306 = tpu.memref_slice %arg5[%while3A_242, %dma_start3A_304, %dma_start3A_305] : memref<20x528x128xf32, #tpu.memory_space<vmem_shared>> -> memref<1x528x128xf32, #tpu.memory_space<vmem_shared>>
          %dma_start3A_307 = tpu.memref_squeeze %dma_start3A_306 : memref<1x528x128xf32, #tpu.memory_space<vmem_shared>> -> memref<528x128xf32, #tpu.memory_space<vmem_shared>>
          %dma_start3A_308 = arith.constant 0 : i32
          %dma_start3A_309 = arith.constant 0 : i32
          %dma_start3A_310 = tpu.memref_slice %dma_start3A_307[%dma_start3A_308, %dma_start3A_309] : memref<528x128xf32, #tpu.memory_space<vmem_shared>> -> memref<528x128xf32, #tpu.memory_space<vmem_shared>>
          tpu.enqueue_indirect_dma source(%arg7 : memref<64x128xf32, #tpu.memory_space<vmem>>) target(%dma_start3A_310 : memref<528x128xf32, #tpu.memory_space<vmem_shared>>) offsets(%arg10 : memref<64xi32, #tpu.memory_space<vmem>>) semaphore(%run_scoped3A : memref<!tpu.dma_semaphore, #tpu.memory_space<semaphore_mem>>) {add = true}
          %dma_wait3A_311 = arith.constant 0 : i32
          %dma_wait3A_312 = arith.constant 0 : i32
          %dma_wait3A_313 = tpu.memref_slice %arg5[%while3A_242, %dma_wait3A_311, %dma_wait3A_312] : memref<20x528x128xf32, #tpu.memory_space<vmem_shared>> -> memref<1x528x128xf32, #tpu.memory_space<vmem_shared>>
          %dma_wait3A_314 = tpu.memref_squeeze %dma_wait3A_313 : memref<1x528x128xf32, #tpu.memory_space<vmem_shared>> -> memref<528x128xf32, #tpu.memory_space<vmem_shared>>
          %dma_wait3A_315 = arith.constant 0 : i32
          %dma_wait3A_316 = arith.constant 0 : i32
          %dma_wait3A_317 = tpu.memref_slice %dma_wait3A_314[%dma_wait3A_315, %dma_wait3A_316] : memref<528x128xf32, #tpu.memory_space<vmem_shared>> -> memref<528x128xf32, #tpu.memory_space<vmem_shared>>
          tpu.wait_indirect_dma semaphore(%run_scoped3A : memref<!tpu.dma_semaphore, #tpu.memory_space<semaphore_mem>>) src(%arg7 : memref<64x128xf32, #tpu.memory_space<vmem>>) dst(%dma_wait3A_317 : memref<528x128xf32, #tpu.memory_space<vmem_shared>>)
          tpu.yield
        }) : () -> ()
      }
      %while3A_234 = arith.constant 1 : i32
      scf.for %while3A_242 = %while3A_232 to %while3A_228 step %while3A_234  : i32 {
        %mul3A_243 = arith.constant 512 : i32
        %mul3A_244 = arith.muli %while3A_242, %mul3A_243 : i32
        %sub3A_245 = arith.constant 8 : i32
        %sub3A_246 = arith.subi %mul3A_244, %sub3A_245 : i32
        %get3A_247 = arith.constant 0 : index
        %get3A_248 = tpu.vector_load %arg9[%get3A_247] {strides = array<i32>} : memref<64xi32, #tpu.memory_space<vmem>>, vector<16xi32>,
        %get3A_249 = vector.shape_cast %get3A_248 : vector<16xi32> to vector<16xi32>
        %sub3A_250 = vector.broadcast %sub3A_246 : i32 to vector<16xi32>
        %sub3A_251 = arith.subi %get3A_249, %sub3A_250 : vector<16xi32>
        %jit3A_252 = arith.constant 0 : i32
        %jit3A_253 = arith.constant 520 : i32
        %max3A = vector.broadcast %jit3A_252 : i32 to vector<16xi32>
        %max3A_254 = arith.maxsi %max3A, %sub3A_251 : vector<16xi32>
        %min3A = vector.broadcast %jit3A_253 : i32 to vector<16xi32>
        %min3A_255 = arith.minsi %min3A, %max3A_254 : vector<16xi32>
        %swap3A = arith.constant 0 : index
        %swap3A_256 = tpu.vector_load %arg10[%swap3A] {strides = array<i32>} : memref<64xi32, #tpu.memory_space<vmem>>, vector<16xi32>,
        %swap3A_257 = vector.shape_cast %swap3A_256 : vector<16xi32> to vector<16xi32>
        %swap3A_258 = vector.shape_cast %min3A_255 : vector<16xi32> to vector<16xi32>
        tpu.vector_store %arg10[%swap3A], %swap3A_258 {strides = array<i32>} : memref<64xi32, #tpu.memory_space<vmem>>, vector<16xi32>,
        %get3A_259 = arith.constant 16 : index
        %get3A_260 = tpu.vector_load %arg9[%get3A_259] {strides = array<i32>} : memref<64xi32, #tpu.memory_space<vmem>>, vector<16xi32>,
        %get3A_261 = vector.shape_cast %get3A_260 : vector<16xi32> to vector<16xi32>
        %sub3A_262 = vector.broadcast %sub3A_246 : i32 to vector<16xi32>
        %sub3A_263 = arith.subi %get3A_261, %sub3A_262 : vector<16xi32>
        %jit3A_264 = arith.constant 0 : i32
        %jit3A_265 = arith.constant 520 : i32
        %max3A_266 = vector.broadcast %jit3A_264 : i32 to vector<16xi32>
        %max3A_267 = arith.maxsi %max3A_266, %sub3A_263 : vector<16xi32>
        %min3A_268 = vector.broadcast %jit3A_265 : i32 to vector<16xi32>
        %min3A_269 = arith.minsi %min3A_268, %max3A_267 : vector<16xi32>
        %swap3A_270 = arith.constant 16 : index
        %swap3A_271 = tpu.vector_load %arg10[%swap3A_270] {strides = array<i32>} : memref<64xi32, #tpu.memory_space<vmem>>, vector<16xi32>,
        %swap3A_272 = vector.shape_cast %swap3A_271 : vector<16xi32> to vector<16xi32>
        %swap3A_273 = vector.shape_cast %min3A_269 : vector<16xi32> to vector<16xi32>
        tpu.vector_store %arg10[%swap3A_270], %swap3A_273 {strides = array<i32>} : memref<64xi32, #tpu.memory_space<vmem>>, vector<16xi32>,
        %get3A_274 = arith.constant 32 : index
        %get3A_275 = tpu.vector_load %arg9[%get3A_274] {strides = array<i32>} : memref<64xi32, #tpu.memory_space<vmem>>, vector<16xi32>,
        %get3A_276 = vector.shape_cast %get3A_275 : vector<16xi32> to vector<16xi32>
        %sub3A_277 = vector.broadcast %sub3A_246 : i32 to vector<16xi32>
        %sub3A_278 = arith.subi %get3A_276, %sub3A_277 : vector<16xi32>
        %jit3A_279 = arith.constant 0 : i32
        %jit3A_280 = arith.constant 520 : i32
        %max3A_281 = vector.broadcast %jit3A_279 : i32 to vector<16xi32>
        %max3A_282 = arith.maxsi %max3A_281, %sub3A_278 : vector<16xi32>
        %min3A_283 = vector.broadcast %jit3A_280 : i32 to vector<16xi32>
        %min3A_284 = arith.minsi %min3A_283, %max3A_282 : vector<16xi32>
        %swap3A_285 = arith.constant 32 : index
        %swap3A_286 = tpu.vector_load %arg10[%swap3A_285] {strides = array<i32>} : memref<64xi32, #tpu.memory_space<vmem>>, vector<16xi32>,
        %swap3A_287 = vector.shape_cast %swap3A_286 : vector<16xi32> to vector<16xi32>
        %swap3A_288 = vector.shape_cast %min3A_284 : vector<16xi32> to vector<16xi32>
        tpu.vector_store %arg10[%swap3A_285], %swap3A_288 {strides = array<i32>} : memref<64xi32, #tpu.memory_space<vmem>>, vector<16xi32>,
        %get3A_289 = arith.constant 48 : index
        %get3A_290 = tpu.vector_load %arg9[%get3A_289] {strides = array<i32>} : memref<64xi32, #tpu.memory_space<vmem>>, vector<16xi32>,
        %get3A_291 = vector.shape_cast %get3A_290 : vector<16xi32> to vector<16xi32>
        %sub3A_292 = vector.broadcast %sub3A_246 : i32 to vector<16xi32>
        %sub3A_293 = arith.subi %get3A_291, %sub3A_292 : vector<16xi32>
        %jit3A_294 = arith.constant 0 : i32
        %jit3A_295 = arith.constant 520 : i32
        %max3A_296 = vector.broadcast %jit3A_294 : i32 to vector<16xi32>
        %max3A_297 = arith.maxsi %max3A_296, %sub3A_293 : vector<16xi32>
        %min3A_298 = vector.broadcast %jit3A_295 : i32 to vector<16xi32>
        %min3A_299 = arith.minsi %min3A_298, %max3A_297 : vector<16xi32>
        %swap3A_300 = arith.constant 48 : index
        %swap3A_301 = tpu.vector_load %arg10[%swap3A_300] {strides = array<i32>} : memref<64xi32, #tpu.memory_space<vmem>>, vector<16xi32>,
        %swap3A_302 = vector.shape_cast %swap3A_301 : vector<16xi32> to vector<16xi32>
        %swap3A_303 = vector.shape_cast %min3A_299 : vector<16xi32> to vector<16xi32>
        tpu.vector_store %arg10[%swap3A_300], %swap3A_303 {strides = array<i32>} : memref<64xi32, #tpu.memory_space<vmem>>, vector<16xi32>,
        "tpu.region"() ({
          %run_scoped3A = tpu.sem_alloc : memref<!tpu.dma_semaphore, #tpu.memory_space<semaphore_mem>>
          %dma_start3A_304 = arith.constant 0 : i32
          %dma_start3A_305 = arith.constant 0 : i32
          %dma_start3A_306 = tpu.memref_slice %arg5[%while3A_242, %dma_start3A_304, %dma_start3A_305] : memref<20x528x128xf32, #tpu.memory_space<vmem_shared>> -> memref<1x528x128xf32, #tpu.memory_space<vmem_shared>>
          %dma_start3A_307 = tpu.memref_squeeze %dma_start3A_306 : memref<1x528x128xf32, #tpu.memory_space<vmem_shared>> -> memref<528x128xf32, #tpu.memory_space<vmem_shared>>
          %dma_start3A_308 = arith.constant 0 : i32
          %dma_start3A_309 = arith.constant 0 : i32
          %dma_start3A_310 = tpu.memref_slice %dma_start3A_307[%dma_start3A_308, %dma_start3A_309] : memref<528x128xf32, #tpu.memory_space<vmem_shared>> -> memref<528x128xf32, #tpu.memory_space<vmem_shared>>
          tpu.enqueue_indirect_dma source(%arg7 : memref<64x128xf32, #tpu.memory_space<vmem>>) target(%dma_start3A_310 : memref<528x128xf32, #tpu.memory_space<vmem_shared>>) offsets(%arg10 : memref<64xi32, #tpu.memory_space<vmem>>) semaphore(%run_scoped3A : memref<!tpu.dma_semaphore, #tpu.memory_space<semaphore_mem>>) {add = true}
          %dma_wait3A_311 = arith.constant 0 : i32
          %dma_wait3A_312 = arith.constant 0 : i32
          %dma_wait3A_313 = tpu.memref_slice %arg5[%while3A_242, %dma_wait3A_311, %dma_wait3A_312] : memref<20x528x128xf32, #tpu.memory_space<vmem_shared>> -> memref<1x528x128xf32, #tpu.memory_space<vmem_shared>>
          %dma_wait3A_314 = tpu.memref_squeeze %dma_wait3A_313 : memref<1x528x128xf32, #tpu.memory_space<vmem_shared>> -> memref<528x128xf32, #tpu.memory_space<vmem_shared>>
          %dma_wait3A_315 = arith.constant 0 : i32
          %dma_wait3A_316 = arith.constant 0 : i32
          %dma_wait3A_317 = tpu.memref_slice %dma_wait3A_314[%dma_wait3A_315, %dma_wait3A_316] : memref<528x128xf32, #tpu.memory_space<vmem_shared>> -> memref<528x128xf32, #tpu.memory_space<vmem_shared>>
          tpu.wait_indirect_dma semaphore(%run_scoped3A : memref<!tpu.dma_semaphore, #tpu.memory_space<semaphore_mem>>) src(%arg7 : memref<64x128xf32, #tpu.memory_space<vmem>>) dst(%dma_wait3A_317 : memref<528x128xf32, #tpu.memory_space<vmem_shared>>)
          tpu.yield
        }) : () -> ()
      }
      %add3A_235 = arith.constant 2 : i32
      %add3A_236 = arith.addi %add3A_155, %add3A_235 : i32
      %lt3A_237 = arith.constant 78 : i32
      %lt3A_238 = arith.cmpi slt, %add3A_236, %lt3A_237 : i32
      %convert_element_type3A_239 = arith.extui %lt3A_238 : i1 to i32
      %cond3A_240 = arith.constant 0 : i32
      %cond3A_241 = arith.cmpi ne, %convert_element_type3A_239, %cond3A_240 : i32
      scf.if %cond3A_241 {
        %add3A_242 = arith.addi %mul3A_34, %add3A_155 : i32
        %add3A_243 = arith.constant 2 : i32
        %add3A_244 = arith.addi %add3A_242, %add3A_243 : i32
        %mul3A_245 = arith.constant 64 : i32
        %mul3A_246 = arith.muli %add3A_244, %mul3A_245 : i32
        %dma_start3A_247 = tpu.memref_slice %arg3[%mul3A_246] : memref<160000xi32, #tpu.memory_space<hbm>> -> memref<64xi32, #tpu.memory_space<hbm>>
        %dma_start3A_248 = tpu.memref_slice %arg3[%mul3A_246] : memref<160000xi32, #tpu.memory_space<hbm>> -> memref<64xi32, #tpu.memory_space<hbm>>
        tpu.enqueue_dma source(%dma_start3A_248 : memref<64xi32, #tpu.memory_space<hbm>>) target(%arg9 : memref<64xi32, #tpu.memory_space<vmem>>) target_semaphore(%arg13 : memref<!tpu.dma_semaphore, #tpu.memory_space<semaphore_mem>>)
        %dma_start3A_249 = arith.constant 0 : i32
        %dma_start3A_250 = tpu.memref_slice %arg2[%mul3A_246, %dma_start3A_249] : memref<160000x128xf32, #tpu.memory_space<hbm>> -> memref<64x128xf32, #tpu.memory_space<hbm>>
        %dma_start3A_251 = arith.constant 0 : i32
        %dma_start3A_252 = tpu.memref_slice %arg2[%mul3A_246, %dma_start3A_251] : memref<160000x128xf32, #tpu.memory_space<hbm>> -> memref<64x128xf32, #tpu.memory_space<hbm>>
        tpu.enqueue_dma source(%dma_start3A_252 : memref<64x128xf32, #tpu.memory_space<hbm>>) target(%arg7 : memref<64x128xf32, #tpu.memory_space<vmem>>) target_semaphore(%arg13 : memref<!tpu.dma_semaphore, #tpu.memory_space<semaphore_mem>>)
      } else {
      }
    }
    %scan3A_57 = arith.constant 39 : i32
    %lt3A_58 = arith.constant 4 : i32
    %lt3A_59 = arith.cmpi slt, %add3A, %lt3A_58 : i32
    %convert_element_type3A_60 = arith.extui %lt3A_59 : i1 to i32
    %cond3A_61 = arith.constant 0 : i32
    %cond3A_62 = arith.cmpi ne, %convert_element_type3A_60, %cond3A_61 : i32
    scf.if %cond3A_62 {
      %add3A_76 = arith.constant 2496 : i32
      %add3A_77 = arith.addi %add3A_76, %add3A : i32
      %mul3A_78 = arith.constant 64 : i32
      %mul3A_79 = arith.muli %add3A_77, %mul3A_78 : i32
      %dma_start3A_80 = tpu.memref_slice %arg3[%mul3A_79] : memref<160000xi32, #tpu.memory_space<hbm>> -> memref<64xi32, #tpu.memory_space<hbm>>
      %dma_start3A_81 = tpu.memref_slice %arg3[%mul3A_79] : memref<160000xi32, #tpu.memory_space<hbm>> -> memref<64xi32, #tpu.memory_space<hbm>>
      tpu.enqueue_dma source(%dma_start3A_81 : memref<64xi32, #tpu.memory_space<hbm>>) target(%arg8 : memref<64xi32, #tpu.memory_space<vmem>>) target_semaphore(%arg12 : memref<!tpu.dma_semaphore, #tpu.memory_space<semaphore_mem>>)
      %dma_start3A_82 = arith.constant 0 : i32
      %dma_start3A_83 = tpu.memref_slice %arg2[%mul3A_79, %dma_start3A_82] : memref<160000x128xf32, #tpu.memory_space<hbm>> -> memref<64x128xf32, #tpu.memory_space<hbm>>
      %dma_start3A_84 = arith.constant 0 : i32
      %dma_start3A_85 = tpu.memref_slice %arg2[%mul3A_79, %dma_start3A_84] : memref<160000x128xf32, #tpu.memory_space<hbm>> -> memref<64x128xf32, #tpu.memory_space<hbm>>
      tpu.enqueue_dma source(%dma_start3A_85 : memref<64x128xf32, #tpu.memory_space<hbm>>) target(%arg6 : memref<64x128xf32, #tpu.memory_space<vmem>>) target_semaphore(%arg12 : memref<!tpu.dma_semaphore, #tpu.memory_space<semaphore_mem>>)
      %dma_wait3A = arith.constant 0 : i32
      %dma_wait3A_86 = tpu.memref_slice %arg3[%dma_wait3A] : memref<160000xi32, #tpu.memory_space<hbm>> -> memref<64xi32, #tpu.memory_space<hbm>>
      %dma_wait3A_87 = arith.constant 0 : i32
      %dma_wait3A_88 = tpu.memref_slice %arg3[%dma_wait3A_87] : memref<160000xi32, #tpu.memory_space<hbm>> -> memref<64xi32, #tpu.memory_space<hbm>>
      tpu.wait_dma2 semaphore(%arg12 : memref<!tpu.dma_semaphore, #tpu.memory_space<semaphore_mem>>) src(%dma_wait3A_88 : memref<64xi32, #tpu.memory_space<hbm>>) dst(%arg8 : memref<64xi32, #tpu.memory_space<vmem>>)
      %dma_wait3A_89 = arith.constant 0 : i32
      %dma_wait3A_90 = arith.constant 0 : i32
      %dma_wait3A_91 = tpu.memref_slice %arg2[%dma_wait3A_89, %dma_wait3A_90] : memref<160000x128xf32, #tpu.memory_space<hbm>> -> memref<64x128xf32, #tpu.memory_space<hbm>>
      %dma_wait3A_92 = arith.constant 0 : i32
      %dma_wait3A_93 = arith.constant 0 : i32
      %dma_wait3A_94 = tpu.memref_slice %arg2[%dma_wait3A_92, %dma_wait3A_93] : memref<160000x128xf32, #tpu.memory_space<hbm>> -> memref<64x128xf32, #tpu.memory_space<hbm>>
      tpu.wait_dma2 semaphore(%arg12 : memref<!tpu.dma_semaphore, #tpu.memory_space<semaphore_mem>>) src(%dma_wait3A_94 : memref<64x128xf32, #tpu.memory_space<hbm>>) dst(%arg6 : memref<64x128xf32, #tpu.memory_space<vmem>>)
      %get3A = arith.constant 0 : index
      %get3A_95 = tpu.vector_load %arg8[%get3A] {strides = array<i32>} : memref<64xi32, #tpu.memory_space<vmem>>, vector<16xi32>,
      %get3A_96 = vector.shape_cast %get3A_95 : vector<16xi32> to vector<16xi32>
      %slice3A = vector.extract_strided_slice %get3A_96 {offsets = [0], sizes = [1], strides = [1]} : vector<16xi32> to vector<1xi32>
      %squeeze3A = vector.extract %slice3A[0] : i32 from vector<1xi32>
      %jit3A = arith.constant 512 : i32
      %div3A = arith.divsi %squeeze3A, %jit3A : i32
      %sign3A = arith.constant 0 : i32
      %sign3A_97 = arith.cmpi sgt, %squeeze3A, %sign3A : i32
      %sign3A_98 = arith.extui %sign3A_97 : i1 to i32
      %sign3A_99 = arith.constant 0 : i32
      %sign3A_100 = arith.cmpi slt, %squeeze3A, %sign3A_99 : i32
      %sign3A_101 = arith.extui %sign3A_100 : i1 to i32
      %sign3A_102 = arith.subi %sign3A_98, %sign3A_101 : i32
      %sign3A_103 = arith.constant 0 : i32
      %sign3A_104 = arith.cmpi sgt, %jit3A, %sign3A_103 : i32
      %sign3A_105 = arith.extui %sign3A_104 : i1 to i32
      %sign3A_106 = arith.constant 0 : i32
      %sign3A_107 = arith.cmpi slt, %jit3A, %sign3A_106 : i32
      %sign3A_108 = arith.extui %sign3A_107 : i1 to i32
      %sign3A_109 = arith.subi %sign3A_105, %sign3A_108 : i32
      %ne3A = arith.cmpi ne, %sign3A_102, %sign3A_109 : i32
      %rem3A = arith.remsi %squeeze3A, %jit3A : i32
      %ne3A_110 = arith.constant 0 : i32
      %ne3A_111 = arith.cmpi ne, %rem3A, %ne3A_110 : i32
      %and3A = arith.andi %ne3A, %ne3A_111 : i1
      %sub3A = arith.constant 1 : i32
      %sub3A_112 = arith.subi %div3A, %sub3A : i32
      %select_n3A = arith.select %and3A, %sub3A_112, %div3A : i32
      %get3A_113 = arith.constant 48 : index
      %get3A_114 = tpu.vector_load %arg8[%get3A_113] {strides = array<i32>} : memref<64xi32, #tpu.memory_space<vmem>>, vector<16xi32>,
      %get3A_115 = vector.shape_cast %get3A_114 : vector<16xi32> to vector<16xi32>
      %slice3A_116 = vector.extract_strided_slice %get3A_115 {offsets = [15], sizes = [1], strides = [1]} : vector<16xi32> to vector<1xi32>
      %squeeze3A_117 = vector.extract %slice3A_116[0] : i32 from vector<1xi32>
      %jit3A_118 = arith.constant 512 : i32
      %div3A_119 = arith.divsi %squeeze3A_117, %jit3A_118 : i32
      %sign3A_120 = arith.constant 0 : i32
      %sign3A_121 = arith.cmpi sgt, %squeeze3A_117, %sign3A_120 : i32
      %sign3A_122 = arith.extui %sign3A_121 : i1 to i32
      %sign3A_123 = arith.constant 0 : i32
      %sign3A_124 = arith.cmpi slt, %squeeze3A_117, %sign3A_123 : i32
      %sign3A_125 = arith.extui %sign3A_124 : i1 to i32
      %sign3A_126 = arith.subi %sign3A_122, %sign3A_125 : i32
      %sign3A_127 = arith.constant 0 : i32
      %sign3A_128 = arith.cmpi sgt, %jit3A_118, %sign3A_127 : i32
      %sign3A_129 = arith.extui %sign3A_128 : i1 to i32
      %sign3A_130 = arith.constant 0 : i32
      %sign3A_131 = arith.cmpi slt, %jit3A_118, %sign3A_130 : i32
      %sign3A_132 = arith.extui %sign3A_131 : i1 to i32
      %sign3A_133 = arith.subi %sign3A_129, %sign3A_132 : i32
      %ne3A_134 = arith.cmpi ne, %sign3A_126, %sign3A_133 : i32
      %rem3A_135 = arith.remsi %squeeze3A_117, %jit3A_118 : i32
      %ne3A_136 = arith.constant 0 : i32
      %ne3A_137 = arith.cmpi ne, %rem3A_135, %ne3A_136 : i32
      %and3A_138 = arith.andi %ne3A_134, %ne3A_137 : i1
      %sub3A_139 = arith.constant 1 : i32
      %sub3A_140 = arith.subi %div3A_119, %sub3A_139 : i32
      %select_n3A_141 = arith.select %and3A_138, %sub3A_140, %div3A_119 : i32
      %add3A_142 = arith.constant 1 : i32
      %add3A_143 = arith.addi %select_n3A_141, %add3A_142 : i32
      %while3A = arith.constant 0 : i32
      %while3A_144 = arith.subi %add3A_143, %select_n3A : i32
      %while3A_145 = arith.addi %select_n3A, %while3A_144 : i32
      %while3A_146 = arith.constant 1 : i32
      %while3A_147 = arith.divsi %while3A_144, %while3A_146 : i32
      %while3A_148 = arith.muli %while3A_147, %while3A_146 : i32
      %while3A_149 = arith.addi %select_n3A, %while3A_148 : i32
      %while3A_150 = arith.constant 1 : i32
      scf.for %while3A_152 = %select_n3A to %while3A_149 step %while3A_150  : i32 {
        %mul3A_153 = arith.constant 512 : i32
        %mul3A_154 = arith.muli %while3A_152, %mul3A_153 : i32
        %sub3A_155 = arith.constant 8 : i32
        %sub3A_156 = arith.subi %mul3A_154, %sub3A_155 : i32
        %get3A_157 = arith.constant 0 : index
        %get3A_158 = tpu.vector_load %arg8[%get3A_157] {strides = array<i32>} : memref<64xi32, #tpu.memory_space<vmem>>, vector<16xi32>,
        %get3A_159 = vector.shape_cast %get3A_158 : vector<16xi32> to vector<16xi32>
        %sub3A_160 = vector.broadcast %sub3A_156 : i32 to vector<16xi32>
        %sub3A_161 = arith.subi %get3A_159, %sub3A_160 : vector<16xi32>
        %jit3A_162 = arith.constant 0 : i32
        %jit3A_163 = arith.constant 520 : i32
        %max3A = vector.broadcast %jit3A_162 : i32 to vector<16xi32>
        %max3A_164 = arith.maxsi %max3A, %sub3A_161 : vector<16xi32>
        %min3A = vector.broadcast %jit3A_163 : i32 to vector<16xi32>
        %min3A_165 = arith.minsi %min3A, %max3A_164 : vector<16xi32>
        %swap3A = arith.constant 0 : index
        %swap3A_166 = tpu.vector_load %arg10[%swap3A] {strides = array<i32>} : memref<64xi32, #tpu.memory_space<vmem>>, vector<16xi32>,
        %swap3A_167 = vector.shape_cast %swap3A_166 : vector<16xi32> to vector<16xi32>
        %swap3A_168 = vector.shape_cast %min3A_165 : vector<16xi32> to vector<16xi32>
        tpu.vector_store %arg10[%swap3A], %swap3A_168 {strides = array<i32>} : memref<64xi32, #tpu.memory_space<vmem>>, vector<16xi32>,
        %get3A_169 = arith.constant 16 : index
        %get3A_170 = tpu.vector_load %arg8[%get3A_169] {strides = array<i32>} : memref<64xi32, #tpu.memory_space<vmem>>, vector<16xi32>,
        %get3A_171 = vector.shape_cast %get3A_170 : vector<16xi32> to vector<16xi32>
        %sub3A_172 = vector.broadcast %sub3A_156 : i32 to vector<16xi32>
        %sub3A_173 = arith.subi %get3A_171, %sub3A_172 : vector<16xi32>
        %jit3A_174 = arith.constant 0 : i32
        %jit3A_175 = arith.constant 520 : i32
        %max3A_176 = vector.broadcast %jit3A_174 : i32 to vector<16xi32>
        %max3A_177 = arith.maxsi %max3A_176, %sub3A_173 : vector<16xi32>
        %min3A_178 = vector.broadcast %jit3A_175 : i32 to vector<16xi32>
        %min3A_179 = arith.minsi %min3A_178, %max3A_177 : vector<16xi32>
        %swap3A_180 = arith.constant 16 : index
        %swap3A_181 = tpu.vector_load %arg10[%swap3A_180] {strides = array<i32>} : memref<64xi32, #tpu.memory_space<vmem>>, vector<16xi32>,
        %swap3A_182 = vector.shape_cast %swap3A_181 : vector<16xi32> to vector<16xi32>
        %swap3A_183 = vector.shape_cast %min3A_179 : vector<16xi32> to vector<16xi32>
        tpu.vector_store %arg10[%swap3A_180], %swap3A_183 {strides = array<i32>} : memref<64xi32, #tpu.memory_space<vmem>>, vector<16xi32>,
        %get3A_184 = arith.constant 32 : index
        %get3A_185 = tpu.vector_load %arg8[%get3A_184] {strides = array<i32>} : memref<64xi32, #tpu.memory_space<vmem>>, vector<16xi32>,
        %get3A_186 = vector.shape_cast %get3A_185 : vector<16xi32> to vector<16xi32>
        %sub3A_187 = vector.broadcast %sub3A_156 : i32 to vector<16xi32>
        %sub3A_188 = arith.subi %get3A_186, %sub3A_187 : vector<16xi32>
        %jit3A_189 = arith.constant 0 : i32
        %jit3A_190 = arith.constant 520 : i32
        %max3A_191 = vector.broadcast %jit3A_189 : i32 to vector<16xi32>
        %max3A_192 = arith.maxsi %max3A_191, %sub3A_188 : vector<16xi32>
        %min3A_193 = vector.broadcast %jit3A_190 : i32 to vector<16xi32>
        %min3A_194 = arith.minsi %min3A_193, %max3A_192 : vector<16xi32>
        %swap3A_195 = arith.constant 32 : index
        %swap3A_196 = tpu.vector_load %arg10[%swap3A_195] {strides = array<i32>} : memref<64xi32, #tpu.memory_space<vmem>>, vector<16xi32>,
        %swap3A_197 = vector.shape_cast %swap3A_196 : vector<16xi32> to vector<16xi32>
        %swap3A_198 = vector.shape_cast %min3A_194 : vector<16xi32> to vector<16xi32>
        tpu.vector_store %arg10[%swap3A_195], %swap3A_198 {strides = array<i32>} : memref<64xi32, #tpu.memory_space<vmem>>, vector<16xi32>,
        %get3A_199 = arith.constant 48 : index
        %get3A_200 = tpu.vector_load %arg8[%get3A_199] {strides = array<i32>} : memref<64xi32, #tpu.memory_space<vmem>>, vector<16xi32>,
        %get3A_201 = vector.shape_cast %get3A_200 : vector<16xi32> to vector<16xi32>
        %sub3A_202 = vector.broadcast %sub3A_156 : i32 to vector<16xi32>
        %sub3A_203 = arith.subi %get3A_201, %sub3A_202 : vector<16xi32>
        %jit3A_204 = arith.constant 0 : i32
        %jit3A_205 = arith.constant 520 : i32
        %max3A_206 = vector.broadcast %jit3A_204 : i32 to vector<16xi32>
        %max3A_207 = arith.maxsi %max3A_206, %sub3A_203 : vector<16xi32>
        %min3A_208 = vector.broadcast %jit3A_205 : i32 to vector<16xi32>
        %min3A_209 = arith.minsi %min3A_208, %max3A_207 : vector<16xi32>
        %swap3A_210 = arith.constant 48 : index
        %swap3A_211 = tpu.vector_load %arg10[%swap3A_210] {strides = array<i32>} : memref<64xi32, #tpu.memory_space<vmem>>, vector<16xi32>,
        %swap3A_212 = vector.shape_cast %swap3A_211 : vector<16xi32> to vector<16xi32>
        %swap3A_213 = vector.shape_cast %min3A_209 : vector<16xi32> to vector<16xi32>
        tpu.vector_store %arg10[%swap3A_210], %swap3A_213 {strides = array<i32>} : memref<64xi32, #tpu.memory_space<vmem>>, vector<16xi32>,
        "tpu.region"() ({
          %run_scoped3A = tpu.sem_alloc : memref<!tpu.dma_semaphore, #tpu.memory_space<semaphore_mem>>
          %dma_start3A_214 = arith.constant 0 : i32
          %dma_start3A_215 = arith.constant 0 : i32
          %dma_start3A_216 = tpu.memref_slice %arg5[%while3A_152, %dma_start3A_214, %dma_start3A_215] : memref<20x528x128xf32, #tpu.memory_space<vmem_shared>> -> memref<1x528x128xf32, #tpu.memory_space<vmem_shared>>
          %dma_start3A_217 = tpu.memref_squeeze %dma_start3A_216 : memref<1x528x128xf32, #tpu.memory_space<vmem_shared>> -> memref<528x128xf32, #tpu.memory_space<vmem_shared>>
          %dma_start3A_218 = arith.constant 0 : i32
          %dma_start3A_219 = arith.constant 0 : i32
          %dma_start3A_220 = tpu.memref_slice %dma_start3A_217[%dma_start3A_218, %dma_start3A_219] : memref<528x128xf32, #tpu.memory_space<vmem_shared>> -> memref<528x128xf32, #tpu.memory_space<vmem_shared>>
          tpu.enqueue_indirect_dma source(%arg6 : memref<64x128xf32, #tpu.memory_space<vmem>>) target(%dma_start3A_220 : memref<528x128xf32, #tpu.memory_space<vmem_shared>>) offsets(%arg10 : memref<64xi32, #tpu.memory_space<vmem>>) semaphore(%run_scoped3A : memref<!tpu.dma_semaphore, #tpu.memory_space<semaphore_mem>>) {add = true}
          %dma_wait3A_221 = arith.constant 0 : i32
          %dma_wait3A_222 = arith.constant 0 : i32
          %dma_wait3A_223 = tpu.memref_slice %arg5[%while3A_152, %dma_wait3A_221, %dma_wait3A_222] : memref<20x528x128xf32, #tpu.memory_space<vmem_shared>> -> memref<1x528x128xf32, #tpu.memory_space<vmem_shared>>
          %dma_wait3A_224 = tpu.memref_squeeze %dma_wait3A_223 : memref<1x528x128xf32, #tpu.memory_space<vmem_shared>> -> memref<528x128xf32, #tpu.memory_space<vmem_shared>>
          %dma_wait3A_225 = arith.constant 0 : i32
          %dma_wait3A_226 = arith.constant 0 : i32
          %dma_wait3A_227 = tpu.memref_slice %dma_wait3A_224[%dma_wait3A_225, %dma_wait3A_226] : memref<528x128xf32, #tpu.memory_space<vmem_shared>> -> memref<528x128xf32, #tpu.memory_space<vmem_shared>>
          tpu.wait_indirect_dma semaphore(%run_scoped3A : memref<!tpu.dma_semaphore, #tpu.memory_space<semaphore_mem>>) src(%arg6 : memref<64x128xf32, #tpu.memory_space<vmem>>) dst(%dma_wait3A_227 : memref<528x128xf32, #tpu.memory_space<vmem_shared>>)
          tpu.yield
        }) : () -> ()
      }
      %while3A_151 = arith.constant 1 : i32
      scf.for %while3A_152 = %while3A_149 to %while3A_145 step %while3A_151  : i32 {
        %mul3A_153 = arith.constant 512 : i32
        %mul3A_154 = arith.muli %while3A_152, %mul3A_153 : i32
        %sub3A_155 = arith.constant 8 : i32
        %sub3A_156 = arith.subi %mul3A_154, %sub3A_155 : i32
        %get3A_157 = arith.constant 0 : index
        %get3A_158 = tpu.vector_load %arg8[%get3A_157] {strides = array<i32>} : memref<64xi32, #tpu.memory_space<vmem>>, vector<16xi32>,
        %get3A_159 = vector.shape_cast %get3A_158 : vector<16xi32> to vector<16xi32>
        %sub3A_160 = vector.broadcast %sub3A_156 : i32 to vector<16xi32>
        %sub3A_161 = arith.subi %get3A_159, %sub3A_160 : vector<16xi32>
        %jit3A_162 = arith.constant 0 : i32
        %jit3A_163 = arith.constant 520 : i32
        %max3A = vector.broadcast %jit3A_162 : i32 to vector<16xi32>
        %max3A_164 = arith.maxsi %max3A, %sub3A_161 : vector<16xi32>
        %min3A = vector.broadcast %jit3A_163 : i32 to vector<16xi32>
        %min3A_165 = arith.minsi %min3A, %max3A_164 : vector<16xi32>
        %swap3A = arith.constant 0 : index
        %swap3A_166 = tpu.vector_load %arg10[%swap3A] {strides = array<i32>} : memref<64xi32, #tpu.memory_space<vmem>>, vector<16xi32>,
        %swap3A_167 = vector.shape_cast %swap3A_166 : vector<16xi32> to vector<16xi32>
        %swap3A_168 = vector.shape_cast %min3A_165 : vector<16xi32> to vector<16xi32>
        tpu.vector_store %arg10[%swap3A], %swap3A_168 {strides = array<i32>} : memref<64xi32, #tpu.memory_space<vmem>>, vector<16xi32>,
        %get3A_169 = arith.constant 16 : index
        %get3A_170 = tpu.vector_load %arg8[%get3A_169] {strides = array<i32>} : memref<64xi32, #tpu.memory_space<vmem>>, vector<16xi32>,
        %get3A_171 = vector.shape_cast %get3A_170 : vector<16xi32> to vector<16xi32>
        %sub3A_172 = vector.broadcast %sub3A_156 : i32 to vector<16xi32>
        %sub3A_173 = arith.subi %get3A_171, %sub3A_172 : vector<16xi32>
        %jit3A_174 = arith.constant 0 : i32
        %jit3A_175 = arith.constant 520 : i32
        %max3A_176 = vector.broadcast %jit3A_174 : i32 to vector<16xi32>
        %max3A_177 = arith.maxsi %max3A_176, %sub3A_173 : vector<16xi32>
        %min3A_178 = vector.broadcast %jit3A_175 : i32 to vector<16xi32>
        %min3A_179 = arith.minsi %min3A_178, %max3A_177 : vector<16xi32>
        %swap3A_180 = arith.constant 16 : index
        %swap3A_181 = tpu.vector_load %arg10[%swap3A_180] {strides = array<i32>} : memref<64xi32, #tpu.memory_space<vmem>>, vector<16xi32>,
        %swap3A_182 = vector.shape_cast %swap3A_181 : vector<16xi32> to vector<16xi32>
        %swap3A_183 = vector.shape_cast %min3A_179 : vector<16xi32> to vector<16xi32>
        tpu.vector_store %arg10[%swap3A_180], %swap3A_183 {strides = array<i32>} : memref<64xi32, #tpu.memory_space<vmem>>, vector<16xi32>,
        %get3A_184 = arith.constant 32 : index
        %get3A_185 = tpu.vector_load %arg8[%get3A_184] {strides = array<i32>} : memref<64xi32, #tpu.memory_space<vmem>>, vector<16xi32>,
        %get3A_186 = vector.shape_cast %get3A_185 : vector<16xi32> to vector<16xi32>
        %sub3A_187 = vector.broadcast %sub3A_156 : i32 to vector<16xi32>
        %sub3A_188 = arith.subi %get3A_186, %sub3A_187 : vector<16xi32>
        %jit3A_189 = arith.constant 0 : i32
        %jit3A_190 = arith.constant 520 : i32
        %max3A_191 = vector.broadcast %jit3A_189 : i32 to vector<16xi32>
        %max3A_192 = arith.maxsi %max3A_191, %sub3A_188 : vector<16xi32>
        %min3A_193 = vector.broadcast %jit3A_190 : i32 to vector<16xi32>
        %min3A_194 = arith.minsi %min3A_193, %max3A_192 : vector<16xi32>
        %swap3A_195 = arith.constant 32 : index
        %swap3A_196 = tpu.vector_load %arg10[%swap3A_195] {strides = array<i32>} : memref<64xi32, #tpu.memory_space<vmem>>, vector<16xi32>,
        %swap3A_197 = vector.shape_cast %swap3A_196 : vector<16xi32> to vector<16xi32>
        %swap3A_198 = vector.shape_cast %min3A_194 : vector<16xi32> to vector<16xi32>
        tpu.vector_store %arg10[%swap3A_195], %swap3A_198 {strides = array<i32>} : memref<64xi32, #tpu.memory_space<vmem>>, vector<16xi32>,
        %get3A_199 = arith.constant 48 : index
        %get3A_200 = tpu.vector_load %arg8[%get3A_199] {strides = array<i32>} : memref<64xi32, #tpu.memory_space<vmem>>, vector<16xi32>,
        %get3A_201 = vector.shape_cast %get3A_200 : vector<16xi32> to vector<16xi32>
        %sub3A_202 = vector.broadcast %sub3A_156 : i32 to vector<16xi32>
        %sub3A_203 = arith.subi %get3A_201, %sub3A_202 : vector<16xi32>
        %jit3A_204 = arith.constant 0 : i32
        %jit3A_205 = arith.constant 520 : i32
        %max3A_206 = vector.broadcast %jit3A_204 : i32 to vector<16xi32>
        %max3A_207 = arith.maxsi %max3A_206, %sub3A_203 : vector<16xi32>
        %min3A_208 = vector.broadcast %jit3A_205 : i32 to vector<16xi32>
        %min3A_209 = arith.minsi %min3A_208, %max3A_207 : vector<16xi32>
        %swap3A_210 = arith.constant 48 : index
        %swap3A_211 = tpu.vector_load %arg10[%swap3A_210] {strides = array<i32>} : memref<64xi32, #tpu.memory_space<vmem>>, vector<16xi32>,
        %swap3A_212 = vector.shape_cast %swap3A_211 : vector<16xi32> to vector<16xi32>
        %swap3A_213 = vector.shape_cast %min3A_209 : vector<16xi32> to vector<16xi32>
        tpu.vector_store %arg10[%swap3A_210], %swap3A_213 {strides = array<i32>} : memref<64xi32, #tpu.memory_space<vmem>>, vector<16xi32>,
        "tpu.region"() ({
          %run_scoped3A = tpu.sem_alloc : memref<!tpu.dma_semaphore, #tpu.memory_space<semaphore_mem>>
          %dma_start3A_214 = arith.constant 0 : i32
          %dma_start3A_215 = arith.constant 0 : i32
          %dma_start3A_216 = tpu.memref_slice %arg5[%while3A_152, %dma_start3A_214, %dma_start3A_215] : memref<20x528x128xf32, #tpu.memory_space<vmem_shared>> -> memref<1x528x128xf32, #tpu.memory_space<vmem_shared>>
          %dma_start3A_217 = tpu.memref_squeeze %dma_start3A_216 : memref<1x528x128xf32, #tpu.memory_space<vmem_shared>> -> memref<528x128xf32, #tpu.memory_space<vmem_shared>>
          %dma_start3A_218 = arith.constant 0 : i32
          %dma_start3A_219 = arith.constant 0 : i32
          %dma_start3A_220 = tpu.memref_slice %dma_start3A_217[%dma_start3A_218, %dma_start3A_219] : memref<528x128xf32, #tpu.memory_space<vmem_shared>> -> memref<528x128xf32, #tpu.memory_space<vmem_shared>>
          tpu.enqueue_indirect_dma source(%arg6 : memref<64x128xf32, #tpu.memory_space<vmem>>) target(%dma_start3A_220 : memref<528x128xf32, #tpu.memory_space<vmem_shared>>) offsets(%arg10 : memref<64xi32, #tpu.memory_space<vmem>>) semaphore(%run_scoped3A : memref<!tpu.dma_semaphore, #tpu.memory_space<semaphore_mem>>) {add = true}
          %dma_wait3A_221 = arith.constant 0 : i32
          %dma_wait3A_222 = arith.constant 0 : i32
          %dma_wait3A_223 = tpu.memref_slice %arg5[%while3A_152, %dma_wait3A_221, %dma_wait3A_222] : memref<20x528x128xf32, #tpu.memory_space<vmem_shared>> -> memref<1x528x128xf32, #tpu.memory_space<vmem_shared>>
          %dma_wait3A_224 = tpu.memref_squeeze %dma_wait3A_223 : memref<1x528x128xf32, #tpu.memory_space<vmem_shared>> -> memref<528x128xf32, #tpu.memory_space<vmem_shared>>
          %dma_wait3A_225 = arith.constant 0 : i32
          %dma_wait3A_226 = arith.constant 0 : i32
          %dma_wait3A_227 = tpu.memref_slice %dma_wait3A_224[%dma_wait3A_225, %dma_wait3A_226] : memref<528x128xf32, #tpu.memory_space<vmem_shared>> -> memref<528x128xf32, #tpu.memory_space<vmem_shared>>
          tpu.wait_indirect_dma semaphore(%run_scoped3A : memref<!tpu.dma_semaphore, #tpu.memory_space<semaphore_mem>>) src(%arg6 : memref<64x128xf32, #tpu.memory_space<vmem>>) dst(%dma_wait3A_227 : memref<528x128xf32, #tpu.memory_space<vmem_shared>>)
          tpu.yield
        }) : () -> ()
      }
    } else {
    }
    %barrier3A_63 = arith.constant 0 : index
    tpu.barrier barrier_id(%barrier3A_63)
    %mul3A_64 = arith.constant 20 : i32
    %mul3A_65 = arith.muli %arg0, %mul3A_64 : i32
    %mul3A_66 = arith.constant 512 : i32
    %mul3A_67 = arith.muli %mul3A_65, %mul3A_66 : i32
    %mul3A_68 = arith.constant 512 : i32
    %mul3A_69 = arith.muli %arg1, %mul3A_68 : i32
    %add3A_70 = arith.addi %mul3A_67, %mul3A_69 : i32
    "tpu.region"() ({
      %run_scoped3A = tpu.sem_alloc : memref<!tpu.dma_semaphore, #tpu.memory_space<semaphore_mem>>
      %dma_start3A_76 = arith.constant 0 : i32
      %dma_start3A_77 = tpu.memref_slice %arg4[%add3A_70, %dma_start3A_76] : memref<20480x128xf32, #tpu.memory_space<hbm>> -> memref<512x128xf32, #tpu.memory_space<hbm>>
      %dma_start3A_78 = arith.constant 8 : i32
      %dma_start3A_79 = arith.constant 0 : i32
      %dma_start3A_80 = tpu.memref_slice %arg5[%arg1, %dma_start3A_78, %dma_start3A_79] : memref<20x528x128xf32, #tpu.memory_space<vmem_shared>> -> memref<1x512x128xf32, #tpu.memory_space<vmem_shared>>
      %dma_start3A_81 = tpu.memref_squeeze %dma_start3A_80 : memref<1x512x128xf32, #tpu.memory_space<vmem_shared>> -> memref<512x128xf32, #tpu.memory_space<vmem_shared>>
      tpu.enqueue_dma source(%dma_start3A_81 : memref<512x128xf32, #tpu.memory_space<vmem_shared>>) target(%dma_start3A_77 : memref<512x128xf32, #tpu.memory_space<hbm>>) target_semaphore(%run_scoped3A : memref<!tpu.dma_semaphore, #tpu.memory_space<semaphore_mem>>)
      %dma_wait3A = arith.constant 0 : i32
      %dma_wait3A_82 = tpu.memref_slice %arg4[%add3A_70, %dma_wait3A] : memref<20480x128xf32, #tpu.memory_space<hbm>> -> memref<512x128xf32, #tpu.memory_space<hbm>>
      %dma_wait3A_83 = arith.constant 8 : i32
      %dma_wait3A_84 = arith.constant 0 : i32
      %dma_wait3A_85 = tpu.memref_slice %arg5[%arg1, %dma_wait3A_83, %dma_wait3A_84] : memref<20x528x128xf32, #tpu.memory_space<vmem_shared>> -> memref<1x512x128xf32, #tpu.memory_space<vmem_shared>>
      %dma_wait3A_86 = tpu.memref_squeeze %dma_wait3A_85 : memref<1x512x128xf32, #tpu.memory_space<vmem_shared>> -> memref<512x128xf32, #tpu.memory_space<vmem_shared>>
      tpu.wait_dma2 semaphore(%run_scoped3A : memref<!tpu.dma_semaphore, #tpu.memory_space<semaphore_mem>>) src(%dma_wait3A_86 : memref<512x128xf32, #tpu.memory_space<vmem_shared>>) dst(%dma_wait3A_82 : memref<512x128xf32, #tpu.memory_space<hbm>>)
      tpu.yield
    }) : () -> ()
    %lt3A_71 = arith.constant 4 : i32
    %lt3A_72 = arith.cmpi slt, %arg1, %lt3A_71 : i32
    %convert_element_type3A_73 = arith.extui %lt3A_72 : i1 to i32
    %cond3A_74 = arith.constant 0 : i32
    %cond3A_75 = arith.cmpi ne, %convert_element_type3A_73, %cond3A_74 : i32
    scf.if %cond3A_75 {
      %add3A_76 = arith.constant 16 : i32
      %add3A_77 = arith.addi %add3A_76, %arg1 : i32
      %mul3A_78 = arith.constant 20 : i32
      %mul3A_79 = arith.muli %arg0, %mul3A_78 : i32
      %mul3A_80 = arith.constant 512 : i32
      %mul3A_81 = arith.muli %mul3A_79, %mul3A_80 : i32
      %add3A_82 = arith.constant 16 : i32
      %add3A_83 = arith.addi %add3A_82, %arg1 : i32
      %mul3A_84 = arith.constant 512 : i32
      %mul3A_85 = arith.muli %add3A_83, %mul3A_84 : i32
      %add3A_86 = arith.addi %mul3A_81, %mul3A_85 : i32
      "tpu.region"() ({
        %run_scoped3A = tpu.sem_alloc : memref<!tpu.dma_semaphore, #tpu.memory_space<semaphore_mem>>
        %dma_start3A_87 = arith.constant 0 : i32
        %dma_start3A_88 = tpu.memref_slice %arg4[%add3A_86, %dma_start3A_87] : memref<20480x128xf32, #tpu.memory_space<hbm>> -> memref<512x128xf32, #tpu.memory_space<hbm>>
        %dma_start3A_89 = arith.constant 8 : i32
        %dma_start3A_90 = arith.constant 0 : i32
        %dma_start3A_91 = tpu.memref_slice %arg5[%add3A_77, %dma_start3A_89, %dma_start3A_90] : memref<20x528x128xf32, #tpu.memory_space<vmem_shared>> -> memref<1x512x128xf32, #tpu.memory_space<vmem_shared>>
        %dma_start3A_92 = tpu.memref_squeeze %dma_start3A_91 : memref<1x512x128xf32, #tpu.memory_space<vmem_shared>> -> memref<512x128xf32, #tpu.memory_space<vmem_shared>>
        tpu.enqueue_dma source(%dma_start3A_92 : memref<512x128xf32, #tpu.memory_space<vmem_shared>>) target(%dma_start3A_88 : memref<512x128xf32, #tpu.memory_space<hbm>>) target_semaphore(%run_scoped3A : memref<!tpu.dma_semaphore, #tpu.memory_space<semaphore_mem>>)
        %dma_wait3A = arith.constant 0 : i32
        %dma_wait3A_93 = tpu.memref_slice %arg4[%add3A_86, %dma_wait3A] : memref<20480x128xf32, #tpu.memory_space<hbm>> -> memref<512x128xf32, #tpu.memory_space<hbm>>
        %dma_wait3A_94 = arith.constant 8 : i32
        %dma_wait3A_95 = arith.constant 0 : i32
        %dma_wait3A_96 = tpu.memref_slice %arg5[%add3A_77, %dma_wait3A_94, %dma_wait3A_95] : memref<20x528x128xf32, #tpu.memory_space<vmem_shared>> -> memref<1x512x128xf32, #tpu.memory_space<vmem_shared>>
        %dma_wait3A_97 = tpu.memref_squeeze %dma_wait3A_96 : memref<1x512x128xf32, #tpu.memory_space<vmem_shared>> -> memref<512x128xf32, #tpu.memory_space<vmem_shared>>
        tpu.wait_dma2 semaphore(%run_scoped3A : memref<!tpu.dma_semaphore, #tpu.memory_space<semaphore_mem>>) src(%dma_wait3A_97 : memref<512x128xf32, #tpu.memory_space<vmem_shared>>) dst(%dma_wait3A_93 : memref<512x128xf32, #tpu.memory_space<hbm>>)
        tpu.yield
      }) : () -> ()
    } else {
    }
    return
  }
}

#map = affine_map<(d0, d1) -> (0, 0)>
#map1 = affine_map<(d0, d1) -> (0)>
module attributes {stable_mosaic.version = 14 : i64} {
  func.func @_gather_body(%arg0: i32, %arg1: i32, %arg2: memref<10000x128xi32, #tpu.memory_space<hbm>>, %arg3: memref<10000x128xi32, #tpu.memory_space<hbm>>, %arg4: memref<160000xi32, #tpu.memory_space<hbm>>, %arg5: memref<160000xi32, #tpu.memory_space<hbm>>, %arg6: memref<160000x128xi32, #tpu.memory_space<hbm>>, %arg7: memref<160000x128xi32, #tpu.memory_space<hbm>>, %arg8: memref<128xi32, #tpu.memory_space<vmem>>, %arg9: memref<128xi32, #tpu.memory_space<vmem>>, %arg10: memref<128xi32, #tpu.memory_space<vmem>>, %arg11: memref<128xi32, #tpu.memory_space<vmem>>, %arg12: memref<128x128xi32, #tpu.memory_space<vmem>>, %arg13: memref<128x128xi32, #tpu.memory_space<vmem>>, %arg14: memref<128x128xi32, #tpu.memory_space<vmem>>, %arg15: memref<128x128xi32, #tpu.memory_space<vmem>>, %arg16: memref<!tpu.dma_semaphore, #tpu.memory_space<semaphore_mem>>, %arg17: memref<!tpu.dma_semaphore, #tpu.memory_space<semaphore_mem>>, %arg18: memref<!tpu.dma_semaphore, #tpu.memory_space<semaphore_mem>>, %arg19: memref<!tpu.dma_semaphore, #tpu.memory_space<semaphore_mem>>, %arg20: memref<!tpu.dma_semaphore, #tpu.memory_space<semaphore_mem>>, %arg21: memref<!tpu.dma_semaphore, #tpu.memory_space<semaphore_mem>>) attributes {dimension_semantics = [#tpu.dimension_semantics<core_parallel>, #tpu.dimension_semantics<subcore_parallel>], iteration_bounds = array<i64: 2, 16>, scalar_prefetch = 0 : i64, scratch_operands = 14 : i64, tpu.core_type = #tpu.core_type<sc_vector_subcore>, window_params = [{transform_indices = #map}, {transform_indices = #map}, {transform_indices = #map1}, {transform_indices = #map1}, {transform_indices = #map}, {transform_indices = #map}]} {
    %mul3A = arith.constant 2 : i32
    %mul3A_0 = arith.muli %arg1, %mul3A : i32
    %add3A = arith.addi %mul3A_0, %arg0 : i32
    %mul3A_1 = arith.constant 39 : i32
    %mul3A_2 = arith.muli %add3A, %mul3A_1 : i32
    %mul3A_3 = arith.constant 128 : i32
    %mul3A_4 = arith.muli %mul3A_2, %mul3A_3 : i32
    %dma_start3A = tpu.memref_slice %arg4[%mul3A_4] : memref<160000xi32, #tpu.memory_space<hbm>> -> memref<128xi32, #tpu.memory_space<hbm>>
    %dma_start3A_5 = tpu.memref_slice %arg4[%mul3A_4] : memref<160000xi32, #tpu.memory_space<hbm>> -> memref<128xi32, #tpu.memory_space<hbm>>
    tpu.enqueue_dma source(%dma_start3A_5 : memref<128xi32, #tpu.memory_space<hbm>>) target(%arg8 : memref<128xi32, #tpu.memory_space<vmem>>) target_semaphore(%arg16 : memref<!tpu.dma_semaphore, #tpu.memory_space<semaphore_mem>>)
    %dma_start3A_6 = tpu.memref_slice %arg5[%mul3A_4] : memref<160000xi32, #tpu.memory_space<hbm>> -> memref<128xi32, #tpu.memory_space<hbm>>
    %dma_start3A_7 = tpu.memref_slice %arg5[%mul3A_4] : memref<160000xi32, #tpu.memory_space<hbm>> -> memref<128xi32, #tpu.memory_space<hbm>>
    tpu.enqueue_dma source(%dma_start3A_7 : memref<128xi32, #tpu.memory_space<hbm>>) target(%arg10 : memref<128xi32, #tpu.memory_space<vmem>>) target_semaphore(%arg16 : memref<!tpu.dma_semaphore, #tpu.memory_space<semaphore_mem>>)
    %dma_wait3A = arith.constant 0 : i32
    %dma_wait3A_8 = tpu.memref_slice %arg4[%dma_wait3A] : memref<160000xi32, #tpu.memory_space<hbm>> -> memref<128xi32, #tpu.memory_space<hbm>>
    %dma_wait3A_9 = arith.constant 0 : i32
    %dma_wait3A_10 = tpu.memref_slice %arg4[%dma_wait3A_9] : memref<160000xi32, #tpu.memory_space<hbm>> -> memref<128xi32, #tpu.memory_space<hbm>>
    tpu.wait_dma2 semaphore(%arg16 : memref<!tpu.dma_semaphore, #tpu.memory_space<semaphore_mem>>) src(%dma_wait3A_10 : memref<128xi32, #tpu.memory_space<hbm>>) dst(%arg8 : memref<128xi32, #tpu.memory_space<vmem>>)
    %dma_wait3A_11 = arith.constant 0 : i32
    %dma_wait3A_12 = tpu.memref_slice %arg5[%dma_wait3A_11] : memref<160000xi32, #tpu.memory_space<hbm>> -> memref<128xi32, #tpu.memory_space<hbm>>
    %dma_wait3A_13 = arith.constant 0 : i32
    %dma_wait3A_14 = tpu.memref_slice %arg5[%dma_wait3A_13] : memref<160000xi32, #tpu.memory_space<hbm>> -> memref<128xi32, #tpu.memory_space<hbm>>
    tpu.wait_dma2 semaphore(%arg16 : memref<!tpu.dma_semaphore, #tpu.memory_space<semaphore_mem>>) src(%dma_wait3A_14 : memref<128xi32, #tpu.memory_space<hbm>>) dst(%arg10 : memref<128xi32, #tpu.memory_space<vmem>>)
    %dma_start3A_15 = arith.constant 0 : i32
    %dma_start3A_16 = arith.constant 0 : i32
    %dma_start3A_17 = tpu.memref_slice %arg2[%dma_start3A_15, %dma_start3A_16] : memref<10000x128xi32, #tpu.memory_space<hbm>> -> memref<10000x128xi32, #tpu.memory_space<hbm>>
    tpu.enqueue_indirect_dma source(%dma_start3A_17 : memref<10000x128xi32, #tpu.memory_space<hbm>>) target(%arg12 : memref<128x128xi32, #tpu.memory_space<vmem>>) offsets(%arg8 : memref<128xi32, #tpu.memory_space<vmem>>) semaphore(%arg18 : memref<!tpu.dma_semaphore, #tpu.memory_space<semaphore_mem>>)
    %dma_start3A_18 = arith.constant 0 : i32
    %dma_start3A_19 = arith.constant 0 : i32
    %dma_start3A_20 = tpu.memref_slice %arg3[%dma_start3A_18, %dma_start3A_19] : memref<10000x128xi32, #tpu.memory_space<hbm>> -> memref<10000x128xi32, #tpu.memory_space<hbm>>
    tpu.enqueue_indirect_dma source(%dma_start3A_20 : memref<10000x128xi32, #tpu.memory_space<hbm>>) target(%arg14 : memref<128x128xi32, #tpu.memory_space<vmem>>) offsets(%arg10 : memref<128xi32, #tpu.memory_space<vmem>>) semaphore(%arg18 : memref<!tpu.dma_semaphore, #tpu.memory_space<semaphore_mem>>)
    %add3A_21 = arith.constant 1 : i32
    %add3A_22 = arith.addi %mul3A_2, %add3A_21 : i32
    %mul3A_23 = arith.constant 128 : i32
    %mul3A_24 = arith.muli %add3A_22, %mul3A_23 : i32
    %dma_start3A_25 = tpu.memref_slice %arg4[%mul3A_24] : memref<160000xi32, #tpu.memory_space<hbm>> -> memref<128xi32, #tpu.memory_space<hbm>>
    %dma_start3A_26 = tpu.memref_slice %arg4[%mul3A_24] : memref<160000xi32, #tpu.memory_space<hbm>> -> memref<128xi32, #tpu.memory_space<hbm>>
    tpu.enqueue_dma source(%dma_start3A_26 : memref<128xi32, #tpu.memory_space<hbm>>) target(%arg9 : memref<128xi32, #tpu.memory_space<vmem>>) target_semaphore(%arg17 : memref<!tpu.dma_semaphore, #tpu.memory_space<semaphore_mem>>)
    %dma_start3A_27 = tpu.memref_slice %arg5[%mul3A_24] : memref<160000xi32, #tpu.memory_space<hbm>> -> memref<128xi32, #tpu.memory_space<hbm>>
    %dma_start3A_28 = tpu.memref_slice %arg5[%mul3A_24] : memref<160000xi32, #tpu.memory_space<hbm>> -> memref<128xi32, #tpu.memory_space<hbm>>
    tpu.enqueue_dma source(%dma_start3A_28 : memref<128xi32, #tpu.memory_space<hbm>>) target(%arg11 : memref<128xi32, #tpu.memory_space<vmem>>) target_semaphore(%arg17 : memref<!tpu.dma_semaphore, #tpu.memory_space<semaphore_mem>>)
    %scan3A = arith.constant 0 : i32
    %scan3A_29 = arith.constant 0 : i32
    %scan3A_30 = arith.constant 19 : i32
    %scan3A_31 = arith.addi %scan3A_29, %scan3A_30 : i32
    %scan3A_32 = arith.constant 1 : i32
    scf.for %scan3A_86 = %scan3A_29 to %scan3A_31 step %scan3A_32  : i32 {
      %mul3A_87 = arith.constant 2 : i32
      %mul3A_88 = arith.muli %mul3A_87, %scan3A_86 : i32
      %add3A_89 = arith.constant 1 : i32
      %add3A_90 = arith.addi %mul3A_88, %add3A_89 : i32
      %lt3A_91 = arith.constant 39 : i32
      %lt3A_92 = arith.cmpi slt, %add3A_90, %lt3A_91 : i32
      %convert_element_type3A_93 = arith.extui %lt3A_92 : i1 to i32
      %cond3A_94 = arith.constant 0 : i32
      %cond3A_95 = arith.cmpi ne, %convert_element_type3A_93, %cond3A_94 : i32
      scf.if %cond3A_95 {
        %dma_wait3A_194 = arith.constant 0 : i32
        %dma_wait3A_195 = tpu.memref_slice %arg4[%dma_wait3A_194] : memref<160000xi32, #tpu.memory_space<hbm>> -> memref<128xi32, #tpu.memory_space<hbm>>
        %dma_wait3A_196 = arith.constant 0 : i32
        %dma_wait3A_197 = tpu.memref_slice %arg4[%dma_wait3A_196] : memref<160000xi32, #tpu.memory_space<hbm>> -> memref<128xi32, #tpu.memory_space<hbm>>
        tpu.wait_dma2 semaphore(%arg17 : memref<!tpu.dma_semaphore, #tpu.memory_space<semaphore_mem>>) src(%dma_wait3A_197 : memref<128xi32, #tpu.memory_space<hbm>>) dst(%arg9 : memref<128xi32, #tpu.memory_space<vmem>>)
        %dma_wait3A_198 = arith.constant 0 : i32
        %dma_wait3A_199 = tpu.memref_slice %arg5[%dma_wait3A_198] : memref<160000xi32, #tpu.memory_space<hbm>> -> memref<128xi32, #tpu.memory_space<hbm>>
        %dma_wait3A_200 = arith.constant 0 : i32
        %dma_wait3A_201 = tpu.memref_slice %arg5[%dma_wait3A_200] : memref<160000xi32, #tpu.memory_space<hbm>> -> memref<128xi32, #tpu.memory_space<hbm>>
        tpu.wait_dma2 semaphore(%arg17 : memref<!tpu.dma_semaphore, #tpu.memory_space<semaphore_mem>>) src(%dma_wait3A_201 : memref<128xi32, #tpu.memory_space<hbm>>) dst(%arg11 : memref<128xi32, #tpu.memory_space<vmem>>)
      } else {
      }
      %ge3A = arith.constant 1 : i32
      %ge3A_96 = arith.cmpi sge, %mul3A_88, %ge3A : i32
      %convert_element_type3A_97 = arith.extui %ge3A_96 : i1 to i32
      %cond3A_98 = arith.constant 0 : i32
      %cond3A_99 = arith.cmpi ne, %convert_element_type3A_97, %cond3A_98 : i32
      scf.if %cond3A_99 {
        %dma_wait3A_194 = arith.constant 0 : i32
        %dma_wait3A_195 = arith.constant 0 : i32
        %dma_wait3A_196 = tpu.memref_slice %arg6[%dma_wait3A_194, %dma_wait3A_195] : memref<160000x128xi32, #tpu.memory_space<hbm>> -> memref<128x128xi32, #tpu.memory_space<hbm>>
        %dma_wait3A_197 = arith.constant 0 : i32
        %dma_wait3A_198 = arith.constant 0 : i32
        %dma_wait3A_199 = tpu.memref_slice %arg6[%dma_wait3A_197, %dma_wait3A_198] : memref<160000x128xi32, #tpu.memory_space<hbm>> -> memref<128x128xi32, #tpu.memory_space<hbm>>
        tpu.wait_dma2 semaphore(%arg21 : memref<!tpu.dma_semaphore, #tpu.memory_space<semaphore_mem>>) src(%arg13 : memref<128x128xi32, #tpu.memory_space<vmem>>) dst(%dma_wait3A_199 : memref<128x128xi32, #tpu.memory_space<hbm>>)
        %dma_wait3A_200 = arith.constant 0 : i32
        %dma_wait3A_201 = arith.constant 0 : i32
        %dma_wait3A_202 = tpu.memref_slice %arg7[%dma_wait3A_200, %dma_wait3A_201] : memref<160000x128xi32, #tpu.memory_space<hbm>> -> memref<128x128xi32, #tpu.memory_space<hbm>>
        %dma_wait3A_203 = arith.constant 0 : i32
        %dma_wait3A_204 = arith.constant 0 : i32
        %dma_wait3A_205 = tpu.memref_slice %arg7[%dma_wait3A_203, %dma_wait3A_204] : memref<160000x128xi32, #tpu.memory_space<hbm>> -> memref<128x128xi32, #tpu.memory_space<hbm>>
        tpu.wait_dma2 semaphore(%arg21 : memref<!tpu.dma_semaphore, #tpu.memory_space<semaphore_mem>>) src(%arg15 : memref<128x128xi32, #tpu.memory_space<vmem>>) dst(%dma_wait3A_205 : memref<128x128xi32, #tpu.memory_space<hbm>>)
      } else {
      }
      %add3A_100 = arith.constant 1 : i32
      %add3A_101 = arith.addi %mul3A_88, %add3A_100 : i32
      %lt3A_102 = arith.constant 39 : i32
      %lt3A_103 = arith.cmpi slt, %add3A_101, %lt3A_102 : i32
      %convert_element_type3A_104 = arith.extui %lt3A_103 : i1 to i32
      %cond3A_105 = arith.constant 0 : i32
      %cond3A_106 = arith.cmpi ne, %convert_element_type3A_104, %cond3A_105 : i32
      scf.if %cond3A_106 {
        %dma_start3A_194 = arith.constant 0 : i32
        %dma_start3A_195 = arith.constant 0 : i32
        %dma_start3A_196 = tpu.memref_slice %arg2[%dma_start3A_194, %dma_start3A_195] : memref<10000x128xi32, #tpu.memory_space<hbm>> -> memref<10000x128xi32, #tpu.memory_space<hbm>>
        tpu.enqueue_indirect_dma source(%dma_start3A_196 : memref<10000x128xi32, #tpu.memory_space<hbm>>) target(%arg13 : memref<128x128xi32, #tpu.memory_space<vmem>>) offsets(%arg9 : memref<128xi32, #tpu.memory_space<vmem>>) semaphore(%arg19 : memref<!tpu.dma_semaphore, #tpu.memory_space<semaphore_mem>>)
        %dma_start3A_197 = arith.constant 0 : i32
        %dma_start3A_198 = arith.constant 0 : i32
        %dma_start3A_199 = tpu.memref_slice %arg3[%dma_start3A_197, %dma_start3A_198] : memref<10000x128xi32, #tpu.memory_space<hbm>> -> memref<10000x128xi32, #tpu.memory_space<hbm>>
        tpu.enqueue_indirect_dma source(%dma_start3A_199 : memref<10000x128xi32, #tpu.memory_space<hbm>>) target(%arg15 : memref<128x128xi32, #tpu.memory_space<vmem>>) offsets(%arg11 : memref<128xi32, #tpu.memory_space<vmem>>) semaphore(%arg19 : memref<!tpu.dma_semaphore, #tpu.memory_space<semaphore_mem>>)
      } else {
      }
      %dma_wait3A_107 = arith.constant 0 : i32
      %dma_wait3A_108 = arith.constant 0 : i32
      %dma_wait3A_109 = tpu.memref_slice %arg2[%dma_wait3A_107, %dma_wait3A_108] : memref<10000x128xi32, #tpu.memory_space<hbm>> -> memref<128x128xi32, #tpu.memory_space<hbm>>
      %dma_wait3A_110 = arith.constant 0 : i32
      %dma_wait3A_111 = arith.constant 0 : i32
      %dma_wait3A_112 = tpu.memref_slice %arg2[%dma_wait3A_110, %dma_wait3A_111] : memref<10000x128xi32, #tpu.memory_space<hbm>> -> memref<128x128xi32, #tpu.memory_space<hbm>>
      tpu.wait_dma2 semaphore(%arg18 : memref<!tpu.dma_semaphore, #tpu.memory_space<semaphore_mem>>) src(%dma_wait3A_112 : memref<128x128xi32, #tpu.memory_space<hbm>>) dst(%arg12 : memref<128x128xi32, #tpu.memory_space<vmem>>)
      %dma_wait3A_113 = arith.constant 0 : i32
      %dma_wait3A_114 = arith.constant 0 : i32
      %dma_wait3A_115 = tpu.memref_slice %arg2[%dma_wait3A_113, %dma_wait3A_114] : memref<10000x128xi32, #tpu.memory_space<hbm>> -> memref<128x128xi32, #tpu.memory_space<hbm>>
      %dma_wait3A_116 = arith.constant 0 : i32
      %dma_wait3A_117 = arith.constant 0 : i32
      %dma_wait3A_118 = tpu.memref_slice %arg2[%dma_wait3A_116, %dma_wait3A_117] : memref<10000x128xi32, #tpu.memory_space<hbm>> -> memref<128x128xi32, #tpu.memory_space<hbm>>
      tpu.wait_dma2 semaphore(%arg18 : memref<!tpu.dma_semaphore, #tpu.memory_space<semaphore_mem>>) src(%dma_wait3A_118 : memref<128x128xi32, #tpu.memory_space<hbm>>) dst(%arg14 : memref<128x128xi32, #tpu.memory_space<vmem>>)
      %add3A_119 = arith.constant 2 : i32
      %add3A_120 = arith.addi %mul3A_88, %add3A_119 : i32
      %lt3A_121 = arith.constant 39 : i32
      %lt3A_122 = arith.cmpi slt, %add3A_120, %lt3A_121 : i32
      %convert_element_type3A_123 = arith.extui %lt3A_122 : i1 to i32
      %cond3A_124 = arith.constant 0 : i32
      %cond3A_125 = arith.cmpi ne, %convert_element_type3A_123, %cond3A_124 : i32
      scf.if %cond3A_125 {
        %add3A_194 = arith.addi %mul3A_2, %mul3A_88 : i32
        %add3A_195 = arith.constant 2 : i32
        %add3A_196 = arith.addi %add3A_194, %add3A_195 : i32
        %mul3A_197 = arith.constant 128 : i32
        %mul3A_198 = arith.muli %add3A_196, %mul3A_197 : i32
        %dma_start3A_199 = tpu.memref_slice %arg4[%mul3A_198] : memref<160000xi32, #tpu.memory_space<hbm>> -> memref<128xi32, #tpu.memory_space<hbm>>
        %dma_start3A_200 = tpu.memref_slice %arg4[%mul3A_198] : memref<160000xi32, #tpu.memory_space<hbm>> -> memref<128xi32, #tpu.memory_space<hbm>>
        tpu.enqueue_dma source(%dma_start3A_200 : memref<128xi32, #tpu.memory_space<hbm>>) target(%arg8 : memref<128xi32, #tpu.memory_space<vmem>>) target_semaphore(%arg16 : memref<!tpu.dma_semaphore, #tpu.memory_space<semaphore_mem>>)
        %dma_start3A_201 = tpu.memref_slice %arg5[%mul3A_198] : memref<160000xi32, #tpu.memory_space<hbm>> -> memref<128xi32, #tpu.memory_space<hbm>>
        %dma_start3A_202 = tpu.memref_slice %arg5[%mul3A_198] : memref<160000xi32, #tpu.memory_space<hbm>> -> memref<128xi32, #tpu.memory_space<hbm>>
        tpu.enqueue_dma source(%dma_start3A_202 : memref<128xi32, #tpu.memory_space<hbm>>) target(%arg10 : memref<128xi32, #tpu.memory_space<vmem>>) target_semaphore(%arg16 : memref<!tpu.dma_semaphore, #tpu.memory_space<semaphore_mem>>)
      } else {
      }
      %add3A_126 = arith.addi %mul3A_2, %mul3A_88 : i32
      %mul3A_127 = arith.constant 128 : i32
      %mul3A_128 = arith.muli %add3A_126, %mul3A_127 : i32
      %dma_start3A_129 = arith.constant 0 : i32
      %dma_start3A_130 = tpu.memref_slice %arg6[%mul3A_128, %dma_start3A_129] : memref<160000x128xi32, #tpu.memory_space<hbm>> -> memref<128x128xi32, #tpu.memory_space<hbm>>
      %dma_start3A_131 = arith.constant 0 : i32
      %dma_start3A_132 = tpu.memref_slice %arg6[%mul3A_128, %dma_start3A_131] : memref<160000x128xi32, #tpu.memory_space<hbm>> -> memref<128x128xi32, #tpu.memory_space<hbm>>
      tpu.enqueue_dma source(%arg12 : memref<128x128xi32, #tpu.memory_space<vmem>>) target(%dma_start3A_132 : memref<128x128xi32, #tpu.memory_space<hbm>>) target_semaphore(%arg20 : memref<!tpu.dma_semaphore, #tpu.memory_space<semaphore_mem>>)
      %mul3A_133 = arith.constant 128 : i32
      %mul3A_134 = arith.muli %add3A_126, %mul3A_133 : i32
      %dma_start3A_135 = arith.constant 0 : i32
      %dma_start3A_136 = tpu.memref_slice %arg7[%mul3A_134, %dma_start3A_135] : memref<160000x128xi32, #tpu.memory_space<hbm>> -> memref<128x128xi32, #tpu.memory_space<hbm>>
      %dma_start3A_137 = arith.constant 0 : i32
      %dma_start3A_138 = tpu.memref_slice %arg7[%mul3A_134, %dma_start3A_137] : memref<160000x128xi32, #tpu.memory_space<hbm>> -> memref<128x128xi32, #tpu.memory_space<hbm>>
      tpu.enqueue_dma source(%arg14 : memref<128x128xi32, #tpu.memory_space<vmem>>) target(%dma_start3A_138 : memref<128x128xi32, #tpu.memory_space<hbm>>) target_semaphore(%arg20 : memref<!tpu.dma_semaphore, #tpu.memory_space<semaphore_mem>>)
      %mul3A_139 = arith.constant 2 : i32
      %mul3A_140 = arith.muli %mul3A_139, %scan3A_86 : i32
      %add3A_141 = arith.constant 1 : i32
      %add3A_142 = arith.addi %mul3A_140, %add3A_141 : i32
      %add3A_143 = arith.constant 1 : i32
      %add3A_144 = arith.addi %add3A_142, %add3A_143 : i32
      %lt3A_145 = arith.constant 39 : i32
      %lt3A_146 = arith.cmpi slt, %add3A_144, %lt3A_145 : i32
      %convert_element_type3A_147 = arith.extui %lt3A_146 : i1 to i32
      %cond3A_148 = arith.constant 0 : i32
      %cond3A_149 = arith.cmpi ne, %convert_element_type3A_147, %cond3A_148 : i32
      scf.if %cond3A_149 {
        %dma_wait3A_194 = arith.constant 0 : i32
        %dma_wait3A_195 = tpu.memref_slice %arg4[%dma_wait3A_194] : memref<160000xi32, #tpu.memory_space<hbm>> -> memref<128xi32, #tpu.memory_space<hbm>>
        %dma_wait3A_196 = arith.constant 0 : i32
        %dma_wait3A_197 = tpu.memref_slice %arg4[%dma_wait3A_196] : memref<160000xi32, #tpu.memory_space<hbm>> -> memref<128xi32, #tpu.memory_space<hbm>>
        tpu.wait_dma2 semaphore(%arg16 : memref<!tpu.dma_semaphore, #tpu.memory_space<semaphore_mem>>) src(%dma_wait3A_197 : memref<128xi32, #tpu.memory_space<hbm>>) dst(%arg8 : memref<128xi32, #tpu.memory_space<vmem>>)
        %dma_wait3A_198 = arith.constant 0 : i32
        %dma_wait3A_199 = tpu.memref_slice %arg5[%dma_wait3A_198] : memref<160000xi32, #tpu.memory_space<hbm>> -> memref<128xi32, #tpu.memory_space<hbm>>
        %dma_wait3A_200 = arith.constant 0 : i32
        %dma_wait3A_201 = tpu.memref_slice %arg5[%dma_wait3A_200] : memref<160000xi32, #tpu.memory_space<hbm>> -> memref<128xi32, #tpu.memory_space<hbm>>
        tpu.wait_dma2 semaphore(%arg16 : memref<!tpu.dma_semaphore, #tpu.memory_space<semaphore_mem>>) src(%dma_wait3A_201 : memref<128xi32, #tpu.memory_space<hbm>>) dst(%arg10 : memref<128xi32, #tpu.memory_space<vmem>>)
      } else {
      }
      %ge3A_150 = arith.constant 1 : i32
      %ge3A_151 = arith.cmpi sge, %add3A_142, %ge3A_150 : i32
      %convert_element_type3A_152 = arith.extui %ge3A_151 : i1 to i32
      %cond3A_153 = arith.constant 0 : i32
      %cond3A_154 = arith.cmpi ne, %convert_element_type3A_152, %cond3A_153 : i32
      scf.if %cond3A_154 {
        %dma_wait3A_194 = arith.constant 0 : i32
        %dma_wait3A_195 = arith.constant 0 : i32
        %dma_wait3A_196 = tpu.memref_slice %arg6[%dma_wait3A_194, %dma_wait3A_195] : memref<160000x128xi32, #tpu.memory_space<hbm>> -> memref<128x128xi32, #tpu.memory_space<hbm>>
        %dma_wait3A_197 = arith.constant 0 : i32
        %dma_wait3A_198 = arith.constant 0 : i32
        %dma_wait3A_199 = tpu.memref_slice %arg6[%dma_wait3A_197, %dma_wait3A_198] : memref<160000x128xi32, #tpu.memory_space<hbm>> -> memref<128x128xi32, #tpu.memory_space<hbm>>
        tpu.wait_dma2 semaphore(%arg20 : memref<!tpu.dma_semaphore, #tpu.memory_space<semaphore_mem>>) src(%arg12 : memref<128x128xi32, #tpu.memory_space<vmem>>) dst(%dma_wait3A_199 : memref<128x128xi32, #tpu.memory_space<hbm>>)
        %dma_wait3A_200 = arith.constant 0 : i32
        %dma_wait3A_201 = arith.constant 0 : i32
        %dma_wait3A_202 = tpu.memref_slice %arg7[%dma_wait3A_200, %dma_wait3A_201] : memref<160000x128xi32, #tpu.memory_space<hbm>> -> memref<128x128xi32, #tpu.memory_space<hbm>>
        %dma_wait3A_203 = arith.constant 0 : i32
        %dma_wait3A_204 = arith.constant 0 : i32
        %dma_wait3A_205 = tpu.memref_slice %arg7[%dma_wait3A_203, %dma_wait3A_204] : memref<160000x128xi32, #tpu.memory_space<hbm>> -> memref<128x128xi32, #tpu.memory_space<hbm>>
        tpu.wait_dma2 semaphore(%arg20 : memref<!tpu.dma_semaphore, #tpu.memory_space<semaphore_mem>>) src(%arg14 : memref<128x128xi32, #tpu.memory_space<vmem>>) dst(%dma_wait3A_205 : memref<128x128xi32, #tpu.memory_space<hbm>>)
      } else {
      }
      %add3A_155 = arith.constant 1 : i32
      %add3A_156 = arith.addi %add3A_142, %add3A_155 : i32
      %lt3A_157 = arith.constant 39 : i32
      %lt3A_158 = arith.cmpi slt, %add3A_156, %lt3A_157 : i32
      %convert_element_type3A_159 = arith.extui %lt3A_158 : i1 to i32
      %cond3A_160 = arith.constant 0 : i32
      %cond3A_161 = arith.cmpi ne, %convert_element_type3A_159, %cond3A_160 : i32
      scf.if %cond3A_161 {
        %dma_start3A_194 = arith.constant 0 : i32
        %dma_start3A_195 = arith.constant 0 : i32
        %dma_start3A_196 = tpu.memref_slice %arg2[%dma_start3A_194, %dma_start3A_195] : memref<10000x128xi32, #tpu.memory_space<hbm>> -> memref<10000x128xi32, #tpu.memory_space<hbm>>
        tpu.enqueue_indirect_dma source(%dma_start3A_196 : memref<10000x128xi32, #tpu.memory_space<hbm>>) target(%arg12 : memref<128x128xi32, #tpu.memory_space<vmem>>) offsets(%arg8 : memref<128xi32, #tpu.memory_space<vmem>>) semaphore(%arg18 : memref<!tpu.dma_semaphore, #tpu.memory_space<semaphore_mem>>)
        %dma_start3A_197 = arith.constant 0 : i32
        %dma_start3A_198 = arith.constant 0 : i32
        %dma_start3A_199 = tpu.memref_slice %arg3[%dma_start3A_197, %dma_start3A_198] : memref<10000x128xi32, #tpu.memory_space<hbm>> -> memref<10000x128xi32, #tpu.memory_space<hbm>>
        tpu.enqueue_indirect_dma source(%dma_start3A_199 : memref<10000x128xi32, #tpu.memory_space<hbm>>) target(%arg14 : memref<128x128xi32, #tpu.memory_space<vmem>>) offsets(%arg10 : memref<128xi32, #tpu.memory_space<vmem>>) semaphore(%arg18 : memref<!tpu.dma_semaphore, #tpu.memory_space<semaphore_mem>>)
      } else {
      }
      %dma_wait3A_162 = arith.constant 0 : i32
      %dma_wait3A_163 = arith.constant 0 : i32
      %dma_wait3A_164 = tpu.memref_slice %arg2[%dma_wait3A_162, %dma_wait3A_163] : memref<10000x128xi32, #tpu.memory_space<hbm>> -> memref<128x128xi32, #tpu.memory_space<hbm>>
      %dma_wait3A_165 = arith.constant 0 : i32
      %dma_wait3A_166 = arith.constant 0 : i32
      %dma_wait3A_167 = tpu.memref_slice %arg2[%dma_wait3A_165, %dma_wait3A_166] : memref<10000x128xi32, #tpu.memory_space<hbm>> -> memref<128x128xi32, #tpu.memory_space<hbm>>
      tpu.wait_dma2 semaphore(%arg19 : memref<!tpu.dma_semaphore, #tpu.memory_space<semaphore_mem>>) src(%dma_wait3A_167 : memref<128x128xi32, #tpu.memory_space<hbm>>) dst(%arg13 : memref<128x128xi32, #tpu.memory_space<vmem>>)
      %dma_wait3A_168 = arith.constant 0 : i32
      %dma_wait3A_169 = arith.constant 0 : i32
      %dma_wait3A_170 = tpu.memref_slice %arg2[%dma_wait3A_168, %dma_wait3A_169] : memref<10000x128xi32, #tpu.memory_space<hbm>> -> memref<128x128xi32, #tpu.memory_space<hbm>>
      %dma_wait3A_171 = arith.constant 0 : i32
      %dma_wait3A_172 = arith.constant 0 : i32
      %dma_wait3A_173 = tpu.memref_slice %arg2[%dma_wait3A_171, %dma_wait3A_172] : memref<10000x128xi32, #tpu.memory_space<hbm>> -> memref<128x128xi32, #tpu.memory_space<hbm>>
      tpu.wait_dma2 semaphore(%arg19 : memref<!tpu.dma_semaphore, #tpu.memory_space<semaphore_mem>>) src(%dma_wait3A_173 : memref<128x128xi32, #tpu.memory_space<hbm>>) dst(%arg15 : memref<128x128xi32, #tpu.memory_space<vmem>>)
      %add3A_174 = arith.constant 2 : i32
      %add3A_175 = arith.addi %add3A_142, %add3A_174 : i32
      %lt3A_176 = arith.constant 39 : i32
      %lt3A_177 = arith.cmpi slt, %add3A_175, %lt3A_176 : i32
      %convert_element_type3A_178 = arith.extui %lt3A_177 : i1 to i32
      %cond3A_179 = arith.constant 0 : i32
      %cond3A_180 = arith.cmpi ne, %convert_element_type3A_178, %cond3A_179 : i32
      scf.if %cond3A_180 {
        %add3A_194 = arith.addi %mul3A_2, %add3A_142 : i32
        %add3A_195 = arith.constant 2 : i32
        %add3A_196 = arith.addi %add3A_194, %add3A_195 : i32
        %mul3A_197 = arith.constant 128 : i32
        %mul3A_198 = arith.muli %add3A_196, %mul3A_197 : i32
        %dma_start3A_199 = tpu.memref_slice %arg4[%mul3A_198] : memref<160000xi32, #tpu.memory_space<hbm>> -> memref<128xi32, #tpu.memory_space<hbm>>
        %dma_start3A_200 = tpu.memref_slice %arg4[%mul3A_198] : memref<160000xi32, #tpu.memory_space<hbm>> -> memref<128xi32, #tpu.memory_space<hbm>>
        tpu.enqueue_dma source(%dma_start3A_200 : memref<128xi32, #tpu.memory_space<hbm>>) target(%arg9 : memref<128xi32, #tpu.memory_space<vmem>>) target_semaphore(%arg17 : memref<!tpu.dma_semaphore, #tpu.memory_space<semaphore_mem>>)
        %dma_start3A_201 = tpu.memref_slice %arg5[%mul3A_198] : memref<160000xi32, #tpu.memory_space<hbm>> -> memref<128xi32, #tpu.memory_space<hbm>>
        %dma_start3A_202 = tpu.memref_slice %arg5[%mul3A_198] : memref<160000xi32, #tpu.memory_space<hbm>> -> memref<128xi32, #tpu.memory_space<hbm>>
        tpu.enqueue_dma source(%dma_start3A_202 : memref<128xi32, #tpu.memory_space<hbm>>) target(%arg11 : memref<128xi32, #tpu.memory_space<vmem>>) target_semaphore(%arg17 : memref<!tpu.dma_semaphore, #tpu.memory_space<semaphore_mem>>)
      } else {
      }
      %add3A_181 = arith.addi %mul3A_2, %add3A_142 : i32
      %mul3A_182 = arith.constant 128 : i32
      %mul3A_183 = arith.muli %add3A_181, %mul3A_182 : i32
      %dma_start3A_184 = arith.constant 0 : i32
      %dma_start3A_185 = tpu.memref_slice %arg6[%mul3A_183, %dma_start3A_184] : memref<160000x128xi32, #tpu.memory_space<hbm>> -> memref<128x128xi32, #tpu.memory_space<hbm>>
      %dma_start3A_186 = arith.constant 0 : i32
      %dma_start3A_187 = tpu.memref_slice %arg6[%mul3A_183, %dma_start3A_186] : memref<160000x128xi32, #tpu.memory_space<hbm>> -> memref<128x128xi32, #tpu.memory_space<hbm>>
      tpu.enqueue_dma source(%arg13 : memref<128x128xi32, #tpu.memory_space<vmem>>) target(%dma_start3A_187 : memref<128x128xi32, #tpu.memory_space<hbm>>) target_semaphore(%arg21 : memref<!tpu.dma_semaphore, #tpu.memory_space<semaphore_mem>>)
      %mul3A_188 = arith.constant 128 : i32
      %mul3A_189 = arith.muli %add3A_181, %mul3A_188 : i32
      %dma_start3A_190 = arith.constant 0 : i32
      %dma_start3A_191 = tpu.memref_slice %arg7[%mul3A_189, %dma_start3A_190] : memref<160000x128xi32, #tpu.memory_space<hbm>> -> memref<128x128xi32, #tpu.memory_space<hbm>>
      %dma_start3A_192 = arith.constant 0 : i32
      %dma_start3A_193 = tpu.memref_slice %arg7[%mul3A_189, %dma_start3A_192] : memref<160000x128xi32, #tpu.memory_space<hbm>> -> memref<128x128xi32, #tpu.memory_space<hbm>>
      tpu.enqueue_dma source(%arg15 : memref<128x128xi32, #tpu.memory_space<vmem>>) target(%dma_start3A_193 : memref<128x128xi32, #tpu.memory_space<hbm>>) target_semaphore(%arg21 : memref<!tpu.dma_semaphore, #tpu.memory_space<semaphore_mem>>)
    }
    %scan3A_33 = arith.constant 19 : i32
    %dma_wait3A_34 = arith.constant 0 : i32
    %dma_wait3A_35 = arith.constant 0 : i32
    %dma_wait3A_36 = tpu.memref_slice %arg6[%dma_wait3A_34, %dma_wait3A_35] : memref<160000x128xi32, #tpu.memory_space<hbm>> -> memref<128x128xi32, #tpu.memory_space<hbm>>
    %dma_wait3A_37 = arith.constant 0 : i32
    %dma_wait3A_38 = arith.constant 0 : i32
    %dma_wait3A_39 = tpu.memref_slice %arg6[%dma_wait3A_37, %dma_wait3A_38] : memref<160000x128xi32, #tpu.memory_space<hbm>> -> memref<128x128xi32, #tpu.memory_space<hbm>>
    tpu.wait_dma2 semaphore(%arg21 : memref<!tpu.dma_semaphore, #tpu.memory_space<semaphore_mem>>) src(%arg13 : memref<128x128xi32, #tpu.memory_space<vmem>>) dst(%dma_wait3A_39 : memref<128x128xi32, #tpu.memory_space<hbm>>)
    %dma_wait3A_40 = arith.constant 0 : i32
    %dma_wait3A_41 = arith.constant 0 : i32
    %dma_wait3A_42 = tpu.memref_slice %arg7[%dma_wait3A_40, %dma_wait3A_41] : memref<160000x128xi32, #tpu.memory_space<hbm>> -> memref<128x128xi32, #tpu.memory_space<hbm>>
    %dma_wait3A_43 = arith.constant 0 : i32
    %dma_wait3A_44 = arith.constant 0 : i32
    %dma_wait3A_45 = tpu.memref_slice %arg7[%dma_wait3A_43, %dma_wait3A_44] : memref<160000x128xi32, #tpu.memory_space<hbm>> -> memref<128x128xi32, #tpu.memory_space<hbm>>
    tpu.wait_dma2 semaphore(%arg21 : memref<!tpu.dma_semaphore, #tpu.memory_space<semaphore_mem>>) src(%arg15 : memref<128x128xi32, #tpu.memory_space<vmem>>) dst(%dma_wait3A_45 : memref<128x128xi32, #tpu.memory_space<hbm>>)
    %dma_wait3A_46 = arith.constant 0 : i32
    %dma_wait3A_47 = arith.constant 0 : i32
    %dma_wait3A_48 = tpu.memref_slice %arg2[%dma_wait3A_46, %dma_wait3A_47] : memref<10000x128xi32, #tpu.memory_space<hbm>> -> memref<128x128xi32, #tpu.memory_space<hbm>>
    %dma_wait3A_49 = arith.constant 0 : i32
    %dma_wait3A_50 = arith.constant 0 : i32
    %dma_wait3A_51 = tpu.memref_slice %arg2[%dma_wait3A_49, %dma_wait3A_50] : memref<10000x128xi32, #tpu.memory_space<hbm>> -> memref<128x128xi32, #tpu.memory_space<hbm>>
    tpu.wait_dma2 semaphore(%arg18 : memref<!tpu.dma_semaphore, #tpu.memory_space<semaphore_mem>>) src(%dma_wait3A_51 : memref<128x128xi32, #tpu.memory_space<hbm>>) dst(%arg12 : memref<128x128xi32, #tpu.memory_space<vmem>>)
    %dma_wait3A_52 = arith.constant 0 : i32
    %dma_wait3A_53 = arith.constant 0 : i32
    %dma_wait3A_54 = tpu.memref_slice %arg2[%dma_wait3A_52, %dma_wait3A_53] : memref<10000x128xi32, #tpu.memory_space<hbm>> -> memref<128x128xi32, #tpu.memory_space<hbm>>
    %dma_wait3A_55 = arith.constant 0 : i32
    %dma_wait3A_56 = arith.constant 0 : i32
    %dma_wait3A_57 = tpu.memref_slice %arg2[%dma_wait3A_55, %dma_wait3A_56] : memref<10000x128xi32, #tpu.memory_space<hbm>> -> memref<128x128xi32, #tpu.memory_space<hbm>>
    tpu.wait_dma2 semaphore(%arg18 : memref<!tpu.dma_semaphore, #tpu.memory_space<semaphore_mem>>) src(%dma_wait3A_57 : memref<128x128xi32, #tpu.memory_space<hbm>>) dst(%arg14 : memref<128x128xi32, #tpu.memory_space<vmem>>)
    %add3A_58 = arith.constant 38 : i32
    %add3A_59 = arith.addi %mul3A_2, %add3A_58 : i32
    %mul3A_60 = arith.constant 128 : i32
    %mul3A_61 = arith.muli %add3A_59, %mul3A_60 : i32
    %dma_start3A_62 = arith.constant 0 : i32
    %dma_start3A_63 = tpu.memref_slice %arg6[%mul3A_61, %dma_start3A_62] : memref<160000x128xi32, #tpu.memory_space<hbm>> -> memref<128x128xi32, #tpu.memory_space<hbm>>
    %dma_start3A_64 = arith.constant 0 : i32
    %dma_start3A_65 = tpu.memref_slice %arg6[%mul3A_61, %dma_start3A_64] : memref<160000x128xi32, #tpu.memory_space<hbm>> -> memref<128x128xi32, #tpu.memory_space<hbm>>
    tpu.enqueue_dma source(%arg12 : memref<128x128xi32, #tpu.memory_space<vmem>>) target(%dma_start3A_65 : memref<128x128xi32, #tpu.memory_space<hbm>>) target_semaphore(%arg20 : memref<!tpu.dma_semaphore, #tpu.memory_space<semaphore_mem>>)
    %mul3A_66 = arith.constant 128 : i32
    %mul3A_67 = arith.muli %add3A_59, %mul3A_66 : i32
    %dma_start3A_68 = arith.constant 0 : i32
    %dma_start3A_69 = tpu.memref_slice %arg7[%mul3A_67, %dma_start3A_68] : memref<160000x128xi32, #tpu.memory_space<hbm>> -> memref<128x128xi32, #tpu.memory_space<hbm>>
    %dma_start3A_70 = arith.constant 0 : i32
    %dma_start3A_71 = tpu.memref_slice %arg7[%mul3A_67, %dma_start3A_70] : memref<160000x128xi32, #tpu.memory_space<hbm>> -> memref<128x128xi32, #tpu.memory_space<hbm>>
    tpu.enqueue_dma source(%arg14 : memref<128x128xi32, #tpu.memory_space<vmem>>) target(%dma_start3A_71 : memref<128x128xi32, #tpu.memory_space<hbm>>) target_semaphore(%arg20 : memref<!tpu.dma_semaphore, #tpu.memory_space<semaphore_mem>>)
    %dma_wait3A_72 = arith.constant 0 : i32
    %dma_wait3A_73 = arith.constant 0 : i32
    %dma_wait3A_74 = tpu.memref_slice %arg6[%dma_wait3A_72, %dma_wait3A_73] : memref<160000x128xi32, #tpu.memory_space<hbm>> -> memref<128x128xi32, #tpu.memory_space<hbm>>
    %dma_wait3A_75 = arith.constant 0 : i32
    %dma_wait3A_76 = arith.constant 0 : i32
    %dma_wait3A_77 = tpu.memref_slice %arg6[%dma_wait3A_75, %dma_wait3A_76] : memref<160000x128xi32, #tpu.memory_space<hbm>> -> memref<128x128xi32, #tpu.memory_space<hbm>>
    tpu.wait_dma2 semaphore(%arg20 : memref<!tpu.dma_semaphore, #tpu.memory_space<semaphore_mem>>) src(%arg12 : memref<128x128xi32, #tpu.memory_space<vmem>>) dst(%dma_wait3A_77 : memref<128x128xi32, #tpu.memory_space<hbm>>)
    %dma_wait3A_78 = arith.constant 0 : i32
    %dma_wait3A_79 = arith.constant 0 : i32
    %dma_wait3A_80 = tpu.memref_slice %arg7[%dma_wait3A_78, %dma_wait3A_79] : memref<160000x128xi32, #tpu.memory_space<hbm>> -> memref<128x128xi32, #tpu.memory_space<hbm>>
    %dma_wait3A_81 = arith.constant 0 : i32
    %dma_wait3A_82 = arith.constant 0 : i32
    %dma_wait3A_83 = tpu.memref_slice %arg7[%dma_wait3A_81, %dma_wait3A_82] : memref<160000x128xi32, #tpu.memory_space<hbm>> -> memref<128x128xi32, #tpu.memory_space<hbm>>
    tpu.wait_dma2 semaphore(%arg20 : memref<!tpu.dma_semaphore, #tpu.memory_space<semaphore_mem>>) src(%arg14 : memref<128x128xi32, #tpu.memory_space<vmem>>) dst(%dma_wait3A_83 : memref<128x128xi32, #tpu.memory_space<hbm>>)
    %lt3A = arith.constant 2 : i32
    %lt3A_84 = arith.cmpi slt, %add3A, %lt3A : i32
    %convert_element_type3A = arith.extui %lt3A_84 : i1 to i32
    %cond3A = arith.constant 0 : i32
    %cond3A_85 = arith.cmpi ne, %convert_element_type3A, %cond3A : i32
    scf.if %cond3A_85 {
      %add3A_86 = arith.constant 1248 : i32
      %add3A_87 = arith.addi %add3A_86, %add3A : i32
      %mul3A_88 = arith.constant 128 : i32
      %mul3A_89 = arith.muli %add3A_87, %mul3A_88 : i32
      %dma_start3A_90 = tpu.memref_slice %arg4[%mul3A_89] : memref<160000xi32, #tpu.memory_space<hbm>> -> memref<128xi32, #tpu.memory_space<hbm>>
      %dma_start3A_91 = tpu.memref_slice %arg4[%mul3A_89] : memref<160000xi32, #tpu.memory_space<hbm>> -> memref<128xi32, #tpu.memory_space<hbm>>
      tpu.enqueue_dma source(%dma_start3A_91 : memref<128xi32, #tpu.memory_space<hbm>>) target(%arg8 : memref<128xi32, #tpu.memory_space<vmem>>) target_semaphore(%arg16 : memref<!tpu.dma_semaphore, #tpu.memory_space<semaphore_mem>>)
      %dma_start3A_92 = tpu.memref_slice %arg5[%mul3A_89] : memref<160000xi32, #tpu.memory_space<hbm>> -> memref<128xi32, #tpu.memory_space<hbm>>
      %dma_start3A_93 = tpu.memref_slice %arg5[%mul3A_89] : memref<160000xi32, #tpu.memory_space<hbm>> -> memref<128xi32, #tpu.memory_space<hbm>>
      tpu.enqueue_dma source(%dma_start3A_93 : memref<128xi32, #tpu.memory_space<hbm>>) target(%arg10 : memref<128xi32, #tpu.memory_space<vmem>>) target_semaphore(%arg16 : memref<!tpu.dma_semaphore, #tpu.memory_space<semaphore_mem>>)
      %dma_wait3A_94 = arith.constant 0 : i32
      %dma_wait3A_95 = tpu.memref_slice %arg4[%dma_wait3A_94] : memref<160000xi32, #tpu.memory_space<hbm>> -> memref<128xi32, #tpu.memory_space<hbm>>
      %dma_wait3A_96 = arith.constant 0 : i32
      %dma_wait3A_97 = tpu.memref_slice %arg4[%dma_wait3A_96] : memref<160000xi32, #tpu.memory_space<hbm>> -> memref<128xi32, #tpu.memory_space<hbm>>
      tpu.wait_dma2 semaphore(%arg16 : memref<!tpu.dma_semaphore, #tpu.memory_space<semaphore_mem>>) src(%dma_wait3A_97 : memref<128xi32, #tpu.memory_space<hbm>>) dst(%arg8 : memref<128xi32, #tpu.memory_space<vmem>>)
      %dma_wait3A_98 = arith.constant 0 : i32
      %dma_wait3A_99 = tpu.memref_slice %arg5[%dma_wait3A_98] : memref<160000xi32, #tpu.memory_space<hbm>> -> memref<128xi32, #tpu.memory_space<hbm>>
      %dma_wait3A_100 = arith.constant 0 : i32
      %dma_wait3A_101 = tpu.memref_slice %arg5[%dma_wait3A_100] : memref<160000xi32, #tpu.memory_space<hbm>> -> memref<128xi32, #tpu.memory_space<hbm>>
      tpu.wait_dma2 semaphore(%arg16 : memref<!tpu.dma_semaphore, #tpu.memory_space<semaphore_mem>>) src(%dma_wait3A_101 : memref<128xi32, #tpu.memory_space<hbm>>) dst(%arg10 : memref<128xi32, #tpu.memory_space<vmem>>)
      %dma_start3A_102 = arith.constant 0 : i32
      %dma_start3A_103 = arith.constant 0 : i32
      %dma_start3A_104 = tpu.memref_slice %arg2[%dma_start3A_102, %dma_start3A_103] : memref<10000x128xi32, #tpu.memory_space<hbm>> -> memref<10000x128xi32, #tpu.memory_space<hbm>>
      tpu.enqueue_indirect_dma source(%dma_start3A_104 : memref<10000x128xi32, #tpu.memory_space<hbm>>) target(%arg12 : memref<128x128xi32, #tpu.memory_space<vmem>>) offsets(%arg8 : memref<128xi32, #tpu.memory_space<vmem>>) semaphore(%arg18 : memref<!tpu.dma_semaphore, #tpu.memory_space<semaphore_mem>>)
      %dma_start3A_105 = arith.constant 0 : i32
      %dma_start3A_106 = arith.constant 0 : i32
      %dma_start3A_107 = tpu.memref_slice %arg3[%dma_start3A_105, %dma_start3A_106] : memref<10000x128xi32, #tpu.memory_space<hbm>> -> memref<10000x128xi32, #tpu.memory_space<hbm>>
      tpu.enqueue_indirect_dma source(%dma_start3A_107 : memref<10000x128xi32, #tpu.memory_space<hbm>>) target(%arg14 : memref<128x128xi32, #tpu.memory_space<vmem>>) offsets(%arg10 : memref<128xi32, #tpu.memory_space<vmem>>) semaphore(%arg18 : memref<!tpu.dma_semaphore, #tpu.memory_space<semaphore_mem>>)
      %dma_wait3A_108 = arith.constant 0 : i32
      %dma_wait3A_109 = arith.constant 0 : i32
      %dma_wait3A_110 = tpu.memref_slice %arg2[%dma_wait3A_108, %dma_wait3A_109] : memref<10000x128xi32, #tpu.memory_space<hbm>> -> memref<128x128xi32, #tpu.memory_space<hbm>>
      %dma_wait3A_111 = arith.constant 0 : i32
      %dma_wait3A_112 = arith.constant 0 : i32
      %dma_wait3A_113 = tpu.memref_slice %arg2[%dma_wait3A_111, %dma_wait3A_112] : memref<10000x128xi32, #tpu.memory_space<hbm>> -> memref<128x128xi32, #tpu.memory_space<hbm>>
      tpu.wait_dma2 semaphore(%arg18 : memref<!tpu.dma_semaphore, #tpu.memory_space<semaphore_mem>>) src(%dma_wait3A_113 : memref<128x128xi32, #tpu.memory_space<hbm>>) dst(%arg12 : memref<128x128xi32, #tpu.memory_space<vmem>>)
      %dma_wait3A_114 = arith.constant 0 : i32
      %dma_wait3A_115 = arith.constant 0 : i32
      %dma_wait3A_116 = tpu.memref_slice %arg2[%dma_wait3A_114, %dma_wait3A_115] : memref<10000x128xi32, #tpu.memory_space<hbm>> -> memref<128x128xi32, #tpu.memory_space<hbm>>
      %dma_wait3A_117 = arith.constant 0 : i32
      %dma_wait3A_118 = arith.constant 0 : i32
      %dma_wait3A_119 = tpu.memref_slice %arg2[%dma_wait3A_117, %dma_wait3A_118] : memref<10000x128xi32, #tpu.memory_space<hbm>> -> memref<128x128xi32, #tpu.memory_space<hbm>>
      tpu.wait_dma2 semaphore(%arg18 : memref<!tpu.dma_semaphore, #tpu.memory_space<semaphore_mem>>) src(%dma_wait3A_119 : memref<128x128xi32, #tpu.memory_space<hbm>>) dst(%arg14 : memref<128x128xi32, #tpu.memory_space<vmem>>)
      %mul3A_120 = arith.constant 128 : i32
      %mul3A_121 = arith.muli %add3A_87, %mul3A_120 : i32
      %dma_start3A_122 = arith.constant 0 : i32
      %dma_start3A_123 = tpu.memref_slice %arg6[%mul3A_121, %dma_start3A_122] : memref<160000x128xi32, #tpu.memory_space<hbm>> -> memref<128x128xi32, #tpu.memory_space<hbm>>
      %dma_start3A_124 = arith.constant 0 : i32
      %dma_start3A_125 = tpu.memref_slice %arg6[%mul3A_121, %dma_start3A_124] : memref<160000x128xi32, #tpu.memory_space<hbm>> -> memref<128x128xi32, #tpu.memory_space<hbm>>
      tpu.enqueue_dma source(%arg12 : memref<128x128xi32, #tpu.memory_space<vmem>>) target(%dma_start3A_125 : memref<128x128xi32, #tpu.memory_space<hbm>>) target_semaphore(%arg20 : memref<!tpu.dma_semaphore, #tpu.memory_space<semaphore_mem>>)
      %mul3A_126 = arith.constant 128 : i32
      %mul3A_127 = arith.muli %add3A_87, %mul3A_126 : i32
      %dma_start3A_128 = arith.constant 0 : i32
      %dma_start3A_129 = tpu.memref_slice %arg7[%mul3A_127, %dma_start3A_128] : memref<160000x128xi32, #tpu.memory_space<hbm>> -> memref<128x128xi32, #tpu.memory_space<hbm>>
      %dma_start3A_130 = arith.constant 0 : i32
      %dma_start3A_131 = tpu.memref_slice %arg7[%mul3A_127, %dma_start3A_130] : memref<160000x128xi32, #tpu.memory_space<hbm>> -> memref<128x128xi32, #tpu.memory_space<hbm>>
      tpu.enqueue_dma source(%arg14 : memref<128x128xi32, #tpu.memory_space<vmem>>) target(%dma_start3A_131 : memref<128x128xi32, #tpu.memory_space<hbm>>) target_semaphore(%arg20 : memref<!tpu.dma_semaphore, #tpu.memory_space<semaphore_mem>>)
      %dma_wait3A_132 = arith.constant 0 : i32
      %dma_wait3A_133 = arith.constant 0 : i32
      %dma_wait3A_134 = tpu.memref_slice %arg6[%dma_wait3A_132, %dma_wait3A_133] : memref<160000x128xi32, #tpu.memory_space<hbm>> -> memref<128x128xi32, #tpu.memory_space<hbm>>
      %dma_wait3A_135 = arith.constant 0 : i32
      %dma_wait3A_136 = arith.constant 0 : i32
      %dma_wait3A_137 = tpu.memref_slice %arg6[%dma_wait3A_135, %dma_wait3A_136] : memref<160000x128xi32, #tpu.memory_space<hbm>> -> memref<128x128xi32, #tpu.memory_space<hbm>>
      tpu.wait_dma2 semaphore(%arg20 : memref<!tpu.dma_semaphore, #tpu.memory_space<semaphore_mem>>) src(%arg12 : memref<128x128xi32, #tpu.memory_space<vmem>>) dst(%dma_wait3A_137 : memref<128x128xi32, #tpu.memory_space<hbm>>)
      %dma_wait3A_138 = arith.constant 0 : i32
      %dma_wait3A_139 = arith.constant 0 : i32
      %dma_wait3A_140 = tpu.memref_slice %arg7[%dma_wait3A_138, %dma_wait3A_139] : memref<160000x128xi32, #tpu.memory_space<hbm>> -> memref<128x128xi32, #tpu.memory_space<hbm>>
      %dma_wait3A_141 = arith.constant 0 : i32
      %dma_wait3A_142 = arith.constant 0 : i32
      %dma_wait3A_143 = tpu.memref_slice %arg7[%dma_wait3A_141, %dma_wait3A_142] : memref<160000x128xi32, #tpu.memory_space<hbm>> -> memref<128x128xi32, #tpu.memory_space<hbm>>
      tpu.wait_dma2 semaphore(%arg20 : memref<!tpu.dma_semaphore, #tpu.memory_space<semaphore_mem>>) src(%arg14 : memref<128x128xi32, #tpu.memory_space<vmem>>) dst(%dma_wait3A_143 : memref<128x128xi32, #tpu.memory_space<hbm>>)
    } else {
    }
    return
  }
}

module attributes {stable_mosaic.version = 14 : i64} {
  func.func @_proj_body(%arg0: i32, %arg1: memref<1000x128xf32, #tpu.memory_space<vmem>>, %arg2: memref<128x256xf32, #tpu.memory_space<vmem>>, %arg3: memref<128x256xf32, #tpu.memory_space<vmem>>, %arg4: memref<32x64xf32, #tpu.memory_space<vmem>>, %arg5: memref<64x256xf32, #tpu.memory_space<vmem>>, %arg6: memref<1x256xf32, #tpu.memory_space<vmem>>, %arg7: memref<1000x128xi32, #tpu.memory_space<vmem>>, %arg8: memref<1000x128xi32, #tpu.memory_space<vmem>>, %arg9: memref<32x256xf32, #tpu.memory_space<vmem>>) attributes {dimension_semantics = [#tpu.dimension_semantics<arbitrary>], iteration_bounds = array<i64: 10>, scalar_prefetch = 0 : i64, scratch_operands = 0 : i64, tpu.core_type = #tpu.core_type<tc>, window_params = [{transform_indices = @transform_0, window_bounds = array<i64: 1000, 128>}, {pipeline_mode = #tpu.pipeline_mode<synchronous>, transform_indices = @transform_1, window_bounds = array<i64: 128, 256>}, {pipeline_mode = #tpu.pipeline_mode<synchronous>, transform_indices = @transform_2, window_bounds = array<i64: 128, 256>}, {pipeline_mode = #tpu.pipeline_mode<synchronous>, transform_indices = @transform_3, window_bounds = array<i64: 32, 64>}, {pipeline_mode = #tpu.pipeline_mode<synchronous>, transform_indices = @transform_4, window_bounds = array<i64: 64, 256>}, {pipeline_mode = #tpu.pipeline_mode<synchronous>, transform_indices = @transform_5, window_bounds = array<i64: 1, 256>}, {transform_indices = @transform_6, window_bounds = array<i64: 1000, 128>}, {transform_indices = @transform_7, window_bounds = array<i64: 1000, 128>}, {pipeline_mode = #tpu.pipeline_mode<synchronous>, transform_indices = @transform_8, window_bounds = array<i64: 32, 256>}]} {
    %get3A = arith.constant 0 : index
    %get3A_0 = arith.constant 0 : index
    %get3A_1 = vector.load %arg1[%get3A, %get3A_0] : memref<1000x128xf32, #tpu.memory_space<vmem>>, vector<1000x128xf32>
    %get3A_2 = arith.constant 0 : index
    %get3A_3 = arith.constant 0 : index
    %get3A_4 = vector.load %arg2[%get3A_2, %get3A_3] : memref<128x256xf32, #tpu.memory_space<vmem>>, vector<128x256xf32>
    %dot_general3A = arith.constant dense<0.000000e+00> : vector<1000x256xf32>
    %dot_general3A_5 = tpu.matmul %get3A_1, %get3A_4, %dot_general3A {dimension_numbers = #tpu.dot_dimension_numbers<[1], [0], [0], [1], [0, 0, 1, 1], [], []>, transpose_lhs_hint = false} : vector<1000x128xf32>, vector<128x256xf32>, vector<1000x256xf32> -> vector<1000x256xf32>
    %get3A_6 = arith.constant 0 : index
    %get3A_7 = arith.constant 0 : index
    %get3A_8 = vector.load %arg3[%get3A_6, %get3A_7] : memref<128x256xf32, #tpu.memory_space<vmem>>, vector<128x256xf32>
    %dot_general3A_9 = arith.constant dense<0.000000e+00> : vector<1000x256xf32>
    %dot_general3A_10 = tpu.matmul %get3A_1, %get3A_8, %dot_general3A_9 {dimension_numbers = #tpu.dot_dimension_numbers<[1], [0], [0], [1], [0, 0, 1, 1], [], []>, transpose_lhs_hint = false} : vector<1000x128xf32>, vector<128x256xf32>, vector<1000x256xf32> -> vector<1000x256xf32>
    %slice3A = vector.extract_strided_slice %dot_general3A_5 {offsets = [0, 0], sizes = [1000, 128], strides = [1, 1]} : vector<1000x256xf32> to vector<1000x128xf32>
    %slice3A_11 = vector.extract_strided_slice %dot_general3A_5 {offsets = [0, 128], sizes = [1000, 128], strides = [1, 1]} : vector<1000x256xf32> to vector<1000x128xf32>
    %bitcast_convert_type3A = tpu.bitcast %slice3A_11 : vector<1000x128xf32> -> vector<1000x128xi32>
    %add3A = arith.constant 32767 : i32
    %add3A_12 = vector.broadcast %add3A : i32 to vector<1000x128xi32>
    %add3A_13 = arith.addi %bitcast_convert_type3A, %add3A_12 : vector<1000x128xi32>
    %shift_right_logical3A = arith.constant 16 : i32
    %shift_right_logical3A_14 = vector.broadcast %shift_right_logical3A : i32 to vector<1000x128xi32>
    %shift_right_logical3A_15 = arith.shrui %bitcast_convert_type3A, %shift_right_logical3A_14 : vector<1000x128xi32>
    %and3A = arith.constant 1 : i32
    %and3A_16 = vector.broadcast %and3A : i32 to vector<1000x128xi32>
    %and3A_17 = arith.andi %shift_right_logical3A_15, %and3A_16 : vector<1000x128xi32>
    %add3A_18 = arith.addi %add3A_13, %and3A_17 : vector<1000x128xi32>
    %shift_right_logical3A_19 = arith.constant 16 : i32
    %shift_right_logical3A_20 = vector.broadcast %shift_right_logical3A_19 : i32 to vector<1000x128xi32>
    %shift_right_logical3A_21 = arith.shrui %add3A_18, %shift_right_logical3A_20 : vector<1000x128xi32>
    %shift_left3A = arith.constant 16 : i32
    %shift_left3A_22 = vector.broadcast %shift_left3A : i32 to vector<1000x128xi32>
    %shift_left3A_23 = arith.shli %shift_right_logical3A_21, %shift_left3A_22 : vector<1000x128xi32>
    %bitcast_convert_type3A_24 = tpu.bitcast %slice3A : vector<1000x128xf32> -> vector<1000x128xi32>
    %add3A_25 = arith.constant 32767 : i32
    %add3A_26 = vector.broadcast %add3A_25 : i32 to vector<1000x128xi32>
    %add3A_27 = arith.addi %bitcast_convert_type3A_24, %add3A_26 : vector<1000x128xi32>
    %shift_right_logical3A_28 = arith.constant 16 : i32
    %shift_right_logical3A_29 = vector.broadcast %shift_right_logical3A_28 : i32 to vector<1000x128xi32>
    %shift_right_logical3A_30 = arith.shrui %bitcast_convert_type3A_24, %shift_right_logical3A_29 : vector<1000x128xi32>
    %and3A_31 = arith.constant 1 : i32
    %and3A_32 = vector.broadcast %and3A_31 : i32 to vector<1000x128xi32>
    %and3A_33 = arith.andi %shift_right_logical3A_30, %and3A_32 : vector<1000x128xi32>
    %add3A_34 = arith.addi %add3A_27, %and3A_33 : vector<1000x128xi32>
    %shift_right_logical3A_35 = arith.constant 16 : i32
    %shift_right_logical3A_36 = vector.broadcast %shift_right_logical3A_35 : i32 to vector<1000x128xi32>
    %shift_right_logical3A_37 = arith.shrui %add3A_34, %shift_right_logical3A_36 : vector<1000x128xi32>
    %or3A = arith.ori %shift_left3A_23, %shift_right_logical3A_37 : vector<1000x128xi32>
    %bitcast_convert_type3A_38 = tpu.bitcast %or3A : vector<1000x128xi32> -> vector<1000x128xi32>
    %swap3A = arith.constant 0 : index
    %swap3A_39 = arith.constant 0 : index
    %swap3A_40 = vector.load %arg7[%swap3A, %swap3A_39] : memref<1000x128xi32, #tpu.memory_space<vmem>>, vector<1000x128xi32>
    tpu.vector_store %arg7[%swap3A, %swap3A_39], %bitcast_convert_type3A_38 {strides = array<i32>} : memref<1000x128xi32, #tpu.memory_space<vmem>>, vector<1000x128xi32>,
    %slice3A_41 = vector.extract_strided_slice %dot_general3A_10 {offsets = [0, 0], sizes = [1000, 128], strides = [1, 1]} : vector<1000x256xf32> to vector<1000x128xf32>
    %slice3A_42 = vector.extract_strided_slice %dot_general3A_10 {offsets = [0, 128], sizes = [1000, 128], strides = [1, 1]} : vector<1000x256xf32> to vector<1000x128xf32>
    %bitcast_convert_type3A_43 = tpu.bitcast %slice3A_42 : vector<1000x128xf32> -> vector<1000x128xi32>
    %add3A_44 = arith.constant 32767 : i32
    %add3A_45 = vector.broadcast %add3A_44 : i32 to vector<1000x128xi32>
    %add3A_46 = arith.addi %bitcast_convert_type3A_43, %add3A_45 : vector<1000x128xi32>
    %shift_right_logical3A_47 = arith.constant 16 : i32
    %shift_right_logical3A_48 = vector.broadcast %shift_right_logical3A_47 : i32 to vector<1000x128xi32>
    %shift_right_logical3A_49 = arith.shrui %bitcast_convert_type3A_43, %shift_right_logical3A_48 : vector<1000x128xi32>
    %and3A_50 = arith.constant 1 : i32
    %and3A_51 = vector.broadcast %and3A_50 : i32 to vector<1000x128xi32>
    %and3A_52 = arith.andi %shift_right_logical3A_49, %and3A_51 : vector<1000x128xi32>
    %add3A_53 = arith.addi %add3A_46, %and3A_52 : vector<1000x128xi32>
    %shift_right_logical3A_54 = arith.constant 16 : i32
    %shift_right_logical3A_55 = vector.broadcast %shift_right_logical3A_54 : i32 to vector<1000x128xi32>
    %shift_right_logical3A_56 = arith.shrui %add3A_53, %shift_right_logical3A_55 : vector<1000x128xi32>
    %shift_left3A_57 = arith.constant 16 : i32
    %shift_left3A_58 = vector.broadcast %shift_left3A_57 : i32 to vector<1000x128xi32>
    %shift_left3A_59 = arith.shli %shift_right_logical3A_56, %shift_left3A_58 : vector<1000x128xi32>
    %bitcast_convert_type3A_60 = tpu.bitcast %slice3A_41 : vector<1000x128xf32> -> vector<1000x128xi32>
    %add3A_61 = arith.constant 32767 : i32
    %add3A_62 = vector.broadcast %add3A_61 : i32 to vector<1000x128xi32>
    %add3A_63 = arith.addi %bitcast_convert_type3A_60, %add3A_62 : vector<1000x128xi32>
    %shift_right_logical3A_64 = arith.constant 16 : i32
    %shift_right_logical3A_65 = vector.broadcast %shift_right_logical3A_64 : i32 to vector<1000x128xi32>
    %shift_right_logical3A_66 = arith.shrui %bitcast_convert_type3A_60, %shift_right_logical3A_65 : vector<1000x128xi32>
    %and3A_67 = arith.constant 1 : i32
    %and3A_68 = vector.broadcast %and3A_67 : i32 to vector<1000x128xi32>
    %and3A_69 = arith.andi %shift_right_logical3A_66, %and3A_68 : vector<1000x128xi32>
    %add3A_70 = arith.addi %add3A_63, %and3A_69 : vector<1000x128xi32>
    %shift_right_logical3A_71 = arith.constant 16 : i32
    %shift_right_logical3A_72 = vector.broadcast %shift_right_logical3A_71 : i32 to vector<1000x128xi32>
    %shift_right_logical3A_73 = arith.shrui %add3A_70, %shift_right_logical3A_72 : vector<1000x128xi32>
    %or3A_74 = arith.ori %shift_left3A_59, %shift_right_logical3A_73 : vector<1000x128xi32>
    %bitcast_convert_type3A_75 = tpu.bitcast %or3A_74 : vector<1000x128xi32> -> vector<1000x128xi32>
    %swap3A_76 = arith.constant 0 : index
    %swap3A_77 = arith.constant 0 : index
    %swap3A_78 = vector.load %arg8[%swap3A_76, %swap3A_77] : memref<1000x128xi32, #tpu.memory_space<vmem>>, vector<1000x128xi32>
    tpu.vector_store %arg8[%swap3A_76, %swap3A_77], %bitcast_convert_type3A_75 {strides = array<i32>} : memref<1000x128xi32, #tpu.memory_space<vmem>>, vector<1000x128xi32>,
    %eq3A = arith.constant 0 : i32
    %eq3A_79 = arith.cmpi eq, %arg0, %eq3A : i32
    %convert_element_type3A = arith.extui %eq3A_79 : i1 to i32
    %cond3A = arith.constant 0 : i32
    %cond3A_80 = arith.cmpi ne, %convert_element_type3A, %cond3A : i32
    scf.if %cond3A_80 {
      %get3A_81 = arith.constant 0 : index
      %get3A_82 = arith.constant 0 : index
      %get3A_83 = vector.load %arg4[%get3A_81, %get3A_82] : memref<32x64xf32, #tpu.memory_space<vmem>>, vector<32x64xf32>
      %get3A_84 = arith.constant 0 : index
      %get3A_85 = arith.constant 0 : index
      %get3A_86 = vector.load %arg5[%get3A_84, %get3A_85] : memref<64x256xf32, #tpu.memory_space<vmem>>, vector<64x256xf32>
      %dot_general3A_87 = arith.constant dense<0.000000e+00> : vector<32x256xf32>
      %dot_general3A_88 = tpu.matmul %get3A_83, %get3A_86, %dot_general3A_87 {dimension_numbers = #tpu.dot_dimension_numbers<[1], [0], [0], [1], [0, 0, 1, 1], [], []>, transpose_lhs_hint = false} : vector<32x64xf32>, vector<64x256xf32>, vector<32x256xf32> -> vector<32x256xf32>
      %get3A_89 = arith.constant 0 : index
      %get3A_90 = arith.constant 0 : index
      %get3A_91 = vector.load %arg6[%get3A_89, %get3A_90] : memref<1x256xf32, #tpu.memory_space<vmem>>, vector<1x256xf32>
      %add3A_92 = vector.broadcast %get3A_91 : vector<1x256xf32> to vector<32x256xf32>
      %add3A_93 = arith.addf %dot_general3A_88, %add3A_92 : vector<32x256xf32>
      %swap3A_94 = arith.constant 0 : index
      %swap3A_95 = arith.constant 0 : index
      %swap3A_96 = vector.load %arg9[%swap3A_94, %swap3A_95] : memref<32x256xf32, #tpu.memory_space<vmem>>, vector<32x256xf32>
      tpu.vector_store %arg9[%swap3A_94, %swap3A_95], %add3A_93 {strides = array<i32>} : memref<32x256xf32, #tpu.memory_space<vmem>>, vector<32x256xf32>,
    } else {
    }
    return
  }
  func.func @transform_0(%arg0: i32) -> (i32, i32) {
    %c0_i32 = arith.constant 0 : i32
    %c0_i32_0 = arith.constant 0 : i32
    return %arg0, %c0_i32 : i32, i32
  }
  func.func @transform_1(%arg0: i32) -> (i32, i32) {
    %c0_i32 = arith.constant 0 : i32
    %c0_i32_0 = arith.constant 0 : i32
    %c0_i32_1 = arith.constant 0 : i32
    return %c0_i32, %c0_i32_0 : i32, i32
  }
  func.func @transform_2(%arg0: i32) -> (i32, i32) {
    %c0_i32 = arith.constant 0 : i32
    %c0_i32_0 = arith.constant 0 : i32
    %c0_i32_1 = arith.constant 0 : i32
    return %c0_i32, %c0_i32_0 : i32, i32
  }
  func.func @transform_3(%arg0: i32) -> (i32, i32) {
    %c0_i32 = arith.constant 0 : i32
    %c0_i32_0 = arith.constant 0 : i32
    %c0_i32_1 = arith.constant 0 : i32
    return %c0_i32, %c0_i32_0 : i32, i32
  }
  func.func @transform_4(%arg0: i32) -> (i32, i32) {
    %c0_i32 = arith.constant 0 : i32
    %c0_i32_0 = arith.constant 0 : i32
    %c0_i32_1 = arith.constant 0 : i32
    return %c0_i32, %c0_i32_0 : i32, i32
  }
  func.func @transform_5(%arg0: i32) -> (i32, i32) {
    %c0_i32 = arith.constant 0 : i32
    %c0_i32_0 = arith.constant 0 : i32
    %c0_i32_1 = arith.constant 0 : i32
    return %c0_i32, %c0_i32_0 : i32, i32
  }
  func.func @transform_6(%arg0: i32) -> (i32, i32) {
    %c0_i32 = arith.constant 0 : i32
    %c0_i32_0 = arith.constant 0 : i32
    return %arg0, %c0_i32 : i32, i32
  }
  func.func @transform_7(%arg0: i32) -> (i32, i32) {
    %c0_i32 = arith.constant 0 : i32
    %c0_i32_0 = arith.constant 0 : i32
    return %arg0, %c0_i32 : i32, i32
  }
  func.func @transform_8(%arg0: i32) -> (i32, i32) {
    %c0_i32 = arith.constant 0 : i32
    %c0_i32_0 = arith.constant 0 : i32
    %c0_i32_1 = arith.constant 0 : i32
    return %c0_i32, %c0_i32_0 : i32, i32
  }
}

module attributes {stable_mosaic.version = 14 : i64} {
  func.func @_edge_body(%arg0: i32, %arg1: memref<640x128xi32, #tpu.memory_space<vmem>>, %arg2: memref<640x128xi32, #tpu.memory_space<vmem>>, %arg3: memref<640x16xf32, #tpu.memory_space<vmem>>, %arg4: memref<1x1x640xi32, #tpu.memory_space<vmem>>, %arg5: memref<32x256xf32, #tpu.memory_space<vmem>>, %arg6: memref<16x256xf32, #tpu.memory_space<vmem>>, %arg7: memref<640x128xf32, #tpu.memory_space<vmem>>) attributes {dimension_semantics = [#tpu.dimension_semantics<arbitrary>], iteration_bounds = array<i64: 250>, scalar_prefetch = 0 : i64, scratch_operands = 0 : i64, tpu.core_type = #tpu.core_type<tc>, window_params = [{transform_indices = @transform_0, window_bounds = array<i64: 640, 128>}, {transform_indices = @transform_1, window_bounds = array<i64: 640, 128>}, {transform_indices = @transform_2, window_bounds = array<i64: 640, 16>}, {transform_indices = @transform_3, window_bounds = array<i64: 1, 1, 640>}, {pipeline_mode = #tpu.pipeline_mode<synchronous>, transform_indices = @transform_4, window_bounds = array<i64: 32, 256>}, {pipeline_mode = #tpu.pipeline_mode<synchronous>, transform_indices = @transform_5, window_bounds = array<i64: 16, 256>}, {transform_indices = @transform_6, window_bounds = array<i64: 640, 128>}]} {
    %get3A = arith.constant 0 : index
    %get3A_0 = arith.constant 0 : index
    %get3A_1 = vector.load %arg1[%get3A, %get3A_0] : memref<640x128xi32, #tpu.memory_space<vmem>>, vector<640x128xi32>
    %bitcast_convert_type3A = tpu.bitcast %get3A_1 : vector<640x128xi32> -> vector<640x128xi32>
    %get3A_2 = arith.constant 0 : index
    %get3A_3 = arith.constant 0 : index
    %get3A_4 = vector.load %arg2[%get3A_2, %get3A_3] : memref<640x128xi32, #tpu.memory_space<vmem>>, vector<640x128xi32>
    %bitcast_convert_type3A_5 = tpu.bitcast %get3A_4 : vector<640x128xi32> -> vector<640x128xi32>
    %shift_left3A = arith.constant 16 : i32
    %shift_left3A_6 = vector.broadcast %shift_left3A : i32 to vector<640x128xi32>
    %shift_left3A_7 = arith.shli %bitcast_convert_type3A, %shift_left3A_6 : vector<640x128xi32>
    %bitcast_convert_type3A_8 = tpu.bitcast %shift_left3A_7 : vector<640x128xi32> -> vector<640x128xf32>
    %and3A = arith.constant -65536 : i32
    %and3A_9 = vector.broadcast %and3A : i32 to vector<640x128xi32>
    %and3A_10 = arith.andi %bitcast_convert_type3A, %and3A_9 : vector<640x128xi32>
    %bitcast_convert_type3A_11 = tpu.bitcast %and3A_10 : vector<640x128xi32> -> vector<640x128xf32>
    %shift_left3A_12 = arith.constant 16 : i32
    %shift_left3A_13 = vector.broadcast %shift_left3A_12 : i32 to vector<640x128xi32>
    %shift_left3A_14 = arith.shli %bitcast_convert_type3A_5, %shift_left3A_13 : vector<640x128xi32>
    %bitcast_convert_type3A_15 = tpu.bitcast %shift_left3A_14 : vector<640x128xi32> -> vector<640x128xf32>
    %and3A_16 = arith.constant -65536 : i32
    %and3A_17 = vector.broadcast %and3A_16 : i32 to vector<640x128xi32>
    %and3A_18 = arith.andi %bitcast_convert_type3A_5, %and3A_17 : vector<640x128xi32>
    %bitcast_convert_type3A_19 = tpu.bitcast %and3A_18 : vector<640x128xi32> -> vector<640x128xf32>
    %add3A = arith.addf %bitcast_convert_type3A_8, %bitcast_convert_type3A_15 : vector<640x128xf32>
    %add3A_20 = arith.addf %bitcast_convert_type3A_11, %bitcast_convert_type3A_19 : vector<640x128xf32>
    %get3A_21 = arith.constant 0 : index
    %get3A_22 = arith.constant 0 : index
    %get3A_23 = vector.load %arg3[%get3A_21, %get3A_22] : memref<640x16xf32, #tpu.memory_space<vmem>>, vector<640x16xf32>
    %get3A_24 = arith.constant 0 : index
    %get3A_25 = arith.constant 0 : index
    %get3A_26 = arith.constant 0 : index
    %get3A_27 = vector.load %arg4[%get3A_24, %get3A_25, %get3A_26] : memref<1x1x640xi32, #tpu.memory_space<vmem>>, vector<1x1x640xi32>
    %get3A_28 = vector.shape_cast %get3A_27 : vector<1x1x640xi32> to vector<1x640xi32>
    %iota3A = tpu.iota {dimensions = array<i32: 0>} : vector<32x640xi32>
    %eq3A = vector.broadcast %get3A_28 : vector<1x640xi32> to vector<32x640xi32>
    %eq3A_29 = arith.cmpi eq, %iota3A, %eq3A : vector<32x640xi32>
    %convert_element_type3A = arith.extui %eq3A_29 : vector<32x640xi1> to vector<32x640xi32>
    %convert_element_type3A_30 = arith.sitofp %convert_element_type3A : vector<32x640xi32> to vector<32x640xf32>
    %get3A_31 = arith.constant 0 : index
    %get3A_32 = arith.constant 0 : index
    %get3A_33 = vector.load %arg5[%get3A_31, %get3A_32] : memref<32x256xf32, #tpu.memory_space<vmem>>, vector<32x256xf32>
    %dot_general3A = arith.constant dense<0.000000e+00> : vector<640x256xf32>
    %dot_general3A_34 = tpu.matmul %convert_element_type3A_30, %get3A_33, %dot_general3A {dimension_numbers = #tpu.dot_dimension_numbers<[0], [0], [1], [1], [0, 1, 1, 1], [], []>, transpose_lhs_hint = false} : vector<32x640xf32>, vector<32x256xf32>, vector<640x256xf32> -> vector<640x256xf32>
    %get3A_35 = arith.constant 0 : index
    %get3A_36 = arith.constant 0 : index
    %get3A_37 = vector.load %arg6[%get3A_35, %get3A_36] : memref<16x256xf32, #tpu.memory_space<vmem>>, vector<16x256xf32>
    %dot_general3A_38 = arith.constant dense<0.000000e+00> : vector<640x256xf32>
    %dot_general3A_39 = tpu.matmul %get3A_23, %get3A_37, %dot_general3A_38 {dimension_numbers = #tpu.dot_dimension_numbers<[1], [0], [0], [1], [0, 0, 1, 1], [], []>, transpose_lhs_hint = false} : vector<640x16xf32>, vector<16x256xf32>, vector<640x256xf32> -> vector<640x256xf32>
    %slice3A = vector.extract_strided_slice %dot_general3A_39 {offsets = [0, 0], sizes = [640, 128], strides = [1, 1]} : vector<640x256xf32> to vector<640x128xf32>
    %add3A_40 = arith.addf %add3A, %slice3A : vector<640x128xf32>
    %slice3A_41 = vector.extract_strided_slice %dot_general3A_34 {offsets = [0, 0], sizes = [640, 128], strides = [1, 1]} : vector<640x256xf32> to vector<640x128xf32>
    %add3A_42 = arith.addf %add3A_40, %slice3A_41 : vector<640x128xf32>
    %slice3A_43 = vector.extract_strided_slice %dot_general3A_39 {offsets = [0, 128], sizes = [640, 128], strides = [1, 1]} : vector<640x256xf32> to vector<640x128xf32>
    %add3A_44 = arith.addf %add3A_20, %slice3A_43 : vector<640x128xf32>
    %slice3A_45 = vector.extract_strided_slice %dot_general3A_34 {offsets = [0, 128], sizes = [640, 128], strides = [1, 1]} : vector<640x256xf32> to vector<640x128xf32>
    %add3A_46 = arith.addf %add3A_44, %slice3A_45 : vector<640x128xf32>
    %neg3A = arith.constant 0.000000e+00 : f32
    %neg3A_47 = vector.broadcast %neg3A : f32 to vector<640x128xf32>
    %neg3A_48 = arith.subf %neg3A_47, %add3A_42 : vector<640x128xf32>
    %exp3A = math.exp %neg3A_48 : vector<640x128xf32>
    %add3A_49 = arith.constant 1.000000e+00 : f32
    %add3A_50 = vector.broadcast %add3A_49 : f32 to vector<640x128xf32>
    %add3A_51 = arith.addf %add3A_50, %exp3A : vector<640x128xf32>
    %div3A = arith.constant 1.000000e+00 : f32
    %div3A_52 = vector.broadcast %div3A : f32 to vector<640x128xf32>
    %div3A_53 = arith.divf %div3A_52, %add3A_51 : vector<640x128xf32>
    %max3A = arith.constant 0.000000e+00 : f32
    %max3A_54 = vector.broadcast %max3A : f32 to vector<640x128xf32>
    %max3A_55 = arith.maximumf %add3A_46, %max3A_54 : vector<640x128xf32>
    %abs3A = math.absf %add3A_46 : vector<640x128xf32>
    %neg3A_56 = arith.constant 0.000000e+00 : f32
    %neg3A_57 = vector.broadcast %neg3A_56 : f32 to vector<640x128xf32>
    %neg3A_58 = arith.subf %neg3A_57, %abs3A : vector<640x128xf32>
    %exp3A_59 = math.exp %neg3A_58 : vector<640x128xf32>
    %add3A_60 = arith.constant 1.000000e+00 : f32
    %add3A_61 = vector.broadcast %add3A_60 : f32 to vector<640x128xf32>
    %add3A_62 = arith.addf %add3A_61, %exp3A_59 : vector<640x128xf32>
    %log3A = math.log %add3A_62 : vector<640x128xf32>
    %add3A_63 = arith.addf %max3A_55, %log3A : vector<640x128xf32>
    %mul3A = arith.mulf %div3A_53, %add3A_63 : vector<640x128xf32>
    %swap3A = arith.constant 0 : index
    %swap3A_64 = arith.constant 0 : index
    %swap3A_65 = vector.load %arg7[%swap3A, %swap3A_64] : memref<640x128xf32, #tpu.memory_space<vmem>>, vector<640x128xf32>
    tpu.vector_store %arg7[%swap3A, %swap3A_64], %mul3A {strides = array<i32>} : memref<640x128xf32, #tpu.memory_space<vmem>>, vector<640x128xf32>,
    return
  }
  func.func @transform_0(%arg0: i32) -> (i32, i32) {
    %c0_i32 = arith.constant 0 : i32
    %c0_i32_0 = arith.constant 0 : i32
    return %arg0, %c0_i32 : i32, i32
  }
  func.func @transform_1(%arg0: i32) -> (i32, i32) {
    %c0_i32 = arith.constant 0 : i32
    %c0_i32_0 = arith.constant 0 : i32
    return %arg0, %c0_i32 : i32, i32
  }
  func.func @transform_2(%arg0: i32) -> (i32, i32) {
    %add3A = arith.constant 250 : i32
    %add3A_0 = arith.addi %arg0, %add3A : i32
    %c0_i32 = arith.constant 0 : i32
    %c0_i32_1 = arith.constant 0 : i32
    return %add3A_0, %c0_i32 : i32, i32
  }
  func.func @transform_3(%arg0: i32) -> (i32, i32, i32) {
    %add3A = arith.constant 250 : i32
    %add3A_0 = arith.addi %arg0, %add3A : i32
    %c0_i32 = arith.constant 0 : i32
    %c0_i32_1 = arith.constant 0 : i32
    %c0_i32_2 = arith.constant 0 : i32
    return %add3A_0, %c0_i32, %c0_i32_1 : i32, i32, i32
  }
  func.func @transform_4(%arg0: i32) -> (i32, i32) {
    %c0_i32 = arith.constant 0 : i32
    %c0_i32_0 = arith.constant 0 : i32
    %c0_i32_1 = arith.constant 0 : i32
    return %c0_i32, %c0_i32_0 : i32, i32
  }
  func.func @transform_5(%arg0: i32) -> (i32, i32) {
    %c0_i32 = arith.constant 0 : i32
    %c0_i32_0 = arith.constant 0 : i32
    %c0_i32_1 = arith.constant 0 : i32
    return %c0_i32, %c0_i32_0 : i32, i32
  }
  func.func @transform_6(%arg0: i32) -> (i32, i32) {
    %c0_i32 = arith.constant 0 : i32
    %c0_i32_0 = arith.constant 0 : i32
    return %arg0, %c0_i32 : i32, i32
  }
}

module attributes {stable_mosaic.version = 14 : i64} {
  func.func @_edge_body(%arg0: i32, %arg1: memref<640x128xi32, #tpu.memory_space<vmem>>, %arg2: memref<640x128xi32, #tpu.memory_space<vmem>>, %arg3: memref<640x16xf32, #tpu.memory_space<vmem>>, %arg4: memref<1x1x640xi32, #tpu.memory_space<vmem>>, %arg5: memref<32x256xf32, #tpu.memory_space<vmem>>, %arg6: memref<16x256xf32, #tpu.memory_space<vmem>>, %arg7: memref<640x128xf32, #tpu.memory_space<vmem>>) attributes {dimension_semantics = [#tpu.dimension_semantics<arbitrary>], iteration_bounds = array<i64: 250>, scalar_prefetch = 0 : i64, scratch_operands = 0 : i64, tpu.core_type = #tpu.core_type<tc>, window_params = [{transform_indices = @transform_0, window_bounds = array<i64: 640, 128>}, {transform_indices = @transform_1, window_bounds = array<i64: 640, 128>}, {transform_indices = @transform_2, window_bounds = array<i64: 640, 16>}, {transform_indices = @transform_3, window_bounds = array<i64: 1, 1, 640>}, {pipeline_mode = #tpu.pipeline_mode<synchronous>, transform_indices = @transform_4, window_bounds = array<i64: 32, 256>}, {pipeline_mode = #tpu.pipeline_mode<synchronous>, transform_indices = @transform_5, window_bounds = array<i64: 16, 256>}, {transform_indices = @transform_6, window_bounds = array<i64: 640, 128>}]} {
    %get3A = arith.constant 0 : index
    %get3A_0 = arith.constant 0 : index
    %get3A_1 = vector.load %arg1[%get3A, %get3A_0] : memref<640x128xi32, #tpu.memory_space<vmem>>, vector<640x128xi32>
    %bitcast_convert_type3A = tpu.bitcast %get3A_1 : vector<640x128xi32> -> vector<640x128xi32>
    %get3A_2 = arith.constant 0 : index
    %get3A_3 = arith.constant 0 : index
    %get3A_4 = vector.load %arg2[%get3A_2, %get3A_3] : memref<640x128xi32, #tpu.memory_space<vmem>>, vector<640x128xi32>
    %bitcast_convert_type3A_5 = tpu.bitcast %get3A_4 : vector<640x128xi32> -> vector<640x128xi32>
    %shift_left3A = arith.constant 16 : i32
    %shift_left3A_6 = vector.broadcast %shift_left3A : i32 to vector<640x128xi32>
    %shift_left3A_7 = arith.shli %bitcast_convert_type3A, %shift_left3A_6 : vector<640x128xi32>
    %bitcast_convert_type3A_8 = tpu.bitcast %shift_left3A_7 : vector<640x128xi32> -> vector<640x128xf32>
    %and3A = arith.constant -65536 : i32
    %and3A_9 = vector.broadcast %and3A : i32 to vector<640x128xi32>
    %and3A_10 = arith.andi %bitcast_convert_type3A, %and3A_9 : vector<640x128xi32>
    %bitcast_convert_type3A_11 = tpu.bitcast %and3A_10 : vector<640x128xi32> -> vector<640x128xf32>
    %shift_left3A_12 = arith.constant 16 : i32
    %shift_left3A_13 = vector.broadcast %shift_left3A_12 : i32 to vector<640x128xi32>
    %shift_left3A_14 = arith.shli %bitcast_convert_type3A_5, %shift_left3A_13 : vector<640x128xi32>
    %bitcast_convert_type3A_15 = tpu.bitcast %shift_left3A_14 : vector<640x128xi32> -> vector<640x128xf32>
    %and3A_16 = arith.constant -65536 : i32
    %and3A_17 = vector.broadcast %and3A_16 : i32 to vector<640x128xi32>
    %and3A_18 = arith.andi %bitcast_convert_type3A_5, %and3A_17 : vector<640x128xi32>
    %bitcast_convert_type3A_19 = tpu.bitcast %and3A_18 : vector<640x128xi32> -> vector<640x128xf32>
    %add3A = arith.addf %bitcast_convert_type3A_8, %bitcast_convert_type3A_15 : vector<640x128xf32>
    %add3A_20 = arith.addf %bitcast_convert_type3A_11, %bitcast_convert_type3A_19 : vector<640x128xf32>
    %get3A_21 = arith.constant 0 : index
    %get3A_22 = arith.constant 0 : index
    %get3A_23 = vector.load %arg3[%get3A_21, %get3A_22] : memref<640x16xf32, #tpu.memory_space<vmem>>, vector<640x16xf32>
    %get3A_24 = arith.constant 0 : index
    %get3A_25 = arith.constant 0 : index
    %get3A_26 = arith.constant 0 : index
    %get3A_27 = vector.load %arg4[%get3A_24, %get3A_25, %get3A_26] : memref<1x1x640xi32, #tpu.memory_space<vmem>>, vector<1x1x640xi32>
    %get3A_28 = vector.shape_cast %get3A_27 : vector<1x1x640xi32> to vector<1x640xi32>
    %iota3A = tpu.iota {dimensions = array<i32: 0>} : vector<32x640xi32>
    %eq3A = vector.broadcast %get3A_28 : vector<1x640xi32> to vector<32x640xi32>
    %eq3A_29 = arith.cmpi eq, %iota3A, %eq3A : vector<32x640xi32>
    %convert_element_type3A = arith.extui %eq3A_29 : vector<32x640xi1> to vector<32x640xi32>
    %convert_element_type3A_30 = arith.sitofp %convert_element_type3A : vector<32x640xi32> to vector<32x640xf32>
    %get3A_31 = arith.constant 0 : index
    %get3A_32 = arith.constant 0 : index
    %get3A_33 = vector.load %arg5[%get3A_31, %get3A_32] : memref<32x256xf32, #tpu.memory_space<vmem>>, vector<32x256xf32>
    %dot_general3A = arith.constant dense<0.000000e+00> : vector<640x256xf32>
    %dot_general3A_34 = tpu.matmul %convert_element_type3A_30, %get3A_33, %dot_general3A {dimension_numbers = #tpu.dot_dimension_numbers<[0], [0], [1], [1], [0, 1, 1, 1], [], []>, transpose_lhs_hint = false} : vector<32x640xf32>, vector<32x256xf32>, vector<640x256xf32> -> vector<640x256xf32>
    %get3A_35 = arith.constant 0 : index
    %get3A_36 = arith.constant 0 : index
    %get3A_37 = vector.load %arg6[%get3A_35, %get3A_36] : memref<16x256xf32, #tpu.memory_space<vmem>>, vector<16x256xf32>
    %dot_general3A_38 = arith.constant dense<0.000000e+00> : vector<640x256xf32>
    %dot_general3A_39 = tpu.matmul %get3A_23, %get3A_37, %dot_general3A_38 {dimension_numbers = #tpu.dot_dimension_numbers<[1], [0], [0], [1], [0, 0, 1, 1], [], []>, transpose_lhs_hint = false} : vector<640x16xf32>, vector<16x256xf32>, vector<640x256xf32> -> vector<640x256xf32>
    %slice3A = vector.extract_strided_slice %dot_general3A_39 {offsets = [0, 0], sizes = [640, 128], strides = [1, 1]} : vector<640x256xf32> to vector<640x128xf32>
    %add3A_40 = arith.addf %add3A, %slice3A : vector<640x128xf32>
    %slice3A_41 = vector.extract_strided_slice %dot_general3A_34 {offsets = [0, 0], sizes = [640, 128], strides = [1, 1]} : vector<640x256xf32> to vector<640x128xf32>
    %add3A_42 = arith.addf %add3A_40, %slice3A_41 : vector<640x128xf32>
    %slice3A_43 = vector.extract_strided_slice %dot_general3A_39 {offsets = [0, 128], sizes = [640, 128], strides = [1, 1]} : vector<640x256xf32> to vector<640x128xf32>
    %add3A_44 = arith.addf %add3A_20, %slice3A_43 : vector<640x128xf32>
    %slice3A_45 = vector.extract_strided_slice %dot_general3A_34 {offsets = [0, 128], sizes = [640, 128], strides = [1, 1]} : vector<640x256xf32> to vector<640x128xf32>
    %add3A_46 = arith.addf %add3A_44, %slice3A_45 : vector<640x128xf32>
    %neg3A = arith.constant 0.000000e+00 : f32
    %neg3A_47 = vector.broadcast %neg3A : f32 to vector<640x128xf32>
    %neg3A_48 = arith.subf %neg3A_47, %add3A_42 : vector<640x128xf32>
    %exp3A = math.exp %neg3A_48 : vector<640x128xf32>
    %add3A_49 = arith.constant 1.000000e+00 : f32
    %add3A_50 = vector.broadcast %add3A_49 : f32 to vector<640x128xf32>
    %add3A_51 = arith.addf %add3A_50, %exp3A : vector<640x128xf32>
    %div3A = arith.constant 1.000000e+00 : f32
    %div3A_52 = vector.broadcast %div3A : f32 to vector<640x128xf32>
    %div3A_53 = arith.divf %div3A_52, %add3A_51 : vector<640x128xf32>
    %max3A = arith.constant 0.000000e+00 : f32
    %max3A_54 = vector.broadcast %max3A : f32 to vector<640x128xf32>
    %max3A_55 = arith.maximumf %add3A_46, %max3A_54 : vector<640x128xf32>
    %abs3A = math.absf %add3A_46 : vector<640x128xf32>
    %neg3A_56 = arith.constant 0.000000e+00 : f32
    %neg3A_57 = vector.broadcast %neg3A_56 : f32 to vector<640x128xf32>
    %neg3A_58 = arith.subf %neg3A_57, %abs3A : vector<640x128xf32>
    %exp3A_59 = math.exp %neg3A_58 : vector<640x128xf32>
    %add3A_60 = arith.constant 1.000000e+00 : f32
    %add3A_61 = vector.broadcast %add3A_60 : f32 to vector<640x128xf32>
    %add3A_62 = arith.addf %add3A_61, %exp3A_59 : vector<640x128xf32>
    %log3A = math.log %add3A_62 : vector<640x128xf32>
    %add3A_63 = arith.addf %max3A_55, %log3A : vector<640x128xf32>
    %mul3A = arith.mulf %div3A_53, %add3A_63 : vector<640x128xf32>
    %swap3A = arith.constant 0 : index
    %swap3A_64 = arith.constant 0 : index
    %swap3A_65 = vector.load %arg7[%swap3A, %swap3A_64] : memref<640x128xf32, #tpu.memory_space<vmem>>, vector<640x128xf32>
    tpu.vector_store %arg7[%swap3A, %swap3A_64], %mul3A {strides = array<i32>} : memref<640x128xf32, #tpu.memory_space<vmem>>, vector<640x128xf32>,
    return
  }
  func.func @transform_0(%arg0: i32) -> (i32, i32) {
    %c0_i32 = arith.constant 0 : i32
    %c0_i32_0 = arith.constant 0 : i32
    return %arg0, %c0_i32 : i32, i32
  }
  func.func @transform_1(%arg0: i32) -> (i32, i32) {
    %c0_i32 = arith.constant 0 : i32
    %c0_i32_0 = arith.constant 0 : i32
    return %arg0, %c0_i32 : i32, i32
  }
  func.func @transform_2(%arg0: i32) -> (i32, i32) {
    %add3A = arith.constant 0 : i32
    %add3A_0 = arith.addi %arg0, %add3A : i32
    %c0_i32 = arith.constant 0 : i32
    %c0_i32_1 = arith.constant 0 : i32
    return %add3A_0, %c0_i32 : i32, i32
  }
  func.func @transform_3(%arg0: i32) -> (i32, i32, i32) {
    %add3A = arith.constant 0 : i32
    %add3A_0 = arith.addi %arg0, %add3A : i32
    %c0_i32 = arith.constant 0 : i32
    %c0_i32_1 = arith.constant 0 : i32
    %c0_i32_2 = arith.constant 0 : i32
    return %add3A_0, %c0_i32, %c0_i32_1 : i32, i32, i32
  }
  func.func @transform_4(%arg0: i32) -> (i32, i32) {
    %c0_i32 = arith.constant 0 : i32
    %c0_i32_0 = arith.constant 0 : i32
    %c0_i32_1 = arith.constant 0 : i32
    return %c0_i32, %c0_i32_0 : i32, i32
  }
  func.func @transform_5(%arg0: i32) -> (i32, i32) {
    %c0_i32 = arith.constant 0 : i32
    %c0_i32_0 = arith.constant 0 : i32
    %c0_i32_1 = arith.constant 0 : i32
    return %c0_i32, %c0_i32_0 : i32, i32
  }
  func.func @transform_6(%arg0: i32) -> (i32, i32) {
    %c0_i32 = arith.constant 0 : i32
    %c0_i32_0 = arith.constant 0 : i32
    return %arg0, %c0_i32 : i32, i32
  }
}

module attributes {stable_mosaic.version = 14 : i64} {
  func.func @_out_body(%arg0: i32, %arg1: memref<80x128xf32, #tpu.memory_space<vmem>>, %arg2: memref<80x128xf32, #tpu.memory_space<vmem>>, %arg3: memref<80x128xf32, #tpu.memory_space<vmem>>, %arg4: memref<80x128xf32, #tpu.memory_space<vmem>>, %arg5: memref<80x128xf32, #tpu.memory_space<vmem>>, %arg6: memref<80x128xf32, #tpu.memory_space<vmem>>) attributes {dimension_semantics = [#tpu.dimension_semantics<arbitrary>], iteration_bounds = array<i64: 125>, scalar_prefetch = 0 : i64, scratch_operands = 0 : i64, tpu.core_type = #tpu.core_type<tc>, window_params = [{transform_indices = @transform_0, window_bounds = array<i64: 80, 128>}, {transform_indices = @transform_1, window_bounds = array<i64: 80, 128>}, {transform_indices = @transform_2, window_bounds = array<i64: 80, 128>}, {transform_indices = @transform_3, window_bounds = array<i64: 80, 128>}, {transform_indices = @transform_4, window_bounds = array<i64: 80, 128>}, {transform_indices = @transform_5, window_bounds = array<i64: 80, 128>}]} {
    %get3A = arith.constant 0 : index
    %get3A_0 = arith.constant 0 : index
    %get3A_1 = vector.load %arg1[%get3A, %get3A_0] : memref<80x128xf32, #tpu.memory_space<vmem>>, vector<80x128xf32>
    %get3A_2 = arith.constant 0 : index
    %get3A_3 = arith.constant 0 : index
    %get3A_4 = vector.load %arg2[%get3A_2, %get3A_3] : memref<80x128xf32, #tpu.memory_space<vmem>>, vector<80x128xf32>
    %add3A = arith.addf %get3A_1, %get3A_4 : vector<80x128xf32>
    %get3A_5 = arith.constant 0 : index
    %get3A_6 = arith.constant 0 : index
    %get3A_7 = vector.load %arg3[%get3A_5, %get3A_6] : memref<80x128xf32, #tpu.memory_space<vmem>>, vector<80x128xf32>
    %add3A_8 = arith.addf %add3A, %get3A_7 : vector<80x128xf32>
    %get3A_9 = arith.constant 0 : index
    %get3A_10 = arith.constant 0 : index
    %get3A_11 = vector.load %arg4[%get3A_9, %get3A_10] : memref<80x128xf32, #tpu.memory_space<vmem>>, vector<80x128xf32>
    %add3A_12 = arith.addf %add3A_8, %get3A_11 : vector<80x128xf32>
    %get3A_13 = arith.constant 0 : index
    %get3A_14 = arith.constant 0 : index
    %get3A_15 = vector.load %arg5[%get3A_13, %get3A_14] : memref<80x128xf32, #tpu.memory_space<vmem>>, vector<80x128xf32>
    %add3A_16 = arith.addf %add3A_12, %get3A_15 : vector<80x128xf32>
    %max3A = arith.constant 0.000000e+00 : f32
    %max3A_17 = vector.broadcast %max3A : f32 to vector<80x128xf32>
    %max3A_18 = arith.maximumf %add3A_16, %max3A_17 : vector<80x128xf32>
    %abs3A = math.absf %add3A_16 : vector<80x128xf32>
    %neg3A = arith.constant 0.000000e+00 : f32
    %neg3A_19 = vector.broadcast %neg3A : f32 to vector<80x128xf32>
    %neg3A_20 = arith.subf %neg3A_19, %abs3A : vector<80x128xf32>
    %exp3A = math.exp %neg3A_20 : vector<80x128xf32>
    %add3A_21 = arith.constant 1.000000e+00 : f32
    %add3A_22 = vector.broadcast %add3A_21 : f32 to vector<80x128xf32>
    %add3A_23 = arith.addf %add3A_22, %exp3A : vector<80x128xf32>
    %log3A = math.log %add3A_23 : vector<80x128xf32>
    %add3A_24 = arith.addf %max3A_18, %log3A : vector<80x128xf32>
    %swap3A = arith.constant 0 : index
    %swap3A_25 = arith.constant 0 : index
    %swap3A_26 = vector.load %arg6[%swap3A, %swap3A_25] : memref<80x128xf32, #tpu.memory_space<vmem>>, vector<80x128xf32>
    tpu.vector_store %arg6[%swap3A, %swap3A_25], %add3A_24 {strides = array<i32>} : memref<80x128xf32, #tpu.memory_space<vmem>>, vector<80x128xf32>,
    return
  }
  func.func @transform_0(%arg0: i32) -> (i32, i32) {
    %c0_i32 = arith.constant 0 : i32
    %c0_i32_0 = arith.constant 0 : i32
    return %arg0, %c0_i32 : i32, i32
  }
  func.func @transform_1(%arg0: i32) -> (i32, i32) {
    %c0_i32 = arith.constant 0 : i32
    %c0_i32_0 = arith.constant 0 : i32
    return %arg0, %c0_i32 : i32, i32
  }
  func.func @transform_2(%arg0: i32) -> (i32, i32) {
    %add3A = arith.constant 128 : i32
    %add3A_0 = arith.addi %arg0, %add3A : i32
    %c0_i32 = arith.constant 0 : i32
    %c0_i32_1 = arith.constant 0 : i32
    return %add3A_0, %c0_i32 : i32, i32
  }
  func.func @transform_3(%arg0: i32) -> (i32, i32) {
    %c0_i32 = arith.constant 0 : i32
    %c0_i32_0 = arith.constant 0 : i32
    return %arg0, %c0_i32 : i32, i32
  }
  func.func @transform_4(%arg0: i32) -> (i32, i32) {
    %add3A = arith.constant 128 : i32
    %add3A_0 = arith.addi %arg0, %add3A : i32
    %c0_i32 = arith.constant 0 : i32
    %c0_i32_1 = arith.constant 0 : i32
    return %add3A_0, %c0_i32 : i32, i32
  }
  func.func @transform_5(%arg0: i32) -> (i32, i32) {
    %c0_i32 = arith.constant 0 : i32
    %c0_i32_0 = arith.constant 0 : i32
    return %arg0, %c0_i32 : i32, i32
  }
}

</mosaic_0001>

<sc_bundles>
// kernel: kernel.10.cloned.1.call-start
scs
__scs_entry_jumppad:
0x0: {  	(pc) =	sbr.rel $0x88, $3  }
0x1: {  	(tag) =	ssettag $0x0;
	lr =	simm.s32 $0x1  }
0x2: {  	[smem:$0x3F98] =	sst lr;
	_ =	strace $0xD0000000  }
0x3: {  	_ = 	snop  }
0x4: {  	_ = 	snop  }
0x5: {  	_ = 	snop  }
0x6: {  	_ = 	snop  }
0x7: {  	_ = 	snop  }
__scs_overlays_trampoline_lowered:
0x8: {  	[smem:$0x3FA7] =	sst s0  }
0x9: {  	[smem:$0x3FA8] =	sst s1  }
0xa: {  	[smem:$0x3FA9] =	sst s2  }
0xb: {  	[smem:$0x3FAA] =	sst s3  }
0xc: {  	[smem:$0x3FAB] =	sst s4  }
0xd: {  	[smem:$0x3FAC] =	sst s5  }
0xe: {  	[smem:$0x3FAD] =	sst s6  }
0xf: {  	[smem:$0x3FAE] =	sst s7  }
0x10: {  	[smem:$0x3FAF] =	sst s8  }
0x11: {  	[smem:$0x3FB0] =	sst s9;
	s0 =	simm.s32 @!p0 $0x0  }
0x12: {  	s1 =	sld [smem:$0x3F96];
	s0 =	simm.s32 @p0 $0x1  }
0x13: {  	[smem:$0x3FB1] =	sst s0;
	s0 =	simm.s32 @!p1 $0x0  }
0x14: {  	s2 =	sld [smem:$0x3F95];
	s0 =	simm.s32 @p1 $0x1  }
0x15: {  	[smem:$0x3FB2] =	sst s0;
	s0 =	simm.s32 @!p2 $0x0  }
0x16: {  	s3 =	sld [smem:$0x3FDB];
	s0 =	simm.s32 @p2 $0x1  }
0x17: {  	s4 =	simm.s32 $0x1BF5;
	[smem:$0x3FB4] =	sst s0  }
0x18: {  	s0 =	sld [smem:$0x3F97];
	_ =	swait.ge [sflag:s4], $0x0  }
0x19: {  	s7 =	sld [smem:$0x3F98]  }
0x1a: {  	s8 =	sadd.s32 $0xFFFFE003, lr  }
0x1b: {  	s9 =	sadd.s32 $0xFFFFFEF7, lr;
	s5 =	simm.s32 $0xFFFFFFFF;
	p2 =	slt.u32 s8, $0xFFFFF086  }
0x1c: {  	p1 =	slt.u32 s9, $0xF7A;
	s5 =	simm.s32 @!p2 $0x0  }
0x1d: {  	s5 =	simm.s32 @p1 $0x1;
	p0 =	seq.s32 s7, s2  }
0x1e: {  	s7 =	smul.u32 @!p0 $0xF7A, s2;
	p2 =	seq.s32 @!p0 s5, $0x0  }
0x1f: {  	s9 =	smul.u32 $0xF7A, s1;
	s8 =	simm.s32 @!p0 $0x1BF5;
	p2 =	por !p2, p0  }
0x20: {  	[sflag:s8] =	ssyncset.s32 @!p0 $0xFFFFF086;
	s6 =	sadd.s32 @!p0 s3, s7;
	s7 =	simm.s32 @!p0 $0x108  }
0x21: {  	s3 =	sadd.s32 s3, s9;
	s6 =	sadd.s32 @!p0 $0x88, s6;
	s7 =	simm.s32 @p2 $0x1082  }
0x22: {  	[simem:s7], [sflag:s8] =	dma.local @!p0 [hbm:s6], $0xF7A  }
0x23: {  	s9 =	sor.u32 $0xD0000000, s2;
	s6 =	simm.s32 $0x108;
	_ =	swait.ge @!p0 [sflag:s8], $0x0  }
0x24: {  	s3 =	sadd.s32 $0x88, s3;
	s6 =	simm.s32 @!p1 $0x1082;
	[sflag:s4] =	ssyncset.s32 $0xFFFFF086  }
0x25: {  	[simem:s6], [sflag:s4] =	dma.local [hbm:s3], $0xF7A  }
0x26: {  	[smem:$0x3F98] =	sst s1;
	(tag) =	ssettag s2;
	_ =	strace s9  }
0x27: {  	s1 =	sld [smem:$0x3FA8]  }
0x28: {  	s2 =	sld [smem:$0x3FA9]  }
0x29: {  	s4 =	sld [smem:$0x3FAB]  }
0x2a: {  	p0 =	seq.s32 s5, $0x0;
	s5 =	sld [smem:$0x3FAC]  }
0x2b: {  	s6 =	sld [smem:$0x3FAD]  }
0x2c: {  	s7 =	sld [smem:$0x3FAE]  }
0x2d: {  	s3 =	simm.s32 $0x108;
	s8 =	sld [smem:$0x3FAF]  }
0x2e: {  	s3 =	simm.s32 @!p0 $0x1082;
	s9 =	sld [smem:$0x3FB0]  }
0x2f: {  	lr =	sadd.s32 s0, s3;
	s0 =	sld [smem:$0x3FA7]  }
0x30: {  	s3 =	sld [smem:$0x3FAA]  }
0x31: {  	[smem:$0x3FB3] =	sst s10  }
0x32: {  	s10 =	sld [smem:$0x3FB1];
	_ =	sdelay $0x3  }
0x33: {  	p0 =	seq.s32 s10, $0x1;
	s10 =	sld [smem:$0x3FB3];
	_ =	sdelay $0x3  }
0x34: {  	[smem:$0x3FB3] =	sst s10  }
0x35: {  	s10 =	sld [smem:$0x3FB2];
	_ =	sdelay $0x3  }
0x36: {  	p1 =	seq.s32 s10, $0x1;
	s10 =	sld [smem:$0x3FB3];
	_ =	sdelay $0x3  }
0x37: {  	[smem:$0x3FB3] =	sst s10  }
0x38: {  	s10 =	sld [smem:$0x3FB4]  }
0x39: {  	_ = 	snop;
	(pc) =	sbr.ind lr, $3  }
0x3a: {  	_ = 	snop  }
0x3b: {  	_ = 	snop  }
0x3c: {  	p2 =	seq.s32 s10, $0x1;
	s10 =	sld [smem:$0x3FB3]  }
0x3d: {  	_ =	shalt  }
0x3e: {  	_ =	shalt  }
0x3f: {  	_ =	shalt  }
0x40: {  	_ =	shalt  }
0x41: {  	_ =	shalt  }
0x42: {  	_ =	shalt  }
0x43: {  	_ =	shalt  }
0x44: {  	_ =	shalt  }
0x45: {  	_ =	shalt  }
0x46: {  	_ =	shalt  }
0x47: {  	_ =	shalt  }
0x48: {  	_ =	shalt  }
0x49: {  	_ =	shalt  }
0x4a: {  	_ =	shalt  }
0x4b: {  	_ =	shalt  }
0x4c: {  	_ =	shalt  }
0x4d: {  	_ =	shalt  }
0x4e: {  	_ =	shalt  }
0x4f: {  	_ =	shalt  }
0x50: {  	_ =	shalt  }
0x51: {  	_ =	shalt  }
0x52: {  	_ =	shalt  }
0x53: {  	_ =	shalt  }
0x54: {  	_ =	shalt  }
0x55: {  	_ =	shalt  }
0x56: {  	_ =	shalt  }
0x57: {  	_ =	shalt  }
0x58: {  	_ =	shalt  }
0x59: {  	_ =	shalt  }
0x5a: {  	_ =	shalt  }
0x5b: {  	_ =	shalt  }
0x5c: {  	_ =	shalt  }
0x5d: {  	_ =	shalt  }
0x5e: {  	_ =	shalt  }
0x5f: {  	_ =	shalt  }
0x60: {  	_ =	shalt  }
0x61: {  	_ =	shalt  }
0x62: {  	_ =	shalt  }
0x63: {  	_ =	shalt  }
0x64: {  	_ =	shalt  }
0x65: {  	_ =	shalt  }
0x66: {  	_ =	shalt  }
0x67: {  	_ =	shalt  }
0x68: {  	_ =	shalt  }
0x69: {  	_ =	shalt  }
0x6a: {  	_ =	shalt  }
0x6b: {  	_ =	shalt  }
0x6c: {  	_ =	shalt  }
0x6d: {  	_ =	shalt  }
0x6e: {  	_ =	shalt  }
0x6f: {  	_ =	shalt  }
0x70: {  	_ =	shalt  }
0x71: {  	_ =	shalt  }
0x72: {  	_ =	shalt  }
0x73: {  	_ =	shalt  }
0x74: {  	_ =	shalt  }
0x75: {  	_ =	shalt  }
0x76: {  	_ =	shalt  }
0x77: {  	_ =	shalt  }
0x78: {  	_ =	shalt  }
0x79: {  	_ =	shalt  }
0x7a: {  	_ =	shalt  }
0x7b: {  	_ =	shalt  }
0x7c: {  	_ =	shalt  }
0x7d: {  	_ =	shalt  }
0x7e: {  	_ =	shalt  }
0x7f: {  	_ =	shalt  }
0x80: {  	_ =	shalt  }
0x81: {  	_ =	shalt  }
0x82: {  	_ =	shalt  }
0x83: {  	_ =	shalt  }
0x84: {  	_ =	shalt  }
0x85: {  	_ =	shalt  }
0x86: {  	_ =	shalt  }
0x87: {  	_ =	shalt  }
.Lfunc_end0:
.L_simem_size_0:
called_computation_lowered:
.L_overlay_start_0:
0x88: {  	s2 =	sld [smem:$0x3FD9]  }
0x89: {  	s3 =	sld [smem:$0x3FFE];
	_ =	sdelay $0x1  }
0x8a: {  	s1 =	srdreg.scid  }
0x8b: {  	s0 =	sand.u32 $0x1, s1  }
0x8c: {  	s17 =	sshll.u32 s0, $0xA;
	s2 =	sadd.s32 s3, s2  }
0x8d: {  	s2 =	sadd.s32 s2, s17  }
0x8e: {  	[smem:$0x3FBF] =	sst s2  }
0x8f: {  	_ = 	snop  }
0x90: {  	s18 =	sld [smem:$0x3FD0];
	(tm) =	ssettm $0x1  }
0x91: {  	s19 =	sld [smem:$0x3FFB];
	_ =	sdelay $0x3  }
0x92: {  	_ =	strace s19  }
0x93: {  	s2 =	sld [smem:$0x3FFC];
	_ =	sdelay $0x3  }
0x94: {  	_ =	strace s2  }
0x95: {  	s2 =	sld [smem:$0x3FFD];
	_ =	sdelay $0x3  }
0x96: {  	_ =	strace s2  }
0x97: {  	_ =	strace $0x8FFFFFFF  }
0x98: {  	s20 =	sld [smem:$0x3FDB];
	_ =	sdelay $0x1  }
0x99: {  	s4 =	simm.s32 $_scs_section_size  }
0x9a: {  	s5 =	simm.s32 $_size__tile_overlayer_lowered;
	s6 =	simm.s32 $_tile_overlayer_lowered  }
0x9b: {  	s7 =	simm.s32 $0x1BFF;
	s21 =	sshll.u32 s6, $0x1;
	s4 =	sadd.s32 s4, s20  }
0x9c: {  	s22 =	simm.s32 $0x0;
	s5 =	sshll.u32 s5, $0x1;
	s6 =	sadd.s32 s21, s4  }
0x9d: {  	[timem:s22], [sflag:s7] =	dma.local [hbm:s6], s5  }
0x9e: {  	_ =	swait.ge [sflag:s7], s5  }
0x9f: {  	s5 =	ssub.s32 $0x0, s5;
	[sflag:s7] =	ssyncset.done $0x0  }
0xa0: {  	[sflag:s7] =	ssyncadd.s32 s5;
	_ =	sdelay $0x1  }
0xa1: {  	s23 =	simm.s32 $0x1B8B  }
0xa2: {  	_ =	swait.ge [sflag:s23], $0x1  }
0xa3: {  	[sflag:s23] =	ssyncset.done $0x0  }
0xa4: {  	[sflag:s23] =	ssyncadd.s32 $0xFFFFFFFF  }
0xa5: {  	s5 =	sld [smem:$0x0]  }
0xa6: {  	s6 =	sand.u32 $0xFFFFFFFE, s1  }
0xa7: {  	p0 =	sne.s32 s1, s6  }
0xa8: {  	s6 =	sshll.u32 @p0 s6, $0xE  }
0xa9: {  	s6 =	sadd.s32 @p0 $0x11B8D, s6;
	s7 =	sshll.u32 @p0 s5, $0x11  }
0xaa: {  	s6 =	sor.u32 @p0 s7, s6  }
0xab: {  	[sflag:s6] =	ssyncadd.remote.s32 @p0 $0x1;
	_ =	sdelay $0x1  }
0xac: {  	s6 =	simm.s32 @p0 $0x1B8D  }
0xad: {  	_ =	swait.eq @p0 [sflag:s6], $0x1  }
0xae: {  	[sflag:s6] =	ssyncadd.s32 @p0 $0xFFFFFFFF  }
0xaf: {  	s7 =	sshll.u32 @!p0 s1, $0xE  }
0xb0: {  	s7 =	sor.u32 @!p0 $0x4000, s7;
	s6 =	simm.s32 @!p0 $0x1B8D  }
0xb1: {  	s5 =	sshll.u32 @!p0 s5, $0x11;
	s7 =	sadd.s32 @!p0 $0x11B8D, s7;
	_ =	swait.eq @!p0 [sflag:s6], $0x1  }
0xb2: {  	s5 =	sor.u32 @!p0 s5, s7;
	[sflag:s6] =	ssyncadd.s32 @!p0 $0xFFFFFFFF  }
0xb3: {  	s25 =	simm.s32 $0x1B8E;
	s24 =	sld [smem:$0x3FFE];
	[sflag:s5] =	ssyncadd.remote.s32 @!p0 $0x1  }
0xb4: {  	s26 =	simm.s32 $execute0_lowered;
	[smem:$0x3FD2] =	sst s25  }
0xb5: {  	s6 =	sshll.u32 s26, $0x1;
	_ =	strace $0x80000049;
	[dreg:$0x1] =	wrdreg $0xFFFFFFFF  }
0xb6: {  	s28 =	simm.s32 $_size_execute0_lowered;
	s4 =	sadd.s32 s4, s6;
	[dreg:$0x0] =	wrdreg $0x0  }
0xb7: {  	s6 =	sshll.u32 s28, $0x1;
	[dreg:$0x2] =	wrdreg s4  }
0xb8: {  	[dreg:$0x3] =	wrdreg s6  }
0xb9: {  	[dreg:$0x4] =	wrdreg $0xC0  }
0xba: {  	_ =	task [dreg:s22], $0x5FFFF  }
0xbb: {  	[dreg:$0x1] =	wrdreg $0xFFFFFFFF  }
0xbc: {  	[dreg:$0x0] =	wrdreg $0x60  }
0xbd: {  	[dreg:$0x2] =	wrdreg s18  }
0xbe: {  	[dreg:$0x3] =	wrdreg s24  }
0xbf: {  	[dreg:$0x4] =	wrdreg $0x9  }
0xc0: {  	_ =	task.clear_ibuf [dreg:s22], $0x5FFFF;
	_ =	strace $0x90000049  }
0xc1: {  	s29 =	simm.s32 $0x9;
	_ =	strace $0x8000004B  }
0xc2: {  	_ =	swait.ge [sflag:s29], $0x1  }
0xc3: {  	[sflag:s29] =	ssyncadd.s32 $0xFFFFFFFF  }
0xc4: {  	_ =	strace $0x9000004B  }
0xc5: {  	_ =	sfence  }
0xc6: {  	s30 =	sld [smem:$0x0];
	_ =	sdelay $0x2  }
0xc7: {  	s31 =	sshll.u32 s1, $0xD;
	s1 =	sshrl.u32 s1, $0x2  }
0xc8: {  	s4 =	sand.u32 $0x4000, s31;
	s1 =	sadd.s32 s1, s30  }
0xc9: {  	s0 =	sor.u32 s4, s0;
	s1 =	sshll.u32 s1, $0x11  }
0xca: {  	s0 =	sor.u32 s1, s0  }
0xcb: {  	s0 =	sadd.s32 $0x8F2B, s0  }
0xcc: {  	[sflag:s0] =	ssyncadd.remote.s32 $0x1  }
0xcd: {  	_ =	sfence.sel $0xFFFF  }
0xce: {  	[dreg:$0x0] =	wrdreg $0xFFFFFFFF;
	(pc) =	sbr.abs _section_cstart, $3  }
0xcf: {  	[dreg:$0x1] =	wrdreg $0xFFFFFFFF  }
0xd0: {  	_ =	task.clear_ibuf [dreg:s22], $0x2FFFF;
	_ =	strace $0x9FFFFFFF  }
0xd1: {  	(tm) =	ssettm $0x7FFFFFFF  }
tec
execute0_lowered:
.L_overlay_start_1:
0x0: {  	(tag) =	ssettag $0x1  }
0x1: {  	s1 =	rddreg [dreg:$0x0]  }
0x2: {  	s0 =	rddreg [dreg:$0x1]  }
0x3: {  	s2 =	simm.s32 $0x0;
	s4 =	srdreg.scid;
	s7 =	stileid.u32  }
0x4: {  	s28 =	simm.s32 $0x3;
	s29 =	simm.s32 $0x5;
	s30 =	simm.s32 $0x4  }
0x5: {  	s31 =	simm.s32 $0x6;
	[smem:$0x7FF] =	sst s2;
	s3 =	sadd.s32 $0xD200, s0  }
0x6: {  	s4 =	sand.u32 $0x1, s4;
	s6 =	sadd.s32 $0x51B400, s0;
	s13 =	smul.u32 $0x4E, s7  }
0x7: {  	s5 =	sshll.u32 s7, $0x1;
	s8 =	sadd.s32 $0x516400, s0;
	s17 =	smul.u32 $0x27, s4  }
0x8: {  	s15 =	sadd.s32 $0x520400, s0;
	s5 =	sor.u32 s4, s5;
	s24 =	smul.u32 $0x13800, s4  }
0x9: {  	s0 =	sadd.s32 $0x791400, s0;
	p0 =	sne.s32 s7, $0x0;
	s10 =	smul.u32 $0x1380, s5  }
0xa: {  	_ =	strace $0x8000004A;
	s9 =	ssub.s32 $0x2, s4;
	s12 =	smul.u32 $0x270, s5  }
0xb: {  	s16 =	sshll.u32 s4, $0x7;
	s11 =	sshrl.u32 s9, $0x1;
	s5 =	smul.u32 $0x9C000, s5  }
0xc: {  	s14 =	ssub.s32 s9, s11;
	s25 =	sshrl.u32 s10, $0x3;
	s26 =	sadd.s32 s6, s12  }
0xd: {  	s11 =	sadd.s32 s8, s12;
	[dreg:$0x7] =	wrdreg s26;
	s9 =	sadd.s32 $0x10, s25  }
0xe: {  	s5 =	sshrl.u32 s5, $0x3;
	[dreg:$0x8] =	wrdreg s11;
	s12 =	sadd.s32 s6, s9  }
0xf: {  	s5 =	sadd.s32 $0x13000, s5;
	s9 =	sadd.s32 s8, s9;
	[dreg:$0x9] =	wrdreg s12  }
0x10: {  	s14 =	smax.u32 s14, $0x1;
	s18 =	sadd.s32 s15, s5;
	[dreg:$0xa] =	wrdreg s9  }
0x11: {  	s11 =	sor.u32 $0x27000, s16;
	s5 =	sadd.s32 s0, s5;
	[dreg:$0xb] =	wrdreg s18  }
0x12: {  	s19 =	sshrl.u32 s11, $0x3;
	[dreg:$0xc] =	wrdreg s5;
	s12 =	sadd.s32 s17, s13  }
0x13: {  	s20 =	sadd.s32 s6, s19;
	s13 =	sshll.u32 s11, $0x4;
	s17 =	smul.u32 $0x27000, s7  }
0x14: {  	s5 =	sadd.s32 s8, s19;
	s18 =	smul.u32 $0x4E0, s7;
	[dreg:$0xd] =	wrdreg s20  }
0x15: {  	s19 =	simm.s32 $0x1;
	[dreg:$0xe] =	wrdreg s5;
	s21 =	sadd.s32 s15, s13  }
0x16: {  	s16 =	sshll.u32 s12, $0xB;
	s23 =	sadd.s32 s0, s13;
	[dreg:$0xf] =	wrdreg s21  }
0x17: {  	s20 =	simm.s32 $0x80;
	s22 =	sadd.s32 $0x800, s16;
	[dreg:$0x10] =	wrdreg s23  }
0x18: {  	s25 =	sadd.s32 s17, s15;
	s21 =	simm.s32 $0x200;
	s23 =	simm.s32 $0x180  }
0x19: {  	s16 =	sadd.s32 s22, s15;
	s5 =	sadd.s32 s22, s0;
	s0 =	sadd.s32 s17, s0  }
0x1a: {  	s15 =	smul.u32 $0x270, s4;
	s26 =	sadd.s32 s24, s25;
	[dreg:$0x3] =	wrdreg s16  }
0x1b: {  	s22 =	simm.s32 $0x8200;
	s25 =	simm.s32 $0x4200;
	[dreg:$0x4] =	wrdreg s5  }
0x1c: {  	s0 =	sadd.s32 s24, s0;
	s5 =	sadd.s32 s18, s6;
	s6 =	sadd.s32 s18, s8  }
0x1d: {  	[dreg:$0x6] =	wrdreg s26;
	s18 =	simm.s32 $0x100;
	s24 =	simm.s32 $0x2  }
0x1e: {  	s26 =	simm.s32 $0xC200;
	[dreg:$0x5] =	wrdreg s0;
	s0 =	simm.s32 $0x0  }
.LBB2_1:
0x1f: {  	s4 =	rddreg [dreg:$0x7]  }
0x20: {  	[tilespmem:s2], [sflag:$0x1] =	stream.linear.gather [hbm4b:s4+s2], $0x80, $0x38;
	[tilespmem:$0x10200] =	vst v63  }
0x21: {  	s16 =	rddreg [dreg:$0x8]  }
0x22: {  	[tilespmem:s18], [sflag:$0x1] =	stream.linear.gather [hbm4b:s16+s2], $0x80, $0x38;
	[tilespmem:$0x10200] =	vst v63  }
0x23: {  	_ =	swait.ge [sflag:s19], $0x80  }
0x24: {  	[sflag:s19] =	ssyncset.done $0x0  }
0x25: {  	[sflag:s19] =	ssyncadd.s32 $0xFFFFFF80  }
0x26: {  	_ =	swait.ge [sflag:s19], $0x80  }
0x27: {  	[sflag:s19] =	ssyncset.done $0x0  }
0x28: {  	[sflag:s19] =	ssyncadd.s32 $0xFFFFFF80  }
0x29: {  	[tilespmem:s21], [sflag:$0x3] =	stream.indirect.gather [hbm4b:s1+s20], $0x80, s2, s20, $0xb8;
	[tilespmem:$0x10200] =	vst v63  }
0x2a: {  	_ = 	snop  }
0x2b: {  	[tilespmem:s22], [sflag:$0x3] =	stream.indirect.gather [hbm4b:s3+s20], $0x80, s18, s20, $0xb8;
	[tilespmem:$0x10200] =	vst v63  }
0x2c: {  	s17 =	rddreg [dreg:$0x9]  }
0x2d: {  	[tilespmem:s20], [sflag:$0x2] =	stream.linear.gather [hbm4b:s17+s2], $0x80, $0x38;
	[tilespmem:$0x10200] =	vst v63  }
0x2e: {  	s7 =	rddreg [dreg:$0xa]  }
0x2f: {  	[tilespmem:s23], [sflag:$0x2] =	stream.linear.gather [hbm4b:s7+s2], $0x80, $0x38;
	[tilespmem:$0x10200] =	vst v63  }
0x30: {  	_ =	swait.ge [sflag:s24], $0x80  }
0x31: {  	[sflag:s24] =	ssyncset.done $0x0  }
0x32: {  	[sflag:s24] =	ssyncadd.s32 $0xFFFFFF80  }
0x33: {  	_ =	swait.ge [sflag:s24], $0x80  }
0x34: {  	p1 =	por $0x1, $0x1;
	[sflag:s24] =	ssyncset.done $0x0  }
0x35: {  	s4 =	simm.s32 @!p1 $0x6;
	[sflag:s24] =	ssyncadd.s32 $0xFFFFFF80  }
0x36: {  	_ =	swait.ge @!p1 [sflag:s4], $0x4000  }
0x37: {  	[sflag:s4] =	ssyncset.done @!p1 $0x0  }
0x38: {  	[sflag:s4] =	ssyncadd.s32 @!p1 $0xFFFFC000  }
0x39: {  	_ =	swait.ge @!p1 [sflag:s4], $0x4000  }
0x3a: {  	[sflag:s4] =	ssyncset.done @!p1 $0x0  }
0x3b: {  	[sflag:s4] =	ssyncadd.s32 @!p1 $0xFFFFC000  }
0x3c: {  	[tilespmem:s25], [sflag:$0x4] =	stream.indirect.gather [hbm4b:s1+s20], $0x80, s20, s20, $0xb8;
	[tilespmem:$0x10200] =	vst v63  }
0x3d: {  	_ = 	snop  }
0x3e: {  	[tilespmem:s26], [sflag:$0x4] =	stream.indirect.gather [hbm4b:s3+s20], $0x80, s23, s20, $0xb8;
	[tilespmem:$0x10200] =	vst v63  }
0x3f: {  	_ =	swait.ge [sflag:s28], $0x4000  }
0x40: {  	[sflag:s28] =	ssyncset.done $0x0  }
0x41: {  	[sflag:s28] =	ssyncadd.s32 $0xFFFFC000  }
0x42: {  	_ =	swait.ge [sflag:s28], $0x4000  }
0x43: {  	s8 =	sadd.s32 s5, s15;
	[sflag:s28] =	ssyncset.done $0x0  }
0x44: {  	s7 =	sadd.s32 s6, s15;
	s4 =	sadd.s32 $0x20, s8;
	[sflag:s28] =	ssyncadd.s32 $0xFFFFC000  }
0x45: {  	[tilespmem:s2], [sflag:$0x1] =	stream.linear.gather [hbm4b:s4+s2], $0x80, $0x38;
	[tilespmem:$0x10200] =	vst v63  }
0x46: {  	s9 =	sadd.s32 $0x20, s7;
	s8 =	rddreg [dreg:$0x6]  }
0x47: {  	[tilespmem:s18], [sflag:$0x1] =	stream.linear.gather [hbm4b:s9+s2], $0x80, $0x38;
	[tilespmem:$0x10200] =	vst v63  }
0x48: {  	s10 =	rddreg [dreg:$0x5];
	s11 =	sadd.s32 $0x0, s8  }
0x49: {  	[hbm4b:s11+s2] =	stream.linear.scatter [tilespmem:s21], [sflag:$0x5], $0x4000, $0x38;
	[tilespmem:$0x10200] =	vst v63  }
0x4a: {  	s12 =	sadd.s32 $0x0, s10  }
0x4b: {  	[hbm4b:s12+s2] =	stream.linear.scatter [tilespmem:s22], [sflag:$0x5], $0x4000, $0x38;
	[tilespmem:$0x10200] =	vst v63  }
0x4c: {  	_ =	swait.ge [sflag:s19], $0x80  }
0x4d: {  	[sflag:s19] =	ssyncset.done $0x0  }
0x4e: {  	[sflag:s19] =	ssyncadd.s32 $0xFFFFFF80  }
0x4f: {  	_ =	swait.ge [sflag:s19], $0x80  }
0x50: {  	[sflag:s19] =	ssyncset.done $0x0  }
0x51: {  	[sflag:s19] =	ssyncadd.s32 $0xFFFFFF80  }
0x52: {  	_ =	swait.ge [sflag:s29], $0x4000  }
0x53: {  	[sflag:s29] =	ssyncset.done $0x0  }
0x54: {  	[sflag:s29] =	ssyncadd.s32 $0xFFFFC000  }
0x55: {  	_ =	swait.ge [sflag:s29], $0x4000  }
0x56: {  	[sflag:s29] =	ssyncset.done $0x0  }
0x57: {  	[sflag:s29] =	ssyncadd.s32 $0xFFFFC000  }
0x58: {  	[tilespmem:s21], [sflag:$0x3] =	stream.indirect.gather [hbm4b:s1+s20], $0x80, s2, s20, $0xb8;
	[tilespmem:$0x10200] =	vst v63  }
0x59: {  	_ = 	snop  }
0x5a: {  	[tilespmem:s22], [sflag:$0x3] =	stream.indirect.gather [hbm4b:s3+s20], $0x80, s18, s20, $0xb8;
	[tilespmem:$0x10200] =	vst v63  }
0x5b: {  	_ =	swait.ge [sflag:s30], $0x4000  }
0x5c: {  	[sflag:s30] =	ssyncset.done $0x0  }
0x5d: {  	p1 =	por $0x0, $0x0;
	[sflag:s30] =	ssyncadd.s32 $0xFFFFC000  }
0x5e: {  	s7 =	sadd.s32 @!p1 s5, s15;
	_ =	swait.ge [sflag:s30], $0x4000  }
0x5f: {  	s7 =	sadd.s32 @!p1 $0x30, s7;
	[sflag:s30] =	ssyncset.done $0x0  }
0x60: {  	s8 =	simm.s32 @!p1 $0x0;
	s4 =	simm.s32 @!p1 $0x80;
	[sflag:s30] =	ssyncadd.s32 $0xFFFFC000  }
0x61: {  	[tilespmem:s4], [sflag:$0x2] =	stream.linear.gather @!p1 [hbm4b:s7+s8], $0x80, $0x38;
	[tilespmem:$0x10200] =	vst v63  }
0x62: {  	s13 =	rddreg [dreg:$0x3];
	s7 =	sadd.s32 @!p1 s6, s15  }
0x63: {  	s16 =	simm.s32 @!p1 $0x180;
	s17 =	rddreg [dreg:$0x4];
	s7 =	sadd.s32 @!p1 $0x30, s7  }
0x64: {  	[tilespmem:s16], [sflag:$0x2] =	stream.linear.gather @!p1 [hbm4b:s7+s8], $0x80, $0x38;
	[tilespmem:$0x10200] =	vst v63  }
0x65: {  	s4 =	sadd.s32 $0x0, s13;
	s8 =	sadd.s32 $0x0, s17  }
0x66: {  	[hbm4b:s4+s2] =	stream.linear.scatter [tilespmem:s25], [sflag:$0x6], $0x4000, $0x38;
	[tilespmem:$0x10200] =	vst v63  }
0x67: {  	s16 =	smov.u32 s5;
	s17 =	smov.u32 s6;
	s4 =	simm.s32 $0x1000  }
.LBB2_2:
0x68: {  	[hbm4b:s8+s2] =	stream.linear.scatter [tilespmem:s26], [sflag:$0x6], $0x4000, $0x38;
	[tilespmem:$0x10200] =	vst v63  }
0x69: {  	_ =	swait.ge [sflag:s24], $0x80  }
0x6a: {  	[sflag:s24] =	ssyncset.done $0x0  }
0x6b: {  	[sflag:s24] =	ssyncadd.s32 $0xFFFFFF80  }
0x6c: {  	s7 =	smov.u32 s4;
	_ =	swait.ge [sflag:s24], $0x80  }
0x6d: {  	p2 =	seq.s32 s7, $0x0;
	[sflag:s24] =	ssyncset.done $0x0  }
0x6e: {  	s8 =	simm.s32 @!p2 $0x6;
	[sflag:s24] =	ssyncadd.s32 $0xFFFFFF80  }
0x6f: {  	_ =	swait.ge @!p2 [sflag:s8], $0x4000  }
0x70: {  	[sflag:s8] =	ssyncset.done @!p2 $0x0  }
0x71: {  	[sflag:s8] =	ssyncadd.s32 @!p2 $0xFFFFC000  }
0x72: {  	_ =	swait.ge @!p2 [sflag:s8], $0x4000  }
0x73: {  	[sflag:s8] =	ssyncset.done @!p2 $0x0  }
0x74: {  	[sflag:s8] =	ssyncadd.s32 @!p2 $0xFFFFC000  }
0x75: {  	[tilespmem:s25], [sflag:$0x4] =	stream.indirect.gather [hbm4b:s1+s20], $0x80, s20, s20, $0xb8;
	[tilespmem:$0x10200] =	vst v63  }
0x76: {  	_ = 	snop  }
0x77: {  	[tilespmem:s26], [sflag:$0x4] =	stream.indirect.gather [hbm4b:s3+s20], $0x80, s23, s20, $0xb8;
	[tilespmem:$0x10200] =	vst v63  }
0x78: {  	_ =	swait.ge [sflag:s28], $0x4000  }
0x79: {  	[sflag:s28] =	ssyncset.done $0x0  }
0x7a: {  	[sflag:s28] =	ssyncadd.s32 $0xFFFFC000  }
0x7b: {  	s16 =	sadd.s32 $0x20, s16;
	_ =	swait.ge [sflag:s28], $0x4000  }
0x7c: {  	s17 =	sadd.s32 $0x20, s17;
	s13 =	sadd.s32 s16, s15;
	[sflag:s28] =	ssyncset.done $0x0  }
0x7d: {  	s9 =	sadd.s32 s17, s15;
	s8 =	sadd.s32 $0x20, s13;
	[sflag:s28] =	ssyncadd.s32 $0xFFFFC000  }
0x7e: {  	[tilespmem:s2], [sflag:$0x1] =	stream.linear.gather [hbm4b:s8+s2], $0x80, $0x38;
	[tilespmem:$0x10200] =	vst v63  }
0x7f: {  	s9 =	sadd.s32 $0x20, s9;
	s10 =	rddreg [dreg:$0x6]  }
0x80: {  	[tilespmem:s18], [sflag:$0x1] =	stream.linear.gather [hbm4b:s9+s2], $0x80, $0x38;
	[tilespmem:$0x10200] =	vst v63  }
0x81: {  	s11 =	rddreg [dreg:$0x5];
	s12 =	sadd.s32 s7, s10  }
0x82: {  	[hbm4b:s12+s2] =	stream.linear.scatter [tilespmem:s21], [sflag:$0x5], $0x4000, $0x38;
	[tilespmem:$0x10200] =	vst v63  }
0x83: {  	s13 =	sadd.s32 s7, s11  }
0x84: {  	[hbm4b:s13+s2] =	stream.linear.scatter [tilespmem:s22], [sflag:$0x5], $0x4000, $0x38;
	[tilespmem:$0x10200] =	vst v63  }
0x85: {  	_ =	swait.ge [sflag:s19], $0x80  }
0x86: {  	[sflag:s19] =	ssyncset.done $0x0  }
0x87: {  	[sflag:s19] =	ssyncadd.s32 $0xFFFFFF80  }
0x88: {  	_ =	swait.ge [sflag:s19], $0x80  }
0x89: {  	[sflag:s19] =	ssyncset.done $0x0  }
0x8a: {  	[sflag:s19] =	ssyncadd.s32 $0xFFFFFF80  }
0x8b: {  	_ =	swait.ge [sflag:s29], $0x4000  }
0x8c: {  	[sflag:s29] =	ssyncset.done $0x0  }
0x8d: {  	[sflag:s29] =	ssyncadd.s32 $0xFFFFC000  }
0x8e: {  	_ =	swait.ge [sflag:s29], $0x4000  }
0x8f: {  	[sflag:s29] =	ssyncset.done $0x0  }
0x90: {  	[sflag:s29] =	ssyncadd.s32 $0xFFFFC000  }
0x91: {  	[tilespmem:s21], [sflag:$0x3] =	stream.indirect.gather [hbm4b:s1+s20], $0x80, s2, s20, $0xb8;
	[tilespmem:$0x10200] =	vst v63  }
0x92: {  	_ = 	snop  }
0x93: {  	[tilespmem:s22], [sflag:$0x3] =	stream.indirect.gather [hbm4b:s3+s20], $0x80, s18, s20, $0xb8;
	[tilespmem:$0x10200] =	vst v63  }
0x94: {  	_ =	swait.ge [sflag:s30], $0x4000  }
0x95: {  	[sflag:s30] =	ssyncset.done $0x0  }
0x96: {  	s4 =	sadd.s32 $0x1000, s4;
	[sflag:s30] =	ssyncadd.s32 $0xFFFFC000  }
0x97: {  	p1 =	sne.s32 s4, $0x13000;
	p2 =	seq.s32 s7, $0x12000;
	_ =	swait.ge [sflag:s30], $0x4000  }
0x98: {  	s10 =	sadd.s32 @!p2 s16, s15;
	s8 =	simm.s32 @!p2 $0x80;
	[sflag:s30] =	ssyncset.done $0x0  }
0x99: {  	s10 =	sadd.s32 @!p2 $0x30, s10;
	s13 =	simm.s32 @!p2 $0x0;
	[sflag:s30] =	ssyncadd.s32 $0xFFFFC000  }
0x9a: {  	[tilespmem:s8], [sflag:$0x2] =	stream.linear.gather @!p2 [hbm4b:s10+s13], $0x80, $0x38;
	[tilespmem:$0x10200] =	vst v63  }
.Ltmp0:
0x9b: {  	s11 =	sadd.s32 @!p2 s17, s15;
	s9 =	rddreg [dreg:$0x3];
	(pc) =	sbr.rel @p1 .LBB2_2-.Ltmp0, $4  }
0x9c: {  	s12 =	rddreg [dreg:$0x4];
	s10 =	sadd.s32 @!p2 $0x30, s11;
	s11 =	simm.s32 @!p2 $0x180  }
0x9d: {  	[tilespmem:s11], [sflag:$0x2] =	stream.linear.gather @!p2 [hbm4b:s10+s13], $0x80, $0x38;
	[tilespmem:$0x10200] =	vst v63  }
0x9e: {  	s8 =	sadd.s32 s7, s12;
	s7 =	sadd.s32 s7, s9  }
0x9f: {  	[hbm4b:s7+s2] =	stream.linear.scatter [tilespmem:s25], [sflag:$0x6], $0x4000, $0x38;
	[tilespmem:$0x10200] =	vst v63  }
0xa0: {  	[hbm4b:s8+s2] =	stream.linear.scatter [tilespmem:s26], [sflag:$0x6], $0x4000, $0x38;
	[tilespmem:$0x10200] =	vst v63  }
0xa1: {  	_ =	swait.ge [sflag:s31], $0x4000  }
0xa2: {  	[sflag:s31] =	ssyncset.done $0x0  }
0xa3: {  	[sflag:s31] =	ssyncadd.s32 $0xFFFFC000  }
0xa4: {  	_ =	swait.ge [sflag:s31], $0x4000  }
0xa5: {  	[sflag:s31] =	ssyncset.done $0x0  }
0xa6: {  	[sflag:s31] =	ssyncadd.s32 $0xFFFFC000  }
0xa7: {  	_ =	swait.ge [sflag:s28], $0x4000  }
0xa8: {  	[sflag:s28] =	ssyncset.done $0x0  }
0xa9: {  	[sflag:s28] =	ssyncadd.s32 $0xFFFFC000  }
0xaa: {  	_ =	swait.ge [sflag:s28], $0x4000  }
0xab: {  	[sflag:s28] =	ssyncset.done $0x0  }
0xac: {  	s4 =	rddreg [dreg:$0xb];
	[sflag:s28] =	ssyncadd.s32 $0xFFFFC000  }
0xad: {  	[hbm4b:s4+s2] =	stream.linear.scatter [tilespmem:s21], [sflag:$0x5], $0x4000, $0x38;
	[tilespmem:$0x10200] =	vst v63  }
0xae: {  	s17 =	rddreg [dreg:$0xc]  }
0xaf: {  	[hbm4b:s17+s2] =	stream.linear.scatter [tilespmem:s22], [sflag:$0x5], $0x4000, $0x38;
	[tilespmem:$0x10200] =	vst v63  }
0xb0: {  	_ =	swait.ge [sflag:s29], $0x4000  }
0xb1: {  	[sflag:s29] =	ssyncset.done $0x0  }
0xb2: {  	[sflag:s29] =	ssyncadd.s32 $0xFFFFC000  }
0xb3: {  	_ =	swait.ge [sflag:s29], $0x4000  }
0xb4: {  	[sflag:s29] =	ssyncset.done $0x0  }
0xb5: {  	s4 =	simm.s32 @!p0 $0x0;
	s7 =	rddreg [dreg:$0xd];
	[sflag:s29] =	ssyncadd.s32 $0xFFFFC000  }
0xb6: {  	[tilespmem:s4], [sflag:$0x1] =	stream.linear.gather @!p0 [hbm4b:s7+s4], $0x80, $0x38;
	[tilespmem:$0x10200] =	vst v63  }
0xb7: {  	s8 =	rddreg [dreg:$0xe];
	s7 =	simm.s32 @!p0 $0x100  }
0xb8: {  	[tilespmem:s7], [sflag:$0x1] =	stream.linear.gather @!p0 [hbm4b:s8+s4], $0x80, $0x38;
	[tilespmem:$0x10200] =	vst v63  }
0xb9: {  	s8 =	simm.s32 @!p0 $0x1  }
0xba: {  	_ =	swait.ge @!p0 [sflag:s8], $0x80  }
0xbb: {  	[sflag:s8] =	ssyncset.done @!p0 $0x0  }
0xbc: {  	[sflag:s8] =	ssyncadd.s32 @!p0 $0xFFFFFF80  }
0xbd: {  	_ =	swait.ge @!p0 [sflag:s8], $0x80  }
0xbe: {  	[sflag:s8] =	ssyncset.done @!p0 $0x0  }
0xbf: {  	s9 =	simm.s32 @!p0 $0x200;
	[sflag:s8] =	ssyncadd.s32 @!p0 $0xFFFFFF80;
	s8 =	simm.s32 @!p0 $0x80  }
0xc0: {  	[tilespmem:s9], [sflag:$0x3] =	stream.indirect.gather @!p0 [hbm4b:s1+s8], $0x80, s4, s8, $0xb8;
	[tilespmem:$0x10200] =	vst v63  }
0xc1: {  	s10 =	simm.s32 @!p0 $0x8200  }
0xc2: {  	[tilespmem:s10], [sflag:$0x3] =	stream.indirect.gather @!p0 [hbm4b:s3+s8], $0x80, s7, s8, $0xb8;
	[tilespmem:$0x10200] =	vst v63  }
0xc3: {  	s7 =	simm.s32 @!p0 $0x3  }
0xc4: {  	_ =	swait.ge @!p0 [sflag:s7], $0x4000  }
0xc5: {  	[sflag:s7] =	ssyncset.done @!p0 $0x0  }
0xc6: {  	[sflag:s7] =	ssyncadd.s32 @!p0 $0xFFFFC000  }
0xc7: {  	_ =	swait.ge @!p0 [sflag:s7], $0x4000  }
0xc8: {  	[sflag:s7] =	ssyncset.done @!p0 $0x0  }
0xc9: {  	[sflag:s7] =	ssyncadd.s32 @!p0 $0xFFFFC000;
	s7 =	rddreg [dreg:$0xf]  }
0xca: {  	[hbm4b:s7+s4] =	stream.linear.scatter @!p0 [tilespmem:s9], [sflag:$0x5], $0x4000, $0x38;
	[tilespmem:$0x10200] =	vst v63  }
0xcb: {  	s7 =	rddreg [dreg:$0x10]  }
0xcc: {  	[hbm4b:s7+s4] =	stream.linear.scatter @!p0 [tilespmem:s10], [sflag:$0x5], $0x4000, $0x38;
	[tilespmem:$0x10200] =	vst v63  }
0xcd: {  	s0 =	sadd.s32 $0x1, s0;
	s4 =	simm.s32 @!p0 $0x5  }
0xce: {  	p1 =	sne.s32 s0, s14;
	_ =	swait.ge @!p0 [sflag:s4], $0x4000  }
.Ltmp1:
0xcf: {  	[sflag:s4] =	ssyncset.done @!p0 $0x0;
	(pc) =	sbr.rel @p1 .LBB2_1-.Ltmp1, $4  }
0xd0: {  	[sflag:s4] =	ssyncadd.s32 @!p0 $0xFFFFC000  }
0xd1: {  	_ =	swait.ge @!p0 [sflag:s4], $0x4000  }
0xd2: {  	[sflag:s4] =	ssyncset.done @!p0 $0x0  }
0xd3: {  	[sflag:s4] =	ssyncadd.s32 @!p0 $0xFFFFC000  }
0xd4: {  	_ =	sfence.sel $0x180000  }
0xd5: {  	[bflag:$0x0] =	sbarrier.arrive $0xFFFF  }
0xd6: {  	_ =	strace $0x9000004A  }
0xd7: {  	[bflag:$0x2] =	sbarrier.arrive $0xFFFF  }
0xd8: {  	s0 =	rddreg [dreg:$0x2]  }
0xd9: {  	s0 =	sadd.s32 @!p0 $0x100000, s0  }
0xda: {  	[sflag:s0] =	ssyncadd.tile.s32 @!p0 $0x1;
	_ =	shalt  }
.Lfunc_end2:
_tile_overlayer_lowered:
.L_overlay_start_2:
0xdb: {  	(tag) =	ssettag $0x2  }
0xdc: {  	s0 =	rddreg [dreg:$0x0];
	s2 =	stileid.u32  }
0xdd: {  	s1 =	rddreg [dreg:$0x1];
	p0 =	sne.s32 s2, $0x0  }
0xde: {  	s3 =	rddreg [dreg:$0x2];
	[bflag:$0x3] =	sbarrier.arrive $0xFFFF;
	s2 =	simm.s32 @!p0 $0x1C07  }
0xdf: {  	[timem:s3], [sflag:s2] =	dma.local @!p0 [hbm:s0], s1  }
0xe0: {  	s0 =	simm.s32 @!p0 $0x7  }
0xe1: {  	_ =	swait.ge @!p0 [sflag:s0], s1  }
0xe2: {  	s1 =	ssub.s32 @!p0 $0x0, s1;
	[sflag:s0] =	ssyncset.done @!p0 $0x0  }
0xe3: {  	[sflag:s0] =	ssyncadd.s32 @!p0 s1  }
0xe4: {  	[bflag:$0x3] =	sbarrier.arrive $0xFFFF  }
0xe5: {  	_ =	shalt  }

// kernel: kernel.13.cloned.1.call-start
scs
__scs_entry_jumppad:
0x0: {  	(pc) =	sbr.rel $0x88, $3  }
0x1: {  	(tag) =	ssettag $0x0;
	lr =	simm.s32 $0x1  }
0x2: {  	[smem:$0x3F98] =	sst lr;
	_ =	strace $0xD0000000  }
0x3: {  	_ = 	snop  }
0x4: {  	_ = 	snop  }
0x5: {  	_ = 	snop  }
0x6: {  	_ = 	snop  }
0x7: {  	_ = 	snop  }
__scs_overlays_trampoline_lowered:
0x8: {  	[smem:$0x3FA7] =	sst s0  }
0x9: {  	[smem:$0x3FA8] =	sst s1  }
0xa: {  	[smem:$0x3FA9] =	sst s2  }
0xb: {  	[smem:$0x3FAA] =	sst s3  }
0xc: {  	[smem:$0x3FAB] =	sst s4  }
0xd: {  	[smem:$0x3FAC] =	sst s5  }
0xe: {  	[smem:$0x3FAD] =	sst s6  }
0xf: {  	[smem:$0x3FAE] =	sst s7  }
0x10: {  	[smem:$0x3FAF] =	sst s8  }
0x11: {  	[smem:$0x3FB0] =	sst s9;
	s0 =	simm.s32 @!p0 $0x0  }
0x12: {  	s1 =	sld [smem:$0x3F96];
	s0 =	simm.s32 @p0 $0x1  }
0x13: {  	[smem:$0x3FB1] =	sst s0;
	s0 =	simm.s32 @!p1 $0x0  }
0x14: {  	s2 =	sld [smem:$0x3F95];
	s0 =	simm.s32 @p1 $0x1  }
0x15: {  	[smem:$0x3FB2] =	sst s0;
	s0 =	simm.s32 @!p2 $0x0  }
0x16: {  	s3 =	sld [smem:$0x3FDB];
	s0 =	simm.s32 @p2 $0x1  }
0x17: {  	s4 =	simm.s32 $0x1BF5;
	[smem:$0x3FB4] =	sst s0  }
0x18: {  	s0 =	sld [smem:$0x3F97];
	_ =	swait.ge [sflag:s4], $0x0  }
0x19: {  	s7 =	sld [smem:$0x3F98]  }
0x1a: {  	s8 =	sadd.s32 $0xFFFFE003, lr  }
0x1b: {  	s9 =	sadd.s32 $0xFFFFFEF7, lr;
	s5 =	simm.s32 $0xFFFFFFFF;
	p2 =	slt.u32 s8, $0xFFFFF086  }
0x1c: {  	p1 =	slt.u32 s9, $0xF7A;
	s5 =	simm.s32 @!p2 $0x0  }
0x1d: {  	s5 =	simm.s32 @p1 $0x1;
	p0 =	seq.s32 s7, s2  }
0x1e: {  	s7 =	smul.u32 @!p0 $0xF7A, s2;
	p2 =	seq.s32 @!p0 s5, $0x0  }
0x1f: {  	s9 =	smul.u32 $0xF7A, s1;
	s8 =	simm.s32 @!p0 $0x1BF5;
	p2 =	por !p2, p0  }
0x20: {  	[sflag:s8] =	ssyncset.s32 @!p0 $0xFFFFF086;
	s6 =	sadd.s32 @!p0 s3, s7;
	s7 =	simm.s32 @!p0 $0x108  }
0x21: {  	s3 =	sadd.s32 s3, s9;
	s6 =	sadd.s32 @!p0 $0x88, s6;
	s7 =	simm.s32 @p2 $0x1082  }
0x22: {  	[simem:s7], [sflag:s8] =	dma.local @!p0 [hbm:s6], $0xF7A  }
0x23: {  	s9 =	sor.u32 $0xD0000000, s2;
	s6 =	simm.s32 $0x108;
	_ =	swait.ge @!p0 [sflag:s8], $0x0  }
0x24: {  	s3 =	sadd.s32 $0x88, s3;
	s6 =	simm.s32 @!p1 $0x1082;
	[sflag:s4] =	ssyncset.s32 $0xFFFFF086  }
0x25: {  	[simem:s6], [sflag:s4] =	dma.local [hbm:s3], $0xF7A  }
0x26: {  	[smem:$0x3F98] =	sst s1;
	(tag) =	ssettag s2;
	_ =	strace s9  }
0x27: {  	s1 =	sld [smem:$0x3FA8]  }
0x28: {  	s2 =	sld [smem:$0x3FA9]  }
0x29: {  	s4 =	sld [smem:$0x3FAB]  }
0x2a: {  	p0 =	seq.s32 s5, $0x0;
	s5 =	sld [smem:$0x3FAC]  }
0x2b: {  	s6 =	sld [smem:$0x3FAD]  }
0x2c: {  	s7 =	sld [smem:$0x3FAE]  }
0x2d: {  	s3 =	simm.s32 $0x108;
	s8 =	sld [smem:$0x3FAF]  }
0x2e: {  	s3 =	simm.s32 @!p0 $0x1082;
	s9 =	sld [smem:$0x3FB0]  }
0x2f: {  	lr =	sadd.s32 s0, s3;
	s0 =	sld [smem:$0x3FA7]  }
0x30: {  	s3 =	sld [smem:$0x3FAA]  }
0x31: {  	[smem:$0x3FB3] =	sst s10  }
0x32: {  	s10 =	sld [smem:$0x3FB1];
	_ =	sdelay $0x3  }
0x33: {  	p0 =	seq.s32 s10, $0x1;
	s10 =	sld [smem:$0x3FB3];
	_ =	sdelay $0x3  }
0x34: {  	[smem:$0x3FB3] =	sst s10  }
0x35: {  	s10 =	sld [smem:$0x3FB2];
	_ =	sdelay $0x3  }
0x36: {  	p1 =	seq.s32 s10, $0x1;
	s10 =	sld [smem:$0x3FB3];
	_ =	sdelay $0x3  }
0x37: {  	[smem:$0x3FB3] =	sst s10  }
0x38: {  	s10 =	sld [smem:$0x3FB4]  }
0x39: {  	_ = 	snop;
	(pc) =	sbr.ind lr, $3  }
0x3a: {  	_ = 	snop  }
0x3b: {  	_ = 	snop  }
0x3c: {  	p2 =	seq.s32 s10, $0x1;
	s10 =	sld [smem:$0x3FB3]  }
0x3d: {  	_ =	shalt  }
0x3e: {  	_ =	shalt  }
0x3f: {  	_ =	shalt  }
0x40: {  	_ =	shalt  }
0x41: {  	_ =	shalt  }
0x42: {  	_ =	shalt  }
0x43: {  	_ =	shalt  }
0x44: {  	_ =	shalt  }
0x45: {  	_ =	shalt  }
0x46: {  	_ =	shalt  }
0x47: {  	_ =	shalt  }
0x48: {  	_ =	shalt  }
0x49: {  	_ =	shalt  }
0x4a: {  	_ =	shalt  }
0x4b: {  	_ =	shalt  }
0x4c: {  	_ =	shalt  }
0x4d: {  	_ =	shalt  }
0x4e: {  	_ =	shalt  }
0x4f: {  	_ =	shalt  }
0x50: {  	_ =	shalt  }
0x51: {  	_ =	shalt  }
0x52: {  	_ =	shalt  }
0x53: {  	_ =	shalt  }
0x54: {  	_ =	shalt  }
0x55: {  	_ =	shalt  }
0x56: {  	_ =	shalt  }
0x57: {  	_ =	shalt  }
0x58: {  	_ =	shalt  }
0x59: {  	_ =	shalt  }
0x5a: {  	_ =	shalt  }
0x5b: {  	_ =	shalt  }
0x5c: {  	_ =	shalt  }
0x5d: {  	_ =	shalt  }
0x5e: {  	_ =	shalt  }
0x5f: {  	_ =	shalt  }
0x60: {  	_ =	shalt  }
0x61: {  	_ =	shalt  }
0x62: {  	_ =	shalt  }
0x63: {  	_ =	shalt  }
0x64: {  	_ =	shalt  }
0x65: {  	_ =	shalt  }
0x66: {  	_ =	shalt  }
0x67: {  	_ =	shalt  }
0x68: {  	_ =	shalt  }
0x69: {  	_ =	shalt  }
0x6a: {  	_ =	shalt  }
0x6b: {  	_ =	shalt  }
0x6c: {  	_ =	shalt  }
0x6d: {  	_ =	shalt  }
0x6e: {  	_ =	shalt  }
0x6f: {  	_ =	shalt  }
0x70: {  	_ =	shalt  }
0x71: {  	_ =	shalt  }
0x72: {  	_ =	shalt  }
0x73: {  	_ =	shalt  }
0x74: {  	_ =	shalt  }
0x75: {  	_ =	shalt  }
0x76: {  	_ =	shalt  }
0x77: {  	_ =	shalt  }
0x78: {  	_ =	shalt  }
0x79: {  	_ =	shalt  }
0x7a: {  	_ =	shalt  }
0x7b: {  	_ =	shalt  }
0x7c: {  	_ =	shalt  }
0x7d: {  	_ =	shalt  }
0x7e: {  	_ =	shalt  }
0x7f: {  	_ =	shalt  }
0x80: {  	_ =	shalt  }
0x81: {  	_ =	shalt  }
0x82: {  	_ =	shalt  }
0x83: {  	_ =	shalt  }
0x84: {  	_ =	shalt  }
0x85: {  	_ =	shalt  }
0x86: {  	_ =	shalt  }
0x87: {  	_ =	shalt  }
.Lfunc_end0:
.L_simem_size_0:
called_computation.1_lowered:
.L_overlay_start_0:
0x88: {  	s2 =	sld [smem:$0x3FD9]  }
0x89: {  	s3 =	sld [smem:$0x3FFE];
	_ =	sdelay $0x1  }
0x8a: {  	s1 =	srdreg.scid  }
0x8b: {  	s0 =	sand.u32 $0x1, s1  }
0x8c: {  	s17 =	sshll.u32 s0, $0xA;
	s2 =	sadd.s32 s3, s2  }
0x8d: {  	s2 =	sadd.s32 s2, s17  }
0x8e: {  	[smem:$0x3FBF] =	sst s2  }
0x8f: {  	_ = 	snop  }
0x90: {  	s2 =	sld [smem:$0x3FD0];
	(tm) =	ssettm $0x1  }
0x91: {  	s18 =	sld [smem:$0x3FFB];
	_ =	sdelay $0x3  }
0x92: {  	_ =	strace s18  }
0x93: {  	s3 =	sld [smem:$0x3FFC];
	_ =	sdelay $0x3  }
0x94: {  	_ =	strace s3  }
0x95: {  	s3 =	sld [smem:$0x3FFD];
	_ =	sdelay $0x3  }
0x96: {  	_ =	strace s3  }
0x97: {  	_ =	strace $0x8FFFFFFF  }
0x98: {  	s19 =	sld [smem:$0x3FDB];
	_ =	sdelay $0x1  }
0x99: {  	s4 =	simm.s32 $_scs_section_size  }
0x9a: {  	s5 =	simm.s32 $_size__tile_overlayer_lowered;
	s6 =	simm.s32 $_tile_overlayer_lowered  }
0x9b: {  	s22 =	simm.s32 $0x1BFF;
	s21 =	sshll.u32 s6, $0x1;
	s3 =	sadd.s32 s4, s19  }
0x9c: {  	s7 =	simm.s32 $0x0;
	s20 =	sshll.u32 s5, $0x1;
	s5 =	sadd.s32 s21, s3  }
0x9d: {  	[timem:s7], [sflag:s22] =	dma.local [hbm:s5], s20  }
0x9e: {  	_ =	swait.ge [sflag:s22], s20  }
0x9f: {  	s4 =	ssub.s32 $0x0, s20;
	[sflag:s22] =	ssyncset.done $0x0  }
0xa0: {  	[sflag:s22] =	ssyncadd.s32 s4;
	_ =	sdelay $0x1  }
0xa1: {  	s23 =	simm.s32 $0x1B8B  }
0xa2: {  	_ =	swait.ge [sflag:s23], $0x1  }
0xa3: {  	[sflag:s23] =	ssyncset.done $0x0  }
0xa4: {  	s25 =	simm.s32 $0x1B8E;
	s24 =	sld [smem:$0x3FFE];
	[sflag:s23] =	ssyncadd.s32 $0xFFFFFFFF  }
0xa5: {  	s26 =	simm.s32 $execute0_lowered;
	[smem:$0x3FD2] =	sst s25  }
0xa6: {  	s5 =	sshll.u32 s26, $0x1;
	_ =	strace $0x80000046;
	[dreg:$0x1] =	wrdreg $0xFFFFFFFF  }
0xa7: {  	s28 =	simm.s32 $_size_execute0_lowered;
	s3 =	sadd.s32 s3, s5;
	[dreg:$0x0] =	wrdreg $0x0  }
0xa8: {  	s5 =	sshll.u32 s28, $0x1;
	[dreg:$0x2] =	wrdreg s3  }
0xa9: {  	[dreg:$0x3] =	wrdreg s5  }
0xaa: {  	[dreg:$0x4] =	wrdreg $0xC0  }
0xab: {  	_ =	task [dreg:s7], $0x5FFFF  }
0xac: {  	[dreg:$0x1] =	wrdreg $0xFFFFFFFF  }
0xad: {  	[dreg:$0x0] =	wrdreg $0x60  }
0xae: {  	[dreg:$0x2] =	wrdreg s2  }
0xaf: {  	[dreg:$0x3] =	wrdreg s24  }
0xb0: {  	[dreg:$0x4] =	wrdreg $0xA  }
0xb1: {  	_ =	task.clear_ibuf [dreg:s7], $0x5FFFF;
	_ =	strace $0x90000046  }
0xb2: {  	s29 =	simm.s32 $0xA;
	_ =	strace $0x80000048  }
0xb3: {  	_ =	swait.ge [sflag:s29], $0x1  }
0xb4: {  	[sflag:s29] =	ssyncadd.s32 $0xFFFFFFFF  }
0xb5: {  	_ =	strace $0x90000048  }
0xb6: {  	_ =	sfence  }
0xb7: {  	s30 =	sld [smem:$0x0];
	_ =	sdelay $0x2  }
0xb8: {  	s31 =	sshll.u32 s1, $0xD;
	s1 =	sshrl.u32 s1, $0x2  }
0xb9: {  	s3 =	sand.u32 $0x4000, s31;
	s1 =	sadd.s32 s1, s30  }
0xba: {  	s0 =	sor.u32 s3, s0;
	s1 =	sshll.u32 s1, $0x11  }
0xbb: {  	s0 =	sor.u32 s1, s0  }
0xbc: {  	s0 =	sadd.s32 $0x8F2B, s0  }
0xbd: {  	[sflag:s0] =	ssyncadd.remote.s32 $0x1  }
0xbe: {  	_ =	sfence.sel $0xFFFF  }
0xbf: {  	[dreg:$0x0] =	wrdreg $0xFFFFFFFF;
	(pc) =	sbr.abs _section_cstart, $3  }
0xc0: {  	[dreg:$0x1] =	wrdreg $0xFFFFFFFF  }
0xc1: {  	_ =	task.clear_ibuf [dreg:s7], $0x2FFFF;
	_ =	strace $0x9FFFFFFF  }
0xc2: {  	(tm) =	ssettm $0x7FFFFFFF  }
0xc3: {  	_ =	shalt  }
tec
execute0_lowered:
.L_overlay_start_1:
0x0: {  	(tag) =	ssettag $0x1  }
0x1: {  	s1 =	rddreg [dreg:$0x0]  }
0x2: {  	s0 =	rddreg [dreg:$0x1]  }
0x3: {  	s2 =	simm.s32 $0x0;
	s4 =	srdreg.scid;
	s7 =	stileid.u32  }
0x4: {  	s28 =	simm.s32 $0x3;
	s29 =	simm.s32 $0x5;
	s30 =	simm.s32 $0x4  }
0x5: {  	s31 =	simm.s32 $0x6;
	[smem:$0x7FF] =	sst s2;
	s3 =	sadd.s32 $0xD200, s0  }
0x6: {  	s4 =	sand.u32 $0x1, s4;
	s5 =	sshll.u32 s7, $0x1;
	s13 =	smul.u32 $0x4E, s7  }
0x7: {  	s6 =	sadd.s32 $0x3200, s0;
	s8 =	sadd.s32 $0x8200, s0;
	s17 =	smul.u32 $0x27, s4  }
0x8: {  	s15 =	sadd.s32 $0x34400, s0;
	s5 =	sor.u32 s4, s5;
	s24 =	smul.u32 $0x13800, s4  }
0x9: {  	s0 =	sadd.s32 $0x2A5400, s0;
	p0 =	sne.s32 s7, $0x0;
	s10 =	smul.u32 $0x1380, s5  }
0xa: {  	_ =	strace $0x80000047;
	s9 =	ssub.s32 $0x2, s4;
	s12 =	smul.u32 $0x270, s5  }
0xb: {  	s16 =	sshll.u32 s4, $0x7;
	s11 =	sshrl.u32 s9, $0x1;
	s5 =	smul.u32 $0x9C000, s5  }
0xc: {  	s14 =	ssub.s32 s9, s11;
	s25 =	sshrl.u32 s10, $0x3;
	s26 =	sadd.s32 s6, s12  }
0xd: {  	s11 =	sadd.s32 s8, s12;
	[dreg:$0x7] =	wrdreg s26;
	s9 =	sadd.s32 $0x10, s25  }
0xe: {  	s5 =	sshrl.u32 s5, $0x3;
	[dreg:$0x8] =	wrdreg s11;
	s12 =	sadd.s32 s6, s9  }
0xf: {  	s5 =	sadd.s32 $0x13000, s5;
	s9 =	sadd.s32 s8, s9;
	[dreg:$0x9] =	wrdreg s12  }
0x10: {  	s14 =	smax.u32 s14, $0x1;
	s18 =	sadd.s32 s15, s5;
	[dreg:$0xa] =	wrdreg s9  }
0x11: {  	s11 =	sor.u32 $0x27000, s16;
	s5 =	sadd.s32 s0, s5;
	[dreg:$0xb] =	wrdreg s18  }
0x12: {  	s19 =	sshrl.u32 s11, $0x3;
	[dreg:$0xc] =	wrdreg s5;
	s12 =	sadd.s32 s17, s13  }
0x13: {  	s20 =	sadd.s32 s6, s19;
	s13 =	sshll.u32 s11, $0x4;
	s17 =	smul.u32 $0x27000, s7  }
0x14: {  	s5 =	sadd.s32 s8, s19;
	s18 =	smul.u32 $0x4E0, s7;
	[dreg:$0xd] =	wrdreg s20  }
0x15: {  	s19 =	simm.s32 $0x1;
	[dreg:$0xe] =	wrdreg s5;
	s21 =	sadd.s32 s15, s13  }
0x16: {  	s16 =	sshll.u32 s12, $0xB;
	s23 =	sadd.s32 s0, s13;
	[dreg:$0xf] =	wrdreg s21  }
0x17: {  	s20 =	simm.s32 $0x80;
	s22 =	sadd.s32 $0x800, s16;
	[dreg:$0x10] =	wrdreg s23  }
0x18: {  	s25 =	sadd.s32 s17, s15;
	s21 =	simm.s32 $0x200;
	s23 =	simm.s32 $0x180  }
0x19: {  	s16 =	sadd.s32 s22, s15;
	s5 =	sadd.s32 s22, s0;
	s0 =	sadd.s32 s17, s0  }
0x1a: {  	s15 =	smul.u32 $0x270, s4;
	s26 =	sadd.s32 s24, s25;
	[dreg:$0x3] =	wrdreg s16  }
0x1b: {  	s22 =	simm.s32 $0x8200;
	s25 =	simm.s32 $0x4200;
	[dreg:$0x4] =	wrdreg s5  }
0x1c: {  	s0 =	sadd.s32 s24, s0;
	s5 =	sadd.s32 s18, s6;
	s6 =	sadd.s32 s18, s8  }
0x1d: {  	[dreg:$0x6] =	wrdreg s26;
	s18 =	simm.s32 $0x100;
	s24 =	simm.s32 $0x2  }
0x1e: {  	s26 =	simm.s32 $0xC200;
	[dreg:$0x5] =	wrdreg s0;
	s0 =	simm.s32 $0x0  }
.LBB2_1:
0x1f: {  	s4 =	rddreg [dreg:$0x7]  }
0x20: {  	[tilespmem:s2], [sflag:$0x1] =	stream.linear.gather [hbm4b:s4+s2], $0x80, $0x38;
	[tilespmem:$0x10200] =	vst v63  }
0x21: {  	s16 =	rddreg [dreg:$0x8]  }
0x22: {  	[tilespmem:s18], [sflag:$0x1] =	stream.linear.gather [hbm4b:s16+s2], $0x80, $0x38;
	[tilespmem:$0x10200] =	vst v63  }
0x23: {  	_ =	swait.ge [sflag:s19], $0x80  }
0x24: {  	[sflag:s19] =	ssyncset.done $0x0  }
0x25: {  	[sflag:s19] =	ssyncadd.s32 $0xFFFFFF80  }
0x26: {  	_ =	swait.ge [sflag:s19], $0x80  }
0x27: {  	[sflag:s19] =	ssyncset.done $0x0  }
0x28: {  	[sflag:s19] =	ssyncadd.s32 $0xFFFFFF80  }
0x29: {  	[tilespmem:s21], [sflag:$0x3] =	stream.indirect.gather [hbm4b:s1+s20], $0x80, s2, s20, $0xb8;
	[tilespmem:$0x10200] =	vst v63  }
0x2a: {  	_ = 	snop  }
0x2b: {  	[tilespmem:s22], [sflag:$0x3] =	stream.indirect.gather [hbm4b:s3+s20], $0x80, s18, s20, $0xb8;
	[tilespmem:$0x10200] =	vst v63  }
0x2c: {  	s17 =	rddreg [dreg:$0x9]  }
0x2d: {  	[tilespmem:s20], [sflag:$0x2] =	stream.linear.gather [hbm4b:s17+s2], $0x80, $0x38;
	[tilespmem:$0x10200] =	vst v63  }
0x2e: {  	s7 =	rddreg [dreg:$0xa]  }
0x2f: {  	[tilespmem:s23], [sflag:$0x2] =	stream.linear.gather [hbm4b:s7+s2], $0x80, $0x38;
	[tilespmem:$0x10200] =	vst v63  }
0x30: {  	_ =	swait.ge [sflag:s24], $0x80  }
0x31: {  	[sflag:s24] =	ssyncset.done $0x0  }
0x32: {  	[sflag:s24] =	ssyncadd.s32 $0xFFFFFF80  }
0x33: {  	_ =	swait.ge [sflag:s24], $0x80  }
0x34: {  	p1 =	por $0x1, $0x1;
	[sflag:s24] =	ssyncset.done $0x0  }
0x35: {  	s4 =	simm.s32 @!p1 $0x6;
	[sflag:s24] =	ssyncadd.s32 $0xFFFFFF80  }
0x36: {  	_ =	swait.ge @!p1 [sflag:s4], $0x4000  }
0x37: {  	[sflag:s4] =	ssyncset.done @!p1 $0x0  }
0x38: {  	[sflag:s4] =	ssyncadd.s32 @!p1 $0xFFFFC000  }
0x39: {  	_ =	swait.ge @!p1 [sflag:s4], $0x4000  }
0x3a: {  	[sflag:s4] =	ssyncset.done @!p1 $0x0  }
0x3b: {  	[sflag:s4] =	ssyncadd.s32 @!p1 $0xFFFFC000  }
0x3c: {  	[tilespmem:s25], [sflag:$0x4] =	stream.indirect.gather [hbm4b:s1+s20], $0x80, s20, s20, $0xb8;
	[tilespmem:$0x10200] =	vst v63  }
0x3d: {  	_ = 	snop  }
0x3e: {  	[tilespmem:s26], [sflag:$0x4] =	stream.indirect.gather [hbm4b:s3+s20], $0x80, s23, s20, $0xb8;
	[tilespmem:$0x10200] =	vst v63  }
0x3f: {  	_ =	swait.ge [sflag:s28], $0x4000  }
0x40: {  	[sflag:s28] =	ssyncset.done $0x0  }
0x41: {  	[sflag:s28] =	ssyncadd.s32 $0xFFFFC000  }
0x42: {  	_ =	swait.ge [sflag:s28], $0x4000  }
0x43: {  	s8 =	sadd.s32 s5, s15;
	[sflag:s28] =	ssyncset.done $0x0  }
0x44: {  	s7 =	sadd.s32 s6, s15;
	s4 =	sadd.s32 $0x20, s8;
	[sflag:s28] =	ssyncadd.s32 $0xFFFFC000  }
0x45: {  	[tilespmem:s2], [sflag:$0x1] =	stream.linear.gather [hbm4b:s4+s2], $0x80, $0x38;
	[tilespmem:$0x10200] =	vst v63  }
0x46: {  	s9 =	sadd.s32 $0x20, s7;
	s8 =	rddreg [dreg:$0x6]  }
0x47: {  	[tilespmem:s18], [sflag:$0x1] =	stream.linear.gather [hbm4b:s9+s2], $0x80, $0x38;
	[tilespmem:$0x10200] =	vst v63  }
0x48: {  	s10 =	rddreg [dreg:$0x5];
	s11 =	sadd.s32 $0x0, s8  }
0x49: {  	[hbm4b:s11+s2] =	stream.linear.scatter [tilespmem:s21], [sflag:$0x5], $0x4000, $0x38;
	[tilespmem:$0x10200] =	vst v63  }
0x4a: {  	s12 =	sadd.s32 $0x0, s10  }
0x4b: {  	[hbm4b:s12+s2] =	stream.linear.scatter [tilespmem:s22], [sflag:$0x5], $0x4000, $0x38;
	[tilespmem:$0x10200] =	vst v63  }
0x4c: {  	_ =	swait.ge [sflag:s19], $0x80  }
0x4d: {  	[sflag:s19] =	ssyncset.done $0x0  }
0x4e: {  	[sflag:s19] =	ssyncadd.s32 $0xFFFFFF80  }
0x4f: {  	_ =	swait.ge [sflag:s19], $0x80  }
0x50: {  	[sflag:s19] =	ssyncset.done $0x0  }
0x51: {  	[sflag:s19] =	ssyncadd.s32 $0xFFFFFF80  }
0x52: {  	_ =	swait.ge [sflag:s29], $0x4000  }
0x53: {  	[sflag:s29] =	ssyncset.done $0x0  }
0x54: {  	[sflag:s29] =	ssyncadd.s32 $0xFFFFC000  }
0x55: {  	_ =	swait.ge [sflag:s29], $0x4000  }
0x56: {  	[sflag:s29] =	ssyncset.done $0x0  }
0x57: {  	[sflag:s29] =	ssyncadd.s32 $0xFFFFC000  }
0x58: {  	[tilespmem:s21], [sflag:$0x3] =	stream.indirect.gather [hbm4b:s1+s20], $0x80, s2, s20, $0xb8;
	[tilespmem:$0x10200] =	vst v63  }
0x59: {  	_ = 	snop  }
0x5a: {  	[tilespmem:s22], [sflag:$0x3] =	stream.indirect.gather [hbm4b:s3+s20], $0x80, s18, s20, $0xb8;
	[tilespmem:$0x10200] =	vst v63  }
0x5b: {  	_ =	swait.ge [sflag:s30], $0x4000  }
0x5c: {  	[sflag:s30] =	ssyncset.done $0x0  }
0x5d: {  	p1 =	por $0x0, $0x0;
	[sflag:s30] =	ssyncadd.s32 $0xFFFFC000  }
0x5e: {  	s7 =	sadd.s32 @!p1 s5, s15;
	_ =	swait.ge [sflag:s30], $0x4000  }
0x5f: {  	s7 =	sadd.s32 @!p1 $0x30, s7;
	[sflag:s30] =	ssyncset.done $0x0  }
0x60: {  	s8 =	simm.s32 @!p1 $0x0;
	s4 =	simm.s32 @!p1 $0x80;
	[sflag:s30] =	ssyncadd.s32 $0xFFFFC000  }
0x61: {  	[tilespmem:s4], [sflag:$0x2] =	stream.linear.gather @!p1 [hbm4b:s7+s8], $0x80, $0x38;
	[tilespmem:$0x10200] =	vst v63  }
0x62: {  	s13 =	rddreg [dreg:$0x3];
	s7 =	sadd.s32 @!p1 s6, s15  }
0x63: {  	s16 =	simm.s32 @!p1 $0x180;
	s17 =	rddreg [dreg:$0x4];
	s7 =	sadd.s32 @!p1 $0x30, s7  }
0x64: {  	[tilespmem:s16], [sflag:$0x2] =	stream.linear.gather @!p1 [hbm4b:s7+s8], $0x80, $0x38;
	[tilespmem:$0x10200] =	vst v63  }
0x65: {  	s4 =	sadd.s32 $0x0, s13;
	s8 =	sadd.s32 $0x0, s17  }
0x66: {  	[hbm4b:s4+s2] =	stream.linear.scatter [tilespmem:s25], [sflag:$0x6], $0x4000, $0x38;
	[tilespmem:$0x10200] =	vst v63  }
0x67: {  	s16 =	smov.u32 s5;
	s17 =	smov.u32 s6;
	s4 =	simm.s32 $0x1000  }
.LBB2_2:
0x68: {  	[hbm4b:s8+s2] =	stream.linear.scatter [tilespmem:s26], [sflag:$0x6], $0x4000, $0x38;
	[tilespmem:$0x10200] =	vst v63  }
0x69: {  	_ =	swait.ge [sflag:s24], $0x80  }
0x6a: {  	[sflag:s24] =	ssyncset.done $0x0  }
0x6b: {  	[sflag:s24] =	ssyncadd.s32 $0xFFFFFF80  }
0x6c: {  	s7 =	smov.u32 s4;
	_ =	swait.ge [sflag:s24], $0x80  }
0x6d: {  	p2 =	seq.s32 s7, $0x0;
	[sflag:s24] =	ssyncset.done $0x0  }
0x6e: {  	s8 =	simm.s32 @!p2 $0x6;
	[sflag:s24] =	ssyncadd.s32 $0xFFFFFF80  }
0x6f: {  	_ =	swait.ge @!p2 [sflag:s8], $0x4000  }
0x70: {  	[sflag:s8] =	ssyncset.done @!p2 $0x0  }
0x71: {  	[sflag:s8] =	ssyncadd.s32 @!p2 $0xFFFFC000  }
0x72: {  	_ =	swait.ge @!p2 [sflag:s8], $0x4000  }
0x73: {  	[sflag:s8] =	ssyncset.done @!p2 $0x0  }
0x74: {  	[sflag:s8] =	ssyncadd.s32 @!p2 $0xFFFFC000  }
0x75: {  	[tilespmem:s25], [sflag:$0x4] =	stream.indirect.gather [hbm4b:s1+s20], $0x80, s20, s20, $0xb8;
	[tilespmem:$0x10200] =	vst v63  }
0x76: {  	_ = 	snop  }
0x77: {  	[tilespmem:s26], [sflag:$0x4] =	stream.indirect.gather [hbm4b:s3+s20], $0x80, s23, s20, $0xb8;
	[tilespmem:$0x10200] =	vst v63  }
0x78: {  	_ =	swait.ge [sflag:s28], $0x4000  }
0x79: {  	[sflag:s28] =	ssyncset.done $0x0  }
0x7a: {  	[sflag:s28] =	ssyncadd.s32 $0xFFFFC000  }
0x7b: {  	s16 =	sadd.s32 $0x20, s16;
	_ =	swait.ge [sflag:s28], $0x4000  }
0x7c: {  	s17 =	sadd.s32 $0x20, s17;
	s13 =	sadd.s32 s16, s15;
	[sflag:s28] =	ssyncset.done $0x0  }
0x7d: {  	s9 =	sadd.s32 s17, s15;
	s8 =	sadd.s32 $0x20, s13;
	[sflag:s28] =	ssyncadd.s32 $0xFFFFC000  }
0x7e: {  	[tilespmem:s2], [sflag:$0x1] =	stream.linear.gather [hbm4b:s8+s2], $0x80, $0x38;
	[tilespmem:$0x10200] =	vst v63  }
0x7f: {  	s9 =	sadd.s32 $0x20, s9;
	s10 =	rddreg [dreg:$0x6]  }
0x80: {  	[tilespmem:s18], [sflag:$0x1] =	stream.linear.gather [hbm4b:s9+s2], $0x80, $0x38;
	[tilespmem:$0x10200] =	vst v63  }
0x81: {  	s11 =	rddreg [dreg:$0x5];
	s12 =	sadd.s32 s7, s10  }
0x82: {  	[hbm4b:s12+s2] =	stream.linear.scatter [tilespmem:s21], [sflag:$0x5], $0x4000, $0x38;
	[tilespmem:$0x10200] =	vst v63  }
0x83: {  	s13 =	sadd.s32 s7, s11  }
0x84: {  	[hbm4b:s13+s2] =	stream.linear.scatter [tilespmem:s22], [sflag:$0x5], $0x4000, $0x38;
	[tilespmem:$0x10200] =	vst v63  }
0x85: {  	_ =	swait.ge [sflag:s19], $0x80  }
0x86: {  	[sflag:s19] =	ssyncset.done $0x0  }
0x87: {  	[sflag:s19] =	ssyncadd.s32 $0xFFFFFF80  }
0x88: {  	_ =	swait.ge [sflag:s19], $0x80  }
0x89: {  	[sflag:s19] =	ssyncset.done $0x0  }
0x8a: {  	[sflag:s19] =	ssyncadd.s32 $0xFFFFFF80  }
0x8b: {  	_ =	swait.ge [sflag:s29], $0x4000  }
0x8c: {  	[sflag:s29] =	ssyncset.done $0x0  }
0x8d: {  	[sflag:s29] =	ssyncadd.s32 $0xFFFFC000  }
0x8e: {  	_ =	swait.ge [sflag:s29], $0x4000  }
0x8f: {  	[sflag:s29] =	ssyncset.done $0x0  }
0x90: {  	[sflag:s29] =	ssyncadd.s32 $0xFFFFC000  }
0x91: {  	[tilespmem:s21], [sflag:$0x3] =	stream.indirect.gather [hbm4b:s1+s20], $0x80, s2, s20, $0xb8;
	[tilespmem:$0x10200] =	vst v63  }
0x92: {  	_ = 	snop  }
0x93: {  	[tilespmem:s22], [sflag:$0x3] =	stream.indirect.gather [hbm4b:s3+s20], $0x80, s18, s20, $0xb8;
	[tilespmem:$0x10200] =	vst v63  }
0x94: {  	_ =	swait.ge [sflag:s30], $0x4000  }
0x95: {  	[sflag:s30] =	ssyncset.done $0x0  }
0x96: {  	s4 =	sadd.s32 $0x1000, s4;
	[sflag:s30] =	ssyncadd.s32 $0xFFFFC000  }
0x97: {  	p1 =	sne.s32 s4, $0x13000;
	p2 =	seq.s32 s7, $0x12000;
	_ =	swait.ge [sflag:s30], $0x4000  }
0x98: {  	s10 =	sadd.s32 @!p2 s16, s15;
	s8 =	simm.s32 @!p2 $0x80;
	[sflag:s30] =	ssyncset.done $0x0  }
0x99: {  	s10 =	sadd.s32 @!p2 $0x30, s10;
	s13 =	simm.s32 @!p2 $0x0;
	[sflag:s30] =	ssyncadd.s32 $0xFFFFC000  }
0x9a: {  	[tilespmem:s8], [sflag:$0x2] =	stream.linear.gather @!p2 [hbm4b:s10+s13], $0x80, $0x38;
	[tilespmem:$0x10200] =	vst v63  }
.Ltmp0:
0x9b: {  	s11 =	sadd.s32 @!p2 s17, s15;
	s9 =	rddreg [dreg:$0x3];
	(pc) =	sbr.rel @p1 .LBB2_2-.Ltmp0, $4  }
0x9c: {  	s12 =	rddreg [dreg:$0x4];
	s10 =	sadd.s32 @!p2 $0x30, s11;
	s11 =	simm.s32 @!p2 $0x180  }
0x9d: {  	[tilespmem:s11], [sflag:$0x2] =	stream.linear.gather @!p2 [hbm4b:s10+s13], $0x80, $0x38;
	[tilespmem:$0x10200] =	vst v63  }
0x9e: {  	s8 =	sadd.s32 s7, s12;
	s7 =	sadd.s32 s7, s9  }
0x9f: {  	[hbm4b:s7+s2] =	stream.linear.scatter [tilespmem:s25], [sflag:$0x6], $0x4000, $0x38;
	[tilespmem:$0x10200] =	vst v63  }
0xa0: {  	[hbm4b:s8+s2] =	stream.linear.scatter [tilespmem:s26], [sflag:$0x6], $0x4000, $0x38;
	[tilespmem:$0x10200] =	vst v63  }
0xa1: {  	_ =	swait.ge [sflag:s31], $0x4000  }
0xa2: {  	[sflag:s31] =	ssyncset.done $0x0  }
0xa3: {  	[sflag:s31] =	ssyncadd.s32 $0xFFFFC000  }
0xa4: {  	_ =	swait.ge [sflag:s31], $0x4000  }
0xa5: {  	[sflag:s31] =	ssyncset.done $0x0  }
0xa6: {  	[sflag:s31] =	ssyncadd.s32 $0xFFFFC000  }
0xa7: {  	_ =	swait.ge [sflag:s28], $0x4000  }
0xa8: {  	[sflag:s28] =	ssyncset.done $0x0  }
0xa9: {  	[sflag:s28] =	ssyncadd.s32 $0xFFFFC000  }
0xaa: {  	_ =	swait.ge [sflag:s28], $0x4000  }
0xab: {  	[sflag:s28] =	ssyncset.done $0x0  }
0xac: {  	s4 =	rddreg [dreg:$0xb];
	[sflag:s28] =	ssyncadd.s32 $0xFFFFC000  }
0xad: {  	[hbm4b:s4+s2] =	stream.linear.scatter [tilespmem:s21], [sflag:$0x5], $0x4000, $0x38;
	[tilespmem:$0x10200] =	vst v63  }
0xae: {  	s17 =	rddreg [dreg:$0xc]  }
0xaf: {  	[hbm4b:s17+s2] =	stream.linear.scatter [tilespmem:s22], [sflag:$0x5], $0x4000, $0x38;
	[tilespmem:$0x10200] =	vst v63  }
0xb0: {  	_ =	swait.ge [sflag:s29], $0x4000  }
0xb1: {  	[sflag:s29] =	ssyncset.done $0x0  }
0xb2: {  	[sflag:s29] =	ssyncadd.s32 $0xFFFFC000  }
0xb3: {  	_ =	swait.ge [sflag:s29], $0x4000  }
0xb4: {  	[sflag:s29] =	ssyncset.done $0x0  }
0xb5: {  	s4 =	simm.s32 @!p0 $0x0;
	s7 =	rddreg [dreg:$0xd];
	[sflag:s29] =	ssyncadd.s32 $0xFFFFC000  }
0xb6: {  	[tilespmem:s4], [sflag:$0x1] =	stream.linear.gather @!p0 [hbm4b:s7+s4], $0x80, $0x38;
	[tilespmem:$0x10200] =	vst v63  }
0xb7: {  	s8 =	rddreg [dreg:$0xe];
	s7 =	simm.s32 @!p0 $0x100  }
0xb8: {  	[tilespmem:s7], [sflag:$0x1] =	stream.linear.gather @!p0 [hbm4b:s8+s4], $0x80, $0x38;
	[tilespmem:$0x10200] =	vst v63  }
0xb9: {  	s8 =	simm.s32 @!p0 $0x1  }
0xba: {  	_ =	swait.ge @!p0 [sflag:s8], $0x80  }
0xbb: {  	[sflag:s8] =	ssyncset.done @!p0 $0x0  }
0xbc: {  	[sflag:s8] =	ssyncadd.s32 @!p0 $0xFFFFFF80  }
0xbd: {  	_ =	swait.ge @!p0 [sflag:s8], $0x80  }
0xbe: {  	[sflag:s8] =	ssyncset.done @!p0 $0x0  }
0xbf: {  	s9 =	simm.s32 @!p0 $0x200;
	[sflag:s8] =	ssyncadd.s32 @!p0 $0xFFFFFF80;
	s8 =	simm.s32 @!p0 $0x80  }
0xc0: {  	[tilespmem:s9], [sflag:$0x3] =	stream.indirect.gather @!p0 [hbm4b:s1+s8], $0x80, s4, s8, $0xb8;
	[tilespmem:$0x10200] =	vst v63  }
0xc1: {  	s10 =	simm.s32 @!p0 $0x8200  }
0xc2: {  	[tilespmem:s10], [sflag:$0x3] =	stream.indirect.gather @!p0 [hbm4b:s3+s8], $0x80, s7, s8, $0xb8;
	[tilespmem:$0x10200] =	vst v63  }
0xc3: {  	s7 =	simm.s32 @!p0 $0x3  }
0xc4: {  	_ =	swait.ge @!p0 [sflag:s7], $0x4000  }
0xc5: {  	[sflag:s7] =	ssyncset.done @!p0 $0x0  }
0xc6: {  	[sflag:s7] =	ssyncadd.s32 @!p0 $0xFFFFC000  }
0xc7: {  	_ =	swait.ge @!p0 [sflag:s7], $0x4000  }
0xc8: {  	[sflag:s7] =	ssyncset.done @!p0 $0x0  }
0xc9: {  	[sflag:s7] =	ssyncadd.s32 @!p0 $0xFFFFC000;
	s7 =	rddreg [dreg:$0xf]  }
0xca: {  	[hbm4b:s7+s4] =	stream.linear.scatter @!p0 [tilespmem:s9], [sflag:$0x5], $0x4000, $0x38;
	[tilespmem:$0x10200] =	vst v63  }
0xcb: {  	s7 =	rddreg [dreg:$0x10]  }
0xcc: {  	[hbm4b:s7+s4] =	stream.linear.scatter @!p0 [tilespmem:s10], [sflag:$0x5], $0x4000, $0x38;
	[tilespmem:$0x10200] =	vst v63  }
0xcd: {  	s0 =	sadd.s32 $0x1, s0;
	s4 =	simm.s32 @!p0 $0x5  }
0xce: {  	p1 =	sne.s32 s0, s14;
	_ =	swait.ge @!p0 [sflag:s4], $0x4000  }
.Ltmp1:
0xcf: {  	[sflag:s4] =	ssyncset.done @!p0 $0x0;
	(pc) =	sbr.rel @p1 .LBB2_1-.Ltmp1, $4  }
0xd0: {  	[sflag:s4] =	ssyncadd.s32 @!p0 $0xFFFFC000  }
0xd1: {  	_ =	swait.ge @!p0 [sflag:s4], $0x4000  }
0xd2: {  	[sflag:s4] =	ssyncset.done @!p0 $0x0  }
0xd3: {  	[sflag:s4] =	ssyncadd.s32 @!p0 $0xFFFFC000  }
0xd4: {  	_ =	sfence.sel $0x180000  }
0xd5: {  	[bflag:$0x0] =	sbarrier.arrive $0xFFFF  }
0xd6: {  	_ =	strace $0x90000047  }
0xd7: {  	[bflag:$0x2] =	sbarrier.arrive $0xFFFF  }
0xd8: {  	s0 =	rddreg [dreg:$0x2]  }
0xd9: {  	s0 =	sadd.s32 @!p0 $0x100000, s0  }
0xda: {  	[sflag:s0] =	ssyncadd.tile.s32 @!p0 $0x1;
	_ =	shalt  }
.Lfunc_end2:
_tile_overlayer_lowered:
.L_overlay_start_2:
0xdb: {  	(tag) =	ssettag $0x2  }
0xdc: {  	s0 =	rddreg [dreg:$0x0];
	s2 =	stileid.u32  }
0xdd: {  	s1 =	rddreg [dreg:$0x1];
	p0 =	sne.s32 s2, $0x0  }
0xde: {  	s3 =	rddreg [dreg:$0x2];
	[bflag:$0x3] =	sbarrier.arrive $0xFFFF;
	s2 =	simm.s32 @!p0 $0x1C07  }
0xdf: {  	[timem:s3], [sflag:s2] =	dma.local @!p0 [hbm:s0], s1  }
0xe0: {  	s0 =	simm.s32 @!p0 $0x7  }
0xe1: {  	_ =	swait.ge @!p0 [sflag:s0], s1  }
0xe2: {  	s1 =	ssub.s32 @!p0 $0x0, s1;
	[sflag:s0] =	ssyncset.done @!p0 $0x0  }
0xe3: {  	[sflag:s0] =	ssyncadd.s32 @!p0 s1  }
0xe4: {  	[bflag:$0x3] =	sbarrier.arrive $0xFFFF  }
0xe5: {  	_ =	shalt  }

// kernel: kernel.16.cloned.1.call-start
scs
__scs_entry_jumppad:
0x0: {  	(pc) =	sbr.rel $0x88, $3  }
0x1: {  	(tag) =	ssettag $0x0;
	lr =	simm.s32 $0x1  }
0x2: {  	[smem:$0x3F98] =	sst lr;
	_ =	strace $0xD0000000  }
0x3: {  	_ = 	snop  }
0x4: {  	_ = 	snop  }
0x5: {  	_ = 	snop  }
0x6: {  	_ = 	snop  }
0x7: {  	_ = 	snop  }
__scs_overlays_trampoline_lowered:
0x8: {  	[smem:$0x3FA7] =	sst s0  }
0x9: {  	[smem:$0x3FA8] =	sst s1  }
0xa: {  	[smem:$0x3FA9] =	sst s2  }
0xb: {  	[smem:$0x3FAA] =	sst s3  }
0xc: {  	[smem:$0x3FAB] =	sst s4  }
0xd: {  	[smem:$0x3FAC] =	sst s5  }
0xe: {  	[smem:$0x3FAD] =	sst s6  }
0xf: {  	[smem:$0x3FAE] =	sst s7  }
0x10: {  	[smem:$0x3FAF] =	sst s8  }
0x11: {  	[smem:$0x3FB0] =	sst s9;
	s0 =	simm.s32 @!p0 $0x0  }
0x12: {  	s1 =	sld [smem:$0x3F96];
	s0 =	simm.s32 @p0 $0x1  }
0x13: {  	[smem:$0x3FB1] =	sst s0;
	s0 =	simm.s32 @!p1 $0x0  }
0x14: {  	s2 =	sld [smem:$0x3F95];
	s0 =	simm.s32 @p1 $0x1  }
0x15: {  	[smem:$0x3FB2] =	sst s0;
	s0 =	simm.s32 @!p2 $0x0  }
0x16: {  	s3 =	sld [smem:$0x3FDB];
	s0 =	simm.s32 @p2 $0x1  }
0x17: {  	s4 =	simm.s32 $0x1BF5;
	[smem:$0x3FB4] =	sst s0  }
0x18: {  	s0 =	sld [smem:$0x3F97];
	_ =	swait.ge [sflag:s4], $0x0  }
0x19: {  	s7 =	sld [smem:$0x3F98]  }
0x1a: {  	s8 =	sadd.s32 $0xFFFFE003, lr  }
0x1b: {  	s9 =	sadd.s32 $0xFFFFFEF7, lr;
	s5 =	simm.s32 $0xFFFFFFFF;
	p2 =	slt.u32 s8, $0xFFFFF086  }
0x1c: {  	p1 =	slt.u32 s9, $0xF7A;
	s5 =	simm.s32 @!p2 $0x0  }
0x1d: {  	s5 =	simm.s32 @p1 $0x1;
	p0 =	seq.s32 s7, s2  }
0x1e: {  	s7 =	smul.u32 @!p0 $0xF7A, s2;
	p2 =	seq.s32 @!p0 s5, $0x0  }
0x1f: {  	s9 =	smul.u32 $0xF7A, s1;
	s8 =	simm.s32 @!p0 $0x1BF5;
	p2 =	por !p2, p0  }
0x20: {  	[sflag:s8] =	ssyncset.s32 @!p0 $0xFFFFF086;
	s6 =	sadd.s32 @!p0 s3, s7;
	s7 =	simm.s32 @!p0 $0x108  }
0x21: {  	s3 =	sadd.s32 s3, s9;
	s6 =	sadd.s32 @!p0 $0x88, s6;
	s7 =	simm.s32 @p2 $0x1082  }
0x22: {  	[simem:s7], [sflag:s8] =	dma.local @!p0 [hbm:s6], $0xF7A  }
0x23: {  	s9 =	sor.u32 $0xD0000000, s2;
	s6 =	simm.s32 $0x108;
	_ =	swait.ge @!p0 [sflag:s8], $0x0  }
0x24: {  	s3 =	sadd.s32 $0x88, s3;
	s6 =	simm.s32 @!p1 $0x1082;
	[sflag:s4] =	ssyncset.s32 $0xFFFFF086  }
0x25: {  	[simem:s6], [sflag:s4] =	dma.local [hbm:s3], $0xF7A  }
0x26: {  	[smem:$0x3F98] =	sst s1;
	(tag) =	ssettag s2;
	_ =	strace s9  }
0x27: {  	s1 =	sld [smem:$0x3FA8]  }
0x28: {  	s2 =	sld [smem:$0x3FA9]  }
0x29: {  	s4 =	sld [smem:$0x3FAB]  }
0x2a: {  	p0 =	seq.s32 s5, $0x0;
	s5 =	sld [smem:$0x3FAC]  }
0x2b: {  	s6 =	sld [smem:$0x3FAD]  }
0x2c: {  	s7 =	sld [smem:$0x3FAE]  }
0x2d: {  	s3 =	simm.s32 $0x108;
	s8 =	sld [smem:$0x3FAF]  }
0x2e: {  	s3 =	simm.s32 @!p0 $0x1082;
	s9 =	sld [smem:$0x3FB0]  }
0x2f: {  	lr =	sadd.s32 s0, s3;
	s0 =	sld [smem:$0x3FA7]  }
0x30: {  	s3 =	sld [smem:$0x3FAA]  }
0x31: {  	[smem:$0x3FB3] =	sst s10  }
0x32: {  	s10 =	sld [smem:$0x3FB1];
	_ =	sdelay $0x3  }
0x33: {  	p0 =	seq.s32 s10, $0x1;
	s10 =	sld [smem:$0x3FB3];
	_ =	sdelay $0x3  }
0x34: {  	[smem:$0x3FB3] =	sst s10  }
0x35: {  	s10 =	sld [smem:$0x3FB2];
	_ =	sdelay $0x3  }
0x36: {  	p1 =	seq.s32 s10, $0x1;
	s10 =	sld [smem:$0x3FB3];
	_ =	sdelay $0x3  }
0x37: {  	[smem:$0x3FB3] =	sst s10  }
0x38: {  	s10 =	sld [smem:$0x3FB4]  }
0x39: {  	_ = 	snop;
	(pc) =	sbr.ind lr, $3  }
0x3a: {  	_ = 	snop  }
0x3b: {  	_ = 	snop  }
0x3c: {  	p2 =	seq.s32 s10, $0x1;
	s10 =	sld [smem:$0x3FB3]  }
0x3d: {  	_ =	shalt  }
0x3e: {  	_ =	shalt  }
0x3f: {  	_ =	shalt  }
0x40: {  	_ =	shalt  }
0x41: {  	_ =	shalt  }
0x42: {  	_ =	shalt  }
0x43: {  	_ =	shalt  }
0x44: {  	_ =	shalt  }
0x45: {  	_ =	shalt  }
0x46: {  	_ =	shalt  }
0x47: {  	_ =	shalt  }
0x48: {  	_ =	shalt  }
0x49: {  	_ =	shalt  }
0x4a: {  	_ =	shalt  }
0x4b: {  	_ =	shalt  }
0x4c: {  	_ =	shalt  }
0x4d: {  	_ =	shalt  }
0x4e: {  	_ =	shalt  }
0x4f: {  	_ =	shalt  }
0x50: {  	_ =	shalt  }
0x51: {  	_ =	shalt  }
0x52: {  	_ =	shalt  }
0x53: {  	_ =	shalt  }
0x54: {  	_ =	shalt  }
0x55: {  	_ =	shalt  }
0x56: {  	_ =	shalt  }
0x57: {  	_ =	shalt  }
0x58: {  	_ =	shalt  }
0x59: {  	_ =	shalt  }
0x5a: {  	_ =	shalt  }
0x5b: {  	_ =	shalt  }
0x5c: {  	_ =	shalt  }
0x5d: {  	_ =	shalt  }
0x5e: {  	_ =	shalt  }
0x5f: {  	_ =	shalt  }
0x60: {  	_ =	shalt  }
0x61: {  	_ =	shalt  }
0x62: {  	_ =	shalt  }
0x63: {  	_ =	shalt  }
0x64: {  	_ =	shalt  }
0x65: {  	_ =	shalt  }
0x66: {  	_ =	shalt  }
0x67: {  	_ =	shalt  }
0x68: {  	_ =	shalt  }
0x69: {  	_ =	shalt  }
0x6a: {  	_ =	shalt  }
0x6b: {  	_ =	shalt  }
0x6c: {  	_ =	shalt  }
0x6d: {  	_ =	shalt  }
0x6e: {  	_ =	shalt  }
0x6f: {  	_ =	shalt  }
0x70: {  	_ =	shalt  }
0x71: {  	_ =	shalt  }
0x72: {  	_ =	shalt  }
0x73: {  	_ =	shalt  }
0x74: {  	_ =	shalt  }
0x75: {  	_ =	shalt  }
0x76: {  	_ =	shalt  }
0x77: {  	_ =	shalt  }
0x78: {  	_ =	shalt  }
0x79: {  	_ =	shalt  }
0x7a: {  	_ =	shalt  }
0x7b: {  	_ =	shalt  }
0x7c: {  	_ =	shalt  }
0x7d: {  	_ =	shalt  }
0x7e: {  	_ =	shalt  }
0x7f: {  	_ =	shalt  }
0x80: {  	_ =	shalt  }
0x81: {  	_ =	shalt  }
0x82: {  	_ =	shalt  }
0x83: {  	_ =	shalt  }
0x84: {  	_ =	shalt  }
0x85: {  	_ =	shalt  }
0x86: {  	_ =	shalt  }
0x87: {  	_ =	shalt  }
.Lfunc_end0:
.L_simem_size_0:
called_computation.2_lowered:
.L_overlay_start_0:
0x88: {  	s2 =	sld [smem:$0x3FD9]  }
0x89: {  	s3 =	sld [smem:$0x3FFE];
	_ =	sdelay $0x1  }
0x8a: {  	s1 =	srdreg.scid  }
0x8b: {  	s0 =	sand.u32 $0x1, s1  }
0x8c: {  	s17 =	sshll.u32 s0, $0xA;
	s2 =	sadd.s32 s3, s2  }
0x8d: {  	s2 =	sadd.s32 s2, s17  }
0x8e: {  	[smem:$0x3FBF] =	sst s2  }
0x8f: {  	_ = 	snop  }
0x90: {  	(tm) =	ssettm $0x1  }
0x91: {  	s18 =	sld [smem:$0x3FFB];
	_ =	sdelay $0x3  }
0x92: {  	_ =	strace s18  }
0x93: {  	s2 =	sld [smem:$0x3FFC];
	_ =	sdelay $0x3  }
0x94: {  	_ =	strace s2  }
0x95: {  	s2 =	sld [smem:$0x3FFD];
	_ =	sdelay $0x3  }
0x96: {  	_ =	strace s2  }
0x97: {  	_ =	strace $0x8FFFFFFF  }
0x98: {  	s19 =	sld [smem:$0x3FDB];
	_ =	sdelay $0x1  }
0x99: {  	s20 =	simm.s32 $_scs_section_size  }
0x9a: {  	s4 =	simm.s32 $_size__tile_overlayer_lowered;
	s5 =	simm.s32 $_tile_overlayer_lowered  }
0x9b: {  	s6 =	simm.s32 $0x1BFF;
	s21 =	sshll.u32 s5, $0x1;
	s3 =	sadd.s32 s20, s19  }
0x9c: {  	s22 =	simm.s32 $0x0;
	s4 =	sshll.u32 s4, $0x1;
	s5 =	sadd.s32 s21, s3  }
0x9d: {  	[timem:s22], [sflag:s6] =	dma.local [hbm:s5], s4  }
0x9e: {  	_ =	swait.ge [sflag:s6], s4  }
0x9f: {  	s4 =	ssub.s32 $0x0, s4;
	[sflag:s6] =	ssyncset.done $0x0  }
0xa0: {  	[sflag:s6] =	ssyncadd.s32 s4;
	_ =	sdelay $0x1  }
0xa1: {  	s23 =	simm.s32 $0x1B8B  }
0xa2: {  	_ =	swait.ge [sflag:s23], $0x1  }
0xa3: {  	[sflag:s23] =	ssyncset.done $0x0  }
0xa4: {  	[sflag:s23] =	ssyncadd.s32 $0xFFFFFFFF  }
0xa5: {  	s4 =	sld [smem:$0x0]  }
0xa6: {  	s5 =	sand.u32 $0xFFFFFFFE, s1  }
0xa7: {  	p0 =	sne.s32 s1, s5  }
0xa8: {  	s5 =	sshll.u32 @p0 s5, $0xE  }
0xa9: {  	s5 =	sadd.s32 @p0 $0x11B8D, s5;
	s6 =	sshll.u32 @p0 s4, $0x11  }
0xaa: {  	s5 =	sor.u32 @p0 s6, s5  }
0xab: {  	[sflag:s5] =	ssyncadd.remote.s32 @p0 $0x1;
	_ =	sdelay $0x1  }
0xac: {  	s5 =	simm.s32 @p0 $0x1B8D  }
0xad: {  	_ =	swait.eq @p0 [sflag:s5], $0x1  }
0xae: {  	[sflag:s5] =	ssyncadd.s32 @p0 $0xFFFFFFFF  }
0xaf: {  	s6 =	sshll.u32 @!p0 s1, $0xE  }
0xb0: {  	s6 =	sor.u32 @!p0 $0x4000, s6;
	s5 =	simm.s32 @!p0 $0x1B8D  }
0xb1: {  	s4 =	sshll.u32 @!p0 s4, $0x11;
	s6 =	sadd.s32 @!p0 $0x11B8D, s6;
	_ =	swait.eq @!p0 [sflag:s5], $0x1  }
0xb2: {  	s4 =	sor.u32 @!p0 s4, s6;
	[sflag:s5] =	ssyncadd.s32 @!p0 $0xFFFFFFFF  }
0xb3: {  	s25 =	simm.s32 $0x1B8E;
	s24 =	sld [smem:$0x3FFE];
	[sflag:s4] =	ssyncadd.remote.s32 @!p0 $0x1  }
0xb4: {  	s26 =	simm.s32 $execute0_lowered;
	[smem:$0x3FD2] =	sst s25  }
0xb5: {  	s5 =	sshll.u32 s26, $0x1;
	_ =	strace $0x8000004F;
	[dreg:$0x1] =	wrdreg $0xFFFFFFFF  }
0xb6: {  	s28 =	simm.s32 $_size_execute0_lowered;
	s3 =	sadd.s32 s3, s5;
	[dreg:$0x0] =	wrdreg $0x0  }
0xb7: {  	s5 =	sshll.u32 s28, $0x1;
	[dreg:$0x2] =	wrdreg s3  }
0xb8: {  	[dreg:$0x3] =	wrdreg s5  }
0xb9: {  	[dreg:$0x4] =	wrdreg $0xC0  }
0xba: {  	_ =	task [dreg:s22], $0x5FFFF  }
0xbb: {  	[dreg:$0x1] =	wrdreg $0xFFFFFFFF  }
0xbc: {  	[dreg:$0x0] =	wrdreg $0x60  }
0xbd: {  	[dreg:$0x2] =	wrdreg s24  }
0xbe: {  	[dreg:$0x3] =	wrdreg $0x0  }
0xbf: {  	[dreg:$0x4] =	wrdreg $0x9  }
0xc0: {  	_ =	task.clear_ibuf [dreg:s22], $0x5FFFF;
	_ =	strace $0x9000004F  }
0xc1: {  	s29 =	simm.s32 $0x9;
	_ =	strace $0x80000051  }
0xc2: {  	_ =	swait.ge [sflag:s29], $0x1  }
0xc3: {  	[sflag:s29] =	ssyncadd.s32 $0xFFFFFFFF  }
0xc4: {  	_ =	strace $0x90000051  }
0xc5: {  	_ =	sfence  }
0xc6: {  	s30 =	sld [smem:$0x0];
	_ =	sdelay $0x2  }
0xc7: {  	s31 =	sshll.u32 s1, $0xD;
	s1 =	sshrl.u32 s1, $0x2  }
0xc8: {  	s4 =	sand.u32 $0x4000, s31;
	s1 =	sadd.s32 s1, s30  }
0xc9: {  	s0 =	sor.u32 s4, s0;
	s1 =	sshll.u32 s1, $0x11  }
0xca: {  	s0 =	sor.u32 s1, s0  }
0xcb: {  	s0 =	sadd.s32 $0x8F2B, s0  }
0xcc: {  	[sflag:s0] =	ssyncadd.remote.s32 $0x1  }
0xcd: {  	_ =	sfence.sel $0xFFFF  }
0xce: {  	[dreg:$0x0] =	wrdreg $0xFFFFFFFF;
	(pc) =	sbr.abs _section_cstart, $3  }
0xcf: {  	[dreg:$0x1] =	wrdreg $0xFFFFFFFF  }
0xd0: {  	_ =	task.clear_ibuf [dreg:s22], $0x2FFFF;
	_ =	strace $0x9FFFFFFF  }
0xd1: {  	(tm) =	ssettm $0x7FFFFFFF  }
tec
execute0_lowered:
.L_overlay_start_1:
0x0: {  	(tag) =	ssettag $0x1  }
0x1: {  	s0 =	rddreg [dreg:$0x0]  }
0x2: {  	s1 =	rddreg [dreg:$0x1];
	s3 =	simm.s32 $0x0;
	s2 =	srdreg.scid  }
0x3: {  	s12 =	stileid.u32;
	[smem:$0x7FF] =	sst s3  }
0x4: {  	s4 =	sadd.s32 $0x84400, s0;
	s2 =	sand.u32 $0x1, s2;
	s6 =	smul.u32 $0x42000, s12  }
0x5: {  	s5 =	sadd.s32 $0x51B400, s0;
	s0 =	sadd.s32 $0x2F5400, s0;
	s9 =	sshll.u32 s12, $0x1  }
0x6: {  	s7 =	ssub.s32 $0x2, s2;
	s19 =	sor.u32 s2, s9;
	s2 =	smul.u32 $0x140000, s2  }
0x7: {  	s22 =	sor.u32 $0x10, s12;
	s23 =	sshll.u32 s12, $0x10;
	s9 =	smul.u32 $0x4E, s19  }
0x8: {  	p0 =	sgt.u32 s12, $0x3;
	p1 =	sgt.u32 s12, $0x1;
	s10 =	smul.u32 $0x1380, s19  }
0x9: {  	_ =	strace $0x80000050;
	s26 =	sshll.u32 s22, $0x10;
	s11 =	smul.u32 $0x270, s19  }
0xa: {  	s8 =	sshrl.u32 s7, $0x1;
	s6 =	sshrl.u32 s6, $0x2;
	s13 =	smul.u32 $0x13800, s19  }
0xb: {  	s7 =	ssub.s32 s7, s8;
	s6 =	sadd.s32 s6, s1;
	s8 =	sshll.u32 s19, $0x6  }
0xc: {  	s15 =	sadd.s32 $0x2C00, s6;
	s20 =	sadd.s32 $0x108000, s6;
	s14 =	sadd.s32 $0x10D800, s6  }
0xd: {  	s16 =	sadd.s32 $0x8400, s6;
	s24 =	sadd.s32 $0x110400, s6;
	s17 =	sadd.s32 $0xDC00, s6  }
0xe: {  	s25 =	sadd.s32 $0x115C00, s6;
	s10 =	sor.u32 $0x40, s10;
	s11 =	sadd.s32 s5, s11  }
0xf: {  	s13 =	sadd.s32 s4, s13;
	s8 =	sor.u32 $0x27000, s8;
	s7 =	smax.u32 s7, $0x1  }
0x10: {  	s28 =	sadd.s32 $0x5800, s6;
	s29 =	sadd.s32 $0xB000, s6;
	[dreg:$0x3] =	wrdreg s20  }
0x11: {  	s30 =	sadd.s32 $0x113000, s6;
	s31 =	sor.u32 $0x1, s9;
	[dreg:$0x6] =	wrdreg s11  }
0x12: {  	s21 =	sshrl.u32 s10, $0x3;
	s10 =	sshll.u32 s10, $0x4;
	[dreg:$0x7] =	wrdreg s13  }
0x13: {  	s18 =	sshrl.u32 s8, $0x3;
	s8 =	sshll.u32 s8, $0x4;
	[dreg:$0xe] =	wrdreg s7  }
0x14: {  	[dreg:$0x4] =	wrdreg s15;
	s14 =	smov.u32 @p0 s15;
	s24 =	smov.u32 @p0 s16  }
0x15: {  	s25 =	smov.u32 @p0 s17;
	s15 =	simm.s32 $0x18A80;
	s7 =	simm.s32 $0x40  }
0x16: {  	s11 =	sadd.s32 s5, s21;
	s10 =	sadd.s32 s4, s10;
	s13 =	sadd.s32 s5, s18  }
0x17: {  	s8 =	sadd.s32 s4, s8;
	s21 =	sadd.s32 $0x400, s6;
	[dreg:$0x5] =	wrdreg s14  }
0x18: {  	s14 =	smov.u32 s16;
	s16 =	simm.s32 $0x16A00;
	[dreg:$0x8] =	wrdreg s11  }
0x19: {  	s18 =	simm.s32 $0x2;
	[dreg:$0x9] =	wrdreg s10;
	s11 =	sadd.s32 s2, s23  }
0x1a: {  	s2 =	sadd.s32 s2, s26;
	[dreg:$0xa] =	wrdreg s13;
	s10 =	smul.u32 $0x42000, s22  }
0x1b: {  	[dreg:$0xb] =	wrdreg s8;
	s26 =	smov.u32 s17;
	s23 =	sadd.s32 $0x10AC00, s6  }
0x1c: {  	s17 =	simm.s32 $0x1;
	s13 =	simm.s32 $0x18B00;
	s19 =	sshrl.u32 s11, $0x3  }
0x1d: {  	s2 =	sshrl.u32 s2, $0x3;
	[dreg:$0x11] =	wrdreg s23;
	s8 =	sadd.s32 s0, s19  }
.Ltmp0:
0x1e: {  	s20 =	sshrl.u32 s10, $0x2;
	s0 =	sadd.s32 s0, s2;
	(pc) =	sbr.rel .LBB2_1-.Ltmp0, $4  }
0x1f: {  	s19 =	simm.s32 $0x0;
	[dreg:$0xc] =	wrdreg s8;
	s22 =	sadd.s32 s20, s1  }
0x20: {  	[dreg:$0xd] =	wrdreg s0;
	s0 =	sshrl.u32 s21, $0x3;
	s2 =	sadd.s32 $0x400, s22  }
0x21: {  	s8 =	simm.s32 $0x14A00;
	[dreg:$0xf] =	wrdreg s0;
	s0 =	sshrl.u32 @!p0 s2, $0x3  }
0x22: {  	v0 =	vimm.f32 $0.0e+00;
	s2 =	simm.s32 $0x3;
	[dreg:$0x10] =	wrdreg s0;
	s0 =	simm.s32 $0x18B80  }
.LBB2_17:
0x23: {  	[sflag:s2] =	ssyncadd.s32 $0xFFFFE000  }
.LBB2_18:
0x24: {  	s10 =	stileid.u32;
	[bflag:$0x0] =	sbarrier.arrive $0xFFFF  }
0x25: {  	s10 =	sshll.u32 s10, $0x6;
	s11 =	rddreg [dreg:$0xc]  }
0x26: {  	s12 =	rddreg [dreg:$0xf];
	s10 =	sor.u32 $0x1C03, s10  }
0x27: {  	[hbm:s11], [sflag:s10] =	dma.local [spmem:s12], $0x2000  }
0x28: {  	_ =	swait.ge [sflag:s2], $0x2000  }
0x29: {  	[sflag:s2] =	ssyncset.done $0x0;
	s11 =	rddreg [dreg:$0xd]  }
0x2a: {  	s12 =	rddreg [dreg:$0x10];
	[sflag:s2] =	ssyncadd.s32 $0xFFFFE000  }
0x2b: {  	[hbm:s11], [sflag:s10] =	dma.local @!p0 [spmem:s12], $0x2000  }
0x2c: {  	s10 =	simm.s32 @!p0 $0x3  }
0x2d: {  	_ =	swait.ge @!p0 [sflag:s10], $0x2000  }
0x2e: {  	s19 =	sadd.s32 $0x1, s19;
	s23 =	rddreg [dreg:$0xe]  }
0x2f: {  	p2 =	sne.s32 s19, s23  }
.Ltmp1:
0x30: {  	_ = 	snop;
	(pc) =	sbr.rel @!p2 .LBB2_19-.Ltmp1, $3  }
0x31: {  	_ =	sdelay $0x1  }
0x32: {  	[sflag:s10] =	ssyncset.done @!p0 $0x0  }
0x33: {  	[sflag:s10] =	ssyncadd.s32 @!p0 $0xFFFFE000  }
.LBB2_1:
0x34: {  	s10 =	simm.s32 $0x0;
	s11 =	simm.s32 $0x200  }
.LBB2_2:
0x35: {  	p2 =	sne.s32 s11, $0xAE00;
	[tilespmem:s10+$0x18BF0] =	vst v0  }
0x36: {  	[tilespmem:s10+$0x18B80] =	vst v0  }
0x37: {  	[tilespmem:s10+$0x18B90] =	vst v0  }
.Ltmp2:
0x38: {  	[tilespmem:s10+$0x18BA0] =	vst v0;
	(pc) =	sbr.rel @p2 .LBB2_2-.Ltmp2, $4  }
0x39: {  	[tilespmem:s10+$0x18BB0] =	vst v0  }
0x3a: {  	[tilespmem:s10+$0x18BC0] =	vst v0  }
0x3b: {  	[tilespmem:s10+$0x18BD0] =	vst v0  }
0x3c: {  	[tilespmem:s10+$0x18BE0] =	vst v0;
	s10 =	sshra.s32 s11, $0x2;
	s11 =	sadd.s32 $0x200, s11  }
0x3d: {  	[tilespmem:s10+$0x18BF0] =	vst v0  }
0x3e: {  	[tilespmem:s10+$0x18B80] =	vst v0  }
0x3f: {  	[tilespmem:s10+$0x18B90] =	vst v0  }
0x40: {  	[tilespmem:s10+$0x18BA0] =	vst v0  }
0x41: {  	[tilespmem:s10+$0x18BB0] =	vst v0  }
0x42: {  	[tilespmem:s10+$0x18BC0] =	vst v0  }
0x43: {  	[tilespmem:s10+$0x18BD0] =	vst v0  }
0x44: {  	[tilespmem:s10+$0x18BE0] =	vst v0  }
0x45: {  	[spmem:s6] =	stream.linear.scatter [tilespmem:s0], [sflag:$0x3], $0x2C00, $0x38;
	[tilespmem:$0x1B780] =	vst v63  }
0x46: {  	_ =	swait.ge [sflag:s2], $0x2C00  }
0x47: {  	[sflag:s2] =	ssyncset.done $0x0  }
0x48: {  	s10 =	simm.s32 @!p0 $0x18B80;
	s11 =	rddreg [dreg:$0x3];
	[sflag:s2] =	ssyncadd.s32 $0xFFFFD400  }
0x49: {  	[spmem:s11] =	stream.linear.scatter @!p0 [tilespmem:s10], [sflag:$0x3], $0x2C00, $0x38;
	[tilespmem:$0x1B780] =	vst v63  }
0x4a: {  	s11 =	simm.s32 @!p0 $0x3  }
0x4b: {  	_ =	swait.ge @!p0 [sflag:s11], $0x2C00  }
0x4c: {  	[sflag:s11] =	ssyncset.done @!p0 $0x0  }
0x4d: {  	s12 =	rddreg [dreg:$0x4];
	[sflag:s11] =	ssyncadd.s32 @!p0 $0xFFFFD400  }
0x4e: {  	[spmem:s12] =	stream.linear.scatter @!p0 [tilespmem:s10], [sflag:$0x3], $0x2C00, $0x38;
	[tilespmem:$0x1B780] =	vst v63  }
0x4f: {  	_ =	swait.ge @!p0 [sflag:s11], $0x2C00  }
0x50: {  	[sflag:s11] =	ssyncset.done @!p0 $0x0  }
0x51: {  	s12 =	rddreg [dreg:$0x11];
	[sflag:s11] =	ssyncadd.s32 @!p0 $0xFFFFD400  }
0x52: {  	[spmem:s12] =	stream.linear.scatter @!p0 [tilespmem:s10], [sflag:$0x3], $0x2C00, $0x38;
	[tilespmem:$0x1B780] =	vst v63  }
0x53: {  	_ =	swait.ge @!p0 [sflag:s11], $0x2C00  }
0x54: {  	[sflag:s11] =	ssyncset.done @!p0 $0x0  }
0x55: {  	[sflag:s11] =	ssyncadd.s32 @!p0 $0xFFFFD400  }
0x56: {  	[spmem:s28] =	stream.linear.scatter @!p0 [tilespmem:s10], [sflag:$0x3], $0x2C00, $0x38;
	[tilespmem:$0x1B780] =	vst v63  }
0x57: {  	_ =	swait.ge @!p0 [sflag:s11], $0x2C00  }
0x58: {  	[sflag:s11] =	ssyncset.done @!p0 $0x0  }
0x59: {  	s23 =	rddreg [dreg:$0x5];
	[sflag:s11] =	ssyncadd.s32 @!p0 $0xFFFFD400  }
0x5a: {  	[spmem:s23] =	stream.linear.scatter [tilespmem:s0], [sflag:$0x3], $0x2C00, $0x38;
	[tilespmem:$0x1B780] =	vst v63  }
0x5b: {  	_ =	swait.ge [sflag:s2], $0x2C00  }
0x5c: {  	s20 =	smov.u32 s14;
	[sflag:s2] =	ssyncset.done $0x0  }
0x5d: {  	s20 =	smov.u32 @p0 s28;
	[sflag:s2] =	ssyncadd.s32 $0xFFFFD400  }
0x5e: {  	[spmem:s20] =	stream.linear.scatter [tilespmem:s0], [sflag:$0x3], $0x2C00, $0x38;
	[tilespmem:$0x1B780] =	vst v63  }
0x5f: {  	_ =	swait.ge [sflag:s2], $0x2C00  }
0x60: {  	[sflag:s2] =	ssyncset.done $0x0  }
0x61: {  	[sflag:s2] =	ssyncadd.s32 $0xFFFFD400  }
0x62: {  	[spmem:s24] =	stream.linear.scatter [tilespmem:s0], [sflag:$0x3], $0x2C00, $0x38;
	[tilespmem:$0x1B780] =	vst v63  }
0x63: {  	_ =	swait.ge [sflag:s2], $0x2C00  }
0x64: {  	[sflag:s2] =	ssyncset.done $0x0  }
0x65: {  	[sflag:s2] =	ssyncadd.s32 $0xFFFFD400  }
0x66: {  	[spmem:s29] =	stream.linear.scatter [tilespmem:s0], [sflag:$0x3], $0x2C00, $0x38;
	[tilespmem:$0x1B780] =	vst v63  }
0x67: {  	_ =	swait.ge [sflag:s2], $0x2C00  }
0x68: {  	[sflag:s2] =	ssyncset.done $0x0  }
0x69: {  	[sflag:s2] =	ssyncadd.s32 $0xFFFFD400  }
0x6a: {  	[spmem:s30] =	stream.linear.scatter @!p0 [tilespmem:s10], [sflag:$0x3], $0x2C00, $0x38;
	[tilespmem:$0x1B780] =	vst v63  }
0x6b: {  	_ =	swait.ge @!p0 [sflag:s11], $0x2C00  }
0x6c: {  	[sflag:s11] =	ssyncset.done @!p0 $0x0  }
0x6d: {  	[sflag:s11] =	ssyncadd.s32 @!p0 $0xFFFFD400  }
0x6e: {  	[spmem:s26] =	stream.linear.scatter @!p0 [tilespmem:s10], [sflag:$0x3], $0x2C00, $0x38;
	[tilespmem:$0x1B780] =	vst v63  }
0x6f: {  	_ =	swait.ge @!p0 [sflag:s11], $0x2C00  }
0x70: {  	[sflag:s11] =	ssyncset.done @!p0 $0x0  }
0x71: {  	[sflag:s11] =	ssyncadd.s32 @!p0 $0xFFFFD400  }
0x72: {  	[spmem:s25] =	stream.linear.scatter [tilespmem:s0], [sflag:$0x3], $0x2C00, $0x38;
	[tilespmem:$0x1B780] =	vst v63  }
0x73: {  	_ =	swait.ge [sflag:s2], $0x2C00  }
0x74: {  	[sflag:s2] =	ssyncset.done $0x0  }
0x75: {  	[sflag:s2] =	ssyncadd.s32 $0xFFFFD400  }
0x76: {  	[bflag:$0x0] =	sbarrier.arrive $0xFFFF  }
0x77: {  	s20 =	simm.s32 $0x18A00;
	s10 =	simm.s32 $0x0;
	s12 =	rddreg [dreg:$0x6]  }
0x78: {  	[tilespmem:s20], [sflag:$0x1] =	stream.linear.gather [hbm4b:s12+s10], $0x40, $0x38;
	[tilespmem:$0x1B780] =	vst v63  }
0x79: {  	s21 =	rddreg [dreg:$0x7]  }
0x7a: {  	[tilespmem:s8], [sflag:$0x1] =	stream.linear.gather [hbm4b:s21+s10], $0x2000, $0x38;
	[tilespmem:$0x1B780] =	vst v63  }
0x7b: {  	s22 =	rddreg [dreg:$0x8]  }
0x7c: {  	[tilespmem:s15], [sflag:$0x2] =	stream.linear.gather [hbm4b:s22+s10], $0x40, $0x38;
	[tilespmem:$0x1B780] =	vst v63  }
0x7d: {  	s23 =	rddreg [dreg:$0x9]  }
0x7e: {  	[tilespmem:s16], [sflag:$0x2] =	stream.linear.gather [hbm4b:s23+s10], $0x2000, $0x38;
	[tilespmem:$0x1B780] =	vst v63  }
.LBB2_4:
0x7f: {  	_ =	swait.ge [sflag:s17], $0x40  }
0x80: {  	[sflag:s17] =	ssyncset.done $0x0  }
0x81: {  	[sflag:s17] =	ssyncadd.s32 $0xFFFFFFC0  }
0x82: {  	_ =	swait.ge [sflag:s17], $0x2000  }
0x83: {  	[sflag:s17] =	ssyncset.done $0x0  }
0x84: {  	[sflag:s17] =	ssyncadd.s32 $0xFFFFE000  }
0x85: {  	v1 =	vld [tilespmem:$0x18A00];
	_ =	sdelay $0x1  }
0x86: {  	v2 =	vld [tilespmem:$0x18A30];
	_ =	sdelay $0x2  }
0x87: {  	(v2sf) =	vpush v1, $0x0;
	_ =	sdelay $0x1  }
0x88: {  	(v2sf) =	vpush v2, $0xF;
	_ =	sdelay $0xc  }
0x89: {  	s11 =	spop (v2sf)  }
0x8a: {  	s20 =	sshra.s32 s11, $0x1F;
	s21 =	sand.u32 $0x1FF, s11  }
0x8b: {  	p2 =	slt.s32 s11, $0x1;
	s23 =	spop (v2sf);
	s20 =	sshrl.u32 s20, $0x17  }
0x8c: {  	p3 =	sne.s32 s21, $0x0;
	s12 =	sand.u32 $0x1FF, s23;
	s22 =	sshra.s32 s23, $0x1F  }
0x8d: {  	p6 =	slt.s32 s23, $0x1;
	s11 =	sadd.s32 s20, s11;
	p2 =	por !p2, !p3  }
0x8e: {  	p4 =	sne.s32 s12, $0x0;
	s22 =	sshrl.u32 s22, $0x17;
	s12 =	simm.s32 $0x1  }
0x8f: {  	s21 =	sshra.s32 s11, $0x9;
	p2 =	por !p2, !p2;
	p3 =	por !p6, !p4  }
0x90: {  	s11 =	simm.s32 $0x1;
	s20 =	sadd.s32 s22, s23;
	p3 =	por !p3, !p3  }
0x91: {  	s11 =	simm.s32 @!p2 $0x0;
	s23 =	sshra.s32 s20, $0x9;
	s12 =	simm.s32 @!p3 $0x0  }
0x92: {  	s22 =	ssub.s32 s21, s11;
	s20 =	ssub.s32 s23, s12  }
0x93: {  	p4 =	sgt.s32 s22, s20  }
.Ltmp3:
0x94: {  	_ = 	snop;
	(pc) =	sbr.rel @p4 .LBB2_8-.Ltmp3, $1  }
0x95: {  	_ =	sdelay $0x3  }
0x96: {  	v1 =	vld [tilespmem:$0x18A20]  }
0x97: {  	v2 =	vld [tilespmem:$0x18A30]  }
0x98: {  	v3 =	vld [tilespmem:$0x18A00]  }
0x99: {  	s11 =	sshll.u32 s22, $0x9;
	v4 =	vld [tilespmem:$0x18A10]  }
0x9a: {  	s20 =	sadd.s32 $0xFFFFFFF8, s11  }
0x9b: {  	s11 =	simm.s32 $0xFFFFFFFF;
	v5 =	vmov s20  }
0x9c: {  	s11 =	simm.s32 @!p3 $0x0;
	v1 =	vsub.s32 v1, v5  }
0x9d: {  	s12 =	simm.s32 $0xFFFFFFFF;
	s11 =	sadd.s32 s11, s23;
	v2 =	vsub.s32 v2, v5;
	v3 =	vsub.s32 v3, v5;
	vm0 =	vgt.s32 v1, $0x0  }
0x9e: {  	s12 =	simm.s32 @!p2 $0x0;
	s11 =	ssub.s32 s11, s21;
	v4 =	vsub.s32 v4, v5;
	vm14 =	vgt.s32 v2, $0x0;
	v1 =	vnsel vm0, $0x0, v1  }
0x9f: {  	s11 =	ssub.s32 s11, s12;
	vm1 =	vgt.s32 v3, $0x0;
	v2 =	vnsel vm14, $0x0, v2;
	v1 =	vmin.u32 v1, $0x208  }
0xa0: {  	s23 =	smul.u32 $0x42000, s22;
	vm15 =	vgt.s32 v4, $0x0;
	s11 =	sadd.s32 $0x1, s11;
	v3 =	vnsel vm1, $0x0, v3;
	v2 =	vmin.u32 v2, $0x208;
	[tilespmem:$0x18B20] =	vst v1  }
0xa1: {  	p2 =	sne.s32 s11, $0x1;
	v1 =	vmin.u32 v3, $0x208;
	v3 =	vnsel vm15, $0x0, v4;
	[tilespmem:$0x18B30] =	vst v2  }
.Ltmp4:
0xa2: {  	s23 =	sshra.s32 s23, $0x2;
	[tilespmem:$0x18B00] =	vst v1;
	v1 =	vmin.u32 v3, $0x208;
	(pc) =	sbr.rel @!p2 .LBB2_7-.Ltmp4, $4  }
0xa3: {  	s21 =	sadd.s32 s23, s1;
	[tilespmem:$0x18B10] =	vst v1  }
0xa4: {  	[spmem:s21] =	stream.indirect.scatter.add.f32 [tilespmem:s8], [sflag:$0x3], $0x80, s13, s7, $0xb8;
	[tilespmem:$0x1B780] =	vst v63  }
0xa5: {  	_ =	swait.ge [sflag:s2], $0x2000  }
0xa6: {  	s22 =	sadd.s32 $0xFFFFFFFF, s11;
	[sflag:s2] =	ssyncset.done $0x0  }
.LBB2_6:
0xa7: {  	[sflag:s2] =	ssyncadd.s32 $0xFFFFE000;
	s20 =	sadd.s32 $0x200, s20;
	s21 =	sadd.s32 $0x10800, s21  }
0xa8: {  	p2 =	sne.s32 s22, $0x1;
	s22 =	sadd.s32 $0xFFFFFFFF, s22;
	v1 =	vld [tilespmem:$0x18A20]  }
0xa9: {  	v2 =	vld [tilespmem:$0x18A30]  }
0xaa: {  	v3 =	vld [tilespmem:$0x18A00];
	_ =	sdelay $0x1  }
0xab: {  	v4 =	vmov s20;
	v5 =	vld [tilespmem:$0x18A10]  }
0xac: {  	v1 =	vsub.s32 v1, v4  }
0xad: {  	vm0 =	vgt.s32 v1, $0x0;
	v2 =	vsub.s32 v2, v4  }
0xae: {  	v3 =	vsub.s32 v3, v4;
	v1 =	vnsel vm0, $0x0, v1;
	vm0 =	vgt.s32 v2, $0x0  }
0xaf: {  	vm1 =	vgt.s32 v3, $0x0;
	v1 =	vmin.u32 v1, $0x208;
	v2 =	vnsel vm0, $0x0, v2  }
0xb0: {  	v3 =	vnsel vm1, $0x0, v3;
	v4 =	vsub.s32 v5, v4;
	v2 =	vmin.u32 v2, $0x208  }
0xb1: {  	v3 =	vmin.u32 v3, $0x208;
	vm0 =	vgt.s32 v4, $0x0;
	[tilespmem:$0x18B20] =	vst v1  }
0xb2: {  	v1 =	vnsel vm0, $0x0, v4;
	[tilespmem:$0x18B30] =	vst v2  }
.Ltmp5:
0xb3: {  	[tilespmem:$0x18B00] =	vst v3;
	v1 =	vmin.u32 v1, $0x208;
	(pc) =	sbr.rel @p2 .LBB2_6-.Ltmp5, $4  }
0xb4: {  	[tilespmem:$0x18B10] =	vst v1  }
0xb5: {  	[spmem:s21] =	stream.indirect.scatter.add.f32 [tilespmem:s8], [sflag:$0x3], $0x80, s13, s7, $0xb8;
	[tilespmem:$0x1B780] =	vst v63  }
0xb6: {  	_ =	swait.ge [sflag:s2], $0x2000  }
0xb7: {  	[sflag:s2] =	ssyncset.done $0x0  }
.LBB2_7:
0xb8: {  	[sflag:s2] =	ssyncadd.s32 $0xFFFFE000  }
.LBB2_8:
0xb9: {  	s20 =	sshll.u32 s10, $0x1;
	p2 =	seq.s32 s10, $0x26  }
0xba: {  	s11 =	sadd.s32 @!p2 s9, s20  }
0xbb: {  	s11 =	sshll.u32 @!p2 s11, $0x6  }
0xbc: {  	s11 =	sadd.s32 @!p2 $0x80, s11  }
0xbd: {  	s21 =	simm.s32 @!p2 $0x0;
	s12 =	sshrl.u32 @!p2 s11, $0x3  }
0xbe: {  	s22 =	simm.s32 @!p2 $0x18A00;
	s11 =	sshll.u32 @!p2 s11, $0x4;
	s12 =	sadd.s32 @!p2 s5, s12  }
0xbf: {  	[tilespmem:s22], [sflag:$0x1] =	stream.linear.gather @!p2 [hbm4b:s12+s21], $0x40, $0x38;
	[tilespmem:$0x1B780] =	vst v63  }
0xc0: {  	s11 =	sadd.s32 @!p2 s4, s11;
	s12 =	simm.s32 @!p2 $0x14A00  }
0xc1: {  	[tilespmem:s12], [sflag:$0x1] =	stream.linear.gather @!p2 [hbm4b:s11+s21], $0x2000, $0x38;
	[tilespmem:$0x1B780] =	vst v63  }
0xc2: {  	_ =	swait.ge [sflag:s18], $0x40  }
0xc3: {  	[sflag:s18] =	ssyncset.done $0x0  }
0xc4: {  	[sflag:s18] =	ssyncadd.s32 $0xFFFFFFC0  }
0xc5: {  	_ =	swait.ge [sflag:s18], $0x2000  }
0xc6: {  	[sflag:s18] =	ssyncset.done $0x0  }
0xc7: {  	[sflag:s18] =	ssyncadd.s32 $0xFFFFE000  }
0xc8: {  	v1 =	vld [tilespmem:$0x18A80];
	_ =	sdelay $0x2  }
0xc9: {  	v2 =	vld [tilespmem:$0x18AB0];
	_ =	sdelay $0x1  }
0xca: {  	(v2sf) =	vpush v1, $0x0;
	_ =	sdelay $0x2  }
0xcb: {  	(v2sf) =	vpush v2, $0xF;
	_ =	sdelay $0xb  }
0xcc: {  	s23 =	spop (v2sf)  }
0xcd: {  	s21 =	sshra.s32 s23, $0x1F;
	s22 =	sand.u32 $0x1FF, s23  }
0xce: {  	p3 =	slt.s32 s23, $0x1;
	s12 =	sshrl.u32 s21, $0x17;
	p4 =	sne.s32 s22, $0x0  }
0xcf: {  	s11 =	sadd.s32 s12, s23;
	p3 =	por !p3, !p4;
	s12 =	spop (v2sf)  }
0xd0: {  	s22 =	sshra.s32 s11, $0x9;
	p3 =	por !p3, !p3;
	s23 =	sand.u32 $0x1FF, s12  }
0xd1: {  	s21 =	sshra.s32 s12, $0x1F;
	p6 =	slt.s32 s12, $0x1;
	p5 =	sne.s32 s23, $0x0  }
0xd2: {  	s23 =	simm.s32 $0x1;
	s21 =	sshrl.u32 s21, $0x17;
	p4 =	por !p6, !p5  }
0xd3: {  	s11 =	sadd.s32 s21, s12;
	s12 =	simm.s32 $0x1;
	p4 =	por !p4, !p4  }
0xd4: {  	s23 =	simm.s32 @!p3 $0x0;
	s11 =	sshra.s32 s11, $0x9;
	s12 =	simm.s32 @!p4 $0x0  }
0xd5: {  	s23 =	ssub.s32 s22, s23;
	s12 =	ssub.s32 s11, s12  }
0xd6: {  	p5 =	sgt.s32 s23, s12  }
.Ltmp6:
0xd7: {  	_ = 	snop;
	(pc) =	sbr.rel @p5 .LBB2_12-.Ltmp6, $1  }
0xd8: {  	_ =	sdelay $0x3  }
0xd9: {  	v1 =	vld [tilespmem:$0x18AA0]  }
0xda: {  	v2 =	vld [tilespmem:$0x18AB0]  }
0xdb: {  	v3 =	vld [tilespmem:$0x18A80]  }
0xdc: {  	s12 =	sshll.u32 s23, $0x9;
	v4 =	vld [tilespmem:$0x18A90]  }
0xdd: {  	s21 =	sadd.s32 $0xFFFFFFF8, s12  }
0xde: {  	s12 =	simm.s32 $0xFFFFFFFF;
	v5 =	vmov s21  }
0xdf: {  	s12 =	simm.s32 @!p4 $0x0;
	v1 =	vsub.s32 v1, v5  }
0xe0: {  	s11 =	sadd.s32 s12, s11;
	s12 =	simm.s32 $0xFFFFFFFF;
	v2 =	vsub.s32 v2, v5;
	v3 =	vsub.s32 v3, v5;
	vm0 =	vgt.s32 v1, $0x0  }
0xe1: {  	s12 =	simm.s32 @!p3 $0x0;
	s11 =	ssub.s32 s11, s22;
	v4 =	vsub.s32 v4, v5;
	vm14 =	vgt.s32 v2, $0x0;
	v1 =	vnsel vm0, $0x0, v1  }
0xe2: {  	s11 =	ssub.s32 s11, s12;
	vm1 =	vgt.s32 v3, $0x0;
	v2 =	vnsel vm14, $0x0, v2;
	v1 =	vmin.u32 v1, $0x208  }
0xe3: {  	s23 =	smul.u32 $0x42000, s23;
	vm15 =	vgt.s32 v4, $0x0;
	s11 =	sadd.s32 $0x1, s11;
	v3 =	vnsel vm1, $0x0, v3;
	v2 =	vmin.u32 v2, $0x208;
	[tilespmem:$0x18B20] =	vst v1  }
0xe4: {  	p3 =	sne.s32 s11, $0x1;
	v1 =	vmin.u32 v3, $0x208;
	v3 =	vnsel vm15, $0x0, v4;
	[tilespmem:$0x18B30] =	vst v2  }
.Ltmp7:
0xe5: {  	s23 =	sshra.s32 s23, $0x2;
	[tilespmem:$0x18B00] =	vst v1;
	v1 =	vmin.u32 v3, $0x208;
	(pc) =	sbr.rel @!p3 .LBB2_11-.Ltmp7, $4  }
0xe6: {  	s22 =	sadd.s32 s23, s1;
	[tilespmem:$0x18B10] =	vst v1  }
0xe7: {  	[spmem:s22] =	stream.indirect.scatter.add.f32 [tilespmem:s16], [sflag:$0x3], $0x80, s13, s7, $0xb8;
	[tilespmem:$0x1B780] =	vst v63  }
0xe8: {  	_ =	swait.ge [sflag:s2], $0x2000  }
0xe9: {  	s23 =	sadd.s32 $0xFFFFFFFF, s11;
	[sflag:s2] =	ssyncset.done $0x0  }
.LBB2_10:
0xea: {  	[sflag:s2] =	ssyncadd.s32 $0xFFFFE000;
	s21 =	sadd.s32 $0x200, s21;
	s22 =	sadd.s32 $0x10800, s22  }
0xeb: {  	p3 =	sne.s32 s23, $0x1;
	s23 =	sadd.s32 $0xFFFFFFFF, s23;
	v1 =	vld [tilespmem:$0x18AA0]  }
0xec: {  	v2 =	vld [tilespmem:$0x18AB0]  }
0xed: {  	v3 =	vld [tilespmem:$0x18A80];
	_ =	sdelay $0x1  }
0xee: {  	v4 =	vmov s21;
	v5 =	vld [tilespmem:$0x18A90]  }
0xef: {  	v1 =	vsub.s32 v1, v4  }
0xf0: {  	vm0 =	vgt.s32 v1, $0x0;
	v2 =	vsub.s32 v2, v4  }
0xf1: {  	v3 =	vsub.s32 v3, v4;
	v1 =	vnsel vm0, $0x0, v1;
	vm0 =	vgt.s32 v2, $0x0  }
0xf2: {  	vm1 =	vgt.s32 v3, $0x0;
	v1 =	vmin.u32 v1, $0x208;
	v2 =	vnsel vm0, $0x0, v2  }
0xf3: {  	v3 =	vnsel vm1, $0x0, v3;
	v4 =	vsub.s32 v5, v4;
	v2 =	vmin.u32 v2, $0x208  }
0xf4: {  	v3 =	vmin.u32 v3, $0x208;
	vm0 =	vgt.s32 v4, $0x0;
	[tilespmem:$0x18B20] =	vst v1  }
0xf5: {  	v1 =	vnsel vm0, $0x0, v4;
	[tilespmem:$0x18B30] =	vst v2  }
.Ltmp8:
0xf6: {  	[tilespmem:$0x18B00] =	vst v3;
	v1 =	vmin.u32 v1, $0x208;
	(pc) =	sbr.rel @p3 .LBB2_10-.Ltmp8, $4  }
0xf7: {  	[tilespmem:$0x18B10] =	vst v1  }
0xf8: {  	[spmem:s22] =	stream.indirect.scatter.add.f32 [tilespmem:s16], [sflag:$0x3], $0x80, s13, s7, $0xb8;
	[tilespmem:$0x1B780] =	vst v63  }
0xf9: {  	_ =	swait.ge [sflag:s2], $0x2000  }
0xfa: {  	[sflag:s2] =	ssyncset.done $0x0  }
.LBB2_11:
0xfb: {  	[sflag:s2] =	ssyncadd.s32 $0xFFFFE000  }
.LBB2_12:
.Ltmp9:
0xfc: {  	(pc) =	sbr.rel @p2 .LBB2_14-.Ltmp9, $1  }
0xfd: {  	_ =	sdelay $0x3  }
0xfe: {  	s11 =	sadd.s32 s20, s31  }
0xff: {  	s11 =	sshll.u32 s11, $0x6  }
0x100: {  	s11 =	sadd.s32 $0x80, s11  }
.Ltmp10:
0x101: {  	s12 =	sshrl.u32 s11, $0x3;
	(pc) =	sbr.rel .LBB2_4-.Ltmp10, $4  }
0x102: {  	s11 =	sshll.u32 s11, $0x4;
	s12 =	sadd.s32 s5, s12  }
0x103: {  	[tilespmem:s15], [sflag:$0x2] =	stream.linear.gather [hbm4b:s12+s3], $0x40, $0x38;
	[tilespmem:$0x1B780] =	vst v63  }
0x104: {  	s10 =	sadd.s32 $0x1, s10;
	s11 =	sadd.s32 s4, s11  }
0x105: {  	[tilespmem:s16], [sflag:$0x2] =	stream.linear.gather [hbm4b:s11+s3], $0x2000, $0x38;
	[tilespmem:$0x1B780] =	vst v63  }
.LBB2_14:
0x106: {  	s10 =	simm.s32 @!p1 $0x0;
	s11 =	simm.s32 @!p1 $0x18A00;
	s12 =	rddreg [dreg:$0xa]  }
0x107: {  	[tilespmem:s11], [sflag:$0x1] =	stream.linear.gather @!p1 [hbm4b:s12+s10], $0x40, $0x38;
	[tilespmem:$0x1B780] =	vst v63  }
0x108: {  	s11 =	simm.s32 @!p1 $0x14A00;
	s12 =	rddreg [dreg:$0xb]  }
0x109: {  	[tilespmem:s11], [sflag:$0x1] =	stream.linear.gather @!p1 [hbm4b:s12+s10], $0x2000, $0x38;
	[tilespmem:$0x1B780] =	vst v63  }
0x10a: {  	s10 =	simm.s32 @!p1 $0x1  }
0x10b: {  	_ =	swait.ge @!p1 [sflag:s10], $0x40  }
0x10c: {  	[sflag:s10] =	ssyncset.done @!p1 $0x0  }
0x10d: {  	[sflag:s10] =	ssyncadd.s32 @!p1 $0xFFFFFFC0  }
0x10e: {  	_ =	swait.ge @!p1 [sflag:s10], $0x2000  }
0x10f: {  	[sflag:s10] =	ssyncset.done @!p1 $0x0  }
0x110: {  	[sflag:s10] =	ssyncadd.s32 @!p1 $0xFFFFE000  }
0x111: {  	v1 =	vld @!p1 [tilespmem:$0x18A00];
	_ =	sdelay $0x3  }
0x112: {  	v2 =	vld @!p1 [tilespmem:$0x18A30]  }
0x113: {  	(v2sf) =	vpush @!p1 v1, $0x0;
	_ =	sdelay $0x3  }
0x114: {  	(v2sf) =	vpush @!p1 v2, $0xF;
	_ =	sdelay $0xa  }
0x115: {  	s11 =	spop @!p1 (v2sf)  }
0x116: {  	s12 =	sshra.s32 @!p1 s11, $0x1F  }
0x117: {  	s12 =	sshrl.u32 @!p1 s12, $0x17  }
0x118: {  	s12 =	sadd.s32 @!p1 s12, s11  }
0x119: {  	s21 =	spop @!p1 (v2sf);
	s20 =	sshra.s32 @!p1 s12, $0x9;
	s12 =	sand.u32 @!p1 $0x1FF, s11  }
0x11a: {  	p2 =	slt.s32 @!p1 s11, $0x1;
	s11 =	sand.u32 @!p1 $0x1FF, s21;
	p3 =	sne.s32 @!p1 s12, $0x0  }
0x11b: {  	p4 =	sne.s32 @!p1 s11, $0x0;
	p2 =	por @!p1 !p2, !p3;
	p3 =	slt.s32 @!p1 s21, $0x1  }
0x11c: {  	s11 =	sshra.s32 @!p1 s21, $0x1F;
	s12 =	simm.s32 @!p1 $0x1;
	p3 =	por @!p1 !p3, !p4  }
0x11d: {  	s11 =	sshrl.u32 @!p1 s11, $0x17;
	p2 =	por @!p1 !p2, !p2;
	p3 =	por @!p1 !p3, !p3  }
0x11e: {  	s11 =	sadd.s32 @!p1 s11, s21;
	p2 =	por !p2, p1;
	p3 =	por !p3, p1  }
0x11f: {  	s22 =	sshra.s32 @!p1 s11, $0x9;
	s12 =	simm.s32 @p2 $0x0;
	s10 =	simm.s32 @p3 $0x0  }
0x120: {  	s21 =	ssub.s32 @!p1 s20, s12;
	s10 =	ssub.s32 @!p1 s22, s10  }
0x121: {  	p4 =	sgt.s32 @!p1 s21, s10  }
0x122: {  	p4 =	por p1, p4  }
.Ltmp11:
0x123: {  	_ = 	snop;
	(pc) =	sbr.rel @p4 .LBB2_18-.Ltmp11, $1  }
0x124: {  	_ =	sdelay $0x3  }
0x125: {  	v1 =	vld [tilespmem:$0x18A20]  }
0x126: {  	v2 =	vld [tilespmem:$0x18A30]  }
0x127: {  	v3 =	vld [tilespmem:$0x18A00]  }
0x128: {  	s10 =	sshll.u32 s21, $0x9;
	v4 =	vld [tilespmem:$0x18A10]  }
0x129: {  	s10 =	sadd.s32 $0xFFFFFFF8, s10  }
0x12a: {  	s11 =	simm.s32 @!p1 $0xFFFFFFFF;
	v5 =	vmov s10  }
0x12b: {  	s11 =	simm.s32 @p3 $0x0;
	v1 =	vsub.s32 v1, v5  }
0x12c: {  	s12 =	simm.s32 @!p1 $0xFFFFFFFF;
	s11 =	sadd.s32 s11, s22;
	v2 =	vsub.s32 v2, v5;
	v3 =	vsub.s32 v3, v5;
	vm0 =	vgt.s32 v1, $0x0  }
0x12d: {  	s12 =	simm.s32 @p2 $0x0;
	s11 =	ssub.s32 s11, s20;
	v4 =	vsub.s32 v4, v5;
	vm14 =	vgt.s32 v2, $0x0;
	v1 =	vnsel vm0, $0x0, v1  }
0x12e: {  	s11 =	ssub.s32 s11, s12;
	vm1 =	vgt.s32 v3, $0x0;
	v2 =	vnsel vm14, $0x0, v2;
	v1 =	vmin.u32 v1, $0x208  }
0x12f: {  	s22 =	smul.u32 $0x42000, s21;
	s11 =	sadd.s32 $0x1, s11;
	vm15 =	vgt.s32 v4, $0x0;
	v3 =	vnsel vm1, $0x0, v3;
	v2 =	vmin.u32 v2, $0x208;
	[tilespmem:$0x18B20] =	vst v1  }
0x130: {  	p2 =	sne.s32 s11, $0x1;
	v1 =	vmin.u32 v3, $0x208;
	v3 =	vnsel vm15, $0x0, v4;
	[tilespmem:$0x18B30] =	vst v2  }
.Ltmp12:
0x131: {  	s23 =	sshra.s32 s22, $0x2;
	[tilespmem:$0x18B00] =	vst v1;
	v1 =	vmin.u32 v3, $0x208;
	(pc) =	sbr.rel @!p2 .LBB2_17-.Ltmp12, $4  }
0x132: {  	s20 =	sadd.s32 s23, s1;
	[tilespmem:$0x18B10] =	vst v1  }
0x133: {  	[spmem:s20] =	stream.indirect.scatter.add.f32 [tilespmem:s8], [sflag:$0x3], $0x80, s13, s7, $0xb8;
	[tilespmem:$0x1B780] =	vst v63  }
0x134: {  	_ =	swait.ge [sflag:s2], $0x2000  }
0x135: {  	s21 =	sadd.s32 $0xFFFFFFFF, s11;
	[sflag:s2] =	ssyncset.done $0x0  }
.LBB2_16:
0x136: {  	[sflag:s2] =	ssyncadd.s32 $0xFFFFE000;
	s10 =	sadd.s32 $0x200, s10;
	s20 =	sadd.s32 $0x10800, s20  }
0x137: {  	p2 =	sne.s32 s21, $0x1;
	s21 =	sadd.s32 $0xFFFFFFFF, s21;
	v1 =	vld [tilespmem:$0x18A20]  }
0x138: {  	v2 =	vld [tilespmem:$0x18A30]  }
0x139: {  	v3 =	vld [tilespmem:$0x18A00];
	_ =	sdelay $0x1  }
0x13a: {  	v4 =	vmov s10;
	v5 =	vld [tilespmem:$0x18A10]  }
0x13b: {  	v1 =	vsub.s32 v1, v4  }
0x13c: {  	vm0 =	vgt.s32 v1, $0x0;
	v2 =	vsub.s32 v2, v4  }
0x13d: {  	v3 =	vsub.s32 v3, v4;
	v1 =	vnsel vm0, $0x0, v1;
	vm0 =	vgt.s32 v2, $0x0  }
0x13e: {  	vm1 =	vgt.s32 v3, $0x0;
	v1 =	vmin.u32 v1, $0x208;
	v2 =	vnsel vm0, $0x0, v2  }
0x13f: {  	v3 =	vnsel vm1, $0x0, v3;
	v4 =	vsub.s32 v5, v4;
	v2 =	vmin.u32 v2, $0x208  }
0x140: {  	v3 =	vmin.u32 v3, $0x208;
	vm0 =	vgt.s32 v4, $0x0;
	[tilespmem:$0x18B20] =	vst v1  }
0x141: {  	v1 =	vnsel vm0, $0x0, v4;
	[tilespmem:$0x18B30] =	vst v2  }
.Ltmp13:
0x142: {  	[tilespmem:$0x18B00] =	vst v3;
	v1 =	vmin.u32 v1, $0x208;
	(pc) =	sbr.rel @p2 .LBB2_16-.Ltmp13, $4  }
0x143: {  	[tilespmem:$0x18B10] =	vst v1  }
0x144: {  	[spmem:s20] =	stream.indirect.scatter.add.f32 [tilespmem:s8], [sflag:$0x3], $0x80, s13, s7, $0xb8;
	[tilespmem:$0x1B780] =	vst v63  }
0x145: {  	_ =	swait.ge [sflag:s2], $0x2000  }
0x146: {  	[sflag:s2] =	ssyncset.done $0x0  }
.Ltmp14:
0x147: {  	_ = 	snop;
	(pc) =	sbr.rel .LBB2_17-.Ltmp14, $1  }
0x148: {  	_ =	sdelay $0x3  }
.LBB2_19:
0x149: {  	_ =	sfence.sel $0x180000  }
0x14a: {  	[bflag:$0x0] =	sbarrier.arrive $0xFFFF  }
0x14b: {  	_ =	strace $0x90000050  }
0x14c: {  	s0 =	stileid.u32;
	[bflag:$0x2] =	sbarrier.arrive $0xFFFF  }
0x14d: {  	p0 =	sne.s32 s0, $0x0;
	s0 =	rddreg [dreg:$0x2]  }
0x14e: {  	s0 =	sadd.s32 @!p0 $0x100000, s0  }
0x14f: {  	[sflag:s0] =	ssyncadd.tile.s32 @!p0 $0x1;
	_ =	shalt  }
.Lfunc_end2:
_tile_overlayer_lowered:
.L_overlay_start_2:
0x150: {  	(tag) =	ssettag $0x2  }
0x151: {  	s0 =	rddreg [dreg:$0x0];
	s2 =	stileid.u32  }
0x152: {  	s1 =	rddreg [dreg:$0x1];
	p0 =	sne.s32 s2, $0x0  }
0x153: {  	s3 =	rddreg [dreg:$0x2];
	[bflag:$0x3] =	sbarrier.arrive $0xFFFF;
	s2 =	simm.s32 @!p0 $0x1C03  }
0x154: {  	[timem:s3], [sflag:s2] =	dma.local @!p0 [hbm:s0], s1  }
0x155: {  	s0 =	simm.s32 @!p0 $0x3  }
0x156: {  	_ =	swait.ge @!p0 [sflag:s0], s1  }
0x157: {  	s1 =	ssub.s32 @!p0 $0x0, s1;
	[sflag:s0] =	ssyncset.done @!p0 $0x0  }
0x158: {  	[sflag:s0] =	ssyncadd.s32 @!p0 s1  }
0x159: {  	[bflag:$0x3] =	sbarrier.arrive $0xFFFF  }
0x15a: {  	_ =	shalt  }

// kernel: kernel.19.cloned.1.call-start
scs
__scs_entry_jumppad:
0x0: {  	(pc) =	sbr.rel $0x88, $3  }
0x1: {  	(tag) =	ssettag $0x0;
	lr =	simm.s32 $0x1  }
0x2: {  	[smem:$0x3F98] =	sst lr;
	_ =	strace $0xD0000000  }
0x3: {  	_ = 	snop  }
0x4: {  	_ = 	snop  }
0x5: {  	_ = 	snop  }
0x6: {  	_ = 	snop  }
0x7: {  	_ = 	snop  }
__scs_overlays_trampoline_lowered:
0x8: {  	[smem:$0x3FA7] =	sst s0  }
0x9: {  	[smem:$0x3FA8] =	sst s1  }
0xa: {  	[smem:$0x3FA9] =	sst s2  }
0xb: {  	[smem:$0x3FAA] =	sst s3  }
0xc: {  	[smem:$0x3FAB] =	sst s4  }
0xd: {  	[smem:$0x3FAC] =	sst s5  }
0xe: {  	[smem:$0x3FAD] =	sst s6  }
0xf: {  	[smem:$0x3FAE] =	sst s7  }
0x10: {  	[smem:$0x3FAF] =	sst s8  }
0x11: {  	[smem:$0x3FB0] =	sst s9;
	s0 =	simm.s32 @!p0 $0x0  }
0x12: {  	s1 =	sld [smem:$0x3F96];
	s0 =	simm.s32 @p0 $0x1  }
0x13: {  	[smem:$0x3FB1] =	sst s0;
	s0 =	simm.s32 @!p1 $0x0  }
0x14: {  	s2 =	sld [smem:$0x3F95];
	s0 =	simm.s32 @p1 $0x1  }
0x15: {  	[smem:$0x3FB2] =	sst s0;
	s0 =	simm.s32 @!p2 $0x0  }
0x16: {  	s3 =	sld [smem:$0x3FDB];
	s0 =	simm.s32 @p2 $0x1  }
0x17: {  	s4 =	simm.s32 $0x1BF5;
	[smem:$0x3FB4] =	sst s0  }
0x18: {  	s0 =	sld [smem:$0x3F97];
	_ =	swait.ge [sflag:s4], $0x0  }
0x19: {  	s7 =	sld [smem:$0x3F98]  }
0x1a: {  	s8 =	sadd.s32 $0xFFFFE003, lr  }
0x1b: {  	s9 =	sadd.s32 $0xFFFFFEF7, lr;
	s5 =	simm.s32 $0xFFFFFFFF;
	p2 =	slt.u32 s8, $0xFFFFF086  }
0x1c: {  	p1 =	slt.u32 s9, $0xF7A;
	s5 =	simm.s32 @!p2 $0x0  }
0x1d: {  	s5 =	simm.s32 @p1 $0x1;
	p0 =	seq.s32 s7, s2  }
0x1e: {  	s7 =	smul.u32 @!p0 $0xF7A, s2;
	p2 =	seq.s32 @!p0 s5, $0x0  }
0x1f: {  	s9 =	smul.u32 $0xF7A, s1;
	s8 =	simm.s32 @!p0 $0x1BF5;
	p2 =	por !p2, p0  }
0x20: {  	[sflag:s8] =	ssyncset.s32 @!p0 $0xFFFFF086;
	s6 =	sadd.s32 @!p0 s3, s7;
	s7 =	simm.s32 @!p0 $0x108  }
0x21: {  	s3 =	sadd.s32 s3, s9;
	s6 =	sadd.s32 @!p0 $0x88, s6;
	s7 =	simm.s32 @p2 $0x1082  }
0x22: {  	[simem:s7], [sflag:s8] =	dma.local @!p0 [hbm:s6], $0xF7A  }
0x23: {  	s9 =	sor.u32 $0xD0000000, s2;
	s6 =	simm.s32 $0x108;
	_ =	swait.ge @!p0 [sflag:s8], $0x0  }
0x24: {  	s3 =	sadd.s32 $0x88, s3;
	s6 =	simm.s32 @!p1 $0x1082;
	[sflag:s4] =	ssyncset.s32 $0xFFFFF086  }
0x25: {  	[simem:s6], [sflag:s4] =	dma.local [hbm:s3], $0xF7A  }
0x26: {  	[smem:$0x3F98] =	sst s1;
	(tag) =	ssettag s2;
	_ =	strace s9  }
0x27: {  	s1 =	sld [smem:$0x3FA8]  }
0x28: {  	s2 =	sld [smem:$0x3FA9]  }
0x29: {  	s4 =	sld [smem:$0x3FAB]  }
0x2a: {  	p0 =	seq.s32 s5, $0x0;
	s5 =	sld [smem:$0x3FAC]  }
0x2b: {  	s6 =	sld [smem:$0x3FAD]  }
0x2c: {  	s7 =	sld [smem:$0x3FAE]  }
0x2d: {  	s3 =	simm.s32 $0x108;
	s8 =	sld [smem:$0x3FAF]  }
0x2e: {  	s3 =	simm.s32 @!p0 $0x1082;
	s9 =	sld [smem:$0x3FB0]  }
0x2f: {  	lr =	sadd.s32 s0, s3;
	s0 =	sld [smem:$0x3FA7]  }
0x30: {  	s3 =	sld [smem:$0x3FAA]  }
0x31: {  	[smem:$0x3FB3] =	sst s10  }
0x32: {  	s10 =	sld [smem:$0x3FB1];
	_ =	sdelay $0x3  }
0x33: {  	p0 =	seq.s32 s10, $0x1;
	s10 =	sld [smem:$0x3FB3];
	_ =	sdelay $0x3  }
0x34: {  	[smem:$0x3FB3] =	sst s10  }
0x35: {  	s10 =	sld [smem:$0x3FB2];
	_ =	sdelay $0x3  }
0x36: {  	p1 =	seq.s32 s10, $0x1;
	s10 =	sld [smem:$0x3FB3];
	_ =	sdelay $0x3  }
0x37: {  	[smem:$0x3FB3] =	sst s10  }
0x38: {  	s10 =	sld [smem:$0x3FB4]  }
0x39: {  	_ = 	snop;
	(pc) =	sbr.ind lr, $3  }
0x3a: {  	_ = 	snop  }
0x3b: {  	_ = 	snop  }
0x3c: {  	p2 =	seq.s32 s10, $0x1;
	s10 =	sld [smem:$0x3FB3]  }
0x3d: {  	_ =	shalt  }
0x3e: {  	_ =	shalt  }
0x3f: {  	_ =	shalt  }
0x40: {  	_ =	shalt  }
0x41: {  	_ =	shalt  }
0x42: {  	_ =	shalt  }
0x43: {  	_ =	shalt  }
0x44: {  	_ =	shalt  }
0x45: {  	_ =	shalt  }
0x46: {  	_ =	shalt  }
0x47: {  	_ =	shalt  }
0x48: {  	_ =	shalt  }
0x49: {  	_ =	shalt  }
0x4a: {  	_ =	shalt  }
0x4b: {  	_ =	shalt  }
0x4c: {  	_ =	shalt  }
0x4d: {  	_ =	shalt  }
0x4e: {  	_ =	shalt  }
0x4f: {  	_ =	shalt  }
0x50: {  	_ =	shalt  }
0x51: {  	_ =	shalt  }
0x52: {  	_ =	shalt  }
0x53: {  	_ =	shalt  }
0x54: {  	_ =	shalt  }
0x55: {  	_ =	shalt  }
0x56: {  	_ =	shalt  }
0x57: {  	_ =	shalt  }
0x58: {  	_ =	shalt  }
0x59: {  	_ =	shalt  }
0x5a: {  	_ =	shalt  }
0x5b: {  	_ =	shalt  }
0x5c: {  	_ =	shalt  }
0x5d: {  	_ =	shalt  }
0x5e: {  	_ =	shalt  }
0x5f: {  	_ =	shalt  }
0x60: {  	_ =	shalt  }
0x61: {  	_ =	shalt  }
0x62: {  	_ =	shalt  }
0x63: {  	_ =	shalt  }
0x64: {  	_ =	shalt  }
0x65: {  	_ =	shalt  }
0x66: {  	_ =	shalt  }
0x67: {  	_ =	shalt  }
0x68: {  	_ =	shalt  }
0x69: {  	_ =	shalt  }
0x6a: {  	_ =	shalt  }
0x6b: {  	_ =	shalt  }
0x6c: {  	_ =	shalt  }
0x6d: {  	_ =	shalt  }
0x6e: {  	_ =	shalt  }
0x6f: {  	_ =	shalt  }
0x70: {  	_ =	shalt  }
0x71: {  	_ =	shalt  }
0x72: {  	_ =	shalt  }
0x73: {  	_ =	shalt  }
0x74: {  	_ =	shalt  }
0x75: {  	_ =	shalt  }
0x76: {  	_ =	shalt  }
0x77: {  	_ =	shalt  }
0x78: {  	_ =	shalt  }
0x79: {  	_ =	shalt  }
0x7a: {  	_ =	shalt  }
0x7b: {  	_ =	shalt  }
0x7c: {  	_ =	shalt  }
0x7d: {  	_ =	shalt  }
0x7e: {  	_ =	shalt  }
0x7f: {  	_ =	shalt  }
0x80: {  	_ =	shalt  }
0x81: {  	_ =	shalt  }
0x82: {  	_ =	shalt  }
0x83: {  	_ =	shalt  }
0x84: {  	_ =	shalt  }
0x85: {  	_ =	shalt  }
0x86: {  	_ =	shalt  }
0x87: {  	_ =	shalt  }
.Lfunc_end0:
.L_simem_size_0:
called_computation.3_lowered:
.L_overlay_start_0:
0x88: {  	s2 =	sld [smem:$0x3FD9]  }
0x89: {  	s3 =	sld [smem:$0x3FFE];
	_ =	sdelay $0x1  }
0x8a: {  	s1 =	srdreg.scid  }
0x8b: {  	s0 =	sand.u32 $0x1, s1  }
0x8c: {  	s17 =	sshll.u32 s0, $0xA;
	s2 =	sadd.s32 s3, s2  }
0x8d: {  	s2 =	sadd.s32 s2, s17  }
0x8e: {  	[smem:$0x3FBF] =	sst s2  }
0x8f: {  	_ = 	snop  }
0x90: {  	(tm) =	ssettm $0x1  }
0x91: {  	s18 =	sld [smem:$0x3FFB];
	_ =	sdelay $0x3  }
0x92: {  	_ =	strace s18  }
0x93: {  	s2 =	sld [smem:$0x3FFC];
	_ =	sdelay $0x3  }
0x94: {  	_ =	strace s2  }
0x95: {  	s2 =	sld [smem:$0x3FFD];
	_ =	sdelay $0x3  }
0x96: {  	_ =	strace s2  }
0x97: {  	_ =	strace $0x8FFFFFFF  }
0x98: {  	s19 =	sld [smem:$0x3FDB];
	_ =	sdelay $0x1  }
0x99: {  	s20 =	simm.s32 $_scs_section_size  }
0x9a: {  	s4 =	simm.s32 $_size__tile_overlayer_lowered;
	s5 =	simm.s32 $_tile_overlayer_lowered  }
0x9b: {  	s6 =	simm.s32 $0x1BFF;
	s21 =	sshll.u32 s5, $0x1;
	s3 =	sadd.s32 s20, s19  }
0x9c: {  	s22 =	simm.s32 $0x0;
	s4 =	sshll.u32 s4, $0x1;
	s5 =	sadd.s32 s21, s3  }
0x9d: {  	[timem:s22], [sflag:s6] =	dma.local [hbm:s5], s4  }
0x9e: {  	_ =	swait.ge [sflag:s6], s4  }
0x9f: {  	s4 =	ssub.s32 $0x0, s4;
	[sflag:s6] =	ssyncset.done $0x0  }
0xa0: {  	[sflag:s6] =	ssyncadd.s32 s4;
	_ =	sdelay $0x1  }
0xa1: {  	s23 =	simm.s32 $0x1B8B  }
0xa2: {  	_ =	swait.ge [sflag:s23], $0x1  }
0xa3: {  	[sflag:s23] =	ssyncset.done $0x0  }
0xa4: {  	[sflag:s23] =	ssyncadd.s32 $0xFFFFFFFF  }
0xa5: {  	s4 =	sld [smem:$0x0]  }
0xa6: {  	s5 =	sand.u32 $0xFFFFFFFE, s1  }
0xa7: {  	p0 =	sne.s32 s1, s5  }
0xa8: {  	s5 =	sshll.u32 @p0 s5, $0xE  }
0xa9: {  	s5 =	sadd.s32 @p0 $0x11B8D, s5;
	s6 =	sshll.u32 @p0 s4, $0x11  }
0xaa: {  	s5 =	sor.u32 @p0 s6, s5  }
0xab: {  	[sflag:s5] =	ssyncadd.remote.s32 @p0 $0x1;
	_ =	sdelay $0x1  }
0xac: {  	s5 =	simm.s32 @p0 $0x1B8D  }
0xad: {  	_ =	swait.eq @p0 [sflag:s5], $0x1  }
0xae: {  	[sflag:s5] =	ssyncadd.s32 @p0 $0xFFFFFFFF  }
0xaf: {  	s6 =	sshll.u32 @!p0 s1, $0xE  }
0xb0: {  	s6 =	sor.u32 @!p0 $0x4000, s6;
	s5 =	simm.s32 @!p0 $0x1B8D  }
0xb1: {  	s4 =	sshll.u32 @!p0 s4, $0x11;
	s6 =	sadd.s32 @!p0 $0x11B8D, s6;
	_ =	swait.eq @!p0 [sflag:s5], $0x1  }
0xb2: {  	s4 =	sor.u32 @!p0 s4, s6;
	[sflag:s5] =	ssyncadd.s32 @!p0 $0xFFFFFFFF  }
0xb3: {  	s25 =	simm.s32 $0x1B8E;
	s24 =	sld [smem:$0x3FFE];
	[sflag:s4] =	ssyncadd.remote.s32 @!p0 $0x1  }
0xb4: {  	s26 =	simm.s32 $execute0_lowered;
	[smem:$0x3FD2] =	sst s25  }
0xb5: {  	s5 =	sshll.u32 s26, $0x1;
	_ =	strace $0x8000004C;
	[dreg:$0x1] =	wrdreg $0xFFFFFFFF  }
0xb6: {  	s28 =	simm.s32 $_size_execute0_lowered;
	s3 =	sadd.s32 s3, s5;
	[dreg:$0x0] =	wrdreg $0x0  }
0xb7: {  	s5 =	sshll.u32 s28, $0x1;
	[dreg:$0x2] =	wrdreg s3  }
0xb8: {  	[dreg:$0x3] =	wrdreg s5  }
0xb9: {  	[dreg:$0x4] =	wrdreg $0xC0  }
0xba: {  	_ =	task [dreg:s22], $0x5FFFF  }
0xbb: {  	[dreg:$0x1] =	wrdreg $0xFFFFFFFF  }
0xbc: {  	[dreg:$0x0] =	wrdreg $0x60  }
0xbd: {  	[dreg:$0x2] =	wrdreg s24  }
0xbe: {  	[dreg:$0x3] =	wrdreg $0x0  }
0xbf: {  	[dreg:$0x4] =	wrdreg $0xA  }
0xc0: {  	_ =	task.clear_ibuf [dreg:s22], $0x5FFFF;
	_ =	strace $0x9000004C  }
0xc1: {  	s29 =	simm.s32 $0xA;
	_ =	strace $0x8000004E  }
0xc2: {  	_ =	swait.ge [sflag:s29], $0x1  }
0xc3: {  	[sflag:s29] =	ssyncadd.s32 $0xFFFFFFFF  }
0xc4: {  	_ =	strace $0x9000004E  }
0xc5: {  	_ =	sfence  }
0xc6: {  	s30 =	sld [smem:$0x0];
	_ =	sdelay $0x2  }
0xc7: {  	s31 =	sshll.u32 s1, $0xD;
	s1 =	sshrl.u32 s1, $0x2  }
0xc8: {  	s4 =	sand.u32 $0x4000, s31;
	s1 =	sadd.s32 s1, s30  }
0xc9: {  	s0 =	sor.u32 s4, s0;
	s1 =	sshll.u32 s1, $0x11  }
0xca: {  	s0 =	sor.u32 s1, s0  }
0xcb: {  	s0 =	sadd.s32 $0x8F2B, s0  }
0xcc: {  	[sflag:s0] =	ssyncadd.remote.s32 $0x1  }
0xcd: {  	_ =	sfence.sel $0xFFFF  }
0xce: {  	[dreg:$0x0] =	wrdreg $0xFFFFFFFF;
	(pc) =	sbr.abs _section_cstart, $3  }
0xcf: {  	[dreg:$0x1] =	wrdreg $0xFFFFFFFF  }
0xd0: {  	_ =	task.clear_ibuf [dreg:s22], $0x2FFFF;
	_ =	strace $0x9FFFFFFF  }
0xd1: {  	(tm) =	ssettm $0x7FFFFFFF  }
tec
execute0_lowered:
.L_overlay_start_1:
0x0: {  	(tag) =	ssettag $0x1  }
0x1: {  	s0 =	rddreg [dreg:$0x0]  }
0x2: {  	s1 =	rddreg [dreg:$0x1];
	s3 =	simm.s32 $0x0;
	s2 =	srdreg.scid  }
0x3: {  	s12 =	stileid.u32;
	[smem:$0x7FF] =	sst s3  }
0x4: {  	s4 =	sadd.s32 $0xEE4400, s0;
	s2 =	sand.u32 $0x1, s2;
	s6 =	smul.u32 $0x42000, s12  }
0x5: {  	s5 =	sadd.s32 $0x3200, s0;
	s0 =	sadd.s32 $0x34400, s0;
	s9 =	sshll.u32 s12, $0x1  }
0x6: {  	s7 =	ssub.s32 $0x2, s2;
	s19 =	sor.u32 s2, s9;
	s2 =	smul.u32 $0x140000, s2  }
0x7: {  	s22 =	sor.u32 $0x10, s12;
	s23 =	sshll.u32 s12, $0x10;
	s9 =	smul.u32 $0x4E, s19  }
0x8: {  	p0 =	sgt.u32 s12, $0x3;
	p1 =	sgt.u32 s12, $0x1;
	s10 =	smul.u32 $0x1380, s19  }
0x9: {  	_ =	strace $0x8000004D;
	s26 =	sshll.u32 s22, $0x10;
	s11 =	smul.u32 $0x270, s19  }
0xa: {  	s8 =	sshrl.u32 s7, $0x1;
	s6 =	sshrl.u32 s6, $0x2;
	s13 =	smul.u32 $0x13800, s19  }
0xb: {  	s7 =	ssub.s32 s7, s8;
	s6 =	sadd.s32 s6, s1;
	s8 =	sshll.u32 s19, $0x6  }
0xc: {  	s15 =	sadd.s32 $0x2C00, s6;
	s20 =	sadd.s32 $0x108000, s6;
	s14 =	sadd.s32 $0x10D800, s6  }
0xd: {  	s16 =	sadd.s32 $0x8400, s6;
	s24 =	sadd.s32 $0x110400, s6;
	s17 =	sadd.s32 $0xDC00, s6  }
0xe: {  	s25 =	sadd.s32 $0x115C00, s6;
	s10 =	sor.u32 $0x40, s10;
	s11 =	sadd.s32 s5, s11  }
0xf: {  	s13 =	sadd.s32 s4, s13;
	s8 =	sor.u32 $0x27000, s8;
	s7 =	smax.u32 s7, $0x1  }
0x10: {  	s28 =	sadd.s32 $0x5800, s6;
	s29 =	sadd.s32 $0xB000, s6;
	[dreg:$0x3] =	wrdreg s20  }
0x11: {  	s30 =	sadd.s32 $0x113000, s6;
	s31 =	sor.u32 $0x1, s9;
	[dreg:$0x6] =	wrdreg s11  }
0x12: {  	s21 =	sshrl.u32 s10, $0x3;
	s10 =	sshll.u32 s10, $0x4;
	[dreg:$0x7] =	wrdreg s13  }
0x13: {  	s18 =	sshrl.u32 s8, $0x3;
	s8 =	sshll.u32 s8, $0x4;
	[dreg:$0xe] =	wrdreg s7  }
0x14: {  	[dreg:$0x4] =	wrdreg s15;
	s14 =	smov.u32 @p0 s15;
	s24 =	smov.u32 @p0 s16  }
0x15: {  	s25 =	smov.u32 @p0 s17;
	s15 =	simm.s32 $0x18A80;
	s7 =	simm.s32 $0x40  }
0x16: {  	s11 =	sadd.s32 s5, s21;
	s10 =	sadd.s32 s4, s10;
	s13 =	sadd.s32 s5, s18  }
0x17: {  	s8 =	sadd.s32 s4, s8;
	s21 =	sadd.s32 $0x400, s6;
	[dreg:$0x5] =	wrdreg s14  }
0x18: {  	s14 =	smov.u32 s16;
	s16 =	simm.s32 $0x16A00;
	[dreg:$0x8] =	wrdreg s11  }
0x19: {  	s18 =	simm.s32 $0x2;
	[dreg:$0x9] =	wrdreg s10;
	s11 =	sadd.s32 s2, s23  }
0x1a: {  	s2 =	sadd.s32 s2, s26;
	[dreg:$0xa] =	wrdreg s13;
	s10 =	smul.u32 $0x42000, s22  }
0x1b: {  	[dreg:$0xb] =	wrdreg s8;
	s26 =	smov.u32 s17;
	s23 =	sadd.s32 $0x10AC00, s6  }
0x1c: {  	s17 =	simm.s32 $0x1;
	s13 =	simm.s32 $0x18B00;
	s19 =	sshrl.u32 s11, $0x3  }
0x1d: {  	s2 =	sshrl.u32 s2, $0x3;
	[dreg:$0x11] =	wrdreg s23;
	s8 =	sadd.s32 s0, s19  }
.Ltmp0:
0x1e: {  	s20 =	sshrl.u32 s10, $0x2;
	s0 =	sadd.s32 s0, s2;
	(pc) =	sbr.rel .LBB2_1-.Ltmp0, $4  }
0x1f: {  	s19 =	simm.s32 $0x0;
	[dreg:$0xc] =	wrdreg s8;
	s22 =	sadd.s32 s20, s1  }
0x20: {  	[dreg:$0xd] =	wrdreg s0;
	s0 =	sshrl.u32 s21, $0x3;
	s2 =	sadd.s32 $0x400, s22  }
0x21: {  	s8 =	simm.s32 $0x14A00;
	[dreg:$0xf] =	wrdreg s0;
	s0 =	sshrl.u32 @!p0 s2, $0x3  }
0x22: {  	v0 =	vimm.f32 $0.0e+00;
	s2 =	simm.s32 $0x3;
	[dreg:$0x10] =	wrdreg s0;
	s0 =	simm.s32 $0x18B80  }
.LBB2_17:
0x23: {  	[sflag:s2] =	ssyncadd.s32 $0xFFFFE000  }
.LBB2_18:
0x24: {  	s10 =	stileid.u32;
	[bflag:$0x0] =	sbarrier.arrive $0xFFFF  }
0x25: {  	s10 =	sshll.u32 s10, $0x6;
	s11 =	rddreg [dreg:$0xc]  }
0x26: {  	s12 =	rddreg [dreg:$0xf];
	s10 =	sor.u32 $0x1C03, s10  }
0x27: {  	[hbm:s11], [sflag:s10] =	dma.local [spmem:s12], $0x2000  }
0x28: {  	_ =	swait.ge [sflag:s2], $0x2000  }
0x29: {  	[sflag:s2] =	ssyncset.done $0x0;
	s11 =	rddreg [dreg:$0xd]  }
0x2a: {  	s12 =	rddreg [dreg:$0x10];
	[sflag:s2] =	ssyncadd.s32 $0xFFFFE000  }
0x2b: {  	[hbm:s11], [sflag:s10] =	dma.local @!p0 [spmem:s12], $0x2000  }
0x2c: {  	s10 =	simm.s32 @!p0 $0x3  }
0x2d: {  	_ =	swait.ge @!p0 [sflag:s10], $0x2000  }
0x2e: {  	s19 =	sadd.s32 $0x1, s19;
	s23 =	rddreg [dreg:$0xe]  }
0x2f: {  	p2 =	sne.s32 s19, s23  }
.Ltmp1:
0x30: {  	_ = 	snop;
	(pc) =	sbr.rel @!p2 .LBB2_19-.Ltmp1, $3  }
0x31: {  	_ =	sdelay $0x1  }
0x32: {  	[sflag:s10] =	ssyncset.done @!p0 $0x0  }
0x33: {  	[sflag:s10] =	ssyncadd.s32 @!p0 $0xFFFFE000  }
.LBB2_1:
0x34: {  	s10 =	simm.s32 $0x0;
	s11 =	simm.s32 $0x200  }
.LBB2_2:
0x35: {  	p2 =	sne.s32 s11, $0xAE00;
	[tilespmem:s10+$0x18BF0] =	vst v0  }
0x36: {  	[tilespmem:s10+$0x18B80] =	vst v0  }
0x37: {  	[tilespmem:s10+$0x18B90] =	vst v0  }
.Ltmp2:
0x38: {  	[tilespmem:s10+$0x18BA0] =	vst v0;
	(pc) =	sbr.rel @p2 .LBB2_2-.Ltmp2, $4  }
0x39: {  	[tilespmem:s10+$0x18BB0] =	vst v0  }
0x3a: {  	[tilespmem:s10+$0x18BC0] =	vst v0  }
0x3b: {  	[tilespmem:s10+$0x18BD0] =	vst v0  }
0x3c: {  	[tilespmem:s10+$0x18BE0] =	vst v0;
	s10 =	sshra.s32 s11, $0x2;
	s11 =	sadd.s32 $0x200, s11  }
0x3d: {  	[tilespmem:s10+$0x18BF0] =	vst v0  }
0x3e: {  	[tilespmem:s10+$0x18B80] =	vst v0  }
0x3f: {  	[tilespmem:s10+$0x18B90] =	vst v0  }
0x40: {  	[tilespmem:s10+$0x18BA0] =	vst v0  }
0x41: {  	[tilespmem:s10+$0x18BB0] =	vst v0  }
0x42: {  	[tilespmem:s10+$0x18BC0] =	vst v0  }
0x43: {  	[tilespmem:s10+$0x18BD0] =	vst v0  }
0x44: {  	[tilespmem:s10+$0x18BE0] =	vst v0  }
0x45: {  	[spmem:s6] =	stream.linear.scatter [tilespmem:s0], [sflag:$0x3], $0x2C00, $0x38;
	[tilespmem:$0x1B780] =	vst v63  }
0x46: {  	_ =	swait.ge [sflag:s2], $0x2C00  }
0x47: {  	[sflag:s2] =	ssyncset.done $0x0  }
0x48: {  	s10 =	simm.s32 @!p0 $0x18B80;
	s11 =	rddreg [dreg:$0x3];
	[sflag:s2] =	ssyncadd.s32 $0xFFFFD400  }
0x49: {  	[spmem:s11] =	stream.linear.scatter @!p0 [tilespmem:s10], [sflag:$0x3], $0x2C00, $0x38;
	[tilespmem:$0x1B780] =	vst v63  }
0x4a: {  	s11 =	simm.s32 @!p0 $0x3  }
0x4b: {  	_ =	swait.ge @!p0 [sflag:s11], $0x2C00  }
0x4c: {  	[sflag:s11] =	ssyncset.done @!p0 $0x0  }
0x4d: {  	s12 =	rddreg [dreg:$0x4];
	[sflag:s11] =	ssyncadd.s32 @!p0 $0xFFFFD400  }
0x4e: {  	[spmem:s12] =	stream.linear.scatter @!p0 [tilespmem:s10], [sflag:$0x3], $0x2C00, $0x38;
	[tilespmem:$0x1B780] =	vst v63  }
0x4f: {  	_ =	swait.ge @!p0 [sflag:s11], $0x2C00  }
0x50: {  	[sflag:s11] =	ssyncset.done @!p0 $0x0  }
0x51: {  	s12 =	rddreg [dreg:$0x11];
	[sflag:s11] =	ssyncadd.s32 @!p0 $0xFFFFD400  }
0x52: {  	[spmem:s12] =	stream.linear.scatter @!p0 [tilespmem:s10], [sflag:$0x3], $0x2C00, $0x38;
	[tilespmem:$0x1B780] =	vst v63  }
0x53: {  	_ =	swait.ge @!p0 [sflag:s11], $0x2C00  }
0x54: {  	[sflag:s11] =	ssyncset.done @!p0 $0x0  }
0x55: {  	[sflag:s11] =	ssyncadd.s32 @!p0 $0xFFFFD400  }
0x56: {  	[spmem:s28] =	stream.linear.scatter @!p0 [tilespmem:s10], [sflag:$0x3], $0x2C00, $0x38;
	[tilespmem:$0x1B780] =	vst v63  }
0x57: {  	_ =	swait.ge @!p0 [sflag:s11], $0x2C00  }
0x58: {  	[sflag:s11] =	ssyncset.done @!p0 $0x0  }
0x59: {  	s23 =	rddreg [dreg:$0x5];
	[sflag:s11] =	ssyncadd.s32 @!p0 $0xFFFFD400  }
0x5a: {  	[spmem:s23] =	stream.linear.scatter [tilespmem:s0], [sflag:$0x3], $0x2C00, $0x38;
	[tilespmem:$0x1B780] =	vst v63  }
0x5b: {  	_ =	swait.ge [sflag:s2], $0x2C00  }
0x5c: {  	s20 =	smov.u32 s14;
	[sflag:s2] =	ssyncset.done $0x0  }
0x5d: {  	s20 =	smov.u32 @p0 s28;
	[sflag:s2] =	ssyncadd.s32 $0xFFFFD400  }
0x5e: {  	[spmem:s20] =	stream.linear.scatter [tilespmem:s0], [sflag:$0x3], $0x2C00, $0x38;
	[tilespmem:$0x1B780] =	vst v63  }
0x5f: {  	_ =	swait.ge [sflag:s2], $0x2C00  }
0x60: {  	[sflag:s2] =	ssyncset.done $0x0  }
0x61: {  	[sflag:s2] =	ssyncadd.s32 $0xFFFFD400  }
0x62: {  	[spmem:s24] =	stream.linear.scatter [tilespmem:s0], [sflag:$0x3], $0x2C00, $0x38;
	[tilespmem:$0x1B780] =	vst v63  }
0x63: {  	_ =	swait.ge [sflag:s2], $0x2C00  }
0x64: {  	[sflag:s2] =	ssyncset.done $0x0  }
0x65: {  	[sflag:s2] =	ssyncadd.s32 $0xFFFFD400  }
0x66: {  	[spmem:s29] =	stream.linear.scatter [tilespmem:s0], [sflag:$0x3], $0x2C00, $0x38;
	[tilespmem:$0x1B780] =	vst v63  }
0x67: {  	_ =	swait.ge [sflag:s2], $0x2C00  }
0x68: {  	[sflag:s2] =	ssyncset.done $0x0  }
0x69: {  	[sflag:s2] =	ssyncadd.s32 $0xFFFFD400  }
0x6a: {  	[spmem:s30] =	stream.linear.scatter @!p0 [tilespmem:s10], [sflag:$0x3], $0x2C00, $0x38;
	[tilespmem:$0x1B780] =	vst v63  }
0x6b: {  	_ =	swait.ge @!p0 [sflag:s11], $0x2C00  }
0x6c: {  	[sflag:s11] =	ssyncset.done @!p0 $0x0  }
0x6d: {  	[sflag:s11] =	ssyncadd.s32 @!p0 $0xFFFFD400  }
0x6e: {  	[spmem:s26] =	stream.linear.scatter @!p0 [tilespmem:s10], [sflag:$0x3], $0x2C00, $0x38;
	[tilespmem:$0x1B780] =	vst v63  }
0x6f: {  	_ =	swait.ge @!p0 [sflag:s11], $0x2C00  }
0x70: {  	[sflag:s11] =	ssyncset.done @!p0 $0x0  }
0x71: {  	[sflag:s11] =	ssyncadd.s32 @!p0 $0xFFFFD400  }
0x72: {  	[spmem:s25] =	stream.linear.scatter [tilespmem:s0], [sflag:$0x3], $0x2C00, $0x38;
	[tilespmem:$0x1B780] =	vst v63  }
0x73: {  	_ =	swait.ge [sflag:s2], $0x2C00  }
0x74: {  	[sflag:s2] =	ssyncset.done $0x0  }
0x75: {  	[sflag:s2] =	ssyncadd.s32 $0xFFFFD400  }
0x76: {  	[bflag:$0x0] =	sbarrier.arrive $0xFFFF  }
0x77: {  	s20 =	simm.s32 $0x18A00;
	s10 =	simm.s32 $0x0;
	s12 =	rddreg [dreg:$0x6]  }
0x78: {  	[tilespmem:s20], [sflag:$0x1] =	stream.linear.gather [hbm4b:s12+s10], $0x40, $0x38;
	[tilespmem:$0x1B780] =	vst v63  }
0x79: {  	s21 =	rddreg [dreg:$0x7]  }
0x7a: {  	[tilespmem:s8], [sflag:$0x1] =	stream.linear.gather [hbm4b:s21+s10], $0x2000, $0x38;
	[tilespmem:$0x1B780] =	vst v63  }
0x7b: {  	s22 =	rddreg [dreg:$0x8]  }
0x7c: {  	[tilespmem:s15], [sflag:$0x2] =	stream.linear.gather [hbm4b:s22+s10], $0x40, $0x38;
	[tilespmem:$0x1B780] =	vst v63  }
0x7d: {  	s23 =	rddreg [dreg:$0x9]  }
0x7e: {  	[tilespmem:s16], [sflag:$0x2] =	stream.linear.gather [hbm4b:s23+s10], $0x2000, $0x38;
	[tilespmem:$0x1B780] =	vst v63  }
.LBB2_4:
0x7f: {  	_ =	swait.ge [sflag:s17], $0x40  }
0x80: {  	[sflag:s17] =	ssyncset.done $0x0  }
0x81: {  	[sflag:s17] =	ssyncadd.s32 $0xFFFFFFC0  }
0x82: {  	_ =	swait.ge [sflag:s17], $0x2000  }
0x83: {  	[sflag:s17] =	ssyncset.done $0x0  }
0x84: {  	[sflag:s17] =	ssyncadd.s32 $0xFFFFE000  }
0x85: {  	v1 =	vld [tilespmem:$0x18A00];
	_ =	sdelay $0x1  }
0x86: {  	v2 =	vld [tilespmem:$0x18A30];
	_ =	sdelay $0x2  }
0x87: {  	(v2sf) =	vpush v1, $0x0;
	_ =	sdelay $0x1  }
0x88: {  	(v2sf) =	vpush v2, $0xF;
	_ =	sdelay $0xc  }
0x89: {  	s11 =	spop (v2sf)  }
0x8a: {  	s20 =	sshra.s32 s11, $0x1F;
	s21 =	sand.u32 $0x1FF, s11  }
0x8b: {  	p2 =	slt.s32 s11, $0x1;
	s23 =	spop (v2sf);
	s20 =	sshrl.u32 s20, $0x17  }
0x8c: {  	p3 =	sne.s32 s21, $0x0;
	s12 =	sand.u32 $0x1FF, s23;
	s22 =	sshra.s32 s23, $0x1F  }
0x8d: {  	p6 =	slt.s32 s23, $0x1;
	s11 =	sadd.s32 s20, s11;
	p2 =	por !p2, !p3  }
0x8e: {  	p4 =	sne.s32 s12, $0x0;
	s22 =	sshrl.u32 s22, $0x17;
	s12 =	simm.s32 $0x1  }
0x8f: {  	s21 =	sshra.s32 s11, $0x9;
	p2 =	por !p2, !p2;
	p3 =	por !p6, !p4  }
0x90: {  	s11 =	simm.s32 $0x1;
	s20 =	sadd.s32 s22, s23;
	p3 =	por !p3, !p3  }
0x91: {  	s11 =	simm.s32 @!p2 $0x0;
	s23 =	sshra.s32 s20, $0x9;
	s12 =	simm.s32 @!p3 $0x0  }
0x92: {  	s22 =	ssub.s32 s21, s11;
	s20 =	ssub.s32 s23, s12  }
0x93: {  	p4 =	sgt.s32 s22, s20  }
.Ltmp3:
0x94: {  	_ = 	snop;
	(pc) =	sbr.rel @p4 .LBB2_8-.Ltmp3, $1  }
0x95: {  	_ =	sdelay $0x3  }
0x96: {  	v1 =	vld [tilespmem:$0x18A20]  }
0x97: {  	v2 =	vld [tilespmem:$0x18A30]  }
0x98: {  	v3 =	vld [tilespmem:$0x18A00]  }
0x99: {  	s11 =	sshll.u32 s22, $0x9;
	v4 =	vld [tilespmem:$0x18A10]  }
0x9a: {  	s20 =	sadd.s32 $0xFFFFFFF8, s11  }
0x9b: {  	s11 =	simm.s32 $0xFFFFFFFF;
	v5 =	vmov s20  }
0x9c: {  	s11 =	simm.s32 @!p3 $0x0;
	v1 =	vsub.s32 v1, v5  }
0x9d: {  	s12 =	simm.s32 $0xFFFFFFFF;
	s11 =	sadd.s32 s11, s23;
	v2 =	vsub.s32 v2, v5;
	v3 =	vsub.s32 v3, v5;
	vm0 =	vgt.s32 v1, $0x0  }
0x9e: {  	s12 =	simm.s32 @!p2 $0x0;
	s11 =	ssub.s32 s11, s21;
	v4 =	vsub.s32 v4, v5;
	vm14 =	vgt.s32 v2, $0x0;
	v1 =	vnsel vm0, $0x0, v1  }
0x9f: {  	s11 =	ssub.s32 s11, s12;
	vm1 =	vgt.s32 v3, $0x0;
	v2 =	vnsel vm14, $0x0, v2;
	v1 =	vmin.u32 v1, $0x208  }
0xa0: {  	s23 =	smul.u32 $0x42000, s22;
	vm15 =	vgt.s32 v4, $0x0;
	s11 =	sadd.s32 $0x1, s11;
	v3 =	vnsel vm1, $0x0, v3;
	v2 =	vmin.u32 v2, $0x208;
	[tilespmem:$0x18B20] =	vst v1  }
0xa1: {  	p2 =	sne.s32 s11, $0x1;
	v1 =	vmin.u32 v3, $0x208;
	v3 =	vnsel vm15, $0x0, v4;
	[tilespmem:$0x18B30] =	vst v2  }
.Ltmp4:
0xa2: {  	s23 =	sshra.s32 s23, $0x2;
	[tilespmem:$0x18B00] =	vst v1;
	v1 =	vmin.u32 v3, $0x208;
	(pc) =	sbr.rel @!p2 .LBB2_7-.Ltmp4, $4  }
0xa3: {  	s21 =	sadd.s32 s23, s1;
	[tilespmem:$0x18B10] =	vst v1  }
0xa4: {  	[spmem:s21] =	stream.indirect.scatter.add.f32 [tilespmem:s8], [sflag:$0x3], $0x80, s13, s7, $0xb8;
	[tilespmem:$0x1B780] =	vst v63  }
0xa5: {  	_ =	swait.ge [sflag:s2], $0x2000  }
0xa6: {  	s22 =	sadd.s32 $0xFFFFFFFF, s11;
	[sflag:s2] =	ssyncset.done $0x0  }
.LBB2_6:
0xa7: {  	[sflag:s2] =	ssyncadd.s32 $0xFFFFE000;
	s20 =	sadd.s32 $0x200, s20;
	s21 =	sadd.s32 $0x10800, s21  }
0xa8: {  	p2 =	sne.s32 s22, $0x1;
	s22 =	sadd.s32 $0xFFFFFFFF, s22;
	v1 =	vld [tilespmem:$0x18A20]  }
0xa9: {  	v2 =	vld [tilespmem:$0x18A30]  }
0xaa: {  	v3 =	vld [tilespmem:$0x18A00];
	_ =	sdelay $0x1  }
0xab: {  	v4 =	vmov s20;
	v5 =	vld [tilespmem:$0x18A10]  }
0xac: {  	v1 =	vsub.s32 v1, v4  }
0xad: {  	vm0 =	vgt.s32 v1, $0x0;
	v2 =	vsub.s32 v2, v4  }
0xae: {  	v3 =	vsub.s32 v3, v4;
	v1 =	vnsel vm0, $0x0, v1;
	vm0 =	vgt.s32 v2, $0x0  }
0xaf: {  	vm1 =	vgt.s32 v3, $0x0;
	v1 =	vmin.u32 v1, $0x208;
	v2 =	vnsel vm0, $0x0, v2  }
0xb0: {  	v3 =	vnsel vm1, $0x0, v3;
	v4 =	vsub.s32 v5, v4;
	v2 =	vmin.u32 v2, $0x208  }
0xb1: {  	v3 =	vmin.u32 v3, $0x208;
	vm0 =	vgt.s32 v4, $0x0;
	[tilespmem:$0x18B20] =	vst v1  }
0xb2: {  	v1 =	vnsel vm0, $0x0, v4;
	[tilespmem:$0x18B30] =	vst v2  }
.Ltmp5:
0xb3: {  	[tilespmem:$0x18B00] =	vst v3;
	v1 =	vmin.u32 v1, $0x208;
	(pc) =	sbr.rel @p2 .LBB2_6-.Ltmp5, $4  }
0xb4: {  	[tilespmem:$0x18B10] =	vst v1  }
0xb5: {  	[spmem:s21] =	stream.indirect.scatter.add.f32 [tilespmem:s8], [sflag:$0x3], $0x80, s13, s7, $0xb8;
	[tilespmem:$0x1B780] =	vst v63  }
0xb6: {  	_ =	swait.ge [sflag:s2], $0x2000  }
0xb7: {  	[sflag:s2] =	ssyncset.done $0x0  }
.LBB2_7:
0xb8: {  	[sflag:s2] =	ssyncadd.s32 $0xFFFFE000  }
.LBB2_8:
0xb9: {  	s20 =	sshll.u32 s10, $0x1;
	p2 =	seq.s32 s10, $0x26  }
0xba: {  	s11 =	sadd.s32 @!p2 s9, s20  }
0xbb: {  	s11 =	sshll.u32 @!p2 s11, $0x6  }
0xbc: {  	s11 =	sadd.s32 @!p2 $0x80, s11  }
0xbd: {  	s21 =	simm.s32 @!p2 $0x0;
	s12 =	sshrl.u32 @!p2 s11, $0x3  }
0xbe: {  	s22 =	simm.s32 @!p2 $0x18A00;
	s11 =	sshll.u32 @!p2 s11, $0x4;
	s12 =	sadd.s32 @!p2 s5, s12  }
0xbf: {  	[tilespmem:s22], [sflag:$0x1] =	stream.linear.gather @!p2 [hbm4b:s12+s21], $0x40, $0x38;
	[tilespmem:$0x1B780] =	vst v63  }
0xc0: {  	s11 =	sadd.s32 @!p2 s4, s11;
	s12 =	simm.s32 @!p2 $0x14A00  }
0xc1: {  	[tilespmem:s12], [sflag:$0x1] =	stream.linear.gather @!p2 [hbm4b:s11+s21], $0x2000, $0x38;
	[tilespmem:$0x1B780] =	vst v63  }
0xc2: {  	_ =	swait.ge [sflag:s18], $0x40  }
0xc3: {  	[sflag:s18] =	ssyncset.done $0x0  }
0xc4: {  	[sflag:s18] =	ssyncadd.s32 $0xFFFFFFC0  }
0xc5: {  	_ =	swait.ge [sflag:s18], $0x2000  }
0xc6: {  	[sflag:s18] =	ssyncset.done $0x0  }
0xc7: {  	[sflag:s18] =	ssyncadd.s32 $0xFFFFE000  }
0xc8: {  	v1 =	vld [tilespmem:$0x18A80];
	_ =	sdelay $0x2  }
0xc9: {  	v2 =	vld [tilespmem:$0x18AB0];
	_ =	sdelay $0x1  }
0xca: {  	(v2sf) =	vpush v1, $0x0;
	_ =	sdelay $0x2  }
0xcb: {  	(v2sf) =	vpush v2, $0xF;
	_ =	sdelay $0xb  }
0xcc: {  	s23 =	spop (v2sf)  }
0xcd: {  	s21 =	sshra.s32 s23, $0x1F;
	s22 =	sand.u32 $0x1FF, s23  }
0xce: {  	p3 =	slt.s32 s23, $0x1;
	s12 =	sshrl.u32 s21, $0x17;
	p4 =	sne.s32 s22, $0x0  }
0xcf: {  	s11 =	sadd.s32 s12, s23;
	p3 =	por !p3, !p4;
	s12 =	spop (v2sf)  }
0xd0: {  	s22 =	sshra.s32 s11, $0x9;
	p3 =	por !p3, !p3;
	s23 =	sand.u32 $0x1FF, s12  }
0xd1: {  	s21 =	sshra.s32 s12, $0x1F;
	p6 =	slt.s32 s12, $0x1;
	p5 =	sne.s32 s23, $0x0  }
0xd2: {  	s23 =	simm.s32 $0x1;
	s21 =	sshrl.u32 s21, $0x17;
	p4 =	por !p6, !p5  }
0xd3: {  	s11 =	sadd.s32 s21, s12;
	s12 =	simm.s32 $0x1;
	p4 =	por !p4, !p4  }
0xd4: {  	s23 =	simm.s32 @!p3 $0x0;
	s11 =	sshra.s32 s11, $0x9;
	s12 =	simm.s32 @!p4 $0x0  }
0xd5: {  	s23 =	ssub.s32 s22, s23;
	s12 =	ssub.s32 s11, s12  }
0xd6: {  	p5 =	sgt.s32 s23, s12  }
.Ltmp6:
0xd7: {  	_ = 	snop;
	(pc) =	sbr.rel @p5 .LBB2_12-.Ltmp6, $1  }
0xd8: {  	_ =	sdelay $0x3  }
0xd9: {  	v1 =	vld [tilespmem:$0x18AA0]  }
0xda: {  	v2 =	vld [tilespmem:$0x18AB0]  }
0xdb: {  	v3 =	vld [tilespmem:$0x18A80]  }
0xdc: {  	s12 =	sshll.u32 s23, $0x9;
	v4 =	vld [tilespmem:$0x18A90]  }
0xdd: {  	s21 =	sadd.s32 $0xFFFFFFF8, s12  }
0xde: {  	s12 =	simm.s32 $0xFFFFFFFF;
	v5 =	vmov s21  }
0xdf: {  	s12 =	simm.s32 @!p4 $0x0;
	v1 =	vsub.s32 v1, v5  }
0xe0: {  	s11 =	sadd.s32 s12, s11;
	s12 =	simm.s32 $0xFFFFFFFF;
	v2 =	vsub.s32 v2, v5;
	v3 =	vsub.s32 v3, v5;
	vm0 =	vgt.s32 v1, $0x0  }
0xe1: {  	s12 =	simm.s32 @!p3 $0x0;
	s11 =	ssub.s32 s11, s22;
	v4 =	vsub.s32 v4, v5;
	vm14 =	vgt.s32 v2, $0x0;
	v1 =	vnsel vm0, $0x0, v1  }
0xe2: {  	s11 =	ssub.s32 s11, s12;
	vm1 =	vgt.s32 v3, $0x0;
	v2 =	vnsel vm14, $0x0, v2;
	v1 =	vmin.u32 v1, $0x208  }
0xe3: {  	s23 =	smul.u32 $0x42000, s23;
	vm15 =	vgt.s32 v4, $0x0;
	s11 =	sadd.s32 $0x1, s11;
	v3 =	vnsel vm1, $0x0, v3;
	v2 =	vmin.u32 v2, $0x208;
	[tilespmem:$0x18B20] =	vst v1  }
0xe4: {  	p3 =	sne.s32 s11, $0x1;
	v1 =	vmin.u32 v3, $0x208;
	v3 =	vnsel vm15, $0x0, v4;
	[tilespmem:$0x18B30] =	vst v2  }
.Ltmp7:
0xe5: {  	s23 =	sshra.s32 s23, $0x2;
	[tilespmem:$0x18B00] =	vst v1;
	v1 =	vmin.u32 v3, $0x208;
	(pc) =	sbr.rel @!p3 .LBB2_11-.Ltmp7, $4  }
0xe6: {  	s22 =	sadd.s32 s23, s1;
	[tilespmem:$0x18B10] =	vst v1  }
0xe7: {  	[spmem:s22] =	stream.indirect.scatter.add.f32 [tilespmem:s16], [sflag:$0x3], $0x80, s13, s7, $0xb8;
	[tilespmem:$0x1B780] =	vst v63  }
0xe8: {  	_ =	swait.ge [sflag:s2], $0x2000  }
0xe9: {  	s23 =	sadd.s32 $0xFFFFFFFF, s11;
	[sflag:s2] =	ssyncset.done $0x0  }
.LBB2_10:
0xea: {  	[sflag:s2] =	ssyncadd.s32 $0xFFFFE000;
	s21 =	sadd.s32 $0x200, s21;
	s22 =	sadd.s32 $0x10800, s22  }
0xeb: {  	p3 =	sne.s32 s23, $0x1;
	s23 =	sadd.s32 $0xFFFFFFFF, s23;
	v1 =	vld [tilespmem:$0x18AA0]  }
0xec: {  	v2 =	vld [tilespmem:$0x18AB0]  }
0xed: {  	v3 =	vld [tilespmem:$0x18A80];
	_ =	sdelay $0x1  }
0xee: {  	v4 =	vmov s21;
	v5 =	vld [tilespmem:$0x18A90]  }
0xef: {  	v1 =	vsub.s32 v1, v4  }
0xf0: {  	vm0 =	vgt.s32 v1, $0x0;
	v2 =	vsub.s32 v2, v4  }
0xf1: {  	v3 =	vsub.s32 v3, v4;
	v1 =	vnsel vm0, $0x0, v1;
	vm0 =	vgt.s32 v2, $0x0  }
0xf2: {  	vm1 =	vgt.s32 v3, $0x0;
	v1 =	vmin.u32 v1, $0x208;
	v2 =	vnsel vm0, $0x0, v2  }
0xf3: {  	v3 =	vnsel vm1, $0x0, v3;
	v4 =	vsub.s32 v5, v4;
	v2 =	vmin.u32 v2, $0x208  }
0xf4: {  	v3 =	vmin.u32 v3, $0x208;
	vm0 =	vgt.s32 v4, $0x0;
	[tilespmem:$0x18B20] =	vst v1  }
0xf5: {  	v1 =	vnsel vm0, $0x0, v4;
	[tilespmem:$0x18B30] =	vst v2  }
.Ltmp8:
0xf6: {  	[tilespmem:$0x18B00] =	vst v3;
	v1 =	vmin.u32 v1, $0x208;
	(pc) =	sbr.rel @p3 .LBB2_10-.Ltmp8, $4  }
0xf7: {  	[tilespmem:$0x18B10] =	vst v1  }
0xf8: {  	[spmem:s22] =	stream.indirect.scatter.add.f32 [tilespmem:s16], [sflag:$0x3], $0x80, s13, s7, $0xb8;
	[tilespmem:$0x1B780] =	vst v63  }
0xf9: {  	_ =	swait.ge [sflag:s2], $0x2000  }
0xfa: {  	[sflag:s2] =	ssyncset.done $0x0  }
.LBB2_11:
0xfb: {  	[sflag:s2] =	ssyncadd.s32 $0xFFFFE000  }
.LBB2_12:
.Ltmp9:
0xfc: {  	(pc) =	sbr.rel @p2 .LBB2_14-.Ltmp9, $1  }
0xfd: {  	_ =	sdelay $0x3  }
0xfe: {  	s11 =	sadd.s32 s20, s31  }
0xff: {  	s11 =	sshll.u32 s11, $0x6  }
0x100: {  	s11 =	sadd.s32 $0x80, s11  }
.Ltmp10:
0x101: {  	s12 =	sshrl.u32 s11, $0x3;
	(pc) =	sbr.rel .LBB2_4-.Ltmp10, $4  }
0x102: {  	s11 =	sshll.u32 s11, $0x4;
	s12 =	sadd.s32 s5, s12  }
0x103: {  	[tilespmem:s15], [sflag:$0x2] =	stream.linear.gather [hbm4b:s12+s3], $0x40, $0x38;
	[tilespmem:$0x1B780] =	vst v63  }
0x104: {  	s10 =	sadd.s32 $0x1, s10;
	s11 =	sadd.s32 s4, s11  }
0x105: {  	[tilespmem:s16], [sflag:$0x2] =	stream.linear.gather [hbm4b:s11+s3], $0x2000, $0x38;
	[tilespmem:$0x1B780] =	vst v63  }
.LBB2_14:
0x106: {  	s10 =	simm.s32 @!p1 $0x0;
	s11 =	simm.s32 @!p1 $0x18A00;
	s12 =	rddreg [dreg:$0xa]  }
0x107: {  	[tilespmem:s11], [sflag:$0x1] =	stream.linear.gather @!p1 [hbm4b:s12+s10], $0x40, $0x38;
	[tilespmem:$0x1B780] =	vst v63  }
0x108: {  	s11 =	simm.s32 @!p1 $0x14A00;
	s12 =	rddreg [dreg:$0xb]  }
0x109: {  	[tilespmem:s11], [sflag:$0x1] =	stream.linear.gather @!p1 [hbm4b:s12+s10], $0x2000, $0x38;
	[tilespmem:$0x1B780] =	vst v63  }
0x10a: {  	s10 =	simm.s32 @!p1 $0x1  }
0x10b: {  	_ =	swait.ge @!p1 [sflag:s10], $0x40  }
0x10c: {  	[sflag:s10] =	ssyncset.done @!p1 $0x0  }
0x10d: {  	[sflag:s10] =	ssyncadd.s32 @!p1 $0xFFFFFFC0  }
0x10e: {  	_ =	swait.ge @!p1 [sflag:s10], $0x2000  }
0x10f: {  	[sflag:s10] =	ssyncset.done @!p1 $0x0  }
0x110: {  	[sflag:s10] =	ssyncadd.s32 @!p1 $0xFFFFE000  }
0x111: {  	v1 =	vld @!p1 [tilespmem:$0x18A00];
	_ =	sdelay $0x3  }
0x112: {  	v2 =	vld @!p1 [tilespmem:$0x18A30]  }
0x113: {  	(v2sf) =	vpush @!p1 v1, $0x0;
	_ =	sdelay $0x3  }
0x114: {  	(v2sf) =	vpush @!p1 v2, $0xF;
	_ =	sdelay $0xa  }
0x115: {  	s11 =	spop @!p1 (v2sf)  }
0x116: {  	s12 =	sshra.s32 @!p1 s11, $0x1F  }
0x117: {  	s12 =	sshrl.u32 @!p1 s12, $0x17  }
0x118: {  	s12 =	sadd.s32 @!p1 s12, s11  }
0x119: {  	s21 =	spop @!p1 (v2sf);
	s20 =	sshra.s32 @!p1 s12, $0x9;
	s12 =	sand.u32 @!p1 $0x1FF, s11  }
0x11a: {  	p2 =	slt.s32 @!p1 s11, $0x1;
	s11 =	sand.u32 @!p1 $0x1FF, s21;
	p3 =	sne.s32 @!p1 s12, $0x0  }
0x11b: {  	p4 =	sne.s32 @!p1 s11, $0x0;
	p2 =	por @!p1 !p2, !p3;
	p3 =	slt.s32 @!p1 s21, $0x1  }
0x11c: {  	s11 =	sshra.s32 @!p1 s21, $0x1F;
	s12 =	simm.s32 @!p1 $0x1;
	p3 =	por @!p1 !p3, !p4  }
0x11d: {  	s11 =	sshrl.u32 @!p1 s11, $0x17;
	p2 =	por @!p1 !p2, !p2;
	p3 =	por @!p1 !p3, !p3  }
0x11e: {  	s11 =	sadd.s32 @!p1 s11, s21;
	p2 =	por !p2, p1;
	p3 =	por !p3, p1  }
0x11f: {  	s22 =	sshra.s32 @!p1 s11, $0x9;
	s12 =	simm.s32 @p2 $0x0;
	s10 =	simm.s32 @p3 $0x0  }
0x120: {  	s21 =	ssub.s32 @!p1 s20, s12;
	s10 =	ssub.s32 @!p1 s22, s10  }
0x121: {  	p4 =	sgt.s32 @!p1 s21, s10  }
0x122: {  	p4 =	por p1, p4  }
.Ltmp11:
0x123: {  	_ = 	snop;
	(pc) =	sbr.rel @p4 .LBB2_18-.Ltmp11, $1  }
0x124: {  	_ =	sdelay $0x3  }
0x125: {  	v1 =	vld [tilespmem:$0x18A20]  }
0x126: {  	v2 =	vld [tilespmem:$0x18A30]  }
0x127: {  	v3 =	vld [tilespmem:$0x18A00]  }
0x128: {  	s10 =	sshll.u32 s21, $0x9;
	v4 =	vld [tilespmem:$0x18A10]  }
0x129: {  	s10 =	sadd.s32 $0xFFFFFFF8, s10  }
0x12a: {  	s11 =	simm.s32 @!p1 $0xFFFFFFFF;
	v5 =	vmov s10  }
0x12b: {  	s11 =	simm.s32 @p3 $0x0;
	v1 =	vsub.s32 v1, v5  }
0x12c: {  	s12 =	simm.s32 @!p1 $0xFFFFFFFF;
	s11 =	sadd.s32 s11, s22;
	v2 =	vsub.s32 v2, v5;
	v3 =	vsub.s32 v3, v5;
	vm0 =	vgt.s32 v1, $0x0  }
0x12d: {  	s12 =	simm.s32 @p2 $0x0;
	s11 =	ssub.s32 s11, s20;
	v4 =	vsub.s32 v4, v5;
	vm14 =	vgt.s32 v2, $0x0;
	v1 =	vnsel vm0, $0x0, v1  }
0x12e: {  	s11 =	ssub.s32 s11, s12;
	vm1 =	vgt.s32 v3, $0x0;
	v2 =	vnsel vm14, $0x0, v2;
	v1 =	vmin.u32 v1, $0x208  }
0x12f: {  	s22 =	smul.u32 $0x42000, s21;
	s11 =	sadd.s32 $0x1, s11;
	vm15 =	vgt.s32 v4, $0x0;
	v3 =	vnsel vm1, $0x0, v3;
	v2 =	vmin.u32 v2, $0x208;
	[tilespmem:$0x18B20] =	vst v1  }
0x130: {  	p2 =	sne.s32 s11, $0x1;
	v1 =	vmin.u32 v3, $0x208;
	v3 =	vnsel vm15, $0x0, v4;
	[tilespmem:$0x18B30] =	vst v2  }
.Ltmp12:
0x131: {  	s23 =	sshra.s32 s22, $0x2;
	[tilespmem:$0x18B00] =	vst v1;
	v1 =	vmin.u32 v3, $0x208;
	(pc) =	sbr.rel @!p2 .LBB2_17-.Ltmp12, $4  }
0x132: {  	s20 =	sadd.s32 s23, s1;
	[tilespmem:$0x18B10] =	vst v1  }
0x133: {  	[spmem:s20] =	stream.indirect.scatter.add.f32 [tilespmem:s8], [sflag:$0x3], $0x80, s13, s7, $0xb8;
	[tilespmem:$0x1B780] =	vst v63  }
0x134: {  	_ =	swait.ge [sflag:s2], $0x2000  }
0x135: {  	s21 =	sadd.s32 $0xFFFFFFFF, s11;
	[sflag:s2] =	ssyncset.done $0x0  }
.LBB2_16:
0x136: {  	[sflag:s2] =	ssyncadd.s32 $0xFFFFE000;
	s10 =	sadd.s32 $0x200, s10;
	s20 =	sadd.s32 $0x10800, s20  }
0x137: {  	p2 =	sne.s32 s21, $0x1;
	s21 =	sadd.s32 $0xFFFFFFFF, s21;
	v1 =	vld [tilespmem:$0x18A20]  }
0x138: {  	v2 =	vld [tilespmem:$0x18A30]  }
0x139: {  	v3 =	vld [tilespmem:$0x18A00];
	_ =	sdelay $0x1  }
0x13a: {  	v4 =	vmov s10;
	v5 =	vld [tilespmem:$0x18A10]  }
0x13b: {  	v1 =	vsub.s32 v1, v4  }
0x13c: {  	vm0 =	vgt.s32 v1, $0x0;
	v2 =	vsub.s32 v2, v4  }
0x13d: {  	v3 =	vsub.s32 v3, v4;
	v1 =	vnsel vm0, $0x0, v1;
	vm0 =	vgt.s32 v2, $0x0  }
0x13e: {  	vm1 =	vgt.s32 v3, $0x0;
	v1 =	vmin.u32 v1, $0x208;
	v2 =	vnsel vm0, $0x0, v2  }
0x13f: {  	v3 =	vnsel vm1, $0x0, v3;
	v4 =	vsub.s32 v5, v4;
	v2 =	vmin.u32 v2, $0x208  }
0x140: {  	v3 =	vmin.u32 v3, $0x208;
	vm0 =	vgt.s32 v4, $0x0;
	[tilespmem:$0x18B20] =	vst v1  }
0x141: {  	v1 =	vnsel vm0, $0x0, v4;
	[tilespmem:$0x18B30] =	vst v2  }
.Ltmp13:
0x142: {  	[tilespmem:$0x18B00] =	vst v3;
	v1 =	vmin.u32 v1, $0x208;
	(pc) =	sbr.rel @p2 .LBB2_16-.Ltmp13, $4  }
0x143: {  	[tilespmem:$0x18B10] =	vst v1  }
0x144: {  	[spmem:s20] =	stream.indirect.scatter.add.f32 [tilespmem:s8], [sflag:$0x3], $0x80, s13, s7, $0xb8;
	[tilespmem:$0x1B780] =	vst v63  }
0x145: {  	_ =	swait.ge [sflag:s2], $0x2000  }
0x146: {  	[sflag:s2] =	ssyncset.done $0x0  }
.Ltmp14:
0x147: {  	_ = 	snop;
	(pc) =	sbr.rel .LBB2_17-.Ltmp14, $1  }
0x148: {  	_ =	sdelay $0x3  }
.LBB2_19:
0x149: {  	_ =	sfence.sel $0x180000  }
0x14a: {  	[bflag:$0x0] =	sbarrier.arrive $0xFFFF  }
0x14b: {  	_ =	strace $0x9000004D  }
0x14c: {  	s0 =	stileid.u32;
	[bflag:$0x2] =	sbarrier.arrive $0xFFFF  }
0x14d: {  	p0 =	sne.s32 s0, $0x0;
	s0 =	rddreg [dreg:$0x2]  }
0x14e: {  	s0 =	sadd.s32 @!p0 $0x100000, s0  }
0x14f: {  	[sflag:s0] =	ssyncadd.tile.s32 @!p0 $0x1;
	_ =	shalt  }
.Lfunc_end2:
_tile_overlayer_lowered:
.L_overlay_start_2:
0x150: {  	(tag) =	ssettag $0x2  }
0x151: {  	s0 =	rddreg [dreg:$0x0];
	s2 =	stileid.u32  }
0x152: {  	s1 =	rddreg [dreg:$0x1];
	p0 =	sne.s32 s2, $0x0  }
0x153: {  	s3 =	rddreg [dreg:$0x2];
	[bflag:$0x3] =	sbarrier.arrive $0xFFFF;
	s2 =	simm.s32 @!p0 $0x1C03  }
0x154: {  	[timem:s3], [sflag:s2] =	dma.local @!p0 [hbm:s0], s1  }
0x155: {  	s0 =	simm.s32 @!p0 $0x3  }
0x156: {  	_ =	swait.ge @!p0 [sflag:s0], s1  }
0x157: {  	s1 =	ssub.s32 @!p0 $0x0, s1;
	[sflag:s0] =	ssyncset.done @!p0 $0x0  }
0x158: {  	[sflag:s0] =	ssyncadd.s32 @!p0 s1  }
0x159: {  	[bflag:$0x3] =	sbarrier.arrive $0xFFFF  }
0x15a: {  	_ =	shalt  }

</sc_bundles>
